<compile_context>
chip_gen: v7x
topology: tpu7x:2x2x1
jax: 0.10.2.dev20260603
libtpu: 0.0.44.dev20260713+nightly
codegen_flags: <defaults>
</compile_context>

<pallas_src>
import functools

import jax
import jax.numpy as jnp
from jax import lax
from jax.experimental import pallas as pl
from jax.experimental.pallas import tpu as pltpu
from jax.experimental.pallas import tpu_sc as plsc

B, A, C, M = 4, 50000, 16, 64
NW = 32
CHUNK = 1600
NSTRIP = CHUNK // 16
LAST_START = A - CHUNK

LOG2 = 0.6931471805599453
_C5 = (0.10584377187809478, -0.7117269265482312, 2.0871785550613247,
       -1.4807232331628157)


def _vlog(x):
    bits = lax.bitcast_convert_type(x, jnp.int32)
    e = jnp.right_shift(bits, 23)
    mbits = (bits & 0x007FFFFF) | 0x3F800000
    m = lax.bitcast_convert_type(mbits, jnp.float32)
    ef = (e - 127).astype(jnp.float32)
    p = jnp.full_like(m, _C5[0])
    for c in _C5[1:]:
        p = p * m + jnp.float32(c)
    return ef * jnp.float32(LOG2) + p


def _clamp(p):
    return jnp.minimum(jnp.maximum(p, 0.0001), 1.0 - 0.0001)


@functools.partial(
    pl.kernel,
    out_type=jax.ShapeDtypeStruct((NW * 16,), jnp.float32),
    mesh=plsc.VectorSubcoreMesh(core_axis_name="c", subcore_axis_name="s"),
    scratch_types=[
        pltpu.VMEM((CHUNK * C,), jnp.float32),
        pltpu.VMEM((CHUNK * 3,), jnp.float32),
        pltpu.VMEM((CHUNK * 3,), jnp.float32),
        pltpu.VMEM((4 * M,), jnp.float32),
        pltpu.VMEM((16,), jnp.float32),
    ],
    compiler_params=pltpu.CompilerParams(needs_layout_passes=False),
)
def _loss_sc(cls_hbm, reg_hbm, anc_hbm, ann_hbm, out_hbm,
             cls_v, anc_v, reg_v, ann_v, res_v):
    wid = lax.axis_index("s") * 2 + lax.axis_index("c")
    start = jnp.minimum(wid * CHUNK, LAST_START)
    own_lo = wid * CHUNK

    iota = lax.iota(jnp.int32, 16)
    zeros_i = iota * 0

    pltpu.sync_copy(anc_hbm.at[pl.ds(start * 3, CHUNK * 3)], anc_v)

    def strip_tail(base, aidx, d2min, bidx4, acc):
        npos_acc, xy_acc, ang_acc, cls_acc = acc
        aal = plsc.load_gather(anc_v, [aidx + 2])
        bx = plsc.load_gather(ann_v, [bidx4])
        by = plsc.load_gather(ann_v, [bidx4 + 1])
        bal = plsc.load_gather(ann_v, [bidx4 + 2])
        blb = plsc.load_gather(ann_v, [bidx4 + 3])
        aa = jnp.abs(aal - bal)

        validm = (start + base + iota) >= own_lo
        pos_r = (d2min <= 25.0) & (aa <= 10.0)
        t0_r = (d2min >= 56.25) | (aa >= 15.0)
        pos = pos_r & validm
        contrib = (pos_r | t0_r) & validm
        npos_acc = npos_acc + jnp.where(pos, 1.0, 0.0)

        cidx = (base + iota) * C
        row = jnp.zeros((16,), jnp.float32)
        for c in range(C):
            pc = _clamp(plsc.load_gather(cls_v, [cidx + c]))
            row = row + (pc * pc) * _vlog(1.0 - pc)
        pL = _clamp(plsc.load_gather(cls_v, [cidx + blb.astype(jnp.int32)]))
        omL = 1.0 - pL
        corr = 0.05 * (pL * pL) * _vlog(omL) - 0.95 * (omL * omL) * _vlog(pL)
        cls_acc = (cls_acc + jnp.where(contrib, -0.05 * row, 0.0)
                   + jnp.where(pos, corr, 0.0))

        ax = plsc.load_gather(anc_v, [aidx])
        ay = plsc.load_gather(anc_v, [aidx + 1])
        r0 = plsc.load_gather(reg_v, [aidx])
        r1 = plsc.load_gather(reg_v, [aidx + 1])
        r2 = plsc.load_gather(reg_v, [aidx + 2])
        dxr = jnp.abs((bx - ax) - r0)
        dyr = jnp.abs((by - ay) - r1)
        lx = jnp.where(dxr <= 1.0 / 9.0, 4.5 * dxr * dxr, dxr - 0.5 / 9.0)
        ly = jnp.where(dyr <= 1.0 / 9.0, 4.5 * dyr * dyr, dyr - 0.5 / 9.0)
        da = (jnp.abs((bal - aal) - r2) - 10.0) / 5.0
        da = jnp.where(da <= 0.0, 0.0, da)
        posf = jnp.where(pos, 1.0, 0.0)
        xy_acc = xy_acc + (lx + ly) * posf
        ang_acc = ang_acc + da * posf
        return npos_acc, xy_acc, ang_acc, cls_acc

    def batch_body(j, resvec):
        pltpu.sync_copy(cls_hbm.at[pl.ds(j * (A * C) + start * C, CHUNK * C)],
                        cls_v)
        pltpu.sync_copy(reg_hbm.at[pl.ds(j * (3 * A) + start * 3, CHUNK * 3)],
                        reg_v)
        pltpu.sync_copy(ann_hbm.at[pl.ds(j * (4 * M), 4 * M)], ann_v)

        def group_body(g, acc):
            bases = [g * 64 + 16 * k for k in range(4)]
            aidxs = [iota * 3 + bb * 3 for bb in bases]
            axs = [plsc.load_gather(anc_v, [ai]) for ai in aidxs]
            ays = [plsc.load_gather(anc_v, [ai + 1]) for ai in aidxs]

            def m_body(m, mc):
                ds, bs = mc[:4], mc[4:]
                mv = zeros_i + m * 4
                gx = plsc.load_gather(ann_v, [mv])
                gy = plsc.load_gather(ann_v, [mv + 1])
                nds, nbs = [], []
                for k in range(4):
                    dx = axs[k] - gx
                    dy = ays[k] - gy
                    dd = dx * dx + dy * dy
                    lt = dd < ds[k]
                    nds.append(jnp.where(lt, dd, ds[k]))
                    nbs.append(jnp.where(lt, mv, bs[k]))
                return tuple(nds) + tuple(nbs)

            inf = jnp.full((16,), jnp.inf, jnp.float32)
            res = lax.fori_loop(0, M, m_body,
                                (inf, inf, inf, inf,
                                 zeros_i, zeros_i, zeros_i, zeros_i),
                                unroll=4)
            for k in range(4):
                acc = strip_tail(bases[k], aidxs[k], res[k], res[4 + k], acc)
            return acc

        zf = jnp.zeros((16,), jnp.float32)
        npos_acc, xy_acc, ang_acc, cls_acc = lax.fori_loop(
            0, NSTRIP // 4, group_body, (zf, zf, zf, zf))

        resvec = jnp.where(iota == 4 * j, jnp.sum(cls_acc), resvec)
        resvec = jnp.where(iota == 4 * j + 1, jnp.sum(npos_acc), resvec)
        resvec = jnp.where(iota == 4 * j + 2, jnp.sum(xy_acc), resvec)
        resvec = jnp.where(iota == 4 * j + 3, jnp.sum(ang_acc), resvec)
        return resvec

    res_v[...] = lax.fori_loop(0, B, batch_body, jnp.zeros((16,), jnp.float32))
    pltpu.sync_copy(res_v, out_hbm.at[pl.ds(wid * 16, 16)])


def kernel(classifications, regressions, anchors, annotations, imgs, names):
    cls_flat = classifications.reshape(-1)
    reg_flat = regressions.reshape(-1)
    anc_flat = anchors.reshape(-1)
    ann_flat = annotations.reshape(-1)
    partials = _loss_sc(cls_flat, reg_flat, anc_flat, ann_flat)
    parts = partials.reshape(NW, B, 4).sum(axis=0)
    npos = parts[:, 1]
    cls = parts[:, 0] / jnp.maximum(npos, 1.0)
    xy = parts[:, 2] / jnp.maximum(2.0 * npos, 1.0)
    ang = parts[:, 3] / jnp.maximum(npos, 1.0)
    return (cls.mean(keepdims=True), xy.mean(keepdims=True),
            ang.mean(keepdims=True))

# --- scband reference (transcript-rebuilt; emitter-appended) ---
"""Pipeline reference for scband-focal-loss-79955111182917 (READ-ONLY COPY).

The authoritative reference and input builder live on the scoring server;
editing this copy changes nothing except your own understanding.
"""

import jax, jax.numpy as jnp
import numpy as np

NUM_VARIABLES = 3
MAX_ANOT_ANCHOR_POSITION_DISTANCE = 5.0
MAX_ANOT_ANCHOR_ANGLE_DISTANCE = 10.0


def calc_distance(anchors, annots):
    dxy = jnp.sqrt((anchors[:, None, 0] - annots[None, :, 0]) ** 2 +
                   (anchors[:, None, 1] - annots[None, :, 1]) ** 2)
    dalpha = jnp.abs(anchors[:, None, 2] - annots[None, :, 2])
    return dxy, dalpha


def setup_inputs(seed: int = 0):
    key = jax.random.key(seed)
    ks = jax.random.split(key, 8)
    B, A, C, M = 4, 50000, 16, 64
    classifications = jax.random.uniform(ks[0], (B, A, C), dtype=jnp.float32)
    regressions = jax.random.normal(ks[1], (B, A, 3), dtype=jnp.float32)
    anchors_xy = jax.random.uniform(ks[2], (1, A, 2), dtype=jnp.float32) * 100.0
    anchors_al = jax.random.uniform(ks[3], (1, A, 1), dtype=jnp.float32) * 180.0
    anchors = jnp.concatenate([anchors_xy, anchors_al], axis=-1)
    ann_xy = jax.random.uniform(ks[4], (B, M, 2), dtype=jnp.float32) * 100.0
    ann_al = jax.random.uniform(ks[5], (B, M, 1), dtype=jnp.float32) * 180.0
    ann_lb = jax.random.randint(ks[6], (B, M, 1), 0, C).astype(jnp.float32)
    annotations = jnp.concatenate([ann_xy, ann_al, ann_lb], axis=-1)
    imgs = jax.random.normal(ks[7], (B, 3, 224, 224), dtype=jnp.float32)
    names = jnp.arange(B, dtype=jnp.int32)
    return {"classifications": classifications, "regressions": regressions,
            "anchors": anchors, "annotations": annotations, "imgs": imgs,
            "names": names}


def reference(classifications, regressions, anchors, annotations, imgs, names):
    alpha = 0.95
    gamma = 2.0
    B = classifications.shape[0]
    anchor = anchors[0]
    cls_losses, xy_losses, ang_losses = [], [], []
    for j in range(B):
        classification = jnp.clip(classifications[j], 0.0001, 1.0 - 0.0001)
        regression = regressions[j]
        ann = annotations[j]
        valid_mask = ann[:, NUM_VARIABLES] != -1
        dxy, dalpha = calc_distance(anchor, ann[:, :NUM_VARIABLES])
        dxy = jnp.where(valid_mask[None, :], dxy, jnp.inf)
        dxy_min = dxy.min(axis=1)
        dxy_argmin = jnp.argmin(dxy, axis=1)
        a = dalpha[jnp.arange(dalpha.shape[0]), dxy_argmin]
        targets = -jnp.ones_like(classification)
        targets = jnp.where((dxy_min >= 1.5 * MAX_ANOT_ANCHOR_POSITION_DISTANCE)[:, None], 0.0, targets)
        targets = jnp.where((a >= 1.5 * MAX_ANOT_ANCHOR_ANGLE_DISTANCE)[:, None], 0.0, targets)
        assigned_labels = ann[dxy_argmin, NUM_VARIABLES]
        positive = (dxy_min <= MAX_ANOT_ANCHOR_POSITION_DISTANCE) & \
                   (a <= MAX_ANOT_ANCHOR_ANGLE_DISTANCE) & (assigned_labels != -1)
        assigned_ann = ann[dxy_argmin]
        num_positive = positive.sum()
        targets = jnp.where(positive[:, None], 0.0, targets)
        labels = assigned_labels.astype(jnp.int32)
        cols = jnp.arange(classification.shape[1])[None, :]
        targets = jnp.where(positive[:, None] & (cols == labels[:, None]), 1.0, targets)
        alpha_factor = jnp.where(targets == 1.0, alpha, 1.0 - alpha)
        focal_weight = jnp.where(targets == 1.0, 1.0 - classification, classification)
        focal_weight = alpha_factor * focal_weight ** gamma
        bce = -(targets * jnp.log(classification) + (1.0 - targets) * jnp.log(1.0 - classification))
        cls_loss = jnp.where(targets != -1.0, focal_weight * bce, 0.0)
        cls_losses.append(cls_loss.sum() / jnp.maximum(num_positive.astype(jnp.float32), 1.0))
        gt = assigned_ann
        t_dx = gt[:, 0] - anchor[:, 0]
        t_dy = gt[:, 1] - anchor[:, 1]
        t_da = gt[:, 2] - anchor[:, 2]
        t = jnp.stack((t_dx, t_dy, t_da)).T
        diff_xy = jnp.abs(t[:, :2] - regression[:, :2])
        diff_angle = (jnp.abs(t[:, 2] - regression[:, 2]) - 10.0) / 5.0
        diff_angle = jnp.where(diff_angle <= 0.0, 0.0, diff_angle)
        loss_xy = jnp.where(diff_xy <= 1.0 / 9.0, 0.5 * 9.0 * diff_xy ** 2, diff_xy - 0.5 / 9.0)
        pos_f = positive.astype(jnp.float32)
        npos_f = num_positive.astype(jnp.float32)
        xy_mean = (loss_xy * pos_f[:, None]).sum() / jnp.maximum(2.0 * npos_f, 1.0)
        ang_mean = (diff_angle * pos_f).sum() / jnp.maximum(npos_f, 1.0)
        xy_losses.append(jnp.where(num_positive > 0, xy_mean, jnp.float32(0.0)))
        ang_losses.append(jnp.where(num_positive > 0, ang_mean, jnp.float32(0.0)))
    return (jnp.stack(cls_losses).mean(axis=0, keepdims=True),
            jnp.stack(xy_losses).mean(axis=0, keepdims=True),
            jnp.stack(ang_losses).mean(axis=0, keepdims=True))

if __name__ == "__main__":
    import jax
    _d = setup_inputs()
    print(jax.jit(kernel)(*tuple(_d.values())))

</pallas_src>

<mosaic_0001>
#map = affine_map<(d0, d1) -> (0)>
module attributes {stable_mosaic.version = 14 : i64} {
  func.func @_loss_sc(%arg0: i32, %arg1: i32, %arg2: memref<3200000xf32, #tpu.memory_space<hbm>>, %arg3: memref<600000xf32, #tpu.memory_space<hbm>>, %arg4: memref<150000xf32, #tpu.memory_space<hbm>>, %arg5: memref<1024xf32, #tpu.memory_space<hbm>>, %arg6: memref<512xf32, #tpu.memory_space<hbm>>, %arg7: memref<25600xf32, #tpu.memory_space<vmem>>, %arg8: memref<4800xf32, #tpu.memory_space<vmem>>, %arg9: memref<4800xf32, #tpu.memory_space<vmem>>, %arg10: memref<256xf32, #tpu.memory_space<vmem>>, %arg11: memref<16xf32, #tpu.memory_space<vmem>>) attributes {dimension_semantics = [#tpu.dimension_semantics<core_parallel>, #tpu.dimension_semantics<subcore_parallel>], iteration_bounds = array<i64: 2, 16>, scalar_prefetch = 0 : i64, scratch_operands = 5 : i64, tpu.core_type = #tpu.core_type<sc_vector_subcore>, window_params = [{transform_indices = #map}, {transform_indices = #map}, {transform_indices = #map}, {transform_indices = #map}, {transform_indices = #map}]} {
    %mul3A = arith.constant 2 : i32
    %mul3A_0 = arith.muli %arg1, %mul3A : i32
    %add3A = arith.addi %mul3A_0, %arg0 : i32
    %mul3A_1 = arith.constant 1600 : i32
    %mul3A_2 = arith.muli %add3A, %mul3A_1 : i32
    %min3A = arith.constant 48400 : i32
    %min3A_3 = arith.minsi %mul3A_2, %min3A : i32
    %mul3A_4 = arith.constant 1600 : i32
    %mul3A_5 = arith.muli %add3A, %mul3A_4 : i32
    %iota3A = tpu.iota {dimensions = array<i32: 0>} : vector<16xi32>
    %mul3A_6 = arith.constant 0 : i32
    %mul3A_7 = vector.broadcast %mul3A_6 : i32 to vector<16xi32>
    %mul3A_8 = arith.muli %iota3A, %mul3A_7 : vector<16xi32>
    %mul3A_9 = arith.constant 3 : i32
    %mul3A_10 = arith.muli %min3A_3, %mul3A_9 : i32
    "tpu.region"() ({
      %run_scoped3A = tpu.sem_alloc : memref<!tpu.dma_semaphore, #tpu.memory_space<semaphore_mem>>
      %dma_start3A = tpu.memref_slice %arg4[%mul3A_10] : memref<150000xf32, #tpu.memory_space<hbm>> -> memref<4800xf32, #tpu.memory_space<hbm>>
      %dma_start3A_20 = tpu.memref_slice %arg4[%mul3A_10] : memref<150000xf32, #tpu.memory_space<hbm>> -> memref<4800xf32, #tpu.memory_space<hbm>>
      tpu.enqueue_dma source(%dma_start3A_20 : memref<4800xf32, #tpu.memory_space<hbm>>) target(%arg8 : memref<4800xf32, #tpu.memory_space<vmem>>) target_semaphore(%run_scoped3A : memref<!tpu.dma_semaphore, #tpu.memory_space<semaphore_mem>>)
      %dma_wait3A = tpu.memref_slice %arg4[%mul3A_10] : memref<150000xf32, #tpu.memory_space<hbm>> -> memref<4800xf32, #tpu.memory_space<hbm>>
      %dma_wait3A_21 = tpu.memref_slice %arg4[%mul3A_10] : memref<150000xf32, #tpu.memory_space<hbm>> -> memref<4800xf32, #tpu.memory_space<hbm>>
      tpu.wait_dma2 semaphore(%run_scoped3A : memref<!tpu.dma_semaphore, #tpu.memory_space<semaphore_mem>>) src(%dma_wait3A_21 : memref<4800xf32, #tpu.memory_space<hbm>>) dst(%arg8 : memref<4800xf32, #tpu.memory_space<vmem>>)
      tpu.yield
    }) : () -> ()
    %broadcast_in_dim3A = arith.constant 0.000000e+00 : f32
    %broadcast_in_dim3A_11 = vector.broadcast %broadcast_in_dim3A : f32 to vector<16xf32>
    %scan3A = arith.constant 0 : i32
    %scan3A_12 = arith.constant 4 : i32
    %scan3A_13 = arith.addi %scan3A, %scan3A_12 : i32
    %scan3A_14 = arith.constant 1 : i32
    %scan3A_15 = scf.for %scan3A_20 = %scan3A to %scan3A_13 step %scan3A_14 iter_args(%scan3A_21 = %broadcast_in_dim3A_11) -> (vector<16xf32>)  : i32 {
      %mul3A_22 = arith.constant 800000 : i32
      %mul3A_23 = arith.muli %scan3A_20, %mul3A_22 : i32
      %mul3A_24 = arith.constant 16 : i32
      %mul3A_25 = arith.muli %min3A_3, %mul3A_24 : i32
      %add3A_26 = arith.addi %mul3A_23, %mul3A_25 : i32
      "tpu.region"() ({
        %run_scoped3A = tpu.sem_alloc : memref<!tpu.dma_semaphore, #tpu.memory_space<semaphore_mem>>
        %dma_start3A = tpu.memref_slice %arg2[%add3A_26] : memref<3200000xf32, #tpu.memory_space<hbm>> -> memref<25600xf32, #tpu.memory_space<hbm>>
        %dma_start3A_85 = tpu.memref_slice %arg2[%add3A_26] : memref<3200000xf32, #tpu.memory_space<hbm>> -> memref<25600xf32, #tpu.memory_space<hbm>>
        tpu.enqueue_dma source(%dma_start3A_85 : memref<25600xf32, #tpu.memory_space<hbm>>) target(%arg7 : memref<25600xf32, #tpu.memory_space<vmem>>) target_semaphore(%run_scoped3A : memref<!tpu.dma_semaphore, #tpu.memory_space<semaphore_mem>>)
        %dma_wait3A = tpu.memref_slice %arg2[%add3A_26] : memref<3200000xf32, #tpu.memory_space<hbm>> -> memref<25600xf32, #tpu.memory_space<hbm>>
        %dma_wait3A_86 = tpu.memref_slice %arg2[%add3A_26] : memref<3200000xf32, #tpu.memory_space<hbm>> -> memref<25600xf32, #tpu.memory_space<hbm>>
        tpu.wait_dma2 semaphore(%run_scoped3A : memref<!tpu.dma_semaphore, #tpu.memory_space<semaphore_mem>>) src(%dma_wait3A_86 : memref<25600xf32, #tpu.memory_space<hbm>>) dst(%arg7 : memref<25600xf32, #tpu.memory_space<vmem>>)
        tpu.yield
      }) : () -> ()
      %mul3A_27 = arith.constant 150000 : i32
      %mul3A_28 = arith.muli %scan3A_20, %mul3A_27 : i32
      %mul3A_29 = arith.constant 3 : i32
      %mul3A_30 = arith.muli %min3A_3, %mul3A_29 : i32
      %add3A_31 = arith.addi %mul3A_28, %mul3A_30 : i32
      "tpu.region"() ({
        %run_scoped3A = tpu.sem_alloc : memref<!tpu.dma_semaphore, #tpu.memory_space<semaphore_mem>>
        %dma_start3A = tpu.memref_slice %arg3[%add3A_31] : memref<600000xf32, #tpu.memory_space<hbm>> -> memref<4800xf32, #tpu.memory_space<hbm>>
        %dma_start3A_85 = tpu.memref_slice %arg3[%add3A_31] : memref<600000xf32, #tpu.memory_space<hbm>> -> memref<4800xf32, #tpu.memory_space<hbm>>
        tpu.enqueue_dma source(%dma_start3A_85 : memref<4800xf32, #tpu.memory_space<hbm>>) target(%arg9 : memref<4800xf32, #tpu.memory_space<vmem>>) target_semaphore(%run_scoped3A : memref<!tpu.dma_semaphore, #tpu.memory_space<semaphore_mem>>)
        %dma_wait3A = tpu.memref_slice %arg3[%add3A_31] : memref<600000xf32, #tpu.memory_space<hbm>> -> memref<4800xf32, #tpu.memory_space<hbm>>
        %dma_wait3A_86 = tpu.memref_slice %arg3[%add3A_31] : memref<600000xf32, #tpu.memory_space<hbm>> -> memref<4800xf32, #tpu.memory_space<hbm>>
        tpu.wait_dma2 semaphore(%run_scoped3A : memref<!tpu.dma_semaphore, #tpu.memory_space<semaphore_mem>>) src(%dma_wait3A_86 : memref<4800xf32, #tpu.memory_space<hbm>>) dst(%arg9 : memref<4800xf32, #tpu.memory_space<vmem>>)
        tpu.yield
      }) : () -> ()
      %mul3A_32 = arith.constant 256 : i32
      %mul3A_33 = arith.muli %scan3A_20, %mul3A_32 : i32
      "tpu.region"() ({
        %run_scoped3A = tpu.sem_alloc : memref<!tpu.dma_semaphore, #tpu.memory_space<semaphore_mem>>
        %dma_start3A = tpu.memref_slice %arg5[%mul3A_33] : memref<1024xf32, #tpu.memory_space<hbm>> -> memref<256xf32, #tpu.memory_space<hbm>>
        %dma_start3A_85 = tpu.memref_slice %arg5[%mul3A_33] : memref<1024xf32, #tpu.memory_space<hbm>> -> memref<256xf32, #tpu.memory_space<hbm>>
        tpu.enqueue_dma source(%dma_start3A_85 : memref<256xf32, #tpu.memory_space<hbm>>) target(%arg10 : memref<256xf32, #tpu.memory_space<vmem>>) target_semaphore(%run_scoped3A : memref<!tpu.dma_semaphore, #tpu.memory_space<semaphore_mem>>)
        %dma_wait3A = tpu.memref_slice %arg5[%mul3A_33] : memref<1024xf32, #tpu.memory_space<hbm>> -> memref<256xf32, #tpu.memory_space<hbm>>
        %dma_wait3A_86 = tpu.memref_slice %arg5[%mul3A_33] : memref<1024xf32, #tpu.memory_space<hbm>> -> memref<256xf32, #tpu.memory_space<hbm>>
        tpu.wait_dma2 semaphore(%run_scoped3A : memref<!tpu.dma_semaphore, #tpu.memory_space<semaphore_mem>>) src(%dma_wait3A_86 : memref<256xf32, #tpu.memory_space<hbm>>) dst(%arg10 : memref<256xf32, #tpu.memory_space<vmem>>)
        tpu.yield
      }) : () -> ()
      %broadcast_in_dim3A_34 = arith.constant 0.000000e+00 : f32
      %broadcast_in_dim3A_35 = vector.broadcast %broadcast_in_dim3A_34 : f32 to vector<16xf32>
      %scan3A_36 = arith.constant 0 : i32
      %scan3A_37 = arith.constant 25 : i32
      %scan3A_38 = arith.addi %scan3A_36, %scan3A_37 : i32
      %scan3A_39 = arith.constant 1 : i32
      %scan3A_40:4 = scf.for %scan3A_85 = %scan3A_36 to %scan3A_38 step %scan3A_39 iter_args(%scan3A_86 = %broadcast_in_dim3A_35, %scan3A_87 = %broadcast_in_dim3A_35, %scan3A_88 = %broadcast_in_dim3A_35, %scan3A_89 = %broadcast_in_dim3A_35) -> (vector<16xf32>, vector<16xf32>, vector<16xf32>, vector<16xf32>)  : i32 {
        %mul3A_90 = arith.constant 64 : i32
        %mul3A_91 = arith.muli %scan3A_85, %mul3A_90 : i32
        %add3A_92 = arith.constant 0 : i32
        %add3A_93 = arith.addi %mul3A_91, %add3A_92 : i32
        %mul3A_94 = arith.constant 64 : i32
        %mul3A_95 = arith.muli %scan3A_85, %mul3A_94 : i32
        %add3A_96 = arith.constant 16 : i32
        %add3A_97 = arith.addi %mul3A_95, %add3A_96 : i32
        %mul3A_98 = arith.constant 64 : i32
        %mul3A_99 = arith.muli %scan3A_85, %mul3A_98 : i32
        %add3A_100 = arith.constant 32 : i32
        %add3A_101 = arith.addi %mul3A_99, %add3A_100 : i32
        %mul3A_102 = arith.constant 64 : i32
        %mul3A_103 = arith.muli %scan3A_85, %mul3A_102 : i32
        %add3A_104 = arith.constant 48 : i32
        %add3A_105 = arith.addi %mul3A_103, %add3A_104 : i32
        %mul3A_106 = arith.constant 3 : i32
        %mul3A_107 = vector.broadcast %mul3A_106 : i32 to vector<16xi32>
        %mul3A_108 = arith.muli %iota3A, %mul3A_107 : vector<16xi32>
        %mul3A_109 = arith.constant 3 : i32
        %mul3A_110 = arith.muli %add3A_93, %mul3A_109 : i32
        %add3A_111 = vector.broadcast %mul3A_110 : i32 to vector<16xi32>
        %add3A_112 = arith.addi %mul3A_108, %add3A_111 : vector<16xi32>
        %mul3A_113 = arith.constant 3 : i32
        %mul3A_114 = vector.broadcast %mul3A_113 : i32 to vector<16xi32>
        %mul3A_115 = arith.muli %iota3A, %mul3A_114 : vector<16xi32>
        %mul3A_116 = arith.constant 3 : i32
        %mul3A_117 = arith.muli %add3A_97, %mul3A_116 : i32
        %add3A_118 = vector.broadcast %mul3A_117 : i32 to vector<16xi32>
        %add3A_119 = arith.addi %mul3A_115, %add3A_118 : vector<16xi32>
        %mul3A_120 = arith.constant 3 : i32
        %mul3A_121 = vector.broadcast %mul3A_120 : i32 to vector<16xi32>
        %mul3A_122 = arith.muli %iota3A, %mul3A_121 : vector<16xi32>
        %mul3A_123 = arith.constant 3 : i32
        %mul3A_124 = arith.muli %add3A_101, %mul3A_123 : i32
        %add3A_125 = vector.broadcast %mul3A_124 : i32 to vector<16xi32>
        %add3A_126 = arith.addi %mul3A_122, %add3A_125 : vector<16xi32>
        %mul3A_127 = arith.constant 3 : i32
        %mul3A_128 = vector.broadcast %mul3A_127 : i32 to vector<16xi32>
        %mul3A_129 = arith.muli %iota3A, %mul3A_128 : vector<16xi32>
        %mul3A_130 = arith.constant 3 : i32
        %mul3A_131 = arith.muli %add3A_105, %mul3A_130 : i32
        %add3A_132 = vector.broadcast %mul3A_131 : i32 to vector<16xi32>
        %add3A_133 = arith.addi %mul3A_129, %add3A_132 : vector<16xi32>
        %gather3A = tpu.vector_load_idx %arg8[%add3A_112] : memref<4800xf32, #tpu.memory_space<vmem>>[vector<16xi32>], vector<16xf32>,
        %gather3A_134 = tpu.vector_load_idx %arg8[%add3A_119] : memref<4800xf32, #tpu.memory_space<vmem>>[vector<16xi32>], vector<16xf32>,
        %gather3A_135 = tpu.vector_load_idx %arg8[%add3A_126] : memref<4800xf32, #tpu.memory_space<vmem>>[vector<16xi32>], vector<16xf32>,
        %gather3A_136 = tpu.vector_load_idx %arg8[%add3A_133] : memref<4800xf32, #tpu.memory_space<vmem>>[vector<16xi32>], vector<16xf32>,
        %add3A_137 = arith.constant 1 : i32
        %add3A_138 = vector.broadcast %add3A_137 : i32 to vector<16xi32>
        %add3A_139 = arith.addi %add3A_112, %add3A_138 : vector<16xi32>
        %gather3A_140 = tpu.vector_load_idx %arg8[%add3A_139] : memref<4800xf32, #tpu.memory_space<vmem>>[vector<16xi32>], vector<16xf32>,
        %add3A_141 = arith.constant 1 : i32
        %add3A_142 = vector.broadcast %add3A_141 : i32 to vector<16xi32>
        %add3A_143 = arith.addi %add3A_119, %add3A_142 : vector<16xi32>
        %gather3A_144 = tpu.vector_load_idx %arg8[%add3A_143] : memref<4800xf32, #tpu.memory_space<vmem>>[vector<16xi32>], vector<16xf32>,
        %add3A_145 = arith.constant 1 : i32
        %add3A_146 = vector.broadcast %add3A_145 : i32 to vector<16xi32>
        %add3A_147 = arith.addi %add3A_126, %add3A_146 : vector<16xi32>
        %gather3A_148 = tpu.vector_load_idx %arg8[%add3A_147] : memref<4800xf32, #tpu.memory_space<vmem>>[vector<16xi32>], vector<16xf32>,
        %add3A_149 = arith.constant 1 : i32
        %add3A_150 = vector.broadcast %add3A_149 : i32 to vector<16xi32>
        %add3A_151 = arith.addi %add3A_133, %add3A_150 : vector<16xi32>
        %gather3A_152 = tpu.vector_load_idx %arg8[%add3A_151] : memref<4800xf32, #tpu.memory_space<vmem>>[vector<16xi32>], vector<16xf32>,
        %broadcast_in_dim3A_153 = arith.constant 0x7F800000 : f32
        %broadcast_in_dim3A_154 = vector.broadcast %broadcast_in_dim3A_153 : f32 to vector<16xf32>
        %scan3A_155 = arith.constant 0 : i32
        %scan3A_156 = arith.constant 64 : i32
        %scan3A_157 = arith.addi %scan3A_155, %scan3A_156 : i32
        %scan3A_158 = arith.constant 4 : i32
        %scan3A_159:8 = scf.for %scan3A_4169 = %scan3A_155 to %scan3A_157 step %scan3A_158 iter_args(%scan3A_4170 = %broadcast_in_dim3A_154, %scan3A_4171 = %broadcast_in_dim3A_154, %scan3A_4172 = %broadcast_in_dim3A_154, %scan3A_4173 = %broadcast_in_dim3A_154, %scan3A_4174 = %mul3A_8, %scan3A_4175 = %mul3A_8, %scan3A_4176 = %mul3A_8, %scan3A_4177 = %mul3A_8) -> (vector<16xf32>, vector<16xf32>, vector<16xf32>, vector<16xf32>, vector<16xi32>, vector<16xi32>, vector<16xi32>, vector<16xi32>)  : i32 {
          %mul3A_4178 = arith.constant 4 : i32
          %mul3A_4179 = arith.muli %scan3A_4169, %mul3A_4178 : i32
          %add3A_4180 = vector.broadcast %mul3A_4179 : i32 to vector<16xi32>
          %add3A_4181 = arith.addi %mul3A_8, %add3A_4180 : vector<16xi32>
          %gather3A_4182 = tpu.vector_load_idx %arg10[%add3A_4181] : memref<256xf32, #tpu.memory_space<vmem>>[vector<16xi32>], vector<16xf32>,
          %add3A_4183 = arith.constant 1 : i32
          %add3A_4184 = vector.broadcast %add3A_4183 : i32 to vector<16xi32>
          %add3A_4185 = arith.addi %add3A_4181, %add3A_4184 : vector<16xi32>
          %gather3A_4186 = tpu.vector_load_idx %arg10[%add3A_4185] : memref<256xf32, #tpu.memory_space<vmem>>[vector<16xi32>], vector<16xf32>,
          %sub3A_4187 = arith.subf %gather3A, %gather3A_4182 : vector<16xf32>
          %sub3A_4188 = arith.subf %gather3A_140, %gather3A_4186 : vector<16xf32>
          %mul3A_4189 = arith.mulf %sub3A_4187, %sub3A_4187 : vector<16xf32>
          %mul3A_4190 = arith.mulf %sub3A_4188, %sub3A_4188 : vector<16xf32>
          %add3A_4191 = arith.addf %mul3A_4189, %mul3A_4190 : vector<16xf32>
          %lt3A = arith.cmpf olt, %add3A_4191, %scan3A_4170 : vector<16xf32>
          %select_n3A_4192 = arith.select %lt3A, %add3A_4191, %scan3A_4170 : vector<16xi1>, vector<16xf32>
          %select_n3A_4193 = arith.select %lt3A, %add3A_4181, %scan3A_4174 : vector<16xi1>, vector<16xi32>
          %sub3A_4194 = arith.subf %gather3A_134, %gather3A_4182 : vector<16xf32>
          %sub3A_4195 = arith.subf %gather3A_144, %gather3A_4186 : vector<16xf32>
          %mul3A_4196 = arith.mulf %sub3A_4194, %sub3A_4194 : vector<16xf32>
          %mul3A_4197 = arith.mulf %sub3A_4195, %sub3A_4195 : vector<16xf32>
          %add3A_4198 = arith.addf %mul3A_4196, %mul3A_4197 : vector<16xf32>
          %lt3A_4199 = arith.cmpf olt, %add3A_4198, %scan3A_4171 : vector<16xf32>
          %select_n3A_4200 = arith.select %lt3A_4199, %add3A_4198, %scan3A_4171 : vector<16xi1>, vector<16xf32>
          %select_n3A_4201 = arith.select %lt3A_4199, %add3A_4181, %scan3A_4175 : vector<16xi1>, vector<16xi32>
          %sub3A_4202 = arith.subf %gather3A_135, %gather3A_4182 : vector<16xf32>
          %sub3A_4203 = arith.subf %gather3A_148, %gather3A_4186 : vector<16xf32>
          %mul3A_4204 = arith.mulf %sub3A_4202, %sub3A_4202 : vector<16xf32>
          %mul3A_4205 = arith.mulf %sub3A_4203, %sub3A_4203 : vector<16xf32>
          %add3A_4206 = arith.addf %mul3A_4204, %mul3A_4205 : vector<16xf32>
          %lt3A_4207 = arith.cmpf olt, %add3A_4206, %scan3A_4172 : vector<16xf32>
          %select_n3A_4208 = arith.select %lt3A_4207, %add3A_4206, %scan3A_4172 : vector<16xi1>, vector<16xf32>
          %select_n3A_4209 = arith.select %lt3A_4207, %add3A_4181, %scan3A_4176 : vector<16xi1>, vector<16xi32>
          %sub3A_4210 = arith.subf %gather3A_136, %gather3A_4182 : vector<16xf32>
          %sub3A_4211 = arith.subf %gather3A_152, %gather3A_4186 : vector<16xf32>
          %mul3A_4212 = arith.mulf %sub3A_4210, %sub3A_4210 : vector<16xf32>
          %mul3A_4213 = arith.mulf %sub3A_4211, %sub3A_4211 : vector<16xf32>
          %add3A_4214 = arith.addf %mul3A_4212, %mul3A_4213 : vector<16xf32>
          %lt3A_4215 = arith.cmpf olt, %add3A_4214, %scan3A_4173 : vector<16xf32>
          %select_n3A_4216 = arith.select %lt3A_4215, %add3A_4214, %scan3A_4173 : vector<16xi1>, vector<16xf32>
          %select_n3A_4217 = arith.select %lt3A_4215, %add3A_4181, %scan3A_4177 : vector<16xi1>, vector<16xi32>
          %scan3A_4218 = arith.constant 1 : i32
          %scan3A_4219 = arith.addi %scan3A_4169, %scan3A_4218 : i32
          %mul3A_4220 = arith.constant 4 : i32
          %mul3A_4221 = arith.muli %scan3A_4219, %mul3A_4220 : i32
          %add3A_4222 = vector.broadcast %mul3A_4221 : i32 to vector<16xi32>
          %add3A_4223 = arith.addi %mul3A_8, %add3A_4222 : vector<16xi32>
          %gather3A_4224 = tpu.vector_load_idx %arg10[%add3A_4223] : memref<256xf32, #tpu.memory_space<vmem>>[vector<16xi32>], vector<16xf32>,
          %add3A_4225 = arith.constant 1 : i32
          %add3A_4226 = vector.broadcast %add3A_4225 : i32 to vector<16xi32>
          %add3A_4227 = arith.addi %add3A_4223, %add3A_4226 : vector<16xi32>
          %gather3A_4228 = tpu.vector_load_idx %arg10[%add3A_4227] : memref<256xf32, #tpu.memory_space<vmem>>[vector<16xi32>], vector<16xf32>,
          %sub3A_4229 = arith.subf %gather3A, %gather3A_4224 : vector<16xf32>
          %sub3A_4230 = arith.subf %gather3A_140, %gather3A_4228 : vector<16xf32>
          %mul3A_4231 = arith.mulf %sub3A_4229, %sub3A_4229 : vector<16xf32>
          %mul3A_4232 = arith.mulf %sub3A_4230, %sub3A_4230 : vector<16xf32>
          %add3A_4233 = arith.addf %mul3A_4231, %mul3A_4232 : vector<16xf32>
          %lt3A_4234 = arith.cmpf olt, %add3A_4233, %select_n3A_4192 : vector<16xf32>
          %select_n3A_4235 = arith.select %lt3A_4234, %add3A_4233, %select_n3A_4192 : vector<16xi1>, vector<16xf32>
          %select_n3A_4236 = arith.select %lt3A_4234, %add3A_4223, %select_n3A_4193 : vector<16xi1>, vector<16xi32>
          %sub3A_4237 = arith.subf %gather3A_134, %gather3A_4224 : vector<16xf32>
          %sub3A_4238 = arith.subf %gather3A_144, %gather3A_4228 : vector<16xf32>
          %mul3A_4239 = arith.mulf %sub3A_4237, %sub3A_4237 : vector<16xf32>
          %mul3A_4240 = arith.mulf %sub3A_4238, %sub3A_4238 : vector<16xf32>
          %add3A_4241 = arith.addf %mul3A_4239, %mul3A_4240 : vector<16xf32>
          %lt3A_4242 = arith.cmpf olt, %add3A_4241, %select_n3A_4200 : vector<16xf32>
          %select_n3A_4243 = arith.select %lt3A_4242, %add3A_4241, %select_n3A_4200 : vector<16xi1>, vector<16xf32>
          %select_n3A_4244 = arith.select %lt3A_4242, %add3A_4223, %select_n3A_4201 : vector<16xi1>, vector<16xi32>
          %sub3A_4245 = arith.subf %gather3A_135, %gather3A_4224 : vector<16xf32>
          %sub3A_4246 = arith.subf %gather3A_148, %gather3A_4228 : vector<16xf32>
          %mul3A_4247 = arith.mulf %sub3A_4245, %sub3A_4245 : vector<16xf32>
          %mul3A_4248 = arith.mulf %sub3A_4246, %sub3A_4246 : vector<16xf32>
          %add3A_4249 = arith.addf %mul3A_4247, %mul3A_4248 : vector<16xf32>
          %lt3A_4250 = arith.cmpf olt, %add3A_4249, %select_n3A_4208 : vector<16xf32>
          %select_n3A_4251 = arith.select %lt3A_4250, %add3A_4249, %select_n3A_4208 : vector<16xi1>, vector<16xf32>
          %select_n3A_4252 = arith.select %lt3A_4250, %add3A_4223, %select_n3A_4209 : vector<16xi1>, vector<16xi32>
          %sub3A_4253 = arith.subf %gather3A_136, %gather3A_4224 : vector<16xf32>
          %sub3A_4254 = arith.subf %gather3A_152, %gather3A_4228 : vector<16xf32>
          %mul3A_4255 = arith.mulf %sub3A_4253, %sub3A_4253 : vector<16xf32>
          %mul3A_4256 = arith.mulf %sub3A_4254, %sub3A_4254 : vector<16xf32>
          %add3A_4257 = arith.addf %mul3A_4255, %mul3A_4256 : vector<16xf32>
          %lt3A_4258 = arith.cmpf olt, %add3A_4257, %select_n3A_4216 : vector<16xf32>
          %select_n3A_4259 = arith.select %lt3A_4258, %add3A_4257, %select_n3A_4216 : vector<16xi1>, vector<16xf32>
          %select_n3A_4260 = arith.select %lt3A_4258, %add3A_4223, %select_n3A_4217 : vector<16xi1>, vector<16xi32>
          %scan3A_4261 = arith.constant 2 : i32
          %scan3A_4262 = arith.addi %scan3A_4169, %scan3A_4261 : i32
          %mul3A_4263 = arith.constant 4 : i32
          %mul3A_4264 = arith.muli %scan3A_4262, %mul3A_4263 : i32
          %add3A_4265 = vector.broadcast %mul3A_4264 : i32 to vector<16xi32>
          %add3A_4266 = arith.addi %mul3A_8, %add3A_4265 : vector<16xi32>
          %gather3A_4267 = tpu.vector_load_idx %arg10[%add3A_4266] : memref<256xf32, #tpu.memory_space<vmem>>[vector<16xi32>], vector<16xf32>,
          %add3A_4268 = arith.constant 1 : i32
          %add3A_4269 = vector.broadcast %add3A_4268 : i32 to vector<16xi32>
          %add3A_4270 = arith.addi %add3A_4266, %add3A_4269 : vector<16xi32>
          %gather3A_4271 = tpu.vector_load_idx %arg10[%add3A_4270] : memref<256xf32, #tpu.memory_space<vmem>>[vector<16xi32>], vector<16xf32>,
          %sub3A_4272 = arith.subf %gather3A, %gather3A_4267 : vector<16xf32>
          %sub3A_4273 = arith.subf %gather3A_140, %gather3A_4271 : vector<16xf32>
          %mul3A_4274 = arith.mulf %sub3A_4272, %sub3A_4272 : vector<16xf32>
          %mul3A_4275 = arith.mulf %sub3A_4273, %sub3A_4273 : vector<16xf32>
          %add3A_4276 = arith.addf %mul3A_4274, %mul3A_4275 : vector<16xf32>
          %lt3A_4277 = arith.cmpf olt, %add3A_4276, %select_n3A_4235 : vector<16xf32>
          %select_n3A_4278 = arith.select %lt3A_4277, %add3A_4276, %select_n3A_4235 : vector<16xi1>, vector<16xf32>
          %select_n3A_4279 = arith.select %lt3A_4277, %add3A_4266, %select_n3A_4236 : vector<16xi1>, vector<16xi32>
          %sub3A_4280 = arith.subf %gather3A_134, %gather3A_4267 : vector<16xf32>
          %sub3A_4281 = arith.subf %gather3A_144, %gather3A_4271 : vector<16xf32>
          %mul3A_4282 = arith.mulf %sub3A_4280, %sub3A_4280 : vector<16xf32>
          %mul3A_4283 = arith.mulf %sub3A_4281, %sub3A_4281 : vector<16xf32>
          %add3A_4284 = arith.addf %mul3A_4282, %mul3A_4283 : vector<16xf32>
          %lt3A_4285 = arith.cmpf olt, %add3A_4284, %select_n3A_4243 : vector<16xf32>
          %select_n3A_4286 = arith.select %lt3A_4285, %add3A_4284, %select_n3A_4243 : vector<16xi1>, vector<16xf32>
          %select_n3A_4287 = arith.select %lt3A_4285, %add3A_4266, %select_n3A_4244 : vector<16xi1>, vector<16xi32>
          %sub3A_4288 = arith.subf %gather3A_135, %gather3A_4267 : vector<16xf32>
          %sub3A_4289 = arith.subf %gather3A_148, %gather3A_4271 : vector<16xf32>
          %mul3A_4290 = arith.mulf %sub3A_4288, %sub3A_4288 : vector<16xf32>
          %mul3A_4291 = arith.mulf %sub3A_4289, %sub3A_4289 : vector<16xf32>
          %add3A_4292 = arith.addf %mul3A_4290, %mul3A_4291 : vector<16xf32>
          %lt3A_4293 = arith.cmpf olt, %add3A_4292, %select_n3A_4251 : vector<16xf32>
          %select_n3A_4294 = arith.select %lt3A_4293, %add3A_4292, %select_n3A_4251 : vector<16xi1>, vector<16xf32>
          %select_n3A_4295 = arith.select %lt3A_4293, %add3A_4266, %select_n3A_4252 : vector<16xi1>, vector<16xi32>
          %sub3A_4296 = arith.subf %gather3A_136, %gather3A_4267 : vector<16xf32>
          %sub3A_4297 = arith.subf %gather3A_152, %gather3A_4271 : vector<16xf32>
          %mul3A_4298 = arith.mulf %sub3A_4296, %sub3A_4296 : vector<16xf32>
          %mul3A_4299 = arith.mulf %sub3A_4297, %sub3A_4297 : vector<16xf32>
          %add3A_4300 = arith.addf %mul3A_4298, %mul3A_4299 : vector<16xf32>
          %lt3A_4301 = arith.cmpf olt, %add3A_4300, %select_n3A_4259 : vector<16xf32>
          %select_n3A_4302 = arith.select %lt3A_4301, %add3A_4300, %select_n3A_4259 : vector<16xi1>, vector<16xf32>
          %select_n3A_4303 = arith.select %lt3A_4301, %add3A_4266, %select_n3A_4260 : vector<16xi1>, vector<16xi32>
          %scan3A_4304 = arith.constant 3 : i32
          %scan3A_4305 = arith.addi %scan3A_4169, %scan3A_4304 : i32
          %mul3A_4306 = arith.constant 4 : i32
          %mul3A_4307 = arith.muli %scan3A_4305, %mul3A_4306 : i32
          %add3A_4308 = vector.broadcast %mul3A_4307 : i32 to vector<16xi32>
          %add3A_4309 = arith.addi %mul3A_8, %add3A_4308 : vector<16xi32>
          %gather3A_4310 = tpu.vector_load_idx %arg10[%add3A_4309] : memref<256xf32, #tpu.memory_space<vmem>>[vector<16xi32>], vector<16xf32>,
          %add3A_4311 = arith.constant 1 : i32
          %add3A_4312 = vector.broadcast %add3A_4311 : i32 to vector<16xi32>
          %add3A_4313 = arith.addi %add3A_4309, %add3A_4312 : vector<16xi32>
          %gather3A_4314 = tpu.vector_load_idx %arg10[%add3A_4313] : memref<256xf32, #tpu.memory_space<vmem>>[vector<16xi32>], vector<16xf32>,
          %sub3A_4315 = arith.subf %gather3A, %gather3A_4310 : vector<16xf32>
          %sub3A_4316 = arith.subf %gather3A_140, %gather3A_4314 : vector<16xf32>
          %mul3A_4317 = arith.mulf %sub3A_4315, %sub3A_4315 : vector<16xf32>
          %mul3A_4318 = arith.mulf %sub3A_4316, %sub3A_4316 : vector<16xf32>
          %add3A_4319 = arith.addf %mul3A_4317, %mul3A_4318 : vector<16xf32>
          %lt3A_4320 = arith.cmpf olt, %add3A_4319, %select_n3A_4278 : vector<16xf32>
          %select_n3A_4321 = arith.select %lt3A_4320, %add3A_4319, %select_n3A_4278 : vector<16xi1>, vector<16xf32>
          %select_n3A_4322 = arith.select %lt3A_4320, %add3A_4309, %select_n3A_4279 : vector<16xi1>, vector<16xi32>
          %sub3A_4323 = arith.subf %gather3A_134, %gather3A_4310 : vector<16xf32>
          %sub3A_4324 = arith.subf %gather3A_144, %gather3A_4314 : vector<16xf32>
          %mul3A_4325 = arith.mulf %sub3A_4323, %sub3A_4323 : vector<16xf32>
          %mul3A_4326 = arith.mulf %sub3A_4324, %sub3A_4324 : vector<16xf32>
          %add3A_4327 = arith.addf %mul3A_4325, %mul3A_4326 : vector<16xf32>
          %lt3A_4328 = arith.cmpf olt, %add3A_4327, %select_n3A_4286 : vector<16xf32>
          %select_n3A_4329 = arith.select %lt3A_4328, %add3A_4327, %select_n3A_4286 : vector<16xi1>, vector<16xf32>
          %select_n3A_4330 = arith.select %lt3A_4328, %add3A_4309, %select_n3A_4287 : vector<16xi1>, vector<16xi32>
          %sub3A_4331 = arith.subf %gather3A_135, %gather3A_4310 : vector<16xf32>
          %sub3A_4332 = arith.subf %gather3A_148, %gather3A_4314 : vector<16xf32>
          %mul3A_4333 = arith.mulf %sub3A_4331, %sub3A_4331 : vector<16xf32>
          %mul3A_4334 = arith.mulf %sub3A_4332, %sub3A_4332 : vector<16xf32>
          %add3A_4335 = arith.addf %mul3A_4333, %mul3A_4334 : vector<16xf32>
          %lt3A_4336 = arith.cmpf olt, %add3A_4335, %select_n3A_4294 : vector<16xf32>
          %select_n3A_4337 = arith.select %lt3A_4336, %add3A_4335, %select_n3A_4294 : vector<16xi1>, vector<16xf32>
          %select_n3A_4338 = arith.select %lt3A_4336, %add3A_4309, %select_n3A_4295 : vector<16xi1>, vector<16xi32>
          %sub3A_4339 = arith.subf %gather3A_136, %gather3A_4310 : vector<16xf32>
          %sub3A_4340 = arith.subf %gather3A_152, %gather3A_4314 : vector<16xf32>
          %mul3A_4341 = arith.mulf %sub3A_4339, %sub3A_4339 : vector<16xf32>
          %mul3A_4342 = arith.mulf %sub3A_4340, %sub3A_4340 : vector<16xf32>
          %add3A_4343 = arith.addf %mul3A_4341, %mul3A_4342 : vector<16xf32>
          %lt3A_4344 = arith.cmpf olt, %add3A_4343, %select_n3A_4302 : vector<16xf32>
          %select_n3A_4345 = arith.select %lt3A_4344, %add3A_4343, %select_n3A_4302 : vector<16xi1>, vector<16xf32>
          %select_n3A_4346 = arith.select %lt3A_4344, %add3A_4309, %select_n3A_4303 : vector<16xi1>, vector<16xi32>
          scf.yield %select_n3A_4321, %select_n3A_4329, %select_n3A_4337, %select_n3A_4345, %select_n3A_4322, %select_n3A_4330, %select_n3A_4338, %select_n3A_4346 : vector<16xf32>, vector<16xf32>, vector<16xf32>, vector<16xf32>, vector<16xi32>, vector<16xi32>, vector<16xi32>, vector<16xi32>
        }
        %scan3A_160 = arith.constant 64 : i32
        %add3A_161 = arith.constant 2 : i32
        %add3A_162 = vector.broadcast %add3A_161 : i32 to vector<16xi32>
        %add3A_163 = arith.addi %add3A_112, %add3A_162 : vector<16xi32>
        %gather3A_164 = tpu.vector_load_idx %arg8[%add3A_163] : memref<4800xf32, #tpu.memory_space<vmem>>[vector<16xi32>], vector<16xf32>,
        %gather3A_165 = tpu.vector_load_idx %arg10[%scan3A_159#4] : memref<256xf32, #tpu.memory_space<vmem>>[vector<16xi32>], vector<16xf32>,
        %add3A_166 = arith.constant 1 : i32
        %add3A_167 = vector.broadcast %add3A_166 : i32 to vector<16xi32>
        %add3A_168 = arith.addi %scan3A_159#4, %add3A_167 : vector<16xi32>
        %gather3A_169 = tpu.vector_load_idx %arg10[%add3A_168] : memref<256xf32, #tpu.memory_space<vmem>>[vector<16xi32>], vector<16xf32>,
        %add3A_170 = arith.constant 2 : i32
        %add3A_171 = vector.broadcast %add3A_170 : i32 to vector<16xi32>
        %add3A_172 = arith.addi %scan3A_159#4, %add3A_171 : vector<16xi32>
        %gather3A_173 = tpu.vector_load_idx %arg10[%add3A_172] : memref<256xf32, #tpu.memory_space<vmem>>[vector<16xi32>], vector<16xf32>,
        %add3A_174 = arith.constant 3 : i32
        %add3A_175 = vector.broadcast %add3A_174 : i32 to vector<16xi32>
        %add3A_176 = arith.addi %scan3A_159#4, %add3A_175 : vector<16xi32>
        %gather3A_177 = tpu.vector_load_idx %arg10[%add3A_176] : memref<256xf32, #tpu.memory_space<vmem>>[vector<16xi32>], vector<16xf32>,
        %sub3A = arith.subf %gather3A_164, %gather3A_173 : vector<16xf32>
        %abs3A = math.absf %sub3A : vector<16xf32>
        %add3A_178 = arith.addi %min3A_3, %add3A_93 : i32
        %add3A_179 = vector.broadcast %add3A_178 : i32 to vector<16xi32>
        %add3A_180 = arith.addi %add3A_179, %iota3A : vector<16xi32>
        %ge3A = vector.broadcast %mul3A_5 : i32 to vector<16xi32>
        %ge3A_181 = arith.cmpi sge, %add3A_180, %ge3A : vector<16xi32>
        %le3A = arith.constant 2.500000e+01 : f32
        %le3A_182 = vector.broadcast %le3A : f32 to vector<16xf32>
        %le3A_183 = arith.cmpf ole, %scan3A_159#0, %le3A_182 : vector<16xf32>
        %le3A_184 = arith.constant 1.000000e+01 : f32
        %le3A_185 = vector.broadcast %le3A_184 : f32 to vector<16xf32>
        %le3A_186 = arith.cmpf ole, %abs3A, %le3A_185 : vector<16xf32>
        %and3A = arith.andi %le3A_183, %le3A_186 : vector<16xi1>
        %ge3A_187 = arith.constant 5.625000e+01 : f32
        %ge3A_188 = vector.broadcast %ge3A_187 : f32 to vector<16xf32>
        %ge3A_189 = arith.cmpf oge, %scan3A_159#0, %ge3A_188 : vector<16xf32>
        %ge3A_190 = arith.constant 1.500000e+01 : f32
        %ge3A_191 = vector.broadcast %ge3A_190 : f32 to vector<16xf32>
        %ge3A_192 = arith.cmpf oge, %abs3A, %ge3A_191 : vector<16xf32>
        %or3A = arith.ori %ge3A_189, %ge3A_192 : vector<16xi1>
        %and3A_193 = arith.andi %and3A, %ge3A_181 : vector<16xi1>
        %or3A_194 = arith.ori %and3A, %or3A : vector<16xi1>
        %and3A_195 = arith.andi %or3A_194, %ge3A_181 : vector<16xi1>
        %jit3A = arith.constant 1.000000e+00 : f32
        %jit3A_196 = arith.constant 0.000000e+00 : f32
        %broadcast_in_dim3A_197 = vector.broadcast %jit3A : f32 to vector<16xf32>
        %broadcast_in_dim3A_198 = vector.broadcast %jit3A_196 : f32 to vector<16xf32>
        %select_n3A_199 = arith.select %and3A_193, %broadcast_in_dim3A_197, %broadcast_in_dim3A_198 : vector<16xi1>, vector<16xf32>
        %add3A_200 = arith.addf %scan3A_86, %select_n3A_199 : vector<16xf32>
        %add3A_201 = vector.broadcast %add3A_93 : i32 to vector<16xi32>
        %add3A_202 = arith.addi %add3A_201, %iota3A : vector<16xi32>
        %mul3A_203 = arith.constant 16 : i32
        %mul3A_204 = vector.broadcast %mul3A_203 : i32 to vector<16xi32>
        %mul3A_205 = arith.muli %add3A_202, %mul3A_204 : vector<16xi32>
        %broadcast_in_dim3A_206 = arith.constant 0.000000e+00 : f32
        %broadcast_in_dim3A_207 = vector.broadcast %broadcast_in_dim3A_206 : f32 to vector<16xf32>
        %add3A_208 = arith.constant 0 : i32
        %add3A_209 = vector.broadcast %add3A_208 : i32 to vector<16xi32>
        %add3A_210 = arith.addi %mul3A_205, %add3A_209 : vector<16xi32>
        %gather3A_211 = tpu.vector_load_idx %arg7[%add3A_210] : memref<25600xf32, #tpu.memory_space<vmem>>[vector<16xi32>], vector<16xf32>,
        %max3A = arith.constant 9.99999974E-5 : f32
        %max3A_212 = vector.broadcast %max3A : f32 to vector<16xf32>
        %max3A_213 = arith.maximumf %gather3A_211, %max3A_212 : vector<16xf32>
        %min3A_214 = arith.constant 0.999899983 : f32
        %min3A_215 = vector.broadcast %min3A_214 : f32 to vector<16xf32>
        %min3A_216 = arith.minimumf %max3A_213, %min3A_215 : vector<16xf32>
        %mul3A_217 = arith.mulf %min3A_216, %min3A_216 : vector<16xf32>
        %sub3A_218 = arith.constant 1.000000e+00 : f32
        %sub3A_219 = vector.broadcast %sub3A_218 : f32 to vector<16xf32>
        %sub3A_220 = arith.subf %sub3A_219, %min3A_216 : vector<16xf32>
        %bitcast_convert_type3A = tpu.bitcast %sub3A_220 : vector<16xf32> -> vector<16xi32>
        %shift_right_arithmetic3A = arith.constant 23 : i32
        %shift_right_arithmetic3A_221 = vector.broadcast %shift_right_arithmetic3A : i32 to vector<16xi32>
        %shift_right_arithmetic3A_222 = arith.shrsi %bitcast_convert_type3A, %shift_right_arithmetic3A_221 : vector<16xi32>
        %and3A_223 = arith.constant 8388607 : i32
        %and3A_224 = vector.broadcast %and3A_223 : i32 to vector<16xi32>
        %and3A_225 = arith.andi %bitcast_convert_type3A, %and3A_224 : vector<16xi32>
        %or3A_226 = arith.constant 1065353216 : i32
        %or3A_227 = vector.broadcast %or3A_226 : i32 to vector<16xi32>
        %or3A_228 = arith.ori %and3A_225, %or3A_227 : vector<16xi32>
        %bitcast_convert_type3A_229 = tpu.bitcast %or3A_228 : vector<16xi32> -> vector<16xf32>
        %sub3A_230 = arith.constant 127 : i32
        %sub3A_231 = vector.broadcast %sub3A_230 : i32 to vector<16xi32>
        %sub3A_232 = arith.subi %shift_right_arithmetic3A_222, %sub3A_231 : vector<16xi32>
        %convert_element_type3A = arith.sitofp %sub3A_232 : vector<16xi32> to vector<16xf32>
        %broadcast_in_dim3A_233 = arith.constant 0.105843775 : f32
        %broadcast_in_dim3A_234 = vector.broadcast %broadcast_in_dim3A_233 : f32 to vector<16xf32>
        %mul3A_235 = arith.mulf %broadcast_in_dim3A_234, %bitcast_convert_type3A_229 : vector<16xf32>
        %add3A_236 = arith.constant -0.711726904 : f32
        %add3A_237 = vector.broadcast %add3A_236 : f32 to vector<16xf32>
        %add3A_238 = arith.addf %mul3A_235, %add3A_237 : vector<16xf32>
        %mul3A_239 = arith.mulf %add3A_238, %bitcast_convert_type3A_229 : vector<16xf32>
        %add3A_240 = arith.constant 2.08717847 : f32
        %add3A_241 = vector.broadcast %add3A_240 : f32 to vector<16xf32>
        %add3A_242 = arith.addf %mul3A_239, %add3A_241 : vector<16xf32>
        %mul3A_243 = arith.mulf %add3A_242, %bitcast_convert_type3A_229 : vector<16xf32>
        %add3A_244 = arith.constant -1.48072326 : f32
        %add3A_245 = vector.broadcast %add3A_244 : f32 to vector<16xf32>
        %add3A_246 = arith.addf %mul3A_243, %add3A_245 : vector<16xf32>
        %mul3A_247 = arith.constant 0.693147182 : f32
        %mul3A_248 = vector.broadcast %mul3A_247 : f32 to vector<16xf32>
        %mul3A_249 = arith.mulf %convert_element_type3A, %mul3A_248 : vector<16xf32>
        %add3A_250 = arith.addf %mul3A_249, %add3A_246 : vector<16xf32>
        %mul3A_251 = arith.mulf %mul3A_217, %add3A_250 : vector<16xf32>
        %add3A_252 = arith.addf %broadcast_in_dim3A_207, %mul3A_251 : vector<16xf32>
        %add3A_253 = arith.constant 1 : i32
        %add3A_254 = vector.broadcast %add3A_253 : i32 to vector<16xi32>
        %add3A_255 = arith.addi %mul3A_205, %add3A_254 : vector<16xi32>
        %gather3A_256 = tpu.vector_load_idx %arg7[%add3A_255] : memref<25600xf32, #tpu.memory_space<vmem>>[vector<16xi32>], vector<16xf32>,
        %max3A_257 = arith.constant 9.99999974E-5 : f32
        %max3A_258 = vector.broadcast %max3A_257 : f32 to vector<16xf32>
        %max3A_259 = arith.maximumf %gather3A_256, %max3A_258 : vector<16xf32>
        %min3A_260 = arith.constant 0.999899983 : f32
        %min3A_261 = vector.broadcast %min3A_260 : f32 to vector<16xf32>
        %min3A_262 = arith.minimumf %max3A_259, %min3A_261 : vector<16xf32>
        %mul3A_263 = arith.mulf %min3A_262, %min3A_262 : vector<16xf32>
        %sub3A_264 = arith.constant 1.000000e+00 : f32
        %sub3A_265 = vector.broadcast %sub3A_264 : f32 to vector<16xf32>
        %sub3A_266 = arith.subf %sub3A_265, %min3A_262 : vector<16xf32>
        %bitcast_convert_type3A_267 = tpu.bitcast %sub3A_266 : vector<16xf32> -> vector<16xi32>
        %shift_right_arithmetic3A_268 = arith.constant 23 : i32
        %shift_right_arithmetic3A_269 = vector.broadcast %shift_right_arithmetic3A_268 : i32 to vector<16xi32>
        %shift_right_arithmetic3A_270 = arith.shrsi %bitcast_convert_type3A_267, %shift_right_arithmetic3A_269 : vector<16xi32>
        %and3A_271 = arith.constant 8388607 : i32
        %and3A_272 = vector.broadcast %and3A_271 : i32 to vector<16xi32>
        %and3A_273 = arith.andi %bitcast_convert_type3A_267, %and3A_272 : vector<16xi32>
        %or3A_274 = arith.constant 1065353216 : i32
        %or3A_275 = vector.broadcast %or3A_274 : i32 to vector<16xi32>
        %or3A_276 = arith.ori %and3A_273, %or3A_275 : vector<16xi32>
        %bitcast_convert_type3A_277 = tpu.bitcast %or3A_276 : vector<16xi32> -> vector<16xf32>
        %sub3A_278 = arith.constant 127 : i32
        %sub3A_279 = vector.broadcast %sub3A_278 : i32 to vector<16xi32>
        %sub3A_280 = arith.subi %shift_right_arithmetic3A_270, %sub3A_279 : vector<16xi32>
        %convert_element_type3A_281 = arith.sitofp %sub3A_280 : vector<16xi32> to vector<16xf32>
        %broadcast_in_dim3A_282 = arith.constant 0.105843775 : f32
        %broadcast_in_dim3A_283 = vector.broadcast %broadcast_in_dim3A_282 : f32 to vector<16xf32>
        %mul3A_284 = arith.mulf %broadcast_in_dim3A_283, %bitcast_convert_type3A_277 : vector<16xf32>
        %add3A_285 = arith.constant -0.711726904 : f32
        %add3A_286 = vector.broadcast %add3A_285 : f32 to vector<16xf32>
        %add3A_287 = arith.addf %mul3A_284, %add3A_286 : vector<16xf32>
        %mul3A_288 = arith.mulf %add3A_287, %bitcast_convert_type3A_277 : vector<16xf32>
        %add3A_289 = arith.constant 2.08717847 : f32
        %add3A_290 = vector.broadcast %add3A_289 : f32 to vector<16xf32>
        %add3A_291 = arith.addf %mul3A_288, %add3A_290 : vector<16xf32>
        %mul3A_292 = arith.mulf %add3A_291, %bitcast_convert_type3A_277 : vector<16xf32>
        %add3A_293 = arith.constant -1.48072326 : f32
        %add3A_294 = vector.broadcast %add3A_293 : f32 to vector<16xf32>
        %add3A_295 = arith.addf %mul3A_292, %add3A_294 : vector<16xf32>
        %mul3A_296 = arith.constant 0.693147182 : f32
        %mul3A_297 = vector.broadcast %mul3A_296 : f32 to vector<16xf32>
        %mul3A_298 = arith.mulf %convert_element_type3A_281, %mul3A_297 : vector<16xf32>
        %add3A_299 = arith.addf %mul3A_298, %add3A_295 : vector<16xf32>
        %mul3A_300 = arith.mulf %mul3A_263, %add3A_299 : vector<16xf32>
        %add3A_301 = arith.addf %add3A_252, %mul3A_300 : vector<16xf32>
        %add3A_302 = arith.constant 2 : i32
        %add3A_303 = vector.broadcast %add3A_302 : i32 to vector<16xi32>
        %add3A_304 = arith.addi %mul3A_205, %add3A_303 : vector<16xi32>
        %gather3A_305 = tpu.vector_load_idx %arg7[%add3A_304] : memref<25600xf32, #tpu.memory_space<vmem>>[vector<16xi32>], vector<16xf32>,
        %max3A_306 = arith.constant 9.99999974E-5 : f32
        %max3A_307 = vector.broadcast %max3A_306 : f32 to vector<16xf32>
        %max3A_308 = arith.maximumf %gather3A_305, %max3A_307 : vector<16xf32>
        %min3A_309 = arith.constant 0.999899983 : f32
        %min3A_310 = vector.broadcast %min3A_309 : f32 to vector<16xf32>
        %min3A_311 = arith.minimumf %max3A_308, %min3A_310 : vector<16xf32>
        %mul3A_312 = arith.mulf %min3A_311, %min3A_311 : vector<16xf32>
        %sub3A_313 = arith.constant 1.000000e+00 : f32
        %sub3A_314 = vector.broadcast %sub3A_313 : f32 to vector<16xf32>
        %sub3A_315 = arith.subf %sub3A_314, %min3A_311 : vector<16xf32>
        %bitcast_convert_type3A_316 = tpu.bitcast %sub3A_315 : vector<16xf32> -> vector<16xi32>
        %shift_right_arithmetic3A_317 = arith.constant 23 : i32
        %shift_right_arithmetic3A_318 = vector.broadcast %shift_right_arithmetic3A_317 : i32 to vector<16xi32>
        %shift_right_arithmetic3A_319 = arith.shrsi %bitcast_convert_type3A_316, %shift_right_arithmetic3A_318 : vector<16xi32>
        %and3A_320 = arith.constant 8388607 : i32
        %and3A_321 = vector.broadcast %and3A_320 : i32 to vector<16xi32>
        %and3A_322 = arith.andi %bitcast_convert_type3A_316, %and3A_321 : vector<16xi32>
        %or3A_323 = arith.constant 1065353216 : i32
        %or3A_324 = vector.broadcast %or3A_323 : i32 to vector<16xi32>
        %or3A_325 = arith.ori %and3A_322, %or3A_324 : vector<16xi32>
        %bitcast_convert_type3A_326 = tpu.bitcast %or3A_325 : vector<16xi32> -> vector<16xf32>
        %sub3A_327 = arith.constant 127 : i32
        %sub3A_328 = vector.broadcast %sub3A_327 : i32 to vector<16xi32>
        %sub3A_329 = arith.subi %shift_right_arithmetic3A_319, %sub3A_328 : vector<16xi32>
        %convert_element_type3A_330 = arith.sitofp %sub3A_329 : vector<16xi32> to vector<16xf32>
        %broadcast_in_dim3A_331 = arith.constant 0.105843775 : f32
        %broadcast_in_dim3A_332 = vector.broadcast %broadcast_in_dim3A_331 : f32 to vector<16xf32>
        %mul3A_333 = arith.mulf %broadcast_in_dim3A_332, %bitcast_convert_type3A_326 : vector<16xf32>
        %add3A_334 = arith.constant -0.711726904 : f32
        %add3A_335 = vector.broadcast %add3A_334 : f32 to vector<16xf32>
        %add3A_336 = arith.addf %mul3A_333, %add3A_335 : vector<16xf32>
        %mul3A_337 = arith.mulf %add3A_336, %bitcast_convert_type3A_326 : vector<16xf32>
        %add3A_338 = arith.constant 2.08717847 : f32
        %add3A_339 = vector.broadcast %add3A_338 : f32 to vector<16xf32>
        %add3A_340 = arith.addf %mul3A_337, %add3A_339 : vector<16xf32>
        %mul3A_341 = arith.mulf %add3A_340, %bitcast_convert_type3A_326 : vector<16xf32>
        %add3A_342 = arith.constant -1.48072326 : f32
        %add3A_343 = vector.broadcast %add3A_342 : f32 to vector<16xf32>
        %add3A_344 = arith.addf %mul3A_341, %add3A_343 : vector<16xf32>
        %mul3A_345 = arith.constant 0.693147182 : f32
        %mul3A_346 = vector.broadcast %mul3A_345 : f32 to vector<16xf32>
        %mul3A_347 = arith.mulf %convert_element_type3A_330, %mul3A_346 : vector<16xf32>
        %add3A_348 = arith.addf %mul3A_347, %add3A_344 : vector<16xf32>
        %mul3A_349 = arith.mulf %mul3A_312, %add3A_348 : vector<16xf32>
        %add3A_350 = arith.addf %add3A_301, %mul3A_349 : vector<16xf32>
        %add3A_351 = arith.constant 3 : i32
        %add3A_352 = vector.broadcast %add3A_351 : i32 to vector<16xi32>
        %add3A_353 = arith.addi %mul3A_205, %add3A_352 : vector<16xi32>
        %gather3A_354 = tpu.vector_load_idx %arg7[%add3A_353] : memref<25600xf32, #tpu.memory_space<vmem>>[vector<16xi32>], vector<16xf32>,
        %max3A_355 = arith.constant 9.99999974E-5 : f32
        %max3A_356 = vector.broadcast %max3A_355 : f32 to vector<16xf32>
        %max3A_357 = arith.maximumf %gather3A_354, %max3A_356 : vector<16xf32>
        %min3A_358 = arith.constant 0.999899983 : f32
        %min3A_359 = vector.broadcast %min3A_358 : f32 to vector<16xf32>
        %min3A_360 = arith.minimumf %max3A_357, %min3A_359 : vector<16xf32>
        %mul3A_361 = arith.mulf %min3A_360, %min3A_360 : vector<16xf32>
        %sub3A_362 = arith.constant 1.000000e+00 : f32
        %sub3A_363 = vector.broadcast %sub3A_362 : f32 to vector<16xf32>
        %sub3A_364 = arith.subf %sub3A_363, %min3A_360 : vector<16xf32>
        %bitcast_convert_type3A_365 = tpu.bitcast %sub3A_364 : vector<16xf32> -> vector<16xi32>
        %shift_right_arithmetic3A_366 = arith.constant 23 : i32
        %shift_right_arithmetic3A_367 = vector.broadcast %shift_right_arithmetic3A_366 : i32 to vector<16xi32>
        %shift_right_arithmetic3A_368 = arith.shrsi %bitcast_convert_type3A_365, %shift_right_arithmetic3A_367 : vector<16xi32>
        %and3A_369 = arith.constant 8388607 : i32
        %and3A_370 = vector.broadcast %and3A_369 : i32 to vector<16xi32>
        %and3A_371 = arith.andi %bitcast_convert_type3A_365, %and3A_370 : vector<16xi32>
        %or3A_372 = arith.constant 1065353216 : i32
        %or3A_373 = vector.broadcast %or3A_372 : i32 to vector<16xi32>
        %or3A_374 = arith.ori %and3A_371, %or3A_373 : vector<16xi32>
        %bitcast_convert_type3A_375 = tpu.bitcast %or3A_374 : vector<16xi32> -> vector<16xf32>
        %sub3A_376 = arith.constant 127 : i32
        %sub3A_377 = vector.broadcast %sub3A_376 : i32 to vector<16xi32>
        %sub3A_378 = arith.subi %shift_right_arithmetic3A_368, %sub3A_377 : vector<16xi32>
        %convert_element_type3A_379 = arith.sitofp %sub3A_378 : vector<16xi32> to vector<16xf32>
        %broadcast_in_dim3A_380 = arith.constant 0.105843775 : f32
        %broadcast_in_dim3A_381 = vector.broadcast %broadcast_in_dim3A_380 : f32 to vector<16xf32>
        %mul3A_382 = arith.mulf %broadcast_in_dim3A_381, %bitcast_convert_type3A_375 : vector<16xf32>
        %add3A_383 = arith.constant -0.711726904 : f32
        %add3A_384 = vector.broadcast %add3A_383 : f32 to vector<16xf32>
        %add3A_385 = arith.addf %mul3A_382, %add3A_384 : vector<16xf32>
        %mul3A_386 = arith.mulf %add3A_385, %bitcast_convert_type3A_375 : vector<16xf32>
        %add3A_387 = arith.constant 2.08717847 : f32
        %add3A_388 = vector.broadcast %add3A_387 : f32 to vector<16xf32>
        %add3A_389 = arith.addf %mul3A_386, %add3A_388 : vector<16xf32>
        %mul3A_390 = arith.mulf %add3A_389, %bitcast_convert_type3A_375 : vector<16xf32>
        %add3A_391 = arith.constant -1.48072326 : f32
        %add3A_392 = vector.broadcast %add3A_391 : f32 to vector<16xf32>
        %add3A_393 = arith.addf %mul3A_390, %add3A_392 : vector<16xf32>
        %mul3A_394 = arith.constant 0.693147182 : f32
        %mul3A_395 = vector.broadcast %mul3A_394 : f32 to vector<16xf32>
        %mul3A_396 = arith.mulf %convert_element_type3A_379, %mul3A_395 : vector<16xf32>
        %add3A_397 = arith.addf %mul3A_396, %add3A_393 : vector<16xf32>
        %mul3A_398 = arith.mulf %mul3A_361, %add3A_397 : vector<16xf32>
        %add3A_399 = arith.addf %add3A_350, %mul3A_398 : vector<16xf32>
        %add3A_400 = arith.constant 4 : i32
        %add3A_401 = vector.broadcast %add3A_400 : i32 to vector<16xi32>
        %add3A_402 = arith.addi %mul3A_205, %add3A_401 : vector<16xi32>
        %gather3A_403 = tpu.vector_load_idx %arg7[%add3A_402] : memref<25600xf32, #tpu.memory_space<vmem>>[vector<16xi32>], vector<16xf32>,
        %max3A_404 = arith.constant 9.99999974E-5 : f32
        %max3A_405 = vector.broadcast %max3A_404 : f32 to vector<16xf32>
        %max3A_406 = arith.maximumf %gather3A_403, %max3A_405 : vector<16xf32>
        %min3A_407 = arith.constant 0.999899983 : f32
        %min3A_408 = vector.broadcast %min3A_407 : f32 to vector<16xf32>
        %min3A_409 = arith.minimumf %max3A_406, %min3A_408 : vector<16xf32>
        %mul3A_410 = arith.mulf %min3A_409, %min3A_409 : vector<16xf32>
        %sub3A_411 = arith.constant 1.000000e+00 : f32
        %sub3A_412 = vector.broadcast %sub3A_411 : f32 to vector<16xf32>
        %sub3A_413 = arith.subf %sub3A_412, %min3A_409 : vector<16xf32>
        %bitcast_convert_type3A_414 = tpu.bitcast %sub3A_413 : vector<16xf32> -> vector<16xi32>
        %shift_right_arithmetic3A_415 = arith.constant 23 : i32
        %shift_right_arithmetic3A_416 = vector.broadcast %shift_right_arithmetic3A_415 : i32 to vector<16xi32>
        %shift_right_arithmetic3A_417 = arith.shrsi %bitcast_convert_type3A_414, %shift_right_arithmetic3A_416 : vector<16xi32>
        %and3A_418 = arith.constant 8388607 : i32
        %and3A_419 = vector.broadcast %and3A_418 : i32 to vector<16xi32>
        %and3A_420 = arith.andi %bitcast_convert_type3A_414, %and3A_419 : vector<16xi32>
        %or3A_421 = arith.constant 1065353216 : i32
        %or3A_422 = vector.broadcast %or3A_421 : i32 to vector<16xi32>
        %or3A_423 = arith.ori %and3A_420, %or3A_422 : vector<16xi32>
        %bitcast_convert_type3A_424 = tpu.bitcast %or3A_423 : vector<16xi32> -> vector<16xf32>
        %sub3A_425 = arith.constant 127 : i32
        %sub3A_426 = vector.broadcast %sub3A_425 : i32 to vector<16xi32>
        %sub3A_427 = arith.subi %shift_right_arithmetic3A_417, %sub3A_426 : vector<16xi32>
        %convert_element_type3A_428 = arith.sitofp %sub3A_427 : vector<16xi32> to vector<16xf32>
        %broadcast_in_dim3A_429 = arith.constant 0.105843775 : f32
        %broadcast_in_dim3A_430 = vector.broadcast %broadcast_in_dim3A_429 : f32 to vector<16xf32>
        %mul3A_431 = arith.mulf %broadcast_in_dim3A_430, %bitcast_convert_type3A_424 : vector<16xf32>
        %add3A_432 = arith.constant -0.711726904 : f32
        %add3A_433 = vector.broadcast %add3A_432 : f32 to vector<16xf32>
        %add3A_434 = arith.addf %mul3A_431, %add3A_433 : vector<16xf32>
        %mul3A_435 = arith.mulf %add3A_434, %bitcast_convert_type3A_424 : vector<16xf32>
        %add3A_436 = arith.constant 2.08717847 : f32
        %add3A_437 = vector.broadcast %add3A_436 : f32 to vector<16xf32>
        %add3A_438 = arith.addf %mul3A_435, %add3A_437 : vector<16xf32>
        %mul3A_439 = arith.mulf %add3A_438, %bitcast_convert_type3A_424 : vector<16xf32>
        %add3A_440 = arith.constant -1.48072326 : f32
        %add3A_441 = vector.broadcast %add3A_440 : f32 to vector<16xf32>
        %add3A_442 = arith.addf %mul3A_439, %add3A_441 : vector<16xf32>
        %mul3A_443 = arith.constant 0.693147182 : f32
        %mul3A_444 = vector.broadcast %mul3A_443 : f32 to vector<16xf32>
        %mul3A_445 = arith.mulf %convert_element_type3A_428, %mul3A_444 : vector<16xf32>
        %add3A_446 = arith.addf %mul3A_445, %add3A_442 : vector<16xf32>
        %mul3A_447 = arith.mulf %mul3A_410, %add3A_446 : vector<16xf32>
        %add3A_448 = arith.addf %add3A_399, %mul3A_447 : vector<16xf32>
        %add3A_449 = arith.constant 5 : i32
        %add3A_450 = vector.broadcast %add3A_449 : i32 to vector<16xi32>
        %add3A_451 = arith.addi %mul3A_205, %add3A_450 : vector<16xi32>
        %gather3A_452 = tpu.vector_load_idx %arg7[%add3A_451] : memref<25600xf32, #tpu.memory_space<vmem>>[vector<16xi32>], vector<16xf32>,
        %max3A_453 = arith.constant 9.99999974E-5 : f32
        %max3A_454 = vector.broadcast %max3A_453 : f32 to vector<16xf32>
        %max3A_455 = arith.maximumf %gather3A_452, %max3A_454 : vector<16xf32>
        %min3A_456 = arith.constant 0.999899983 : f32
        %min3A_457 = vector.broadcast %min3A_456 : f32 to vector<16xf32>
        %min3A_458 = arith.minimumf %max3A_455, %min3A_457 : vector<16xf32>
        %mul3A_459 = arith.mulf %min3A_458, %min3A_458 : vector<16xf32>
        %sub3A_460 = arith.constant 1.000000e+00 : f32
        %sub3A_461 = vector.broadcast %sub3A_460 : f32 to vector<16xf32>
        %sub3A_462 = arith.subf %sub3A_461, %min3A_458 : vector<16xf32>
        %bitcast_convert_type3A_463 = tpu.bitcast %sub3A_462 : vector<16xf32> -> vector<16xi32>
        %shift_right_arithmetic3A_464 = arith.constant 23 : i32
        %shift_right_arithmetic3A_465 = vector.broadcast %shift_right_arithmetic3A_464 : i32 to vector<16xi32>
        %shift_right_arithmetic3A_466 = arith.shrsi %bitcast_convert_type3A_463, %shift_right_arithmetic3A_465 : vector<16xi32>
        %and3A_467 = arith.constant 8388607 : i32
        %and3A_468 = vector.broadcast %and3A_467 : i32 to vector<16xi32>
        %and3A_469 = arith.andi %bitcast_convert_type3A_463, %and3A_468 : vector<16xi32>
        %or3A_470 = arith.constant 1065353216 : i32
        %or3A_471 = vector.broadcast %or3A_470 : i32 to vector<16xi32>
        %or3A_472 = arith.ori %and3A_469, %or3A_471 : vector<16xi32>
        %bitcast_convert_type3A_473 = tpu.bitcast %or3A_472 : vector<16xi32> -> vector<16xf32>
        %sub3A_474 = arith.constant 127 : i32
        %sub3A_475 = vector.broadcast %sub3A_474 : i32 to vector<16xi32>
        %sub3A_476 = arith.subi %shift_right_arithmetic3A_466, %sub3A_475 : vector<16xi32>
        %convert_element_type3A_477 = arith.sitofp %sub3A_476 : vector<16xi32> to vector<16xf32>
        %broadcast_in_dim3A_478 = arith.constant 0.105843775 : f32
        %broadcast_in_dim3A_479 = vector.broadcast %broadcast_in_dim3A_478 : f32 to vector<16xf32>
        %mul3A_480 = arith.mulf %broadcast_in_dim3A_479, %bitcast_convert_type3A_473 : vector<16xf32>
        %add3A_481 = arith.constant -0.711726904 : f32
        %add3A_482 = vector.broadcast %add3A_481 : f32 to vector<16xf32>
        %add3A_483 = arith.addf %mul3A_480, %add3A_482 : vector<16xf32>
        %mul3A_484 = arith.mulf %add3A_483, %bitcast_convert_type3A_473 : vector<16xf32>
        %add3A_485 = arith.constant 2.08717847 : f32
        %add3A_486 = vector.broadcast %add3A_485 : f32 to vector<16xf32>
        %add3A_487 = arith.addf %mul3A_484, %add3A_486 : vector<16xf32>
        %mul3A_488 = arith.mulf %add3A_487, %bitcast_convert_type3A_473 : vector<16xf32>
        %add3A_489 = arith.constant -1.48072326 : f32
        %add3A_490 = vector.broadcast %add3A_489 : f32 to vector<16xf32>
        %add3A_491 = arith.addf %mul3A_488, %add3A_490 : vector<16xf32>
        %mul3A_492 = arith.constant 0.693147182 : f32
        %mul3A_493 = vector.broadcast %mul3A_492 : f32 to vector<16xf32>
        %mul3A_494 = arith.mulf %convert_element_type3A_477, %mul3A_493 : vector<16xf32>
        %add3A_495 = arith.addf %mul3A_494, %add3A_491 : vector<16xf32>
        %mul3A_496 = arith.mulf %mul3A_459, %add3A_495 : vector<16xf32>
        %add3A_497 = arith.addf %add3A_448, %mul3A_496 : vector<16xf32>
        %add3A_498 = arith.constant 6 : i32
        %add3A_499 = vector.broadcast %add3A_498 : i32 to vector<16xi32>
        %add3A_500 = arith.addi %mul3A_205, %add3A_499 : vector<16xi32>
        %gather3A_501 = tpu.vector_load_idx %arg7[%add3A_500] : memref<25600xf32, #tpu.memory_space<vmem>>[vector<16xi32>], vector<16xf32>,
        %max3A_502 = arith.constant 9.99999974E-5 : f32
        %max3A_503 = vector.broadcast %max3A_502 : f32 to vector<16xf32>
        %max3A_504 = arith.maximumf %gather3A_501, %max3A_503 : vector<16xf32>
        %min3A_505 = arith.constant 0.999899983 : f32
        %min3A_506 = vector.broadcast %min3A_505 : f32 to vector<16xf32>
        %min3A_507 = arith.minimumf %max3A_504, %min3A_506 : vector<16xf32>
        %mul3A_508 = arith.mulf %min3A_507, %min3A_507 : vector<16xf32>
        %sub3A_509 = arith.constant 1.000000e+00 : f32
        %sub3A_510 = vector.broadcast %sub3A_509 : f32 to vector<16xf32>
        %sub3A_511 = arith.subf %sub3A_510, %min3A_507 : vector<16xf32>
        %bitcast_convert_type3A_512 = tpu.bitcast %sub3A_511 : vector<16xf32> -> vector<16xi32>
        %shift_right_arithmetic3A_513 = arith.constant 23 : i32
        %shift_right_arithmetic3A_514 = vector.broadcast %shift_right_arithmetic3A_513 : i32 to vector<16xi32>
        %shift_right_arithmetic3A_515 = arith.shrsi %bitcast_convert_type3A_512, %shift_right_arithmetic3A_514 : vector<16xi32>
        %and3A_516 = arith.constant 8388607 : i32
        %and3A_517 = vector.broadcast %and3A_516 : i32 to vector<16xi32>
        %and3A_518 = arith.andi %bitcast_convert_type3A_512, %and3A_517 : vector<16xi32>
        %or3A_519 = arith.constant 1065353216 : i32
        %or3A_520 = vector.broadcast %or3A_519 : i32 to vector<16xi32>
        %or3A_521 = arith.ori %and3A_518, %or3A_520 : vector<16xi32>
        %bitcast_convert_type3A_522 = tpu.bitcast %or3A_521 : vector<16xi32> -> vector<16xf32>
        %sub3A_523 = arith.constant 127 : i32
        %sub3A_524 = vector.broadcast %sub3A_523 : i32 to vector<16xi32>
        %sub3A_525 = arith.subi %shift_right_arithmetic3A_515, %sub3A_524 : vector<16xi32>
        %convert_element_type3A_526 = arith.sitofp %sub3A_525 : vector<16xi32> to vector<16xf32>
        %broadcast_in_dim3A_527 = arith.constant 0.105843775 : f32
        %broadcast_in_dim3A_528 = vector.broadcast %broadcast_in_dim3A_527 : f32 to vector<16xf32>
        %mul3A_529 = arith.mulf %broadcast_in_dim3A_528, %bitcast_convert_type3A_522 : vector<16xf32>
        %add3A_530 = arith.constant -0.711726904 : f32
        %add3A_531 = vector.broadcast %add3A_530 : f32 to vector<16xf32>
        %add3A_532 = arith.addf %mul3A_529, %add3A_531 : vector<16xf32>
        %mul3A_533 = arith.mulf %add3A_532, %bitcast_convert_type3A_522 : vector<16xf32>
        %add3A_534 = arith.constant 2.08717847 : f32
        %add3A_535 = vector.broadcast %add3A_534 : f32 to vector<16xf32>
        %add3A_536 = arith.addf %mul3A_533, %add3A_535 : vector<16xf32>
        %mul3A_537 = arith.mulf %add3A_536, %bitcast_convert_type3A_522 : vector<16xf32>
        %add3A_538 = arith.constant -1.48072326 : f32
        %add3A_539 = vector.broadcast %add3A_538 : f32 to vector<16xf32>
        %add3A_540 = arith.addf %mul3A_537, %add3A_539 : vector<16xf32>
        %mul3A_541 = arith.constant 0.693147182 : f32
        %mul3A_542 = vector.broadcast %mul3A_541 : f32 to vector<16xf32>
        %mul3A_543 = arith.mulf %convert_element_type3A_526, %mul3A_542 : vector<16xf32>
        %add3A_544 = arith.addf %mul3A_543, %add3A_540 : vector<16xf32>
        %mul3A_545 = arith.mulf %mul3A_508, %add3A_544 : vector<16xf32>
        %add3A_546 = arith.addf %add3A_497, %mul3A_545 : vector<16xf32>
        %add3A_547 = arith.constant 7 : i32
        %add3A_548 = vector.broadcast %add3A_547 : i32 to vector<16xi32>
        %add3A_549 = arith.addi %mul3A_205, %add3A_548 : vector<16xi32>
        %gather3A_550 = tpu.vector_load_idx %arg7[%add3A_549] : memref<25600xf32, #tpu.memory_space<vmem>>[vector<16xi32>], vector<16xf32>,
        %max3A_551 = arith.constant 9.99999974E-5 : f32
        %max3A_552 = vector.broadcast %max3A_551 : f32 to vector<16xf32>
        %max3A_553 = arith.maximumf %gather3A_550, %max3A_552 : vector<16xf32>
        %min3A_554 = arith.constant 0.999899983 : f32
        %min3A_555 = vector.broadcast %min3A_554 : f32 to vector<16xf32>
        %min3A_556 = arith.minimumf %max3A_553, %min3A_555 : vector<16xf32>
        %mul3A_557 = arith.mulf %min3A_556, %min3A_556 : vector<16xf32>
        %sub3A_558 = arith.constant 1.000000e+00 : f32
        %sub3A_559 = vector.broadcast %sub3A_558 : f32 to vector<16xf32>
        %sub3A_560 = arith.subf %sub3A_559, %min3A_556 : vector<16xf32>
        %bitcast_convert_type3A_561 = tpu.bitcast %sub3A_560 : vector<16xf32> -> vector<16xi32>
        %shift_right_arithmetic3A_562 = arith.constant 23 : i32
        %shift_right_arithmetic3A_563 = vector.broadcast %shift_right_arithmetic3A_562 : i32 to vector<16xi32>
        %shift_right_arithmetic3A_564 = arith.shrsi %bitcast_convert_type3A_561, %shift_right_arithmetic3A_563 : vector<16xi32>
        %and3A_565 = arith.constant 8388607 : i32
        %and3A_566 = vector.broadcast %and3A_565 : i32 to vector<16xi32>
        %and3A_567 = arith.andi %bitcast_convert_type3A_561, %and3A_566 : vector<16xi32>
        %or3A_568 = arith.constant 1065353216 : i32
        %or3A_569 = vector.broadcast %or3A_568 : i32 to vector<16xi32>
        %or3A_570 = arith.ori %and3A_567, %or3A_569 : vector<16xi32>
        %bitcast_convert_type3A_571 = tpu.bitcast %or3A_570 : vector<16xi32> -> vector<16xf32>
        %sub3A_572 = arith.constant 127 : i32
        %sub3A_573 = vector.broadcast %sub3A_572 : i32 to vector<16xi32>
        %sub3A_574 = arith.subi %shift_right_arithmetic3A_564, %sub3A_573 : vector<16xi32>
        %convert_element_type3A_575 = arith.sitofp %sub3A_574 : vector<16xi32> to vector<16xf32>
        %broadcast_in_dim3A_576 = arith.constant 0.105843775 : f32
        %broadcast_in_dim3A_577 = vector.broadcast %broadcast_in_dim3A_576 : f32 to vector<16xf32>
        %mul3A_578 = arith.mulf %broadcast_in_dim3A_577, %bitcast_convert_type3A_571 : vector<16xf32>
        %add3A_579 = arith.constant -0.711726904 : f32
        %add3A_580 = vector.broadcast %add3A_579 : f32 to vector<16xf32>
        %add3A_581 = arith.addf %mul3A_578, %add3A_580 : vector<16xf32>
        %mul3A_582 = arith.mulf %add3A_581, %bitcast_convert_type3A_571 : vector<16xf32>
        %add3A_583 = arith.constant 2.08717847 : f32
        %add3A_584 = vector.broadcast %add3A_583 : f32 to vector<16xf32>
        %add3A_585 = arith.addf %mul3A_582, %add3A_584 : vector<16xf32>
        %mul3A_586 = arith.mulf %add3A_585, %bitcast_convert_type3A_571 : vector<16xf32>
        %add3A_587 = arith.constant -1.48072326 : f32
        %add3A_588 = vector.broadcast %add3A_587 : f32 to vector<16xf32>
        %add3A_589 = arith.addf %mul3A_586, %add3A_588 : vector<16xf32>
        %mul3A_590 = arith.constant 0.693147182 : f32
        %mul3A_591 = vector.broadcast %mul3A_590 : f32 to vector<16xf32>
        %mul3A_592 = arith.mulf %convert_element_type3A_575, %mul3A_591 : vector<16xf32>
        %add3A_593 = arith.addf %mul3A_592, %add3A_589 : vector<16xf32>
        %mul3A_594 = arith.mulf %mul3A_557, %add3A_593 : vector<16xf32>
        %add3A_595 = arith.addf %add3A_546, %mul3A_594 : vector<16xf32>
        %add3A_596 = arith.constant 8 : i32
        %add3A_597 = vector.broadcast %add3A_596 : i32 to vector<16xi32>
        %add3A_598 = arith.addi %mul3A_205, %add3A_597 : vector<16xi32>
        %gather3A_599 = tpu.vector_load_idx %arg7[%add3A_598] : memref<25600xf32, #tpu.memory_space<vmem>>[vector<16xi32>], vector<16xf32>,
        %max3A_600 = arith.constant 9.99999974E-5 : f32
        %max3A_601 = vector.broadcast %max3A_600 : f32 to vector<16xf32>
        %max3A_602 = arith.maximumf %gather3A_599, %max3A_601 : vector<16xf32>
        %min3A_603 = arith.constant 0.999899983 : f32
        %min3A_604 = vector.broadcast %min3A_603 : f32 to vector<16xf32>
        %min3A_605 = arith.minimumf %max3A_602, %min3A_604 : vector<16xf32>
        %mul3A_606 = arith.mulf %min3A_605, %min3A_605 : vector<16xf32>
        %sub3A_607 = arith.constant 1.000000e+00 : f32
        %sub3A_608 = vector.broadcast %sub3A_607 : f32 to vector<16xf32>
        %sub3A_609 = arith.subf %sub3A_608, %min3A_605 : vector<16xf32>
        %bitcast_convert_type3A_610 = tpu.bitcast %sub3A_609 : vector<16xf32> -> vector<16xi32>
        %shift_right_arithmetic3A_611 = arith.constant 23 : i32
        %shift_right_arithmetic3A_612 = vector.broadcast %shift_right_arithmetic3A_611 : i32 to vector<16xi32>
        %shift_right_arithmetic3A_613 = arith.shrsi %bitcast_convert_type3A_610, %shift_right_arithmetic3A_612 : vector<16xi32>
        %and3A_614 = arith.constant 8388607 : i32
        %and3A_615 = vector.broadcast %and3A_614 : i32 to vector<16xi32>
        %and3A_616 = arith.andi %bitcast_convert_type3A_610, %and3A_615 : vector<16xi32>
        %or3A_617 = arith.constant 1065353216 : i32
        %or3A_618 = vector.broadcast %or3A_617 : i32 to vector<16xi32>
        %or3A_619 = arith.ori %and3A_616, %or3A_618 : vector<16xi32>
        %bitcast_convert_type3A_620 = tpu.bitcast %or3A_619 : vector<16xi32> -> vector<16xf32>
        %sub3A_621 = arith.constant 127 : i32
        %sub3A_622 = vector.broadcast %sub3A_621 : i32 to vector<16xi32>
        %sub3A_623 = arith.subi %shift_right_arithmetic3A_613, %sub3A_622 : vector<16xi32>
        %convert_element_type3A_624 = arith.sitofp %sub3A_623 : vector<16xi32> to vector<16xf32>
        %broadcast_in_dim3A_625 = arith.constant 0.105843775 : f32
        %broadcast_in_dim3A_626 = vector.broadcast %broadcast_in_dim3A_625 : f32 to vector<16xf32>
        %mul3A_627 = arith.mulf %broadcast_in_dim3A_626, %bitcast_convert_type3A_620 : vector<16xf32>
        %add3A_628 = arith.constant -0.711726904 : f32
        %add3A_629 = vector.broadcast %add3A_628 : f32 to vector<16xf32>
        %add3A_630 = arith.addf %mul3A_627, %add3A_629 : vector<16xf32>
        %mul3A_631 = arith.mulf %add3A_630, %bitcast_convert_type3A_620 : vector<16xf32>
        %add3A_632 = arith.constant 2.08717847 : f32
        %add3A_633 = vector.broadcast %add3A_632 : f32 to vector<16xf32>
        %add3A_634 = arith.addf %mul3A_631, %add3A_633 : vector<16xf32>
        %mul3A_635 = arith.mulf %add3A_634, %bitcast_convert_type3A_620 : vector<16xf32>
        %add3A_636 = arith.constant -1.48072326 : f32
        %add3A_637 = vector.broadcast %add3A_636 : f32 to vector<16xf32>
        %add3A_638 = arith.addf %mul3A_635, %add3A_637 : vector<16xf32>
        %mul3A_639 = arith.constant 0.693147182 : f32
        %mul3A_640 = vector.broadcast %mul3A_639 : f32 to vector<16xf32>
        %mul3A_641 = arith.mulf %convert_element_type3A_624, %mul3A_640 : vector<16xf32>
        %add3A_642 = arith.addf %mul3A_641, %add3A_638 : vector<16xf32>
        %mul3A_643 = arith.mulf %mul3A_606, %add3A_642 : vector<16xf32>
        %add3A_644 = arith.addf %add3A_595, %mul3A_643 : vector<16xf32>
        %add3A_645 = arith.constant 9 : i32
        %add3A_646 = vector.broadcast %add3A_645 : i32 to vector<16xi32>
        %add3A_647 = arith.addi %mul3A_205, %add3A_646 : vector<16xi32>
        %gather3A_648 = tpu.vector_load_idx %arg7[%add3A_647] : memref<25600xf32, #tpu.memory_space<vmem>>[vector<16xi32>], vector<16xf32>,
        %max3A_649 = arith.constant 9.99999974E-5 : f32
        %max3A_650 = vector.broadcast %max3A_649 : f32 to vector<16xf32>
        %max3A_651 = arith.maximumf %gather3A_648, %max3A_650 : vector<16xf32>
        %min3A_652 = arith.constant 0.999899983 : f32
        %min3A_653 = vector.broadcast %min3A_652 : f32 to vector<16xf32>
        %min3A_654 = arith.minimumf %max3A_651, %min3A_653 : vector<16xf32>
        %mul3A_655 = arith.mulf %min3A_654, %min3A_654 : vector<16xf32>
        %sub3A_656 = arith.constant 1.000000e+00 : f32
        %sub3A_657 = vector.broadcast %sub3A_656 : f32 to vector<16xf32>
        %sub3A_658 = arith.subf %sub3A_657, %min3A_654 : vector<16xf32>
        %bitcast_convert_type3A_659 = tpu.bitcast %sub3A_658 : vector<16xf32> -> vector<16xi32>
        %shift_right_arithmetic3A_660 = arith.constant 23 : i32
        %shift_right_arithmetic3A_661 = vector.broadcast %shift_right_arithmetic3A_660 : i32 to vector<16xi32>
        %shift_right_arithmetic3A_662 = arith.shrsi %bitcast_convert_type3A_659, %shift_right_arithmetic3A_661 : vector<16xi32>
        %and3A_663 = arith.constant 8388607 : i32
        %and3A_664 = vector.broadcast %and3A_663 : i32 to vector<16xi32>
        %and3A_665 = arith.andi %bitcast_convert_type3A_659, %and3A_664 : vector<16xi32>
        %or3A_666 = arith.constant 1065353216 : i32
        %or3A_667 = vector.broadcast %or3A_666 : i32 to vector<16xi32>
        %or3A_668 = arith.ori %and3A_665, %or3A_667 : vector<16xi32>
        %bitcast_convert_type3A_669 = tpu.bitcast %or3A_668 : vector<16xi32> -> vector<16xf32>
        %sub3A_670 = arith.constant 127 : i32
        %sub3A_671 = vector.broadcast %sub3A_670 : i32 to vector<16xi32>
        %sub3A_672 = arith.subi %shift_right_arithmetic3A_662, %sub3A_671 : vector<16xi32>
        %convert_element_type3A_673 = arith.sitofp %sub3A_672 : vector<16xi32> to vector<16xf32>
        %broadcast_in_dim3A_674 = arith.constant 0.105843775 : f32
        %broadcast_in_dim3A_675 = vector.broadcast %broadcast_in_dim3A_674 : f32 to vector<16xf32>
        %mul3A_676 = arith.mulf %broadcast_in_dim3A_675, %bitcast_convert_type3A_669 : vector<16xf32>
        %add3A_677 = arith.constant -0.711726904 : f32
        %add3A_678 = vector.broadcast %add3A_677 : f32 to vector<16xf32>
        %add3A_679 = arith.addf %mul3A_676, %add3A_678 : vector<16xf32>
        %mul3A_680 = arith.mulf %add3A_679, %bitcast_convert_type3A_669 : vector<16xf32>
        %add3A_681 = arith.constant 2.08717847 : f32
        %add3A_682 = vector.broadcast %add3A_681 : f32 to vector<16xf32>
        %add3A_683 = arith.addf %mul3A_680, %add3A_682 : vector<16xf32>
        %mul3A_684 = arith.mulf %add3A_683, %bitcast_convert_type3A_669 : vector<16xf32>
        %add3A_685 = arith.constant -1.48072326 : f32
        %add3A_686 = vector.broadcast %add3A_685 : f32 to vector<16xf32>
        %add3A_687 = arith.addf %mul3A_684, %add3A_686 : vector<16xf32>
        %mul3A_688 = arith.constant 0.693147182 : f32
        %mul3A_689 = vector.broadcast %mul3A_688 : f32 to vector<16xf32>
        %mul3A_690 = arith.mulf %convert_element_type3A_673, %mul3A_689 : vector<16xf32>
        %add3A_691 = arith.addf %mul3A_690, %add3A_687 : vector<16xf32>
        %mul3A_692 = arith.mulf %mul3A_655, %add3A_691 : vector<16xf32>
        %add3A_693 = arith.addf %add3A_644, %mul3A_692 : vector<16xf32>
        %add3A_694 = arith.constant 10 : i32
        %add3A_695 = vector.broadcast %add3A_694 : i32 to vector<16xi32>
        %add3A_696 = arith.addi %mul3A_205, %add3A_695 : vector<16xi32>
        %gather3A_697 = tpu.vector_load_idx %arg7[%add3A_696] : memref<25600xf32, #tpu.memory_space<vmem>>[vector<16xi32>], vector<16xf32>,
        %max3A_698 = arith.constant 9.99999974E-5 : f32
        %max3A_699 = vector.broadcast %max3A_698 : f32 to vector<16xf32>
        %max3A_700 = arith.maximumf %gather3A_697, %max3A_699 : vector<16xf32>
        %min3A_701 = arith.constant 0.999899983 : f32
        %min3A_702 = vector.broadcast %min3A_701 : f32 to vector<16xf32>
        %min3A_703 = arith.minimumf %max3A_700, %min3A_702 : vector<16xf32>
        %mul3A_704 = arith.mulf %min3A_703, %min3A_703 : vector<16xf32>
        %sub3A_705 = arith.constant 1.000000e+00 : f32
        %sub3A_706 = vector.broadcast %sub3A_705 : f32 to vector<16xf32>
        %sub3A_707 = arith.subf %sub3A_706, %min3A_703 : vector<16xf32>
        %bitcast_convert_type3A_708 = tpu.bitcast %sub3A_707 : vector<16xf32> -> vector<16xi32>
        %shift_right_arithmetic3A_709 = arith.constant 23 : i32
        %shift_right_arithmetic3A_710 = vector.broadcast %shift_right_arithmetic3A_709 : i32 to vector<16xi32>
        %shift_right_arithmetic3A_711 = arith.shrsi %bitcast_convert_type3A_708, %shift_right_arithmetic3A_710 : vector<16xi32>
        %and3A_712 = arith.constant 8388607 : i32
        %and3A_713 = vector.broadcast %and3A_712 : i32 to vector<16xi32>
        %and3A_714 = arith.andi %bitcast_convert_type3A_708, %and3A_713 : vector<16xi32>
        %or3A_715 = arith.constant 1065353216 : i32
        %or3A_716 = vector.broadcast %or3A_715 : i32 to vector<16xi32>
        %or3A_717 = arith.ori %and3A_714, %or3A_716 : vector<16xi32>
        %bitcast_convert_type3A_718 = tpu.bitcast %or3A_717 : vector<16xi32> -> vector<16xf32>
        %sub3A_719 = arith.constant 127 : i32
        %sub3A_720 = vector.broadcast %sub3A_719 : i32 to vector<16xi32>
        %sub3A_721 = arith.subi %shift_right_arithmetic3A_711, %sub3A_720 : vector<16xi32>
        %convert_element_type3A_722 = arith.sitofp %sub3A_721 : vector<16xi32> to vector<16xf32>
        %broadcast_in_dim3A_723 = arith.constant 0.105843775 : f32
        %broadcast_in_dim3A_724 = vector.broadcast %broadcast_in_dim3A_723 : f32 to vector<16xf32>
        %mul3A_725 = arith.mulf %broadcast_in_dim3A_724, %bitcast_convert_type3A_718 : vector<16xf32>
        %add3A_726 = arith.constant -0.711726904 : f32
        %add3A_727 = vector.broadcast %add3A_726 : f32 to vector<16xf32>
        %add3A_728 = arith.addf %mul3A_725, %add3A_727 : vector<16xf32>
        %mul3A_729 = arith.mulf %add3A_728, %bitcast_convert_type3A_718 : vector<16xf32>
        %add3A_730 = arith.constant 2.08717847 : f32
        %add3A_731 = vector.broadcast %add3A_730 : f32 to vector<16xf32>
        %add3A_732 = arith.addf %mul3A_729, %add3A_731 : vector<16xf32>
        %mul3A_733 = arith.mulf %add3A_732, %bitcast_convert_type3A_718 : vector<16xf32>
        %add3A_734 = arith.constant -1.48072326 : f32
        %add3A_735 = vector.broadcast %add3A_734 : f32 to vector<16xf32>
        %add3A_736 = arith.addf %mul3A_733, %add3A_735 : vector<16xf32>
        %mul3A_737 = arith.constant 0.693147182 : f32
        %mul3A_738 = vector.broadcast %mul3A_737 : f32 to vector<16xf32>
        %mul3A_739 = arith.mulf %convert_element_type3A_722, %mul3A_738 : vector<16xf32>
        %add3A_740 = arith.addf %mul3A_739, %add3A_736 : vector<16xf32>
        %mul3A_741 = arith.mulf %mul3A_704, %add3A_740 : vector<16xf32>
        %add3A_742 = arith.addf %add3A_693, %mul3A_741 : vector<16xf32>
        %add3A_743 = arith.constant 11 : i32
        %add3A_744 = vector.broadcast %add3A_743 : i32 to vector<16xi32>
        %add3A_745 = arith.addi %mul3A_205, %add3A_744 : vector<16xi32>
        %gather3A_746 = tpu.vector_load_idx %arg7[%add3A_745] : memref<25600xf32, #tpu.memory_space<vmem>>[vector<16xi32>], vector<16xf32>,
        %max3A_747 = arith.constant 9.99999974E-5 : f32
        %max3A_748 = vector.broadcast %max3A_747 : f32 to vector<16xf32>
        %max3A_749 = arith.maximumf %gather3A_746, %max3A_748 : vector<16xf32>
        %min3A_750 = arith.constant 0.999899983 : f32
        %min3A_751 = vector.broadcast %min3A_750 : f32 to vector<16xf32>
        %min3A_752 = arith.minimumf %max3A_749, %min3A_751 : vector<16xf32>
        %mul3A_753 = arith.mulf %min3A_752, %min3A_752 : vector<16xf32>
        %sub3A_754 = arith.constant 1.000000e+00 : f32
        %sub3A_755 = vector.broadcast %sub3A_754 : f32 to vector<16xf32>
        %sub3A_756 = arith.subf %sub3A_755, %min3A_752 : vector<16xf32>
        %bitcast_convert_type3A_757 = tpu.bitcast %sub3A_756 : vector<16xf32> -> vector<16xi32>
        %shift_right_arithmetic3A_758 = arith.constant 23 : i32
        %shift_right_arithmetic3A_759 = vector.broadcast %shift_right_arithmetic3A_758 : i32 to vector<16xi32>
        %shift_right_arithmetic3A_760 = arith.shrsi %bitcast_convert_type3A_757, %shift_right_arithmetic3A_759 : vector<16xi32>
        %and3A_761 = arith.constant 8388607 : i32
        %and3A_762 = vector.broadcast %and3A_761 : i32 to vector<16xi32>
        %and3A_763 = arith.andi %bitcast_convert_type3A_757, %and3A_762 : vector<16xi32>
        %or3A_764 = arith.constant 1065353216 : i32
        %or3A_765 = vector.broadcast %or3A_764 : i32 to vector<16xi32>
        %or3A_766 = arith.ori %and3A_763, %or3A_765 : vector<16xi32>
        %bitcast_convert_type3A_767 = tpu.bitcast %or3A_766 : vector<16xi32> -> vector<16xf32>
        %sub3A_768 = arith.constant 127 : i32
        %sub3A_769 = vector.broadcast %sub3A_768 : i32 to vector<16xi32>
        %sub3A_770 = arith.subi %shift_right_arithmetic3A_760, %sub3A_769 : vector<16xi32>
        %convert_element_type3A_771 = arith.sitofp %sub3A_770 : vector<16xi32> to vector<16xf32>
        %broadcast_in_dim3A_772 = arith.constant 0.105843775 : f32
        %broadcast_in_dim3A_773 = vector.broadcast %broadcast_in_dim3A_772 : f32 to vector<16xf32>
        %mul3A_774 = arith.mulf %broadcast_in_dim3A_773, %bitcast_convert_type3A_767 : vector<16xf32>
        %add3A_775 = arith.constant -0.711726904 : f32
        %add3A_776 = vector.broadcast %add3A_775 : f32 to vector<16xf32>
        %add3A_777 = arith.addf %mul3A_774, %add3A_776 : vector<16xf32>
        %mul3A_778 = arith.mulf %add3A_777, %bitcast_convert_type3A_767 : vector<16xf32>
        %add3A_779 = arith.constant 2.08717847 : f32
        %add3A_780 = vector.broadcast %add3A_779 : f32 to vector<16xf32>
        %add3A_781 = arith.addf %mul3A_778, %add3A_780 : vector<16xf32>
        %mul3A_782 = arith.mulf %add3A_781, %bitcast_convert_type3A_767 : vector<16xf32>
        %add3A_783 = arith.constant -1.48072326 : f32
        %add3A_784 = vector.broadcast %add3A_783 : f32 to vector<16xf32>
        %add3A_785 = arith.addf %mul3A_782, %add3A_784 : vector<16xf32>
        %mul3A_786 = arith.constant 0.693147182 : f32
        %mul3A_787 = vector.broadcast %mul3A_786 : f32 to vector<16xf32>
        %mul3A_788 = arith.mulf %convert_element_type3A_771, %mul3A_787 : vector<16xf32>
        %add3A_789 = arith.addf %mul3A_788, %add3A_785 : vector<16xf32>
        %mul3A_790 = arith.mulf %mul3A_753, %add3A_789 : vector<16xf32>
        %add3A_791 = arith.addf %add3A_742, %mul3A_790 : vector<16xf32>
        %add3A_792 = arith.constant 12 : i32
        %add3A_793 = vector.broadcast %add3A_792 : i32 to vector<16xi32>
        %add3A_794 = arith.addi %mul3A_205, %add3A_793 : vector<16xi32>
        %gather3A_795 = tpu.vector_load_idx %arg7[%add3A_794] : memref<25600xf32, #tpu.memory_space<vmem>>[vector<16xi32>], vector<16xf32>,
        %max3A_796 = arith.constant 9.99999974E-5 : f32
        %max3A_797 = vector.broadcast %max3A_796 : f32 to vector<16xf32>
        %max3A_798 = arith.maximumf %gather3A_795, %max3A_797 : vector<16xf32>
        %min3A_799 = arith.constant 0.999899983 : f32
        %min3A_800 = vector.broadcast %min3A_799 : f32 to vector<16xf32>
        %min3A_801 = arith.minimumf %max3A_798, %min3A_800 : vector<16xf32>
        %mul3A_802 = arith.mulf %min3A_801, %min3A_801 : vector<16xf32>
        %sub3A_803 = arith.constant 1.000000e+00 : f32
        %sub3A_804 = vector.broadcast %sub3A_803 : f32 to vector<16xf32>
        %sub3A_805 = arith.subf %sub3A_804, %min3A_801 : vector<16xf32>
        %bitcast_convert_type3A_806 = tpu.bitcast %sub3A_805 : vector<16xf32> -> vector<16xi32>
        %shift_right_arithmetic3A_807 = arith.constant 23 : i32
        %shift_right_arithmetic3A_808 = vector.broadcast %shift_right_arithmetic3A_807 : i32 to vector<16xi32>
        %shift_right_arithmetic3A_809 = arith.shrsi %bitcast_convert_type3A_806, %shift_right_arithmetic3A_808 : vector<16xi32>
        %and3A_810 = arith.constant 8388607 : i32
        %and3A_811 = vector.broadcast %and3A_810 : i32 to vector<16xi32>
        %and3A_812 = arith.andi %bitcast_convert_type3A_806, %and3A_811 : vector<16xi32>
        %or3A_813 = arith.constant 1065353216 : i32
        %or3A_814 = vector.broadcast %or3A_813 : i32 to vector<16xi32>
        %or3A_815 = arith.ori %and3A_812, %or3A_814 : vector<16xi32>
        %bitcast_convert_type3A_816 = tpu.bitcast %or3A_815 : vector<16xi32> -> vector<16xf32>
        %sub3A_817 = arith.constant 127 : i32
        %sub3A_818 = vector.broadcast %sub3A_817 : i32 to vector<16xi32>
        %sub3A_819 = arith.subi %shift_right_arithmetic3A_809, %sub3A_818 : vector<16xi32>
        %convert_element_type3A_820 = arith.sitofp %sub3A_819 : vector<16xi32> to vector<16xf32>
        %broadcast_in_dim3A_821 = arith.constant 0.105843775 : f32
        %broadcast_in_dim3A_822 = vector.broadcast %broadcast_in_dim3A_821 : f32 to vector<16xf32>
        %mul3A_823 = arith.mulf %broadcast_in_dim3A_822, %bitcast_convert_type3A_816 : vector<16xf32>
        %add3A_824 = arith.constant -0.711726904 : f32
        %add3A_825 = vector.broadcast %add3A_824 : f32 to vector<16xf32>
        %add3A_826 = arith.addf %mul3A_823, %add3A_825 : vector<16xf32>
        %mul3A_827 = arith.mulf %add3A_826, %bitcast_convert_type3A_816 : vector<16xf32>
        %add3A_828 = arith.constant 2.08717847 : f32
        %add3A_829 = vector.broadcast %add3A_828 : f32 to vector<16xf32>
        %add3A_830 = arith.addf %mul3A_827, %add3A_829 : vector<16xf32>
        %mul3A_831 = arith.mulf %add3A_830, %bitcast_convert_type3A_816 : vector<16xf32>
        %add3A_832 = arith.constant -1.48072326 : f32
        %add3A_833 = vector.broadcast %add3A_832 : f32 to vector<16xf32>
        %add3A_834 = arith.addf %mul3A_831, %add3A_833 : vector<16xf32>
        %mul3A_835 = arith.constant 0.693147182 : f32
        %mul3A_836 = vector.broadcast %mul3A_835 : f32 to vector<16xf32>
        %mul3A_837 = arith.mulf %convert_element_type3A_820, %mul3A_836 : vector<16xf32>
        %add3A_838 = arith.addf %mul3A_837, %add3A_834 : vector<16xf32>
        %mul3A_839 = arith.mulf %mul3A_802, %add3A_838 : vector<16xf32>
        %add3A_840 = arith.addf %add3A_791, %mul3A_839 : vector<16xf32>
        %add3A_841 = arith.constant 13 : i32
        %add3A_842 = vector.broadcast %add3A_841 : i32 to vector<16xi32>
        %add3A_843 = arith.addi %mul3A_205, %add3A_842 : vector<16xi32>
        %gather3A_844 = tpu.vector_load_idx %arg7[%add3A_843] : memref<25600xf32, #tpu.memory_space<vmem>>[vector<16xi32>], vector<16xf32>,
        %max3A_845 = arith.constant 9.99999974E-5 : f32
        %max3A_846 = vector.broadcast %max3A_845 : f32 to vector<16xf32>
        %max3A_847 = arith.maximumf %gather3A_844, %max3A_846 : vector<16xf32>
        %min3A_848 = arith.constant 0.999899983 : f32
        %min3A_849 = vector.broadcast %min3A_848 : f32 to vector<16xf32>
        %min3A_850 = arith.minimumf %max3A_847, %min3A_849 : vector<16xf32>
        %mul3A_851 = arith.mulf %min3A_850, %min3A_850 : vector<16xf32>
        %sub3A_852 = arith.constant 1.000000e+00 : f32
        %sub3A_853 = vector.broadcast %sub3A_852 : f32 to vector<16xf32>
        %sub3A_854 = arith.subf %sub3A_853, %min3A_850 : vector<16xf32>
        %bitcast_convert_type3A_855 = tpu.bitcast %sub3A_854 : vector<16xf32> -> vector<16xi32>
        %shift_right_arithmetic3A_856 = arith.constant 23 : i32
        %shift_right_arithmetic3A_857 = vector.broadcast %shift_right_arithmetic3A_856 : i32 to vector<16xi32>
        %shift_right_arithmetic3A_858 = arith.shrsi %bitcast_convert_type3A_855, %shift_right_arithmetic3A_857 : vector<16xi32>
        %and3A_859 = arith.constant 8388607 : i32
        %and3A_860 = vector.broadcast %and3A_859 : i32 to vector<16xi32>
        %and3A_861 = arith.andi %bitcast_convert_type3A_855, %and3A_860 : vector<16xi32>
        %or3A_862 = arith.constant 1065353216 : i32
        %or3A_863 = vector.broadcast %or3A_862 : i32 to vector<16xi32>
        %or3A_864 = arith.ori %and3A_861, %or3A_863 : vector<16xi32>
        %bitcast_convert_type3A_865 = tpu.bitcast %or3A_864 : vector<16xi32> -> vector<16xf32>
        %sub3A_866 = arith.constant 127 : i32
        %sub3A_867 = vector.broadcast %sub3A_866 : i32 to vector<16xi32>
        %sub3A_868 = arith.subi %shift_right_arithmetic3A_858, %sub3A_867 : vector<16xi32>
        %convert_element_type3A_869 = arith.sitofp %sub3A_868 : vector<16xi32> to vector<16xf32>
        %broadcast_in_dim3A_870 = arith.constant 0.105843775 : f32
        %broadcast_in_dim3A_871 = vector.broadcast %broadcast_in_dim3A_870 : f32 to vector<16xf32>
        %mul3A_872 = arith.mulf %broadcast_in_dim3A_871, %bitcast_convert_type3A_865 : vector<16xf32>
        %add3A_873 = arith.constant -0.711726904 : f32
        %add3A_874 = vector.broadcast %add3A_873 : f32 to vector<16xf32>
        %add3A_875 = arith.addf %mul3A_872, %add3A_874 : vector<16xf32>
        %mul3A_876 = arith.mulf %add3A_875, %bitcast_convert_type3A_865 : vector<16xf32>
        %add3A_877 = arith.constant 2.08717847 : f32
        %add3A_878 = vector.broadcast %add3A_877 : f32 to vector<16xf32>
        %add3A_879 = arith.addf %mul3A_876, %add3A_878 : vector<16xf32>
        %mul3A_880 = arith.mulf %add3A_879, %bitcast_convert_type3A_865 : vector<16xf32>
        %add3A_881 = arith.constant -1.48072326 : f32
        %add3A_882 = vector.broadcast %add3A_881 : f32 to vector<16xf32>
        %add3A_883 = arith.addf %mul3A_880, %add3A_882 : vector<16xf32>
        %mul3A_884 = arith.constant 0.693147182 : f32
        %mul3A_885 = vector.broadcast %mul3A_884 : f32 to vector<16xf32>
        %mul3A_886 = arith.mulf %convert_element_type3A_869, %mul3A_885 : vector<16xf32>
        %add3A_887 = arith.addf %mul3A_886, %add3A_883 : vector<16xf32>
        %mul3A_888 = arith.mulf %mul3A_851, %add3A_887 : vector<16xf32>
        %add3A_889 = arith.addf %add3A_840, %mul3A_888 : vector<16xf32>
        %add3A_890 = arith.constant 14 : i32
        %add3A_891 = vector.broadcast %add3A_890 : i32 to vector<16xi32>
        %add3A_892 = arith.addi %mul3A_205, %add3A_891 : vector<16xi32>
        %gather3A_893 = tpu.vector_load_idx %arg7[%add3A_892] : memref<25600xf32, #tpu.memory_space<vmem>>[vector<16xi32>], vector<16xf32>,
        %max3A_894 = arith.constant 9.99999974E-5 : f32
        %max3A_895 = vector.broadcast %max3A_894 : f32 to vector<16xf32>
        %max3A_896 = arith.maximumf %gather3A_893, %max3A_895 : vector<16xf32>
        %min3A_897 = arith.constant 0.999899983 : f32
        %min3A_898 = vector.broadcast %min3A_897 : f32 to vector<16xf32>
        %min3A_899 = arith.minimumf %max3A_896, %min3A_898 : vector<16xf32>
        %mul3A_900 = arith.mulf %min3A_899, %min3A_899 : vector<16xf32>
        %sub3A_901 = arith.constant 1.000000e+00 : f32
        %sub3A_902 = vector.broadcast %sub3A_901 : f32 to vector<16xf32>
        %sub3A_903 = arith.subf %sub3A_902, %min3A_899 : vector<16xf32>
        %bitcast_convert_type3A_904 = tpu.bitcast %sub3A_903 : vector<16xf32> -> vector<16xi32>
        %shift_right_arithmetic3A_905 = arith.constant 23 : i32
        %shift_right_arithmetic3A_906 = vector.broadcast %shift_right_arithmetic3A_905 : i32 to vector<16xi32>
        %shift_right_arithmetic3A_907 = arith.shrsi %bitcast_convert_type3A_904, %shift_right_arithmetic3A_906 : vector<16xi32>
        %and3A_908 = arith.constant 8388607 : i32
        %and3A_909 = vector.broadcast %and3A_908 : i32 to vector<16xi32>
        %and3A_910 = arith.andi %bitcast_convert_type3A_904, %and3A_909 : vector<16xi32>
        %or3A_911 = arith.constant 1065353216 : i32
        %or3A_912 = vector.broadcast %or3A_911 : i32 to vector<16xi32>
        %or3A_913 = arith.ori %and3A_910, %or3A_912 : vector<16xi32>
        %bitcast_convert_type3A_914 = tpu.bitcast %or3A_913 : vector<16xi32> -> vector<16xf32>
        %sub3A_915 = arith.constant 127 : i32
        %sub3A_916 = vector.broadcast %sub3A_915 : i32 to vector<16xi32>
        %sub3A_917 = arith.subi %shift_right_arithmetic3A_907, %sub3A_916 : vector<16xi32>
        %convert_element_type3A_918 = arith.sitofp %sub3A_917 : vector<16xi32> to vector<16xf32>
        %broadcast_in_dim3A_919 = arith.constant 0.105843775 : f32
        %broadcast_in_dim3A_920 = vector.broadcast %broadcast_in_dim3A_919 : f32 to vector<16xf32>
        %mul3A_921 = arith.mulf %broadcast_in_dim3A_920, %bitcast_convert_type3A_914 : vector<16xf32>
        %add3A_922 = arith.constant -0.711726904 : f32
        %add3A_923 = vector.broadcast %add3A_922 : f32 to vector<16xf32>
        %add3A_924 = arith.addf %mul3A_921, %add3A_923 : vector<16xf32>
        %mul3A_925 = arith.mulf %add3A_924, %bitcast_convert_type3A_914 : vector<16xf32>
        %add3A_926 = arith.constant 2.08717847 : f32
        %add3A_927 = vector.broadcast %add3A_926 : f32 to vector<16xf32>
        %add3A_928 = arith.addf %mul3A_925, %add3A_927 : vector<16xf32>
        %mul3A_929 = arith.mulf %add3A_928, %bitcast_convert_type3A_914 : vector<16xf32>
        %add3A_930 = arith.constant -1.48072326 : f32
        %add3A_931 = vector.broadcast %add3A_930 : f32 to vector<16xf32>
        %add3A_932 = arith.addf %mul3A_929, %add3A_931 : vector<16xf32>
        %mul3A_933 = arith.constant 0.693147182 : f32
        %mul3A_934 = vector.broadcast %mul3A_933 : f32 to vector<16xf32>
        %mul3A_935 = arith.mulf %convert_element_type3A_918, %mul3A_934 : vector<16xf32>
        %add3A_936 = arith.addf %mul3A_935, %add3A_932 : vector<16xf32>
        %mul3A_937 = arith.mulf %mul3A_900, %add3A_936 : vector<16xf32>
        %add3A_938 = arith.addf %add3A_889, %mul3A_937 : vector<16xf32>
        %add3A_939 = arith.constant 15 : i32
        %add3A_940 = vector.broadcast %add3A_939 : i32 to vector<16xi32>
        %add3A_941 = arith.addi %mul3A_205, %add3A_940 : vector<16xi32>
        %gather3A_942 = tpu.vector_load_idx %arg7[%add3A_941] : memref<25600xf32, #tpu.memory_space<vmem>>[vector<16xi32>], vector<16xf32>,
        %max3A_943 = arith.constant 9.99999974E-5 : f32
        %max3A_944 = vector.broadcast %max3A_943 : f32 to vector<16xf32>
        %max3A_945 = arith.maximumf %gather3A_942, %max3A_944 : vector<16xf32>
        %min3A_946 = arith.constant 0.999899983 : f32
        %min3A_947 = vector.broadcast %min3A_946 : f32 to vector<16xf32>
        %min3A_948 = arith.minimumf %max3A_945, %min3A_947 : vector<16xf32>
        %mul3A_949 = arith.mulf %min3A_948, %min3A_948 : vector<16xf32>
        %sub3A_950 = arith.constant 1.000000e+00 : f32
        %sub3A_951 = vector.broadcast %sub3A_950 : f32 to vector<16xf32>
        %sub3A_952 = arith.subf %sub3A_951, %min3A_948 : vector<16xf32>
        %bitcast_convert_type3A_953 = tpu.bitcast %sub3A_952 : vector<16xf32> -> vector<16xi32>
        %shift_right_arithmetic3A_954 = arith.constant 23 : i32
        %shift_right_arithmetic3A_955 = vector.broadcast %shift_right_arithmetic3A_954 : i32 to vector<16xi32>
        %shift_right_arithmetic3A_956 = arith.shrsi %bitcast_convert_type3A_953, %shift_right_arithmetic3A_955 : vector<16xi32>
        %and3A_957 = arith.constant 8388607 : i32
        %and3A_958 = vector.broadcast %and3A_957 : i32 to vector<16xi32>
        %and3A_959 = arith.andi %bitcast_convert_type3A_953, %and3A_958 : vector<16xi32>
        %or3A_960 = arith.constant 1065353216 : i32
        %or3A_961 = vector.broadcast %or3A_960 : i32 to vector<16xi32>
        %or3A_962 = arith.ori %and3A_959, %or3A_961 : vector<16xi32>
        %bitcast_convert_type3A_963 = tpu.bitcast %or3A_962 : vector<16xi32> -> vector<16xf32>
        %sub3A_964 = arith.constant 127 : i32
        %sub3A_965 = vector.broadcast %sub3A_964 : i32 to vector<16xi32>
        %sub3A_966 = arith.subi %shift_right_arithmetic3A_956, %sub3A_965 : vector<16xi32>
        %convert_element_type3A_967 = arith.sitofp %sub3A_966 : vector<16xi32> to vector<16xf32>
        %broadcast_in_dim3A_968 = arith.constant 0.105843775 : f32
        %broadcast_in_dim3A_969 = vector.broadcast %broadcast_in_dim3A_968 : f32 to vector<16xf32>
        %mul3A_970 = arith.mulf %broadcast_in_dim3A_969, %bitcast_convert_type3A_963 : vector<16xf32>
        %add3A_971 = arith.constant -0.711726904 : f32
        %add3A_972 = vector.broadcast %add3A_971 : f32 to vector<16xf32>
        %add3A_973 = arith.addf %mul3A_970, %add3A_972 : vector<16xf32>
        %mul3A_974 = arith.mulf %add3A_973, %bitcast_convert_type3A_963 : vector<16xf32>
        %add3A_975 = arith.constant 2.08717847 : f32
        %add3A_976 = vector.broadcast %add3A_975 : f32 to vector<16xf32>
        %add3A_977 = arith.addf %mul3A_974, %add3A_976 : vector<16xf32>
        %mul3A_978 = arith.mulf %add3A_977, %bitcast_convert_type3A_963 : vector<16xf32>
        %add3A_979 = arith.constant -1.48072326 : f32
        %add3A_980 = vector.broadcast %add3A_979 : f32 to vector<16xf32>
        %add3A_981 = arith.addf %mul3A_978, %add3A_980 : vector<16xf32>
        %mul3A_982 = arith.constant 0.693147182 : f32
        %mul3A_983 = vector.broadcast %mul3A_982 : f32 to vector<16xf32>
        %mul3A_984 = arith.mulf %convert_element_type3A_967, %mul3A_983 : vector<16xf32>
        %add3A_985 = arith.addf %mul3A_984, %add3A_981 : vector<16xf32>
        %mul3A_986 = arith.mulf %mul3A_949, %add3A_985 : vector<16xf32>
        %add3A_987 = arith.addf %add3A_938, %mul3A_986 : vector<16xf32>
        %convert_element_type3A_988 = arith.fptosi %gather3A_177 : vector<16xf32> to vector<16xi32>
        %add3A_989 = arith.addi %mul3A_205, %convert_element_type3A_988 : vector<16xi32>
        %gather3A_990 = tpu.vector_load_idx %arg7[%add3A_989] : memref<25600xf32, #tpu.memory_space<vmem>>[vector<16xi32>], vector<16xf32>,
        %max3A_991 = arith.constant 9.99999974E-5 : f32
        %max3A_992 = vector.broadcast %max3A_991 : f32 to vector<16xf32>
        %max3A_993 = arith.maximumf %gather3A_990, %max3A_992 : vector<16xf32>
        %min3A_994 = arith.constant 0.999899983 : f32
        %min3A_995 = vector.broadcast %min3A_994 : f32 to vector<16xf32>
        %min3A_996 = arith.minimumf %max3A_993, %min3A_995 : vector<16xf32>
        %sub3A_997 = arith.constant 1.000000e+00 : f32
        %sub3A_998 = vector.broadcast %sub3A_997 : f32 to vector<16xf32>
        %sub3A_999 = arith.subf %sub3A_998, %min3A_996 : vector<16xf32>
        %mul3A_1000 = arith.mulf %min3A_996, %min3A_996 : vector<16xf32>
        %mul3A_1001 = arith.constant 5.000000e-02 : f32
        %mul3A_1002 = vector.broadcast %mul3A_1001 : f32 to vector<16xf32>
        %mul3A_1003 = arith.mulf %mul3A_1002, %mul3A_1000 : vector<16xf32>
        %bitcast_convert_type3A_1004 = tpu.bitcast %sub3A_999 : vector<16xf32> -> vector<16xi32>
        %shift_right_arithmetic3A_1005 = arith.constant 23 : i32
        %shift_right_arithmetic3A_1006 = vector.broadcast %shift_right_arithmetic3A_1005 : i32 to vector<16xi32>
        %shift_right_arithmetic3A_1007 = arith.shrsi %bitcast_convert_type3A_1004, %shift_right_arithmetic3A_1006 : vector<16xi32>
        %and3A_1008 = arith.constant 8388607 : i32
        %and3A_1009 = vector.broadcast %and3A_1008 : i32 to vector<16xi32>
        %and3A_1010 = arith.andi %bitcast_convert_type3A_1004, %and3A_1009 : vector<16xi32>
        %or3A_1011 = arith.constant 1065353216 : i32
        %or3A_1012 = vector.broadcast %or3A_1011 : i32 to vector<16xi32>
        %or3A_1013 = arith.ori %and3A_1010, %or3A_1012 : vector<16xi32>
        %bitcast_convert_type3A_1014 = tpu.bitcast %or3A_1013 : vector<16xi32> -> vector<16xf32>
        %sub3A_1015 = arith.constant 127 : i32
        %sub3A_1016 = vector.broadcast %sub3A_1015 : i32 to vector<16xi32>
        %sub3A_1017 = arith.subi %shift_right_arithmetic3A_1007, %sub3A_1016 : vector<16xi32>
        %convert_element_type3A_1018 = arith.sitofp %sub3A_1017 : vector<16xi32> to vector<16xf32>
        %broadcast_in_dim3A_1019 = arith.constant 0.105843775 : f32
        %broadcast_in_dim3A_1020 = vector.broadcast %broadcast_in_dim3A_1019 : f32 to vector<16xf32>
        %mul3A_1021 = arith.mulf %broadcast_in_dim3A_1020, %bitcast_convert_type3A_1014 : vector<16xf32>
        %add3A_1022 = arith.constant -0.711726904 : f32
        %add3A_1023 = vector.broadcast %add3A_1022 : f32 to vector<16xf32>
        %add3A_1024 = arith.addf %mul3A_1021, %add3A_1023 : vector<16xf32>
        %mul3A_1025 = arith.mulf %add3A_1024, %bitcast_convert_type3A_1014 : vector<16xf32>
        %add3A_1026 = arith.constant 2.08717847 : f32
        %add3A_1027 = vector.broadcast %add3A_1026 : f32 to vector<16xf32>
        %add3A_1028 = arith.addf %mul3A_1025, %add3A_1027 : vector<16xf32>
        %mul3A_1029 = arith.mulf %add3A_1028, %bitcast_convert_type3A_1014 : vector<16xf32>
        %add3A_1030 = arith.constant -1.48072326 : f32
        %add3A_1031 = vector.broadcast %add3A_1030 : f32 to vector<16xf32>
        %add3A_1032 = arith.addf %mul3A_1029, %add3A_1031 : vector<16xf32>
        %mul3A_1033 = arith.constant 0.693147182 : f32
        %mul3A_1034 = vector.broadcast %mul3A_1033 : f32 to vector<16xf32>
        %mul3A_1035 = arith.mulf %convert_element_type3A_1018, %mul3A_1034 : vector<16xf32>
        %add3A_1036 = arith.addf %mul3A_1035, %add3A_1032 : vector<16xf32>
        %mul3A_1037 = arith.mulf %mul3A_1003, %add3A_1036 : vector<16xf32>
        %mul3A_1038 = arith.mulf %sub3A_999, %sub3A_999 : vector<16xf32>
        %mul3A_1039 = arith.constant 0.949999988 : f32
        %mul3A_1040 = vector.broadcast %mul3A_1039 : f32 to vector<16xf32>
        %mul3A_1041 = arith.mulf %mul3A_1040, %mul3A_1038 : vector<16xf32>
        %bitcast_convert_type3A_1042 = tpu.bitcast %min3A_996 : vector<16xf32> -> vector<16xi32>
        %shift_right_arithmetic3A_1043 = arith.constant 23 : i32
        %shift_right_arithmetic3A_1044 = vector.broadcast %shift_right_arithmetic3A_1043 : i32 to vector<16xi32>
        %shift_right_arithmetic3A_1045 = arith.shrsi %bitcast_convert_type3A_1042, %shift_right_arithmetic3A_1044 : vector<16xi32>
        %and3A_1046 = arith.constant 8388607 : i32
        %and3A_1047 = vector.broadcast %and3A_1046 : i32 to vector<16xi32>
        %and3A_1048 = arith.andi %bitcast_convert_type3A_1042, %and3A_1047 : vector<16xi32>
        %or3A_1049 = arith.constant 1065353216 : i32
        %or3A_1050 = vector.broadcast %or3A_1049 : i32 to vector<16xi32>
        %or3A_1051 = arith.ori %and3A_1048, %or3A_1050 : vector<16xi32>
        %bitcast_convert_type3A_1052 = tpu.bitcast %or3A_1051 : vector<16xi32> -> vector<16xf32>
        %sub3A_1053 = arith.constant 127 : i32
        %sub3A_1054 = vector.broadcast %sub3A_1053 : i32 to vector<16xi32>
        %sub3A_1055 = arith.subi %shift_right_arithmetic3A_1045, %sub3A_1054 : vector<16xi32>
        %convert_element_type3A_1056 = arith.sitofp %sub3A_1055 : vector<16xi32> to vector<16xf32>
        %broadcast_in_dim3A_1057 = arith.constant 0.105843775 : f32
        %broadcast_in_dim3A_1058 = vector.broadcast %broadcast_in_dim3A_1057 : f32 to vector<16xf32>
        %mul3A_1059 = arith.mulf %broadcast_in_dim3A_1058, %bitcast_convert_type3A_1052 : vector<16xf32>
        %add3A_1060 = arith.constant -0.711726904 : f32
        %add3A_1061 = vector.broadcast %add3A_1060 : f32 to vector<16xf32>
        %add3A_1062 = arith.addf %mul3A_1059, %add3A_1061 : vector<16xf32>
        %mul3A_1063 = arith.mulf %add3A_1062, %bitcast_convert_type3A_1052 : vector<16xf32>
        %add3A_1064 = arith.constant 2.08717847 : f32
        %add3A_1065 = vector.broadcast %add3A_1064 : f32 to vector<16xf32>
        %add3A_1066 = arith.addf %mul3A_1063, %add3A_1065 : vector<16xf32>
        %mul3A_1067 = arith.mulf %add3A_1066, %bitcast_convert_type3A_1052 : vector<16xf32>
        %add3A_1068 = arith.constant -1.48072326 : f32
        %add3A_1069 = vector.broadcast %add3A_1068 : f32 to vector<16xf32>
        %add3A_1070 = arith.addf %mul3A_1067, %add3A_1069 : vector<16xf32>
        %mul3A_1071 = arith.constant 0.693147182 : f32
        %mul3A_1072 = vector.broadcast %mul3A_1071 : f32 to vector<16xf32>
        %mul3A_1073 = arith.mulf %convert_element_type3A_1056, %mul3A_1072 : vector<16xf32>
        %add3A_1074 = arith.addf %mul3A_1073, %add3A_1070 : vector<16xf32>
        %mul3A_1075 = arith.mulf %mul3A_1041, %add3A_1074 : vector<16xf32>
        %sub3A_1076 = arith.subf %mul3A_1037, %mul3A_1075 : vector<16xf32>
        %mul3A_1077 = arith.constant -5.000000e-02 : f32
        %mul3A_1078 = vector.broadcast %mul3A_1077 : f32 to vector<16xf32>
        %mul3A_1079 = arith.mulf %mul3A_1078, %add3A_987 : vector<16xf32>
        %jit3A_1080 = arith.constant 0.000000e+00 : f32
        %broadcast_in_dim3A_1081 = vector.broadcast %jit3A_1080 : f32 to vector<16xf32>
        %select_n3A_1082 = arith.select %and3A_195, %mul3A_1079, %broadcast_in_dim3A_1081 : vector<16xi1>, vector<16xf32>
        %add3A_1083 = arith.addf %scan3A_89, %select_n3A_1082 : vector<16xf32>
        %jit3A_1084 = arith.constant 0.000000e+00 : f32
        %broadcast_in_dim3A_1085 = vector.broadcast %jit3A_1084 : f32 to vector<16xf32>
        %select_n3A_1086 = arith.select %and3A_193, %sub3A_1076, %broadcast_in_dim3A_1085 : vector<16xi1>, vector<16xf32>
        %add3A_1087 = arith.addf %add3A_1083, %select_n3A_1086 : vector<16xf32>
        %gather3A_1088 = tpu.vector_load_idx %arg8[%add3A_112] : memref<4800xf32, #tpu.memory_space<vmem>>[vector<16xi32>], vector<16xf32>,
        %add3A_1089 = arith.constant 1 : i32
        %add3A_1090 = vector.broadcast %add3A_1089 : i32 to vector<16xi32>
        %add3A_1091 = arith.addi %add3A_112, %add3A_1090 : vector<16xi32>
        %gather3A_1092 = tpu.vector_load_idx %arg8[%add3A_1091] : memref<4800xf32, #tpu.memory_space<vmem>>[vector<16xi32>], vector<16xf32>,
        %gather3A_1093 = tpu.vector_load_idx %arg9[%add3A_112] : memref<4800xf32, #tpu.memory_space<vmem>>[vector<16xi32>], vector<16xf32>,
        %add3A_1094 = arith.constant 1 : i32
        %add3A_1095 = vector.broadcast %add3A_1094 : i32 to vector<16xi32>
        %add3A_1096 = arith.addi %add3A_112, %add3A_1095 : vector<16xi32>
        %gather3A_1097 = tpu.vector_load_idx %arg9[%add3A_1096] : memref<4800xf32, #tpu.memory_space<vmem>>[vector<16xi32>], vector<16xf32>,
        %add3A_1098 = arith.constant 2 : i32
        %add3A_1099 = vector.broadcast %add3A_1098 : i32 to vector<16xi32>
        %add3A_1100 = arith.addi %add3A_112, %add3A_1099 : vector<16xi32>
        %gather3A_1101 = tpu.vector_load_idx %arg9[%add3A_1100] : memref<4800xf32, #tpu.memory_space<vmem>>[vector<16xi32>], vector<16xf32>,
        %sub3A_1102 = arith.subf %gather3A_165, %gather3A_1088 : vector<16xf32>
        %sub3A_1103 = arith.subf %sub3A_1102, %gather3A_1093 : vector<16xf32>
        %abs3A_1104 = math.absf %sub3A_1103 : vector<16xf32>
        %sub3A_1105 = arith.subf %gather3A_169, %gather3A_1092 : vector<16xf32>
        %sub3A_1106 = arith.subf %sub3A_1105, %gather3A_1097 : vector<16xf32>
        %abs3A_1107 = math.absf %sub3A_1106 : vector<16xf32>
        %le3A_1108 = arith.constant 0.111111112 : f32
        %le3A_1109 = vector.broadcast %le3A_1108 : f32 to vector<16xf32>
        %le3A_1110 = arith.cmpf ole, %abs3A_1104, %le3A_1109 : vector<16xf32>
        %mul3A_1111 = arith.constant 4.500000e+00 : f32
        %mul3A_1112 = vector.broadcast %mul3A_1111 : f32 to vector<16xf32>
        %mul3A_1113 = arith.mulf %mul3A_1112, %abs3A_1104 : vector<16xf32>
        %mul3A_1114 = arith.mulf %mul3A_1113, %abs3A_1104 : vector<16xf32>
        %sub3A_1115 = arith.constant 0.055555556 : f32
        %sub3A_1116 = vector.broadcast %sub3A_1115 : f32 to vector<16xf32>
        %sub3A_1117 = arith.subf %abs3A_1104, %sub3A_1116 : vector<16xf32>
        %select_n3A_1118 = arith.select %le3A_1110, %mul3A_1114, %sub3A_1117 : vector<16xi1>, vector<16xf32>
        %le3A_1119 = arith.constant 0.111111112 : f32
        %le3A_1120 = vector.broadcast %le3A_1119 : f32 to vector<16xf32>
        %le3A_1121 = arith.cmpf ole, %abs3A_1107, %le3A_1120 : vector<16xf32>
        %mul3A_1122 = arith.constant 4.500000e+00 : f32
        %mul3A_1123 = vector.broadcast %mul3A_1122 : f32 to vector<16xf32>
        %mul3A_1124 = arith.mulf %mul3A_1123, %abs3A_1107 : vector<16xf32>
        %mul3A_1125 = arith.mulf %mul3A_1124, %abs3A_1107 : vector<16xf32>
        %sub3A_1126 = arith.constant 0.055555556 : f32
        %sub3A_1127 = vector.broadcast %sub3A_1126 : f32 to vector<16xf32>
        %sub3A_1128 = arith.subf %abs3A_1107, %sub3A_1127 : vector<16xf32>
        %select_n3A_1129 = arith.select %le3A_1121, %mul3A_1125, %sub3A_1128 : vector<16xi1>, vector<16xf32>
        %sub3A_1130 = arith.subf %gather3A_173, %gather3A_164 : vector<16xf32>
        %sub3A_1131 = arith.subf %sub3A_1130, %gather3A_1101 : vector<16xf32>
        %abs3A_1132 = math.absf %sub3A_1131 : vector<16xf32>
        %sub3A_1133 = arith.constant 1.000000e+01 : f32
        %sub3A_1134 = vector.broadcast %sub3A_1133 : f32 to vector<16xf32>
        %sub3A_1135 = arith.subf %abs3A_1132, %sub3A_1134 : vector<16xf32>
        %div3A = arith.constant 5.000000e+00 : f32
        %div3A_1136 = vector.broadcast %div3A : f32 to vector<16xf32>
        %div3A_1137 = arith.divf %sub3A_1135, %div3A_1136 : vector<16xf32>
        %le3A_1138 = arith.constant 0.000000e+00 : f32
        %le3A_1139 = vector.broadcast %le3A_1138 : f32 to vector<16xf32>
        %le3A_1140 = arith.cmpf ole, %div3A_1137, %le3A_1139 : vector<16xf32>
        %jit3A_1141 = arith.constant 0.000000e+00 : f32
        %broadcast_in_dim3A_1142 = vector.broadcast %jit3A_1141 : f32 to vector<16xf32>
        %select_n3A_1143 = arith.select %le3A_1140, %broadcast_in_dim3A_1142, %div3A_1137 : vector<16xi1>, vector<16xf32>
        %jit3A_1144 = arith.constant 1.000000e+00 : f32
        %jit3A_1145 = arith.constant 0.000000e+00 : f32
        %broadcast_in_dim3A_1146 = vector.broadcast %jit3A_1144 : f32 to vector<16xf32>
        %broadcast_in_dim3A_1147 = vector.broadcast %jit3A_1145 : f32 to vector<16xf32>
        %select_n3A_1148 = arith.select %and3A_193, %broadcast_in_dim3A_1146, %broadcast_in_dim3A_1147 : vector<16xi1>, vector<16xf32>
        %add3A_1149 = arith.addf %select_n3A_1118, %select_n3A_1129 : vector<16xf32>
        %mul3A_1150 = arith.mulf %add3A_1149, %select_n3A_1148 : vector<16xf32>
        %add3A_1151 = arith.addf %scan3A_87, %mul3A_1150 : vector<16xf32>
        %mul3A_1152 = arith.mulf %select_n3A_1143, %select_n3A_1148 : vector<16xf32>
        %add3A_1153 = arith.addf %scan3A_88, %mul3A_1152 : vector<16xf32>
        %add3A_1154 = arith.constant 2 : i32
        %add3A_1155 = vector.broadcast %add3A_1154 : i32 to vector<16xi32>
        %add3A_1156 = arith.addi %add3A_119, %add3A_1155 : vector<16xi32>
        %gather3A_1157 = tpu.vector_load_idx %arg8[%add3A_1156] : memref<4800xf32, #tpu.memory_space<vmem>>[vector<16xi32>], vector<16xf32>,
        %gather3A_1158 = tpu.vector_load_idx %arg10[%scan3A_159#5] : memref<256xf32, #tpu.memory_space<vmem>>[vector<16xi32>], vector<16xf32>,
        %add3A_1159 = arith.constant 1 : i32
        %add3A_1160 = vector.broadcast %add3A_1159 : i32 to vector<16xi32>
        %add3A_1161 = arith.addi %scan3A_159#5, %add3A_1160 : vector<16xi32>
        %gather3A_1162 = tpu.vector_load_idx %arg10[%add3A_1161] : memref<256xf32, #tpu.memory_space<vmem>>[vector<16xi32>], vector<16xf32>,
        %add3A_1163 = arith.constant 2 : i32
        %add3A_1164 = vector.broadcast %add3A_1163 : i32 to vector<16xi32>
        %add3A_1165 = arith.addi %scan3A_159#5, %add3A_1164 : vector<16xi32>
        %gather3A_1166 = tpu.vector_load_idx %arg10[%add3A_1165] : memref<256xf32, #tpu.memory_space<vmem>>[vector<16xi32>], vector<16xf32>,
        %add3A_1167 = arith.constant 3 : i32
        %add3A_1168 = vector.broadcast %add3A_1167 : i32 to vector<16xi32>
        %add3A_1169 = arith.addi %scan3A_159#5, %add3A_1168 : vector<16xi32>
        %gather3A_1170 = tpu.vector_load_idx %arg10[%add3A_1169] : memref<256xf32, #tpu.memory_space<vmem>>[vector<16xi32>], vector<16xf32>,
        %sub3A_1171 = arith.subf %gather3A_1157, %gather3A_1166 : vector<16xf32>
        %abs3A_1172 = math.absf %sub3A_1171 : vector<16xf32>
        %add3A_1173 = arith.addi %min3A_3, %add3A_97 : i32
        %add3A_1174 = vector.broadcast %add3A_1173 : i32 to vector<16xi32>
        %add3A_1175 = arith.addi %add3A_1174, %iota3A : vector<16xi32>
        %ge3A_1176 = vector.broadcast %mul3A_5 : i32 to vector<16xi32>
        %ge3A_1177 = arith.cmpi sge, %add3A_1175, %ge3A_1176 : vector<16xi32>
        %le3A_1178 = arith.constant 2.500000e+01 : f32
        %le3A_1179 = vector.broadcast %le3A_1178 : f32 to vector<16xf32>
        %le3A_1180 = arith.cmpf ole, %scan3A_159#1, %le3A_1179 : vector<16xf32>
        %le3A_1181 = arith.constant 1.000000e+01 : f32
        %le3A_1182 = vector.broadcast %le3A_1181 : f32 to vector<16xf32>
        %le3A_1183 = arith.cmpf ole, %abs3A_1172, %le3A_1182 : vector<16xf32>
        %and3A_1184 = arith.andi %le3A_1180, %le3A_1183 : vector<16xi1>
        %ge3A_1185 = arith.constant 5.625000e+01 : f32
        %ge3A_1186 = vector.broadcast %ge3A_1185 : f32 to vector<16xf32>
        %ge3A_1187 = arith.cmpf oge, %scan3A_159#1, %ge3A_1186 : vector<16xf32>
        %ge3A_1188 = arith.constant 1.500000e+01 : f32
        %ge3A_1189 = vector.broadcast %ge3A_1188 : f32 to vector<16xf32>
        %ge3A_1190 = arith.cmpf oge, %abs3A_1172, %ge3A_1189 : vector<16xf32>
        %or3A_1191 = arith.ori %ge3A_1187, %ge3A_1190 : vector<16xi1>
        %and3A_1192 = arith.andi %and3A_1184, %ge3A_1177 : vector<16xi1>
        %or3A_1193 = arith.ori %and3A_1184, %or3A_1191 : vector<16xi1>
        %and3A_1194 = arith.andi %or3A_1193, %ge3A_1177 : vector<16xi1>
        %jit3A_1195 = arith.constant 1.000000e+00 : f32
        %jit3A_1196 = arith.constant 0.000000e+00 : f32
        %broadcast_in_dim3A_1197 = vector.broadcast %jit3A_1195 : f32 to vector<16xf32>
        %broadcast_in_dim3A_1198 = vector.broadcast %jit3A_1196 : f32 to vector<16xf32>
        %select_n3A_1199 = arith.select %and3A_1192, %broadcast_in_dim3A_1197, %broadcast_in_dim3A_1198 : vector<16xi1>, vector<16xf32>
        %add3A_1200 = arith.addf %add3A_200, %select_n3A_1199 : vector<16xf32>
        %add3A_1201 = vector.broadcast %add3A_97 : i32 to vector<16xi32>
        %add3A_1202 = arith.addi %add3A_1201, %iota3A : vector<16xi32>
        %mul3A_1203 = arith.constant 16 : i32
        %mul3A_1204 = vector.broadcast %mul3A_1203 : i32 to vector<16xi32>
        %mul3A_1205 = arith.muli %add3A_1202, %mul3A_1204 : vector<16xi32>
        %broadcast_in_dim3A_1206 = arith.constant 0.000000e+00 : f32
        %broadcast_in_dim3A_1207 = vector.broadcast %broadcast_in_dim3A_1206 : f32 to vector<16xf32>
        %add3A_1208 = arith.constant 0 : i32
        %add3A_1209 = vector.broadcast %add3A_1208 : i32 to vector<16xi32>
        %add3A_1210 = arith.addi %mul3A_1205, %add3A_1209 : vector<16xi32>
        %gather3A_1211 = tpu.vector_load_idx %arg7[%add3A_1210] : memref<25600xf32, #tpu.memory_space<vmem>>[vector<16xi32>], vector<16xf32>,
        %max3A_1212 = arith.constant 9.99999974E-5 : f32
        %max3A_1213 = vector.broadcast %max3A_1212 : f32 to vector<16xf32>
        %max3A_1214 = arith.maximumf %gather3A_1211, %max3A_1213 : vector<16xf32>
        %min3A_1215 = arith.constant 0.999899983 : f32
        %min3A_1216 = vector.broadcast %min3A_1215 : f32 to vector<16xf32>
        %min3A_1217 = arith.minimumf %max3A_1214, %min3A_1216 : vector<16xf32>
        %mul3A_1218 = arith.mulf %min3A_1217, %min3A_1217 : vector<16xf32>
        %sub3A_1219 = arith.constant 1.000000e+00 : f32
        %sub3A_1220 = vector.broadcast %sub3A_1219 : f32 to vector<16xf32>
        %sub3A_1221 = arith.subf %sub3A_1220, %min3A_1217 : vector<16xf32>
        %bitcast_convert_type3A_1222 = tpu.bitcast %sub3A_1221 : vector<16xf32> -> vector<16xi32>
        %shift_right_arithmetic3A_1223 = arith.constant 23 : i32
        %shift_right_arithmetic3A_1224 = vector.broadcast %shift_right_arithmetic3A_1223 : i32 to vector<16xi32>
        %shift_right_arithmetic3A_1225 = arith.shrsi %bitcast_convert_type3A_1222, %shift_right_arithmetic3A_1224 : vector<16xi32>
        %and3A_1226 = arith.constant 8388607 : i32
        %and3A_1227 = vector.broadcast %and3A_1226 : i32 to vector<16xi32>
        %and3A_1228 = arith.andi %bitcast_convert_type3A_1222, %and3A_1227 : vector<16xi32>
        %or3A_1229 = arith.constant 1065353216 : i32
        %or3A_1230 = vector.broadcast %or3A_1229 : i32 to vector<16xi32>
        %or3A_1231 = arith.ori %and3A_1228, %or3A_1230 : vector<16xi32>
        %bitcast_convert_type3A_1232 = tpu.bitcast %or3A_1231 : vector<16xi32> -> vector<16xf32>
        %sub3A_1233 = arith.constant 127 : i32
        %sub3A_1234 = vector.broadcast %sub3A_1233 : i32 to vector<16xi32>
        %sub3A_1235 = arith.subi %shift_right_arithmetic3A_1225, %sub3A_1234 : vector<16xi32>
        %convert_element_type3A_1236 = arith.sitofp %sub3A_1235 : vector<16xi32> to vector<16xf32>
        %broadcast_in_dim3A_1237 = arith.constant 0.105843775 : f32
        %broadcast_in_dim3A_1238 = vector.broadcast %broadcast_in_dim3A_1237 : f32 to vector<16xf32>
        %mul3A_1239 = arith.mulf %broadcast_in_dim3A_1238, %bitcast_convert_type3A_1232 : vector<16xf32>
        %add3A_1240 = arith.constant -0.711726904 : f32
        %add3A_1241 = vector.broadcast %add3A_1240 : f32 to vector<16xf32>
        %add3A_1242 = arith.addf %mul3A_1239, %add3A_1241 : vector<16xf32>
        %mul3A_1243 = arith.mulf %add3A_1242, %bitcast_convert_type3A_1232 : vector<16xf32>
        %add3A_1244 = arith.constant 2.08717847 : f32
        %add3A_1245 = vector.broadcast %add3A_1244 : f32 to vector<16xf32>
        %add3A_1246 = arith.addf %mul3A_1243, %add3A_1245 : vector<16xf32>
        %mul3A_1247 = arith.mulf %add3A_1246, %bitcast_convert_type3A_1232 : vector<16xf32>
        %add3A_1248 = arith.constant -1.48072326 : f32
        %add3A_1249 = vector.broadcast %add3A_1248 : f32 to vector<16xf32>
        %add3A_1250 = arith.addf %mul3A_1247, %add3A_1249 : vector<16xf32>
        %mul3A_1251 = arith.constant 0.693147182 : f32
        %mul3A_1252 = vector.broadcast %mul3A_1251 : f32 to vector<16xf32>
        %mul3A_1253 = arith.mulf %convert_element_type3A_1236, %mul3A_1252 : vector<16xf32>
        %add3A_1254 = arith.addf %mul3A_1253, %add3A_1250 : vector<16xf32>
        %mul3A_1255 = arith.mulf %mul3A_1218, %add3A_1254 : vector<16xf32>
        %add3A_1256 = arith.addf %broadcast_in_dim3A_1207, %mul3A_1255 : vector<16xf32>
        %add3A_1257 = arith.constant 1 : i32
        %add3A_1258 = vector.broadcast %add3A_1257 : i32 to vector<16xi32>
        %add3A_1259 = arith.addi %mul3A_1205, %add3A_1258 : vector<16xi32>
        %gather3A_1260 = tpu.vector_load_idx %arg7[%add3A_1259] : memref<25600xf32, #tpu.memory_space<vmem>>[vector<16xi32>], vector<16xf32>,
        %max3A_1261 = arith.constant 9.99999974E-5 : f32
        %max3A_1262 = vector.broadcast %max3A_1261 : f32 to vector<16xf32>
        %max3A_1263 = arith.maximumf %gather3A_1260, %max3A_1262 : vector<16xf32>
        %min3A_1264 = arith.constant 0.999899983 : f32
        %min3A_1265 = vector.broadcast %min3A_1264 : f32 to vector<16xf32>
        %min3A_1266 = arith.minimumf %max3A_1263, %min3A_1265 : vector<16xf32>
        %mul3A_1267 = arith.mulf %min3A_1266, %min3A_1266 : vector<16xf32>
        %sub3A_1268 = arith.constant 1.000000e+00 : f32
        %sub3A_1269 = vector.broadcast %sub3A_1268 : f32 to vector<16xf32>
        %sub3A_1270 = arith.subf %sub3A_1269, %min3A_1266 : vector<16xf32>
        %bitcast_convert_type3A_1271 = tpu.bitcast %sub3A_1270 : vector<16xf32> -> vector<16xi32>
        %shift_right_arithmetic3A_1272 = arith.constant 23 : i32
        %shift_right_arithmetic3A_1273 = vector.broadcast %shift_right_arithmetic3A_1272 : i32 to vector<16xi32>
        %shift_right_arithmetic3A_1274 = arith.shrsi %bitcast_convert_type3A_1271, %shift_right_arithmetic3A_1273 : vector<16xi32>
        %and3A_1275 = arith.constant 8388607 : i32
        %and3A_1276 = vector.broadcast %and3A_1275 : i32 to vector<16xi32>
        %and3A_1277 = arith.andi %bitcast_convert_type3A_1271, %and3A_1276 : vector<16xi32>
        %or3A_1278 = arith.constant 1065353216 : i32
        %or3A_1279 = vector.broadcast %or3A_1278 : i32 to vector<16xi32>
        %or3A_1280 = arith.ori %and3A_1277, %or3A_1279 : vector<16xi32>
        %bitcast_convert_type3A_1281 = tpu.bitcast %or3A_1280 : vector<16xi32> -> vector<16xf32>
        %sub3A_1282 = arith.constant 127 : i32
        %sub3A_1283 = vector.broadcast %sub3A_1282 : i32 to vector<16xi32>
        %sub3A_1284 = arith.subi %shift_right_arithmetic3A_1274, %sub3A_1283 : vector<16xi32>
        %convert_element_type3A_1285 = arith.sitofp %sub3A_1284 : vector<16xi32> to vector<16xf32>
        %broadcast_in_dim3A_1286 = arith.constant 0.105843775 : f32
        %broadcast_in_dim3A_1287 = vector.broadcast %broadcast_in_dim3A_1286 : f32 to vector<16xf32>
        %mul3A_1288 = arith.mulf %broadcast_in_dim3A_1287, %bitcast_convert_type3A_1281 : vector<16xf32>
        %add3A_1289 = arith.constant -0.711726904 : f32
        %add3A_1290 = vector.broadcast %add3A_1289 : f32 to vector<16xf32>
        %add3A_1291 = arith.addf %mul3A_1288, %add3A_1290 : vector<16xf32>
        %mul3A_1292 = arith.mulf %add3A_1291, %bitcast_convert_type3A_1281 : vector<16xf32>
        %add3A_1293 = arith.constant 2.08717847 : f32
        %add3A_1294 = vector.broadcast %add3A_1293 : f32 to vector<16xf32>
        %add3A_1295 = arith.addf %mul3A_1292, %add3A_1294 : vector<16xf32>
        %mul3A_1296 = arith.mulf %add3A_1295, %bitcast_convert_type3A_1281 : vector<16xf32>
        %add3A_1297 = arith.constant -1.48072326 : f32
        %add3A_1298 = vector.broadcast %add3A_1297 : f32 to vector<16xf32>
        %add3A_1299 = arith.addf %mul3A_1296, %add3A_1298 : vector<16xf32>
        %mul3A_1300 = arith.constant 0.693147182 : f32
        %mul3A_1301 = vector.broadcast %mul3A_1300 : f32 to vector<16xf32>
        %mul3A_1302 = arith.mulf %convert_element_type3A_1285, %mul3A_1301 : vector<16xf32>
        %add3A_1303 = arith.addf %mul3A_1302, %add3A_1299 : vector<16xf32>
        %mul3A_1304 = arith.mulf %mul3A_1267, %add3A_1303 : vector<16xf32>
        %add3A_1305 = arith.addf %add3A_1256, %mul3A_1304 : vector<16xf32>
        %add3A_1306 = arith.constant 2 : i32
        %add3A_1307 = vector.broadcast %add3A_1306 : i32 to vector<16xi32>
        %add3A_1308 = arith.addi %mul3A_1205, %add3A_1307 : vector<16xi32>
        %gather3A_1309 = tpu.vector_load_idx %arg7[%add3A_1308] : memref<25600xf32, #tpu.memory_space<vmem>>[vector<16xi32>], vector<16xf32>,
        %max3A_1310 = arith.constant 9.99999974E-5 : f32
        %max3A_1311 = vector.broadcast %max3A_1310 : f32 to vector<16xf32>
        %max3A_1312 = arith.maximumf %gather3A_1309, %max3A_1311 : vector<16xf32>
        %min3A_1313 = arith.constant 0.999899983 : f32
        %min3A_1314 = vector.broadcast %min3A_1313 : f32 to vector<16xf32>
        %min3A_1315 = arith.minimumf %max3A_1312, %min3A_1314 : vector<16xf32>
        %mul3A_1316 = arith.mulf %min3A_1315, %min3A_1315 : vector<16xf32>
        %sub3A_1317 = arith.constant 1.000000e+00 : f32
        %sub3A_1318 = vector.broadcast %sub3A_1317 : f32 to vector<16xf32>
        %sub3A_1319 = arith.subf %sub3A_1318, %min3A_1315 : vector<16xf32>
        %bitcast_convert_type3A_1320 = tpu.bitcast %sub3A_1319 : vector<16xf32> -> vector<16xi32>
        %shift_right_arithmetic3A_1321 = arith.constant 23 : i32
        %shift_right_arithmetic3A_1322 = vector.broadcast %shift_right_arithmetic3A_1321 : i32 to vector<16xi32>
        %shift_right_arithmetic3A_1323 = arith.shrsi %bitcast_convert_type3A_1320, %shift_right_arithmetic3A_1322 : vector<16xi32>
        %and3A_1324 = arith.constant 8388607 : i32
        %and3A_1325 = vector.broadcast %and3A_1324 : i32 to vector<16xi32>
        %and3A_1326 = arith.andi %bitcast_convert_type3A_1320, %and3A_1325 : vector<16xi32>
        %or3A_1327 = arith.constant 1065353216 : i32
        %or3A_1328 = vector.broadcast %or3A_1327 : i32 to vector<16xi32>
        %or3A_1329 = arith.ori %and3A_1326, %or3A_1328 : vector<16xi32>
        %bitcast_convert_type3A_1330 = tpu.bitcast %or3A_1329 : vector<16xi32> -> vector<16xf32>
        %sub3A_1331 = arith.constant 127 : i32
        %sub3A_1332 = vector.broadcast %sub3A_1331 : i32 to vector<16xi32>
        %sub3A_1333 = arith.subi %shift_right_arithmetic3A_1323, %sub3A_1332 : vector<16xi32>
        %convert_element_type3A_1334 = arith.sitofp %sub3A_1333 : vector<16xi32> to vector<16xf32>
        %broadcast_in_dim3A_1335 = arith.constant 0.105843775 : f32
        %broadcast_in_dim3A_1336 = vector.broadcast %broadcast_in_dim3A_1335 : f32 to vector<16xf32>
        %mul3A_1337 = arith.mulf %broadcast_in_dim3A_1336, %bitcast_convert_type3A_1330 : vector<16xf32>
        %add3A_1338 = arith.constant -0.711726904 : f32
        %add3A_1339 = vector.broadcast %add3A_1338 : f32 to vector<16xf32>
        %add3A_1340 = arith.addf %mul3A_1337, %add3A_1339 : vector<16xf32>
        %mul3A_1341 = arith.mulf %add3A_1340, %bitcast_convert_type3A_1330 : vector<16xf32>
        %add3A_1342 = arith.constant 2.08717847 : f32
        %add3A_1343 = vector.broadcast %add3A_1342 : f32 to vector<16xf32>
        %add3A_1344 = arith.addf %mul3A_1341, %add3A_1343 : vector<16xf32>
        %mul3A_1345 = arith.mulf %add3A_1344, %bitcast_convert_type3A_1330 : vector<16xf32>
        %add3A_1346 = arith.constant -1.48072326 : f32
        %add3A_1347 = vector.broadcast %add3A_1346 : f32 to vector<16xf32>
        %add3A_1348 = arith.addf %mul3A_1345, %add3A_1347 : vector<16xf32>
        %mul3A_1349 = arith.constant 0.693147182 : f32
        %mul3A_1350 = vector.broadcast %mul3A_1349 : f32 to vector<16xf32>
        %mul3A_1351 = arith.mulf %convert_element_type3A_1334, %mul3A_1350 : vector<16xf32>
        %add3A_1352 = arith.addf %mul3A_1351, %add3A_1348 : vector<16xf32>
        %mul3A_1353 = arith.mulf %mul3A_1316, %add3A_1352 : vector<16xf32>
        %add3A_1354 = arith.addf %add3A_1305, %mul3A_1353 : vector<16xf32>
        %add3A_1355 = arith.constant 3 : i32
        %add3A_1356 = vector.broadcast %add3A_1355 : i32 to vector<16xi32>
        %add3A_1357 = arith.addi %mul3A_1205, %add3A_1356 : vector<16xi32>
        %gather3A_1358 = tpu.vector_load_idx %arg7[%add3A_1357] : memref<25600xf32, #tpu.memory_space<vmem>>[vector<16xi32>], vector<16xf32>,
        %max3A_1359 = arith.constant 9.99999974E-5 : f32
        %max3A_1360 = vector.broadcast %max3A_1359 : f32 to vector<16xf32>
        %max3A_1361 = arith.maximumf %gather3A_1358, %max3A_1360 : vector<16xf32>
        %min3A_1362 = arith.constant 0.999899983 : f32
        %min3A_1363 = vector.broadcast %min3A_1362 : f32 to vector<16xf32>
        %min3A_1364 = arith.minimumf %max3A_1361, %min3A_1363 : vector<16xf32>
        %mul3A_1365 = arith.mulf %min3A_1364, %min3A_1364 : vector<16xf32>
        %sub3A_1366 = arith.constant 1.000000e+00 : f32
        %sub3A_1367 = vector.broadcast %sub3A_1366 : f32 to vector<16xf32>
        %sub3A_1368 = arith.subf %sub3A_1367, %min3A_1364 : vector<16xf32>
        %bitcast_convert_type3A_1369 = tpu.bitcast %sub3A_1368 : vector<16xf32> -> vector<16xi32>
        %shift_right_arithmetic3A_1370 = arith.constant 23 : i32
        %shift_right_arithmetic3A_1371 = vector.broadcast %shift_right_arithmetic3A_1370 : i32 to vector<16xi32>
        %shift_right_arithmetic3A_1372 = arith.shrsi %bitcast_convert_type3A_1369, %shift_right_arithmetic3A_1371 : vector<16xi32>
        %and3A_1373 = arith.constant 8388607 : i32
        %and3A_1374 = vector.broadcast %and3A_1373 : i32 to vector<16xi32>
        %and3A_1375 = arith.andi %bitcast_convert_type3A_1369, %and3A_1374 : vector<16xi32>
        %or3A_1376 = arith.constant 1065353216 : i32
        %or3A_1377 = vector.broadcast %or3A_1376 : i32 to vector<16xi32>
        %or3A_1378 = arith.ori %and3A_1375, %or3A_1377 : vector<16xi32>
        %bitcast_convert_type3A_1379 = tpu.bitcast %or3A_1378 : vector<16xi32> -> vector<16xf32>
        %sub3A_1380 = arith.constant 127 : i32
        %sub3A_1381 = vector.broadcast %sub3A_1380 : i32 to vector<16xi32>
        %sub3A_1382 = arith.subi %shift_right_arithmetic3A_1372, %sub3A_1381 : vector<16xi32>
        %convert_element_type3A_1383 = arith.sitofp %sub3A_1382 : vector<16xi32> to vector<16xf32>
        %broadcast_in_dim3A_1384 = arith.constant 0.105843775 : f32
        %broadcast_in_dim3A_1385 = vector.broadcast %broadcast_in_dim3A_1384 : f32 to vector<16xf32>
        %mul3A_1386 = arith.mulf %broadcast_in_dim3A_1385, %bitcast_convert_type3A_1379 : vector<16xf32>
        %add3A_1387 = arith.constant -0.711726904 : f32
        %add3A_1388 = vector.broadcast %add3A_1387 : f32 to vector<16xf32>
        %add3A_1389 = arith.addf %mul3A_1386, %add3A_1388 : vector<16xf32>
        %mul3A_1390 = arith.mulf %add3A_1389, %bitcast_convert_type3A_1379 : vector<16xf32>
        %add3A_1391 = arith.constant 2.08717847 : f32
        %add3A_1392 = vector.broadcast %add3A_1391 : f32 to vector<16xf32>
        %add3A_1393 = arith.addf %mul3A_1390, %add3A_1392 : vector<16xf32>
        %mul3A_1394 = arith.mulf %add3A_1393, %bitcast_convert_type3A_1379 : vector<16xf32>
        %add3A_1395 = arith.constant -1.48072326 : f32
        %add3A_1396 = vector.broadcast %add3A_1395 : f32 to vector<16xf32>
        %add3A_1397 = arith.addf %mul3A_1394, %add3A_1396 : vector<16xf32>
        %mul3A_1398 = arith.constant 0.693147182 : f32
        %mul3A_1399 = vector.broadcast %mul3A_1398 : f32 to vector<16xf32>
        %mul3A_1400 = arith.mulf %convert_element_type3A_1383, %mul3A_1399 : vector<16xf32>
        %add3A_1401 = arith.addf %mul3A_1400, %add3A_1397 : vector<16xf32>
        %mul3A_1402 = arith.mulf %mul3A_1365, %add3A_1401 : vector<16xf32>
        %add3A_1403 = arith.addf %add3A_1354, %mul3A_1402 : vector<16xf32>
        %add3A_1404 = arith.constant 4 : i32
        %add3A_1405 = vector.broadcast %add3A_1404 : i32 to vector<16xi32>
        %add3A_1406 = arith.addi %mul3A_1205, %add3A_1405 : vector<16xi32>
        %gather3A_1407 = tpu.vector_load_idx %arg7[%add3A_1406] : memref<25600xf32, #tpu.memory_space<vmem>>[vector<16xi32>], vector<16xf32>,
        %max3A_1408 = arith.constant 9.99999974E-5 : f32
        %max3A_1409 = vector.broadcast %max3A_1408 : f32 to vector<16xf32>
        %max3A_1410 = arith.maximumf %gather3A_1407, %max3A_1409 : vector<16xf32>
        %min3A_1411 = arith.constant 0.999899983 : f32
        %min3A_1412 = vector.broadcast %min3A_1411 : f32 to vector<16xf32>
        %min3A_1413 = arith.minimumf %max3A_1410, %min3A_1412 : vector<16xf32>
        %mul3A_1414 = arith.mulf %min3A_1413, %min3A_1413 : vector<16xf32>
        %sub3A_1415 = arith.constant 1.000000e+00 : f32
        %sub3A_1416 = vector.broadcast %sub3A_1415 : f32 to vector<16xf32>
        %sub3A_1417 = arith.subf %sub3A_1416, %min3A_1413 : vector<16xf32>
        %bitcast_convert_type3A_1418 = tpu.bitcast %sub3A_1417 : vector<16xf32> -> vector<16xi32>
        %shift_right_arithmetic3A_1419 = arith.constant 23 : i32
        %shift_right_arithmetic3A_1420 = vector.broadcast %shift_right_arithmetic3A_1419 : i32 to vector<16xi32>
        %shift_right_arithmetic3A_1421 = arith.shrsi %bitcast_convert_type3A_1418, %shift_right_arithmetic3A_1420 : vector<16xi32>
        %and3A_1422 = arith.constant 8388607 : i32
        %and3A_1423 = vector.broadcast %and3A_1422 : i32 to vector<16xi32>
        %and3A_1424 = arith.andi %bitcast_convert_type3A_1418, %and3A_1423 : vector<16xi32>
        %or3A_1425 = arith.constant 1065353216 : i32
        %or3A_1426 = vector.broadcast %or3A_1425 : i32 to vector<16xi32>
        %or3A_1427 = arith.ori %and3A_1424, %or3A_1426 : vector<16xi32>
        %bitcast_convert_type3A_1428 = tpu.bitcast %or3A_1427 : vector<16xi32> -> vector<16xf32>
        %sub3A_1429 = arith.constant 127 : i32
        %sub3A_1430 = vector.broadcast %sub3A_1429 : i32 to vector<16xi32>
        %sub3A_1431 = arith.subi %shift_right_arithmetic3A_1421, %sub3A_1430 : vector<16xi32>
        %convert_element_type3A_1432 = arith.sitofp %sub3A_1431 : vector<16xi32> to vector<16xf32>
        %broadcast_in_dim3A_1433 = arith.constant 0.105843775 : f32
        %broadcast_in_dim3A_1434 = vector.broadcast %broadcast_in_dim3A_1433 : f32 to vector<16xf32>
        %mul3A_1435 = arith.mulf %broadcast_in_dim3A_1434, %bitcast_convert_type3A_1428 : vector<16xf32>
        %add3A_1436 = arith.constant -0.711726904 : f32
        %add3A_1437 = vector.broadcast %add3A_1436 : f32 to vector<16xf32>
        %add3A_1438 = arith.addf %mul3A_1435, %add3A_1437 : vector<16xf32>
        %mul3A_1439 = arith.mulf %add3A_1438, %bitcast_convert_type3A_1428 : vector<16xf32>
        %add3A_1440 = arith.constant 2.08717847 : f32
        %add3A_1441 = vector.broadcast %add3A_1440 : f32 to vector<16xf32>
        %add3A_1442 = arith.addf %mul3A_1439, %add3A_1441 : vector<16xf32>
        %mul3A_1443 = arith.mulf %add3A_1442, %bitcast_convert_type3A_1428 : vector<16xf32>
        %add3A_1444 = arith.constant -1.48072326 : f32
        %add3A_1445 = vector.broadcast %add3A_1444 : f32 to vector<16xf32>
        %add3A_1446 = arith.addf %mul3A_1443, %add3A_1445 : vector<16xf32>
        %mul3A_1447 = arith.constant 0.693147182 : f32
        %mul3A_1448 = vector.broadcast %mul3A_1447 : f32 to vector<16xf32>
        %mul3A_1449 = arith.mulf %convert_element_type3A_1432, %mul3A_1448 : vector<16xf32>
        %add3A_1450 = arith.addf %mul3A_1449, %add3A_1446 : vector<16xf32>
        %mul3A_1451 = arith.mulf %mul3A_1414, %add3A_1450 : vector<16xf32>
        %add3A_1452 = arith.addf %add3A_1403, %mul3A_1451 : vector<16xf32>
        %add3A_1453 = arith.constant 5 : i32
        %add3A_1454 = vector.broadcast %add3A_1453 : i32 to vector<16xi32>
        %add3A_1455 = arith.addi %mul3A_1205, %add3A_1454 : vector<16xi32>
        %gather3A_1456 = tpu.vector_load_idx %arg7[%add3A_1455] : memref<25600xf32, #tpu.memory_space<vmem>>[vector<16xi32>], vector<16xf32>,
        %max3A_1457 = arith.constant 9.99999974E-5 : f32
        %max3A_1458 = vector.broadcast %max3A_1457 : f32 to vector<16xf32>
        %max3A_1459 = arith.maximumf %gather3A_1456, %max3A_1458 : vector<16xf32>
        %min3A_1460 = arith.constant 0.999899983 : f32
        %min3A_1461 = vector.broadcast %min3A_1460 : f32 to vector<16xf32>
        %min3A_1462 = arith.minimumf %max3A_1459, %min3A_1461 : vector<16xf32>
        %mul3A_1463 = arith.mulf %min3A_1462, %min3A_1462 : vector<16xf32>
        %sub3A_1464 = arith.constant 1.000000e+00 : f32
        %sub3A_1465 = vector.broadcast %sub3A_1464 : f32 to vector<16xf32>
        %sub3A_1466 = arith.subf %sub3A_1465, %min3A_1462 : vector<16xf32>
        %bitcast_convert_type3A_1467 = tpu.bitcast %sub3A_1466 : vector<16xf32> -> vector<16xi32>
        %shift_right_arithmetic3A_1468 = arith.constant 23 : i32
        %shift_right_arithmetic3A_1469 = vector.broadcast %shift_right_arithmetic3A_1468 : i32 to vector<16xi32>
        %shift_right_arithmetic3A_1470 = arith.shrsi %bitcast_convert_type3A_1467, %shift_right_arithmetic3A_1469 : vector<16xi32>
        %and3A_1471 = arith.constant 8388607 : i32
        %and3A_1472 = vector.broadcast %and3A_1471 : i32 to vector<16xi32>
        %and3A_1473 = arith.andi %bitcast_convert_type3A_1467, %and3A_1472 : vector<16xi32>
        %or3A_1474 = arith.constant 1065353216 : i32
        %or3A_1475 = vector.broadcast %or3A_1474 : i32 to vector<16xi32>
        %or3A_1476 = arith.ori %and3A_1473, %or3A_1475 : vector<16xi32>
        %bitcast_convert_type3A_1477 = tpu.bitcast %or3A_1476 : vector<16xi32> -> vector<16xf32>
        %sub3A_1478 = arith.constant 127 : i32
        %sub3A_1479 = vector.broadcast %sub3A_1478 : i32 to vector<16xi32>
        %sub3A_1480 = arith.subi %shift_right_arithmetic3A_1470, %sub3A_1479 : vector<16xi32>
        %convert_element_type3A_1481 = arith.sitofp %sub3A_1480 : vector<16xi32> to vector<16xf32>
        %broadcast_in_dim3A_1482 = arith.constant 0.105843775 : f32
        %broadcast_in_dim3A_1483 = vector.broadcast %broadcast_in_dim3A_1482 : f32 to vector<16xf32>
        %mul3A_1484 = arith.mulf %broadcast_in_dim3A_1483, %bitcast_convert_type3A_1477 : vector<16xf32>
        %add3A_1485 = arith.constant -0.711726904 : f32
        %add3A_1486 = vector.broadcast %add3A_1485 : f32 to vector<16xf32>
        %add3A_1487 = arith.addf %mul3A_1484, %add3A_1486 : vector<16xf32>
        %mul3A_1488 = arith.mulf %add3A_1487, %bitcast_convert_type3A_1477 : vector<16xf32>
        %add3A_1489 = arith.constant 2.08717847 : f32
        %add3A_1490 = vector.broadcast %add3A_1489 : f32 to vector<16xf32>
        %add3A_1491 = arith.addf %mul3A_1488, %add3A_1490 : vector<16xf32>
        %mul3A_1492 = arith.mulf %add3A_1491, %bitcast_convert_type3A_1477 : vector<16xf32>
        %add3A_1493 = arith.constant -1.48072326 : f32
        %add3A_1494 = vector.broadcast %add3A_1493 : f32 to vector<16xf32>
        %add3A_1495 = arith.addf %mul3A_1492, %add3A_1494 : vector<16xf32>
        %mul3A_1496 = arith.constant 0.693147182 : f32
        %mul3A_1497 = vector.broadcast %mul3A_1496 : f32 to vector<16xf32>
        %mul3A_1498 = arith.mulf %convert_element_type3A_1481, %mul3A_1497 : vector<16xf32>
        %add3A_1499 = arith.addf %mul3A_1498, %add3A_1495 : vector<16xf32>
        %mul3A_1500 = arith.mulf %mul3A_1463, %add3A_1499 : vector<16xf32>
        %add3A_1501 = arith.addf %add3A_1452, %mul3A_1500 : vector<16xf32>
        %add3A_1502 = arith.constant 6 : i32
        %add3A_1503 = vector.broadcast %add3A_1502 : i32 to vector<16xi32>
        %add3A_1504 = arith.addi %mul3A_1205, %add3A_1503 : vector<16xi32>
        %gather3A_1505 = tpu.vector_load_idx %arg7[%add3A_1504] : memref<25600xf32, #tpu.memory_space<vmem>>[vector<16xi32>], vector<16xf32>,
        %max3A_1506 = arith.constant 9.99999974E-5 : f32
        %max3A_1507 = vector.broadcast %max3A_1506 : f32 to vector<16xf32>
        %max3A_1508 = arith.maximumf %gather3A_1505, %max3A_1507 : vector<16xf32>
        %min3A_1509 = arith.constant 0.999899983 : f32
        %min3A_1510 = vector.broadcast %min3A_1509 : f32 to vector<16xf32>
        %min3A_1511 = arith.minimumf %max3A_1508, %min3A_1510 : vector<16xf32>
        %mul3A_1512 = arith.mulf %min3A_1511, %min3A_1511 : vector<16xf32>
        %sub3A_1513 = arith.constant 1.000000e+00 : f32
        %sub3A_1514 = vector.broadcast %sub3A_1513 : f32 to vector<16xf32>
        %sub3A_1515 = arith.subf %sub3A_1514, %min3A_1511 : vector<16xf32>
        %bitcast_convert_type3A_1516 = tpu.bitcast %sub3A_1515 : vector<16xf32> -> vector<16xi32>
        %shift_right_arithmetic3A_1517 = arith.constant 23 : i32
        %shift_right_arithmetic3A_1518 = vector.broadcast %shift_right_arithmetic3A_1517 : i32 to vector<16xi32>
        %shift_right_arithmetic3A_1519 = arith.shrsi %bitcast_convert_type3A_1516, %shift_right_arithmetic3A_1518 : vector<16xi32>
        %and3A_1520 = arith.constant 8388607 : i32
        %and3A_1521 = vector.broadcast %and3A_1520 : i32 to vector<16xi32>
        %and3A_1522 = arith.andi %bitcast_convert_type3A_1516, %and3A_1521 : vector<16xi32>
        %or3A_1523 = arith.constant 1065353216 : i32
        %or3A_1524 = vector.broadcast %or3A_1523 : i32 to vector<16xi32>
        %or3A_1525 = arith.ori %and3A_1522, %or3A_1524 : vector<16xi32>
        %bitcast_convert_type3A_1526 = tpu.bitcast %or3A_1525 : vector<16xi32> -> vector<16xf32>
        %sub3A_1527 = arith.constant 127 : i32
        %sub3A_1528 = vector.broadcast %sub3A_1527 : i32 to vector<16xi32>
        %sub3A_1529 = arith.subi %shift_right_arithmetic3A_1519, %sub3A_1528 : vector<16xi32>
        %convert_element_type3A_1530 = arith.sitofp %sub3A_1529 : vector<16xi32> to vector<16xf32>
        %broadcast_in_dim3A_1531 = arith.constant 0.105843775 : f32
        %broadcast_in_dim3A_1532 = vector.broadcast %broadcast_in_dim3A_1531 : f32 to vector<16xf32>
        %mul3A_1533 = arith.mulf %broadcast_in_dim3A_1532, %bitcast_convert_type3A_1526 : vector<16xf32>
        %add3A_1534 = arith.constant -0.711726904 : f32
        %add3A_1535 = vector.broadcast %add3A_1534 : f32 to vector<16xf32>
        %add3A_1536 = arith.addf %mul3A_1533, %add3A_1535 : vector<16xf32>
        %mul3A_1537 = arith.mulf %add3A_1536, %bitcast_convert_type3A_1526 : vector<16xf32>
        %add3A_1538 = arith.constant 2.08717847 : f32
        %add3A_1539 = vector.broadcast %add3A_1538 : f32 to vector<16xf32>
        %add3A_1540 = arith.addf %mul3A_1537, %add3A_1539 : vector<16xf32>
        %mul3A_1541 = arith.mulf %add3A_1540, %bitcast_convert_type3A_1526 : vector<16xf32>
        %add3A_1542 = arith.constant -1.48072326 : f32
        %add3A_1543 = vector.broadcast %add3A_1542 : f32 to vector<16xf32>
        %add3A_1544 = arith.addf %mul3A_1541, %add3A_1543 : vector<16xf32>
        %mul3A_1545 = arith.constant 0.693147182 : f32
        %mul3A_1546 = vector.broadcast %mul3A_1545 : f32 to vector<16xf32>
        %mul3A_1547 = arith.mulf %convert_element_type3A_1530, %mul3A_1546 : vector<16xf32>
        %add3A_1548 = arith.addf %mul3A_1547, %add3A_1544 : vector<16xf32>
        %mul3A_1549 = arith.mulf %mul3A_1512, %add3A_1548 : vector<16xf32>
        %add3A_1550 = arith.addf %add3A_1501, %mul3A_1549 : vector<16xf32>
        %add3A_1551 = arith.constant 7 : i32
        %add3A_1552 = vector.broadcast %add3A_1551 : i32 to vector<16xi32>
        %add3A_1553 = arith.addi %mul3A_1205, %add3A_1552 : vector<16xi32>
        %gather3A_1554 = tpu.vector_load_idx %arg7[%add3A_1553] : memref<25600xf32, #tpu.memory_space<vmem>>[vector<16xi32>], vector<16xf32>,
        %max3A_1555 = arith.constant 9.99999974E-5 : f32
        %max3A_1556 = vector.broadcast %max3A_1555 : f32 to vector<16xf32>
        %max3A_1557 = arith.maximumf %gather3A_1554, %max3A_1556 : vector<16xf32>
        %min3A_1558 = arith.constant 0.999899983 : f32
        %min3A_1559 = vector.broadcast %min3A_1558 : f32 to vector<16xf32>
        %min3A_1560 = arith.minimumf %max3A_1557, %min3A_1559 : vector<16xf32>
        %mul3A_1561 = arith.mulf %min3A_1560, %min3A_1560 : vector<16xf32>
        %sub3A_1562 = arith.constant 1.000000e+00 : f32
        %sub3A_1563 = vector.broadcast %sub3A_1562 : f32 to vector<16xf32>
        %sub3A_1564 = arith.subf %sub3A_1563, %min3A_1560 : vector<16xf32>
        %bitcast_convert_type3A_1565 = tpu.bitcast %sub3A_1564 : vector<16xf32> -> vector<16xi32>
        %shift_right_arithmetic3A_1566 = arith.constant 23 : i32
        %shift_right_arithmetic3A_1567 = vector.broadcast %shift_right_arithmetic3A_1566 : i32 to vector<16xi32>
        %shift_right_arithmetic3A_1568 = arith.shrsi %bitcast_convert_type3A_1565, %shift_right_arithmetic3A_1567 : vector<16xi32>
        %and3A_1569 = arith.constant 8388607 : i32
        %and3A_1570 = vector.broadcast %and3A_1569 : i32 to vector<16xi32>
        %and3A_1571 = arith.andi %bitcast_convert_type3A_1565, %and3A_1570 : vector<16xi32>
        %or3A_1572 = arith.constant 1065353216 : i32
        %or3A_1573 = vector.broadcast %or3A_1572 : i32 to vector<16xi32>
        %or3A_1574 = arith.ori %and3A_1571, %or3A_1573 : vector<16xi32>
        %bitcast_convert_type3A_1575 = tpu.bitcast %or3A_1574 : vector<16xi32> -> vector<16xf32>
        %sub3A_1576 = arith.constant 127 : i32
        %sub3A_1577 = vector.broadcast %sub3A_1576 : i32 to vector<16xi32>
        %sub3A_1578 = arith.subi %shift_right_arithmetic3A_1568, %sub3A_1577 : vector<16xi32>
        %convert_element_type3A_1579 = arith.sitofp %sub3A_1578 : vector<16xi32> to vector<16xf32>
        %broadcast_in_dim3A_1580 = arith.constant 0.105843775 : f32
        %broadcast_in_dim3A_1581 = vector.broadcast %broadcast_in_dim3A_1580 : f32 to vector<16xf32>
        %mul3A_1582 = arith.mulf %broadcast_in_dim3A_1581, %bitcast_convert_type3A_1575 : vector<16xf32>
        %add3A_1583 = arith.constant -0.711726904 : f32
        %add3A_1584 = vector.broadcast %add3A_1583 : f32 to vector<16xf32>
        %add3A_1585 = arith.addf %mul3A_1582, %add3A_1584 : vector<16xf32>
        %mul3A_1586 = arith.mulf %add3A_1585, %bitcast_convert_type3A_1575 : vector<16xf32>
        %add3A_1587 = arith.constant 2.08717847 : f32
        %add3A_1588 = vector.broadcast %add3A_1587 : f32 to vector<16xf32>
        %add3A_1589 = arith.addf %mul3A_1586, %add3A_1588 : vector<16xf32>
        %mul3A_1590 = arith.mulf %add3A_1589, %bitcast_convert_type3A_1575 : vector<16xf32>
        %add3A_1591 = arith.constant -1.48072326 : f32
        %add3A_1592 = vector.broadcast %add3A_1591 : f32 to vector<16xf32>
        %add3A_1593 = arith.addf %mul3A_1590, %add3A_1592 : vector<16xf32>
        %mul3A_1594 = arith.constant 0.693147182 : f32
        %mul3A_1595 = vector.broadcast %mul3A_1594 : f32 to vector<16xf32>
        %mul3A_1596 = arith.mulf %convert_element_type3A_1579, %mul3A_1595 : vector<16xf32>
        %add3A_1597 = arith.addf %mul3A_1596, %add3A_1593 : vector<16xf32>
        %mul3A_1598 = arith.mulf %mul3A_1561, %add3A_1597 : vector<16xf32>
        %add3A_1599 = arith.addf %add3A_1550, %mul3A_1598 : vector<16xf32>
        %add3A_1600 = arith.constant 8 : i32
        %add3A_1601 = vector.broadcast %add3A_1600 : i32 to vector<16xi32>
        %add3A_1602 = arith.addi %mul3A_1205, %add3A_1601 : vector<16xi32>
        %gather3A_1603 = tpu.vector_load_idx %arg7[%add3A_1602] : memref<25600xf32, #tpu.memory_space<vmem>>[vector<16xi32>], vector<16xf32>,
        %max3A_1604 = arith.constant 9.99999974E-5 : f32
        %max3A_1605 = vector.broadcast %max3A_1604 : f32 to vector<16xf32>
        %max3A_1606 = arith.maximumf %gather3A_1603, %max3A_1605 : vector<16xf32>
        %min3A_1607 = arith.constant 0.999899983 : f32
        %min3A_1608 = vector.broadcast %min3A_1607 : f32 to vector<16xf32>
        %min3A_1609 = arith.minimumf %max3A_1606, %min3A_1608 : vector<16xf32>
        %mul3A_1610 = arith.mulf %min3A_1609, %min3A_1609 : vector<16xf32>
        %sub3A_1611 = arith.constant 1.000000e+00 : f32
        %sub3A_1612 = vector.broadcast %sub3A_1611 : f32 to vector<16xf32>
        %sub3A_1613 = arith.subf %sub3A_1612, %min3A_1609 : vector<16xf32>
        %bitcast_convert_type3A_1614 = tpu.bitcast %sub3A_1613 : vector<16xf32> -> vector<16xi32>
        %shift_right_arithmetic3A_1615 = arith.constant 23 : i32
        %shift_right_arithmetic3A_1616 = vector.broadcast %shift_right_arithmetic3A_1615 : i32 to vector<16xi32>
        %shift_right_arithmetic3A_1617 = arith.shrsi %bitcast_convert_type3A_1614, %shift_right_arithmetic3A_1616 : vector<16xi32>
        %and3A_1618 = arith.constant 8388607 : i32
        %and3A_1619 = vector.broadcast %and3A_1618 : i32 to vector<16xi32>
        %and3A_1620 = arith.andi %bitcast_convert_type3A_1614, %and3A_1619 : vector<16xi32>
        %or3A_1621 = arith.constant 1065353216 : i32
        %or3A_1622 = vector.broadcast %or3A_1621 : i32 to vector<16xi32>
        %or3A_1623 = arith.ori %and3A_1620, %or3A_1622 : vector<16xi32>
        %bitcast_convert_type3A_1624 = tpu.bitcast %or3A_1623 : vector<16xi32> -> vector<16xf32>
        %sub3A_1625 = arith.constant 127 : i32
        %sub3A_1626 = vector.broadcast %sub3A_1625 : i32 to vector<16xi32>
        %sub3A_1627 = arith.subi %shift_right_arithmetic3A_1617, %sub3A_1626 : vector<16xi32>
        %convert_element_type3A_1628 = arith.sitofp %sub3A_1627 : vector<16xi32> to vector<16xf32>
        %broadcast_in_dim3A_1629 = arith.constant 0.105843775 : f32
        %broadcast_in_dim3A_1630 = vector.broadcast %broadcast_in_dim3A_1629 : f32 to vector<16xf32>
        %mul3A_1631 = arith.mulf %broadcast_in_dim3A_1630, %bitcast_convert_type3A_1624 : vector<16xf32>
        %add3A_1632 = arith.constant -0.711726904 : f32
        %add3A_1633 = vector.broadcast %add3A_1632 : f32 to vector<16xf32>
        %add3A_1634 = arith.addf %mul3A_1631, %add3A_1633 : vector<16xf32>
        %mul3A_1635 = arith.mulf %add3A_1634, %bitcast_convert_type3A_1624 : vector<16xf32>
        %add3A_1636 = arith.constant 2.08717847 : f32
        %add3A_1637 = vector.broadcast %add3A_1636 : f32 to vector<16xf32>
        %add3A_1638 = arith.addf %mul3A_1635, %add3A_1637 : vector<16xf32>
        %mul3A_1639 = arith.mulf %add3A_1638, %bitcast_convert_type3A_1624 : vector<16xf32>
        %add3A_1640 = arith.constant -1.48072326 : f32
        %add3A_1641 = vector.broadcast %add3A_1640 : f32 to vector<16xf32>
        %add3A_1642 = arith.addf %mul3A_1639, %add3A_1641 : vector<16xf32>
        %mul3A_1643 = arith.constant 0.693147182 : f32
        %mul3A_1644 = vector.broadcast %mul3A_1643 : f32 to vector<16xf32>
        %mul3A_1645 = arith.mulf %convert_element_type3A_1628, %mul3A_1644 : vector<16xf32>
        %add3A_1646 = arith.addf %mul3A_1645, %add3A_1642 : vector<16xf32>
        %mul3A_1647 = arith.mulf %mul3A_1610, %add3A_1646 : vector<16xf32>
        %add3A_1648 = arith.addf %add3A_1599, %mul3A_1647 : vector<16xf32>
        %add3A_1649 = arith.constant 9 : i32
        %add3A_1650 = vector.broadcast %add3A_1649 : i32 to vector<16xi32>
        %add3A_1651 = arith.addi %mul3A_1205, %add3A_1650 : vector<16xi32>
        %gather3A_1652 = tpu.vector_load_idx %arg7[%add3A_1651] : memref<25600xf32, #tpu.memory_space<vmem>>[vector<16xi32>], vector<16xf32>,
        %max3A_1653 = arith.constant 9.99999974E-5 : f32
        %max3A_1654 = vector.broadcast %max3A_1653 : f32 to vector<16xf32>
        %max3A_1655 = arith.maximumf %gather3A_1652, %max3A_1654 : vector<16xf32>
        %min3A_1656 = arith.constant 0.999899983 : f32
        %min3A_1657 = vector.broadcast %min3A_1656 : f32 to vector<16xf32>
        %min3A_1658 = arith.minimumf %max3A_1655, %min3A_1657 : vector<16xf32>
        %mul3A_1659 = arith.mulf %min3A_1658, %min3A_1658 : vector<16xf32>
        %sub3A_1660 = arith.constant 1.000000e+00 : f32
        %sub3A_1661 = vector.broadcast %sub3A_1660 : f32 to vector<16xf32>
        %sub3A_1662 = arith.subf %sub3A_1661, %min3A_1658 : vector<16xf32>
        %bitcast_convert_type3A_1663 = tpu.bitcast %sub3A_1662 : vector<16xf32> -> vector<16xi32>
        %shift_right_arithmetic3A_1664 = arith.constant 23 : i32
        %shift_right_arithmetic3A_1665 = vector.broadcast %shift_right_arithmetic3A_1664 : i32 to vector<16xi32>
        %shift_right_arithmetic3A_1666 = arith.shrsi %bitcast_convert_type3A_1663, %shift_right_arithmetic3A_1665 : vector<16xi32>
        %and3A_1667 = arith.constant 8388607 : i32
        %and3A_1668 = vector.broadcast %and3A_1667 : i32 to vector<16xi32>
        %and3A_1669 = arith.andi %bitcast_convert_type3A_1663, %and3A_1668 : vector<16xi32>
        %or3A_1670 = arith.constant 1065353216 : i32
        %or3A_1671 = vector.broadcast %or3A_1670 : i32 to vector<16xi32>
        %or3A_1672 = arith.ori %and3A_1669, %or3A_1671 : vector<16xi32>
        %bitcast_convert_type3A_1673 = tpu.bitcast %or3A_1672 : vector<16xi32> -> vector<16xf32>
        %sub3A_1674 = arith.constant 127 : i32
        %sub3A_1675 = vector.broadcast %sub3A_1674 : i32 to vector<16xi32>
        %sub3A_1676 = arith.subi %shift_right_arithmetic3A_1666, %sub3A_1675 : vector<16xi32>
        %convert_element_type3A_1677 = arith.sitofp %sub3A_1676 : vector<16xi32> to vector<16xf32>
        %broadcast_in_dim3A_1678 = arith.constant 0.105843775 : f32
        %broadcast_in_dim3A_1679 = vector.broadcast %broadcast_in_dim3A_1678 : f32 to vector<16xf32>
        %mul3A_1680 = arith.mulf %broadcast_in_dim3A_1679, %bitcast_convert_type3A_1673 : vector<16xf32>
        %add3A_1681 = arith.constant -0.711726904 : f32
        %add3A_1682 = vector.broadcast %add3A_1681 : f32 to vector<16xf32>
        %add3A_1683 = arith.addf %mul3A_1680, %add3A_1682 : vector<16xf32>
        %mul3A_1684 = arith.mulf %add3A_1683, %bitcast_convert_type3A_1673 : vector<16xf32>
        %add3A_1685 = arith.constant 2.08717847 : f32
        %add3A_1686 = vector.broadcast %add3A_1685 : f32 to vector<16xf32>
        %add3A_1687 = arith.addf %mul3A_1684, %add3A_1686 : vector<16xf32>
        %mul3A_1688 = arith.mulf %add3A_1687, %bitcast_convert_type3A_1673 : vector<16xf32>
        %add3A_1689 = arith.constant -1.48072326 : f32
        %add3A_1690 = vector.broadcast %add3A_1689 : f32 to vector<16xf32>
        %add3A_1691 = arith.addf %mul3A_1688, %add3A_1690 : vector<16xf32>
        %mul3A_1692 = arith.constant 0.693147182 : f32
        %mul3A_1693 = vector.broadcast %mul3A_1692 : f32 to vector<16xf32>
        %mul3A_1694 = arith.mulf %convert_element_type3A_1677, %mul3A_1693 : vector<16xf32>
        %add3A_1695 = arith.addf %mul3A_1694, %add3A_1691 : vector<16xf32>
        %mul3A_1696 = arith.mulf %mul3A_1659, %add3A_1695 : vector<16xf32>
        %add3A_1697 = arith.addf %add3A_1648, %mul3A_1696 : vector<16xf32>
        %add3A_1698 = arith.constant 10 : i32
        %add3A_1699 = vector.broadcast %add3A_1698 : i32 to vector<16xi32>
        %add3A_1700 = arith.addi %mul3A_1205, %add3A_1699 : vector<16xi32>
        %gather3A_1701 = tpu.vector_load_idx %arg7[%add3A_1700] : memref<25600xf32, #tpu.memory_space<vmem>>[vector<16xi32>], vector<16xf32>,
        %max3A_1702 = arith.constant 9.99999974E-5 : f32
        %max3A_1703 = vector.broadcast %max3A_1702 : f32 to vector<16xf32>
        %max3A_1704 = arith.maximumf %gather3A_1701, %max3A_1703 : vector<16xf32>
        %min3A_1705 = arith.constant 0.999899983 : f32
        %min3A_1706 = vector.broadcast %min3A_1705 : f32 to vector<16xf32>
        %min3A_1707 = arith.minimumf %max3A_1704, %min3A_1706 : vector<16xf32>
        %mul3A_1708 = arith.mulf %min3A_1707, %min3A_1707 : vector<16xf32>
        %sub3A_1709 = arith.constant 1.000000e+00 : f32
        %sub3A_1710 = vector.broadcast %sub3A_1709 : f32 to vector<16xf32>
        %sub3A_1711 = arith.subf %sub3A_1710, %min3A_1707 : vector<16xf32>
        %bitcast_convert_type3A_1712 = tpu.bitcast %sub3A_1711 : vector<16xf32> -> vector<16xi32>
        %shift_right_arithmetic3A_1713 = arith.constant 23 : i32
        %shift_right_arithmetic3A_1714 = vector.broadcast %shift_right_arithmetic3A_1713 : i32 to vector<16xi32>
        %shift_right_arithmetic3A_1715 = arith.shrsi %bitcast_convert_type3A_1712, %shift_right_arithmetic3A_1714 : vector<16xi32>
        %and3A_1716 = arith.constant 8388607 : i32
        %and3A_1717 = vector.broadcast %and3A_1716 : i32 to vector<16xi32>
        %and3A_1718 = arith.andi %bitcast_convert_type3A_1712, %and3A_1717 : vector<16xi32>
        %or3A_1719 = arith.constant 1065353216 : i32
        %or3A_1720 = vector.broadcast %or3A_1719 : i32 to vector<16xi32>
        %or3A_1721 = arith.ori %and3A_1718, %or3A_1720 : vector<16xi32>
        %bitcast_convert_type3A_1722 = tpu.bitcast %or3A_1721 : vector<16xi32> -> vector<16xf32>
        %sub3A_1723 = arith.constant 127 : i32
        %sub3A_1724 = vector.broadcast %sub3A_1723 : i32 to vector<16xi32>
        %sub3A_1725 = arith.subi %shift_right_arithmetic3A_1715, %sub3A_1724 : vector<16xi32>
        %convert_element_type3A_1726 = arith.sitofp %sub3A_1725 : vector<16xi32> to vector<16xf32>
        %broadcast_in_dim3A_1727 = arith.constant 0.105843775 : f32
        %broadcast_in_dim3A_1728 = vector.broadcast %broadcast_in_dim3A_1727 : f32 to vector<16xf32>
        %mul3A_1729 = arith.mulf %broadcast_in_dim3A_1728, %bitcast_convert_type3A_1722 : vector<16xf32>
        %add3A_1730 = arith.constant -0.711726904 : f32
        %add3A_1731 = vector.broadcast %add3A_1730 : f32 to vector<16xf32>
        %add3A_1732 = arith.addf %mul3A_1729, %add3A_1731 : vector<16xf32>
        %mul3A_1733 = arith.mulf %add3A_1732, %bitcast_convert_type3A_1722 : vector<16xf32>
        %add3A_1734 = arith.constant 2.08717847 : f32
        %add3A_1735 = vector.broadcast %add3A_1734 : f32 to vector<16xf32>
        %add3A_1736 = arith.addf %mul3A_1733, %add3A_1735 : vector<16xf32>
        %mul3A_1737 = arith.mulf %add3A_1736, %bitcast_convert_type3A_1722 : vector<16xf32>
        %add3A_1738 = arith.constant -1.48072326 : f32
        %add3A_1739 = vector.broadcast %add3A_1738 : f32 to vector<16xf32>
        %add3A_1740 = arith.addf %mul3A_1737, %add3A_1739 : vector<16xf32>
        %mul3A_1741 = arith.constant 0.693147182 : f32
        %mul3A_1742 = vector.broadcast %mul3A_1741 : f32 to vector<16xf32>
        %mul3A_1743 = arith.mulf %convert_element_type3A_1726, %mul3A_1742 : vector<16xf32>
        %add3A_1744 = arith.addf %mul3A_1743, %add3A_1740 : vector<16xf32>
        %mul3A_1745 = arith.mulf %mul3A_1708, %add3A_1744 : vector<16xf32>
        %add3A_1746 = arith.addf %add3A_1697, %mul3A_1745 : vector<16xf32>
        %add3A_1747 = arith.constant 11 : i32
        %add3A_1748 = vector.broadcast %add3A_1747 : i32 to vector<16xi32>
        %add3A_1749 = arith.addi %mul3A_1205, %add3A_1748 : vector<16xi32>
        %gather3A_1750 = tpu.vector_load_idx %arg7[%add3A_1749] : memref<25600xf32, #tpu.memory_space<vmem>>[vector<16xi32>], vector<16xf32>,
        %max3A_1751 = arith.constant 9.99999974E-5 : f32
        %max3A_1752 = vector.broadcast %max3A_1751 : f32 to vector<16xf32>
        %max3A_1753 = arith.maximumf %gather3A_1750, %max3A_1752 : vector<16xf32>
        %min3A_1754 = arith.constant 0.999899983 : f32
        %min3A_1755 = vector.broadcast %min3A_1754 : f32 to vector<16xf32>
        %min3A_1756 = arith.minimumf %max3A_1753, %min3A_1755 : vector<16xf32>
        %mul3A_1757 = arith.mulf %min3A_1756, %min3A_1756 : vector<16xf32>
        %sub3A_1758 = arith.constant 1.000000e+00 : f32
        %sub3A_1759 = vector.broadcast %sub3A_1758 : f32 to vector<16xf32>
        %sub3A_1760 = arith.subf %sub3A_1759, %min3A_1756 : vector<16xf32>
        %bitcast_convert_type3A_1761 = tpu.bitcast %sub3A_1760 : vector<16xf32> -> vector<16xi32>
        %shift_right_arithmetic3A_1762 = arith.constant 23 : i32
        %shift_right_arithmetic3A_1763 = vector.broadcast %shift_right_arithmetic3A_1762 : i32 to vector<16xi32>
        %shift_right_arithmetic3A_1764 = arith.shrsi %bitcast_convert_type3A_1761, %shift_right_arithmetic3A_1763 : vector<16xi32>
        %and3A_1765 = arith.constant 8388607 : i32
        %and3A_1766 = vector.broadcast %and3A_1765 : i32 to vector<16xi32>
        %and3A_1767 = arith.andi %bitcast_convert_type3A_1761, %and3A_1766 : vector<16xi32>
        %or3A_1768 = arith.constant 1065353216 : i32
        %or3A_1769 = vector.broadcast %or3A_1768 : i32 to vector<16xi32>
        %or3A_1770 = arith.ori %and3A_1767, %or3A_1769 : vector<16xi32>
        %bitcast_convert_type3A_1771 = tpu.bitcast %or3A_1770 : vector<16xi32> -> vector<16xf32>
        %sub3A_1772 = arith.constant 127 : i32
        %sub3A_1773 = vector.broadcast %sub3A_1772 : i32 to vector<16xi32>
        %sub3A_1774 = arith.subi %shift_right_arithmetic3A_1764, %sub3A_1773 : vector<16xi32>
        %convert_element_type3A_1775 = arith.sitofp %sub3A_1774 : vector<16xi32> to vector<16xf32>
        %broadcast_in_dim3A_1776 = arith.constant 0.105843775 : f32
        %broadcast_in_dim3A_1777 = vector.broadcast %broadcast_in_dim3A_1776 : f32 to vector<16xf32>
        %mul3A_1778 = arith.mulf %broadcast_in_dim3A_1777, %bitcast_convert_type3A_1771 : vector<16xf32>
        %add3A_1779 = arith.constant -0.711726904 : f32
        %add3A_1780 = vector.broadcast %add3A_1779 : f32 to vector<16xf32>
        %add3A_1781 = arith.addf %mul3A_1778, %add3A_1780 : vector<16xf32>
        %mul3A_1782 = arith.mulf %add3A_1781, %bitcast_convert_type3A_1771 : vector<16xf32>
        %add3A_1783 = arith.constant 2.08717847 : f32
        %add3A_1784 = vector.broadcast %add3A_1783 : f32 to vector<16xf32>
        %add3A_1785 = arith.addf %mul3A_1782, %add3A_1784 : vector<16xf32>
        %mul3A_1786 = arith.mulf %add3A_1785, %bitcast_convert_type3A_1771 : vector<16xf32>
        %add3A_1787 = arith.constant -1.48072326 : f32
        %add3A_1788 = vector.broadcast %add3A_1787 : f32 to vector<16xf32>
        %add3A_1789 = arith.addf %mul3A_1786, %add3A_1788 : vector<16xf32>
        %mul3A_1790 = arith.constant 0.693147182 : f32
        %mul3A_1791 = vector.broadcast %mul3A_1790 : f32 to vector<16xf32>
        %mul3A_1792 = arith.mulf %convert_element_type3A_1775, %mul3A_1791 : vector<16xf32>
        %add3A_1793 = arith.addf %mul3A_1792, %add3A_1789 : vector<16xf32>
        %mul3A_1794 = arith.mulf %mul3A_1757, %add3A_1793 : vector<16xf32>
        %add3A_1795 = arith.addf %add3A_1746, %mul3A_1794 : vector<16xf32>
        %add3A_1796 = arith.constant 12 : i32
        %add3A_1797 = vector.broadcast %add3A_1796 : i32 to vector<16xi32>
        %add3A_1798 = arith.addi %mul3A_1205, %add3A_1797 : vector<16xi32>
        %gather3A_1799 = tpu.vector_load_idx %arg7[%add3A_1798] : memref<25600xf32, #tpu.memory_space<vmem>>[vector<16xi32>], vector<16xf32>,
        %max3A_1800 = arith.constant 9.99999974E-5 : f32
        %max3A_1801 = vector.broadcast %max3A_1800 : f32 to vector<16xf32>
        %max3A_1802 = arith.maximumf %gather3A_1799, %max3A_1801 : vector<16xf32>
        %min3A_1803 = arith.constant 0.999899983 : f32
        %min3A_1804 = vector.broadcast %min3A_1803 : f32 to vector<16xf32>
        %min3A_1805 = arith.minimumf %max3A_1802, %min3A_1804 : vector<16xf32>
        %mul3A_1806 = arith.mulf %min3A_1805, %min3A_1805 : vector<16xf32>
        %sub3A_1807 = arith.constant 1.000000e+00 : f32
        %sub3A_1808 = vector.broadcast %sub3A_1807 : f32 to vector<16xf32>
        %sub3A_1809 = arith.subf %sub3A_1808, %min3A_1805 : vector<16xf32>
        %bitcast_convert_type3A_1810 = tpu.bitcast %sub3A_1809 : vector<16xf32> -> vector<16xi32>
        %shift_right_arithmetic3A_1811 = arith.constant 23 : i32
        %shift_right_arithmetic3A_1812 = vector.broadcast %shift_right_arithmetic3A_1811 : i32 to vector<16xi32>
        %shift_right_arithmetic3A_1813 = arith.shrsi %bitcast_convert_type3A_1810, %shift_right_arithmetic3A_1812 : vector<16xi32>
        %and3A_1814 = arith.constant 8388607 : i32
        %and3A_1815 = vector.broadcast %and3A_1814 : i32 to vector<16xi32>
        %and3A_1816 = arith.andi %bitcast_convert_type3A_1810, %and3A_1815 : vector<16xi32>
        %or3A_1817 = arith.constant 1065353216 : i32
        %or3A_1818 = vector.broadcast %or3A_1817 : i32 to vector<16xi32>
        %or3A_1819 = arith.ori %and3A_1816, %or3A_1818 : vector<16xi32>
        %bitcast_convert_type3A_1820 = tpu.bitcast %or3A_1819 : vector<16xi32> -> vector<16xf32>
        %sub3A_1821 = arith.constant 127 : i32
        %sub3A_1822 = vector.broadcast %sub3A_1821 : i32 to vector<16xi32>
        %sub3A_1823 = arith.subi %shift_right_arithmetic3A_1813, %sub3A_1822 : vector<16xi32>
        %convert_element_type3A_1824 = arith.sitofp %sub3A_1823 : vector<16xi32> to vector<16xf32>
        %broadcast_in_dim3A_1825 = arith.constant 0.105843775 : f32
        %broadcast_in_dim3A_1826 = vector.broadcast %broadcast_in_dim3A_1825 : f32 to vector<16xf32>
        %mul3A_1827 = arith.mulf %broadcast_in_dim3A_1826, %bitcast_convert_type3A_1820 : vector<16xf32>
        %add3A_1828 = arith.constant -0.711726904 : f32
        %add3A_1829 = vector.broadcast %add3A_1828 : f32 to vector<16xf32>
        %add3A_1830 = arith.addf %mul3A_1827, %add3A_1829 : vector<16xf32>
        %mul3A_1831 = arith.mulf %add3A_1830, %bitcast_convert_type3A_1820 : vector<16xf32>
        %add3A_1832 = arith.constant 2.08717847 : f32
        %add3A_1833 = vector.broadcast %add3A_1832 : f32 to vector<16xf32>
        %add3A_1834 = arith.addf %mul3A_1831, %add3A_1833 : vector<16xf32>
        %mul3A_1835 = arith.mulf %add3A_1834, %bitcast_convert_type3A_1820 : vector<16xf32>
        %add3A_1836 = arith.constant -1.48072326 : f32
        %add3A_1837 = vector.broadcast %add3A_1836 : f32 to vector<16xf32>
        %add3A_1838 = arith.addf %mul3A_1835, %add3A_1837 : vector<16xf32>
        %mul3A_1839 = arith.constant 0.693147182 : f32
        %mul3A_1840 = vector.broadcast %mul3A_1839 : f32 to vector<16xf32>
        %mul3A_1841 = arith.mulf %convert_element_type3A_1824, %mul3A_1840 : vector<16xf32>
        %add3A_1842 = arith.addf %mul3A_1841, %add3A_1838 : vector<16xf32>
        %mul3A_1843 = arith.mulf %mul3A_1806, %add3A_1842 : vector<16xf32>
        %add3A_1844 = arith.addf %add3A_1795, %mul3A_1843 : vector<16xf32>
        %add3A_1845 = arith.constant 13 : i32
        %add3A_1846 = vector.broadcast %add3A_1845 : i32 to vector<16xi32>
        %add3A_1847 = arith.addi %mul3A_1205, %add3A_1846 : vector<16xi32>
        %gather3A_1848 = tpu.vector_load_idx %arg7[%add3A_1847] : memref<25600xf32, #tpu.memory_space<vmem>>[vector<16xi32>], vector<16xf32>,
        %max3A_1849 = arith.constant 9.99999974E-5 : f32
        %max3A_1850 = vector.broadcast %max3A_1849 : f32 to vector<16xf32>
        %max3A_1851 = arith.maximumf %gather3A_1848, %max3A_1850 : vector<16xf32>
        %min3A_1852 = arith.constant 0.999899983 : f32
        %min3A_1853 = vector.broadcast %min3A_1852 : f32 to vector<16xf32>
        %min3A_1854 = arith.minimumf %max3A_1851, %min3A_1853 : vector<16xf32>
        %mul3A_1855 = arith.mulf %min3A_1854, %min3A_1854 : vector<16xf32>
        %sub3A_1856 = arith.constant 1.000000e+00 : f32
        %sub3A_1857 = vector.broadcast %sub3A_1856 : f32 to vector<16xf32>
        %sub3A_1858 = arith.subf %sub3A_1857, %min3A_1854 : vector<16xf32>
        %bitcast_convert_type3A_1859 = tpu.bitcast %sub3A_1858 : vector<16xf32> -> vector<16xi32>
        %shift_right_arithmetic3A_1860 = arith.constant 23 : i32
        %shift_right_arithmetic3A_1861 = vector.broadcast %shift_right_arithmetic3A_1860 : i32 to vector<16xi32>
        %shift_right_arithmetic3A_1862 = arith.shrsi %bitcast_convert_type3A_1859, %shift_right_arithmetic3A_1861 : vector<16xi32>
        %and3A_1863 = arith.constant 8388607 : i32
        %and3A_1864 = vector.broadcast %and3A_1863 : i32 to vector<16xi32>
        %and3A_1865 = arith.andi %bitcast_convert_type3A_1859, %and3A_1864 : vector<16xi32>
        %or3A_1866 = arith.constant 1065353216 : i32
        %or3A_1867 = vector.broadcast %or3A_1866 : i32 to vector<16xi32>
        %or3A_1868 = arith.ori %and3A_1865, %or3A_1867 : vector<16xi32>
        %bitcast_convert_type3A_1869 = tpu.bitcast %or3A_1868 : vector<16xi32> -> vector<16xf32>
        %sub3A_1870 = arith.constant 127 : i32
        %sub3A_1871 = vector.broadcast %sub3A_1870 : i32 to vector<16xi32>
        %sub3A_1872 = arith.subi %shift_right_arithmetic3A_1862, %sub3A_1871 : vector<16xi32>
        %convert_element_type3A_1873 = arith.sitofp %sub3A_1872 : vector<16xi32> to vector<16xf32>
        %broadcast_in_dim3A_1874 = arith.constant 0.105843775 : f32
        %broadcast_in_dim3A_1875 = vector.broadcast %broadcast_in_dim3A_1874 : f32 to vector<16xf32>
        %mul3A_1876 = arith.mulf %broadcast_in_dim3A_1875, %bitcast_convert_type3A_1869 : vector<16xf32>
        %add3A_1877 = arith.constant -0.711726904 : f32
        %add3A_1878 = vector.broadcast %add3A_1877 : f32 to vector<16xf32>
        %add3A_1879 = arith.addf %mul3A_1876, %add3A_1878 : vector<16xf32>
        %mul3A_1880 = arith.mulf %add3A_1879, %bitcast_convert_type3A_1869 : vector<16xf32>
        %add3A_1881 = arith.constant 2.08717847 : f32
        %add3A_1882 = vector.broadcast %add3A_1881 : f32 to vector<16xf32>
        %add3A_1883 = arith.addf %mul3A_1880, %add3A_1882 : vector<16xf32>
        %mul3A_1884 = arith.mulf %add3A_1883, %bitcast_convert_type3A_1869 : vector<16xf32>
        %add3A_1885 = arith.constant -1.48072326 : f32
        %add3A_1886 = vector.broadcast %add3A_1885 : f32 to vector<16xf32>
        %add3A_1887 = arith.addf %mul3A_1884, %add3A_1886 : vector<16xf32>
        %mul3A_1888 = arith.constant 0.693147182 : f32
        %mul3A_1889 = vector.broadcast %mul3A_1888 : f32 to vector<16xf32>
        %mul3A_1890 = arith.mulf %convert_element_type3A_1873, %mul3A_1889 : vector<16xf32>
        %add3A_1891 = arith.addf %mul3A_1890, %add3A_1887 : vector<16xf32>
        %mul3A_1892 = arith.mulf %mul3A_1855, %add3A_1891 : vector<16xf32>
        %add3A_1893 = arith.addf %add3A_1844, %mul3A_1892 : vector<16xf32>
        %add3A_1894 = arith.constant 14 : i32
        %add3A_1895 = vector.broadcast %add3A_1894 : i32 to vector<16xi32>
        %add3A_1896 = arith.addi %mul3A_1205, %add3A_1895 : vector<16xi32>
        %gather3A_1897 = tpu.vector_load_idx %arg7[%add3A_1896] : memref<25600xf32, #tpu.memory_space<vmem>>[vector<16xi32>], vector<16xf32>,
        %max3A_1898 = arith.constant 9.99999974E-5 : f32
        %max3A_1899 = vector.broadcast %max3A_1898 : f32 to vector<16xf32>
        %max3A_1900 = arith.maximumf %gather3A_1897, %max3A_1899 : vector<16xf32>
        %min3A_1901 = arith.constant 0.999899983 : f32
        %min3A_1902 = vector.broadcast %min3A_1901 : f32 to vector<16xf32>
        %min3A_1903 = arith.minimumf %max3A_1900, %min3A_1902 : vector<16xf32>
        %mul3A_1904 = arith.mulf %min3A_1903, %min3A_1903 : vector<16xf32>
        %sub3A_1905 = arith.constant 1.000000e+00 : f32
        %sub3A_1906 = vector.broadcast %sub3A_1905 : f32 to vector<16xf32>
        %sub3A_1907 = arith.subf %sub3A_1906, %min3A_1903 : vector<16xf32>
        %bitcast_convert_type3A_1908 = tpu.bitcast %sub3A_1907 : vector<16xf32> -> vector<16xi32>
        %shift_right_arithmetic3A_1909 = arith.constant 23 : i32
        %shift_right_arithmetic3A_1910 = vector.broadcast %shift_right_arithmetic3A_1909 : i32 to vector<16xi32>
        %shift_right_arithmetic3A_1911 = arith.shrsi %bitcast_convert_type3A_1908, %shift_right_arithmetic3A_1910 : vector<16xi32>
        %and3A_1912 = arith.constant 8388607 : i32
        %and3A_1913 = vector.broadcast %and3A_1912 : i32 to vector<16xi32>
        %and3A_1914 = arith.andi %bitcast_convert_type3A_1908, %and3A_1913 : vector<16xi32>
        %or3A_1915 = arith.constant 1065353216 : i32
        %or3A_1916 = vector.broadcast %or3A_1915 : i32 to vector<16xi32>
        %or3A_1917 = arith.ori %and3A_1914, %or3A_1916 : vector<16xi32>
        %bitcast_convert_type3A_1918 = tpu.bitcast %or3A_1917 : vector<16xi32> -> vector<16xf32>
        %sub3A_1919 = arith.constant 127 : i32
        %sub3A_1920 = vector.broadcast %sub3A_1919 : i32 to vector<16xi32>
        %sub3A_1921 = arith.subi %shift_right_arithmetic3A_1911, %sub3A_1920 : vector<16xi32>
        %convert_element_type3A_1922 = arith.sitofp %sub3A_1921 : vector<16xi32> to vector<16xf32>
        %broadcast_in_dim3A_1923 = arith.constant 0.105843775 : f32
        %broadcast_in_dim3A_1924 = vector.broadcast %broadcast_in_dim3A_1923 : f32 to vector<16xf32>
        %mul3A_1925 = arith.mulf %broadcast_in_dim3A_1924, %bitcast_convert_type3A_1918 : vector<16xf32>
        %add3A_1926 = arith.constant -0.711726904 : f32
        %add3A_1927 = vector.broadcast %add3A_1926 : f32 to vector<16xf32>
        %add3A_1928 = arith.addf %mul3A_1925, %add3A_1927 : vector<16xf32>
        %mul3A_1929 = arith.mulf %add3A_1928, %bitcast_convert_type3A_1918 : vector<16xf32>
        %add3A_1930 = arith.constant 2.08717847 : f32
        %add3A_1931 = vector.broadcast %add3A_1930 : f32 to vector<16xf32>
        %add3A_1932 = arith.addf %mul3A_1929, %add3A_1931 : vector<16xf32>
        %mul3A_1933 = arith.mulf %add3A_1932, %bitcast_convert_type3A_1918 : vector<16xf32>
        %add3A_1934 = arith.constant -1.48072326 : f32
        %add3A_1935 = vector.broadcast %add3A_1934 : f32 to vector<16xf32>
        %add3A_1936 = arith.addf %mul3A_1933, %add3A_1935 : vector<16xf32>
        %mul3A_1937 = arith.constant 0.693147182 : f32
        %mul3A_1938 = vector.broadcast %mul3A_1937 : f32 to vector<16xf32>
        %mul3A_1939 = arith.mulf %convert_element_type3A_1922, %mul3A_1938 : vector<16xf32>
        %add3A_1940 = arith.addf %mul3A_1939, %add3A_1936 : vector<16xf32>
        %mul3A_1941 = arith.mulf %mul3A_1904, %add3A_1940 : vector<16xf32>
        %add3A_1942 = arith.addf %add3A_1893, %mul3A_1941 : vector<16xf32>
        %add3A_1943 = arith.constant 15 : i32
        %add3A_1944 = vector.broadcast %add3A_1943 : i32 to vector<16xi32>
        %add3A_1945 = arith.addi %mul3A_1205, %add3A_1944 : vector<16xi32>
        %gather3A_1946 = tpu.vector_load_idx %arg7[%add3A_1945] : memref<25600xf32, #tpu.memory_space<vmem>>[vector<16xi32>], vector<16xf32>,
        %max3A_1947 = arith.constant 9.99999974E-5 : f32
        %max3A_1948 = vector.broadcast %max3A_1947 : f32 to vector<16xf32>
        %max3A_1949 = arith.maximumf %gather3A_1946, %max3A_1948 : vector<16xf32>
        %min3A_1950 = arith.constant 0.999899983 : f32
        %min3A_1951 = vector.broadcast %min3A_1950 : f32 to vector<16xf32>
        %min3A_1952 = arith.minimumf %max3A_1949, %min3A_1951 : vector<16xf32>
        %mul3A_1953 = arith.mulf %min3A_1952, %min3A_1952 : vector<16xf32>
        %sub3A_1954 = arith.constant 1.000000e+00 : f32
        %sub3A_1955 = vector.broadcast %sub3A_1954 : f32 to vector<16xf32>
        %sub3A_1956 = arith.subf %sub3A_1955, %min3A_1952 : vector<16xf32>
        %bitcast_convert_type3A_1957 = tpu.bitcast %sub3A_1956 : vector<16xf32> -> vector<16xi32>
        %shift_right_arithmetic3A_1958 = arith.constant 23 : i32
        %shift_right_arithmetic3A_1959 = vector.broadcast %shift_right_arithmetic3A_1958 : i32 to vector<16xi32>
        %shift_right_arithmetic3A_1960 = arith.shrsi %bitcast_convert_type3A_1957, %shift_right_arithmetic3A_1959 : vector<16xi32>
        %and3A_1961 = arith.constant 8388607 : i32
        %and3A_1962 = vector.broadcast %and3A_1961 : i32 to vector<16xi32>
        %and3A_1963 = arith.andi %bitcast_convert_type3A_1957, %and3A_1962 : vector<16xi32>
        %or3A_1964 = arith.constant 1065353216 : i32
        %or3A_1965 = vector.broadcast %or3A_1964 : i32 to vector<16xi32>
        %or3A_1966 = arith.ori %and3A_1963, %or3A_1965 : vector<16xi32>
        %bitcast_convert_type3A_1967 = tpu.bitcast %or3A_1966 : vector<16xi32> -> vector<16xf32>
        %sub3A_1968 = arith.constant 127 : i32
        %sub3A_1969 = vector.broadcast %sub3A_1968 : i32 to vector<16xi32>
        %sub3A_1970 = arith.subi %shift_right_arithmetic3A_1960, %sub3A_1969 : vector<16xi32>
        %convert_element_type3A_1971 = arith.sitofp %sub3A_1970 : vector<16xi32> to vector<16xf32>
        %broadcast_in_dim3A_1972 = arith.constant 0.105843775 : f32
        %broadcast_in_dim3A_1973 = vector.broadcast %broadcast_in_dim3A_1972 : f32 to vector<16xf32>
        %mul3A_1974 = arith.mulf %broadcast_in_dim3A_1973, %bitcast_convert_type3A_1967 : vector<16xf32>
        %add3A_1975 = arith.constant -0.711726904 : f32
        %add3A_1976 = vector.broadcast %add3A_1975 : f32 to vector<16xf32>
        %add3A_1977 = arith.addf %mul3A_1974, %add3A_1976 : vector<16xf32>
        %mul3A_1978 = arith.mulf %add3A_1977, %bitcast_convert_type3A_1967 : vector<16xf32>
        %add3A_1979 = arith.constant 2.08717847 : f32
        %add3A_1980 = vector.broadcast %add3A_1979 : f32 to vector<16xf32>
        %add3A_1981 = arith.addf %mul3A_1978, %add3A_1980 : vector<16xf32>
        %mul3A_1982 = arith.mulf %add3A_1981, %bitcast_convert_type3A_1967 : vector<16xf32>
        %add3A_1983 = arith.constant -1.48072326 : f32
        %add3A_1984 = vector.broadcast %add3A_1983 : f32 to vector<16xf32>
        %add3A_1985 = arith.addf %mul3A_1982, %add3A_1984 : vector<16xf32>
        %mul3A_1986 = arith.constant 0.693147182 : f32
        %mul3A_1987 = vector.broadcast %mul3A_1986 : f32 to vector<16xf32>
        %mul3A_1988 = arith.mulf %convert_element_type3A_1971, %mul3A_1987 : vector<16xf32>
        %add3A_1989 = arith.addf %mul3A_1988, %add3A_1985 : vector<16xf32>
        %mul3A_1990 = arith.mulf %mul3A_1953, %add3A_1989 : vector<16xf32>
        %add3A_1991 = arith.addf %add3A_1942, %mul3A_1990 : vector<16xf32>
        %convert_element_type3A_1992 = arith.fptosi %gather3A_1170 : vector<16xf32> to vector<16xi32>
        %add3A_1993 = arith.addi %mul3A_1205, %convert_element_type3A_1992 : vector<16xi32>
        %gather3A_1994 = tpu.vector_load_idx %arg7[%add3A_1993] : memref<25600xf32, #tpu.memory_space<vmem>>[vector<16xi32>], vector<16xf32>,
        %max3A_1995 = arith.constant 9.99999974E-5 : f32
        %max3A_1996 = vector.broadcast %max3A_1995 : f32 to vector<16xf32>
        %max3A_1997 = arith.maximumf %gather3A_1994, %max3A_1996 : vector<16xf32>
        %min3A_1998 = arith.constant 0.999899983 : f32
        %min3A_1999 = vector.broadcast %min3A_1998 : f32 to vector<16xf32>
        %min3A_2000 = arith.minimumf %max3A_1997, %min3A_1999 : vector<16xf32>
        %sub3A_2001 = arith.constant 1.000000e+00 : f32
        %sub3A_2002 = vector.broadcast %sub3A_2001 : f32 to vector<16xf32>
        %sub3A_2003 = arith.subf %sub3A_2002, %min3A_2000 : vector<16xf32>
        %mul3A_2004 = arith.mulf %min3A_2000, %min3A_2000 : vector<16xf32>
        %mul3A_2005 = arith.constant 5.000000e-02 : f32
        %mul3A_2006 = vector.broadcast %mul3A_2005 : f32 to vector<16xf32>
        %mul3A_2007 = arith.mulf %mul3A_2006, %mul3A_2004 : vector<16xf32>
        %bitcast_convert_type3A_2008 = tpu.bitcast %sub3A_2003 : vector<16xf32> -> vector<16xi32>
        %shift_right_arithmetic3A_2009 = arith.constant 23 : i32
        %shift_right_arithmetic3A_2010 = vector.broadcast %shift_right_arithmetic3A_2009 : i32 to vector<16xi32>
        %shift_right_arithmetic3A_2011 = arith.shrsi %bitcast_convert_type3A_2008, %shift_right_arithmetic3A_2010 : vector<16xi32>
        %and3A_2012 = arith.constant 8388607 : i32
        %and3A_2013 = vector.broadcast %and3A_2012 : i32 to vector<16xi32>
        %and3A_2014 = arith.andi %bitcast_convert_type3A_2008, %and3A_2013 : vector<16xi32>
        %or3A_2015 = arith.constant 1065353216 : i32
        %or3A_2016 = vector.broadcast %or3A_2015 : i32 to vector<16xi32>
        %or3A_2017 = arith.ori %and3A_2014, %or3A_2016 : vector<16xi32>
        %bitcast_convert_type3A_2018 = tpu.bitcast %or3A_2017 : vector<16xi32> -> vector<16xf32>
        %sub3A_2019 = arith.constant 127 : i32
        %sub3A_2020 = vector.broadcast %sub3A_2019 : i32 to vector<16xi32>
        %sub3A_2021 = arith.subi %shift_right_arithmetic3A_2011, %sub3A_2020 : vector<16xi32>
        %convert_element_type3A_2022 = arith.sitofp %sub3A_2021 : vector<16xi32> to vector<16xf32>
        %broadcast_in_dim3A_2023 = arith.constant 0.105843775 : f32
        %broadcast_in_dim3A_2024 = vector.broadcast %broadcast_in_dim3A_2023 : f32 to vector<16xf32>
        %mul3A_2025 = arith.mulf %broadcast_in_dim3A_2024, %bitcast_convert_type3A_2018 : vector<16xf32>
        %add3A_2026 = arith.constant -0.711726904 : f32
        %add3A_2027 = vector.broadcast %add3A_2026 : f32 to vector<16xf32>
        %add3A_2028 = arith.addf %mul3A_2025, %add3A_2027 : vector<16xf32>
        %mul3A_2029 = arith.mulf %add3A_2028, %bitcast_convert_type3A_2018 : vector<16xf32>
        %add3A_2030 = arith.constant 2.08717847 : f32
        %add3A_2031 = vector.broadcast %add3A_2030 : f32 to vector<16xf32>
        %add3A_2032 = arith.addf %mul3A_2029, %add3A_2031 : vector<16xf32>
        %mul3A_2033 = arith.mulf %add3A_2032, %bitcast_convert_type3A_2018 : vector<16xf32>
        %add3A_2034 = arith.constant -1.48072326 : f32
        %add3A_2035 = vector.broadcast %add3A_2034 : f32 to vector<16xf32>
        %add3A_2036 = arith.addf %mul3A_2033, %add3A_2035 : vector<16xf32>
        %mul3A_2037 = arith.constant 0.693147182 : f32
        %mul3A_2038 = vector.broadcast %mul3A_2037 : f32 to vector<16xf32>
        %mul3A_2039 = arith.mulf %convert_element_type3A_2022, %mul3A_2038 : vector<16xf32>
        %add3A_2040 = arith.addf %mul3A_2039, %add3A_2036 : vector<16xf32>
        %mul3A_2041 = arith.mulf %mul3A_2007, %add3A_2040 : vector<16xf32>
        %mul3A_2042 = arith.mulf %sub3A_2003, %sub3A_2003 : vector<16xf32>
        %mul3A_2043 = arith.constant 0.949999988 : f32
        %mul3A_2044 = vector.broadcast %mul3A_2043 : f32 to vector<16xf32>
        %mul3A_2045 = arith.mulf %mul3A_2044, %mul3A_2042 : vector<16xf32>
        %bitcast_convert_type3A_2046 = tpu.bitcast %min3A_2000 : vector<16xf32> -> vector<16xi32>
        %shift_right_arithmetic3A_2047 = arith.constant 23 : i32
        %shift_right_arithmetic3A_2048 = vector.broadcast %shift_right_arithmetic3A_2047 : i32 to vector<16xi32>
        %shift_right_arithmetic3A_2049 = arith.shrsi %bitcast_convert_type3A_2046, %shift_right_arithmetic3A_2048 : vector<16xi32>
        %and3A_2050 = arith.constant 8388607 : i32
        %and3A_2051 = vector.broadcast %and3A_2050 : i32 to vector<16xi32>
        %and3A_2052 = arith.andi %bitcast_convert_type3A_2046, %and3A_2051 : vector<16xi32>
        %or3A_2053 = arith.constant 1065353216 : i32
        %or3A_2054 = vector.broadcast %or3A_2053 : i32 to vector<16xi32>
        %or3A_2055 = arith.ori %and3A_2052, %or3A_2054 : vector<16xi32>
        %bitcast_convert_type3A_2056 = tpu.bitcast %or3A_2055 : vector<16xi32> -> vector<16xf32>
        %sub3A_2057 = arith.constant 127 : i32
        %sub3A_2058 = vector.broadcast %sub3A_2057 : i32 to vector<16xi32>
        %sub3A_2059 = arith.subi %shift_right_arithmetic3A_2049, %sub3A_2058 : vector<16xi32>
        %convert_element_type3A_2060 = arith.sitofp %sub3A_2059 : vector<16xi32> to vector<16xf32>
        %broadcast_in_dim3A_2061 = arith.constant 0.105843775 : f32
        %broadcast_in_dim3A_2062 = vector.broadcast %broadcast_in_dim3A_2061 : f32 to vector<16xf32>
        %mul3A_2063 = arith.mulf %broadcast_in_dim3A_2062, %bitcast_convert_type3A_2056 : vector<16xf32>
        %add3A_2064 = arith.constant -0.711726904 : f32
        %add3A_2065 = vector.broadcast %add3A_2064 : f32 to vector<16xf32>
        %add3A_2066 = arith.addf %mul3A_2063, %add3A_2065 : vector<16xf32>
        %mul3A_2067 = arith.mulf %add3A_2066, %bitcast_convert_type3A_2056 : vector<16xf32>
        %add3A_2068 = arith.constant 2.08717847 : f32
        %add3A_2069 = vector.broadcast %add3A_2068 : f32 to vector<16xf32>
        %add3A_2070 = arith.addf %mul3A_2067, %add3A_2069 : vector<16xf32>
        %mul3A_2071 = arith.mulf %add3A_2070, %bitcast_convert_type3A_2056 : vector<16xf32>
        %add3A_2072 = arith.constant -1.48072326 : f32
        %add3A_2073 = vector.broadcast %add3A_2072 : f32 to vector<16xf32>
        %add3A_2074 = arith.addf %mul3A_2071, %add3A_2073 : vector<16xf32>
        %mul3A_2075 = arith.constant 0.693147182 : f32
        %mul3A_2076 = vector.broadcast %mul3A_2075 : f32 to vector<16xf32>
        %mul3A_2077 = arith.mulf %convert_element_type3A_2060, %mul3A_2076 : vector<16xf32>
        %add3A_2078 = arith.addf %mul3A_2077, %add3A_2074 : vector<16xf32>
        %mul3A_2079 = arith.mulf %mul3A_2045, %add3A_2078 : vector<16xf32>
        %sub3A_2080 = arith.subf %mul3A_2041, %mul3A_2079 : vector<16xf32>
        %mul3A_2081 = arith.constant -5.000000e-02 : f32
        %mul3A_2082 = vector.broadcast %mul3A_2081 : f32 to vector<16xf32>
        %mul3A_2083 = arith.mulf %mul3A_2082, %add3A_1991 : vector<16xf32>
        %jit3A_2084 = arith.constant 0.000000e+00 : f32
        %broadcast_in_dim3A_2085 = vector.broadcast %jit3A_2084 : f32 to vector<16xf32>
        %select_n3A_2086 = arith.select %and3A_1194, %mul3A_2083, %broadcast_in_dim3A_2085 : vector<16xi1>, vector<16xf32>
        %add3A_2087 = arith.addf %add3A_1087, %select_n3A_2086 : vector<16xf32>
        %jit3A_2088 = arith.constant 0.000000e+00 : f32
        %broadcast_in_dim3A_2089 = vector.broadcast %jit3A_2088 : f32 to vector<16xf32>
        %select_n3A_2090 = arith.select %and3A_1192, %sub3A_2080, %broadcast_in_dim3A_2089 : vector<16xi1>, vector<16xf32>
        %add3A_2091 = arith.addf %add3A_2087, %select_n3A_2090 : vector<16xf32>
        %gather3A_2092 = tpu.vector_load_idx %arg8[%add3A_119] : memref<4800xf32, #tpu.memory_space<vmem>>[vector<16xi32>], vector<16xf32>,
        %add3A_2093 = arith.constant 1 : i32
        %add3A_2094 = vector.broadcast %add3A_2093 : i32 to vector<16xi32>
        %add3A_2095 = arith.addi %add3A_119, %add3A_2094 : vector<16xi32>
        %gather3A_2096 = tpu.vector_load_idx %arg8[%add3A_2095] : memref<4800xf32, #tpu.memory_space<vmem>>[vector<16xi32>], vector<16xf32>,
        %gather3A_2097 = tpu.vector_load_idx %arg9[%add3A_119] : memref<4800xf32, #tpu.memory_space<vmem>>[vector<16xi32>], vector<16xf32>,
        %add3A_2098 = arith.constant 1 : i32
        %add3A_2099 = vector.broadcast %add3A_2098 : i32 to vector<16xi32>
        %add3A_2100 = arith.addi %add3A_119, %add3A_2099 : vector<16xi32>
        %gather3A_2101 = tpu.vector_load_idx %arg9[%add3A_2100] : memref<4800xf32, #tpu.memory_space<vmem>>[vector<16xi32>], vector<16xf32>,
        %add3A_2102 = arith.constant 2 : i32
        %add3A_2103 = vector.broadcast %add3A_2102 : i32 to vector<16xi32>
        %add3A_2104 = arith.addi %add3A_119, %add3A_2103 : vector<16xi32>
        %gather3A_2105 = tpu.vector_load_idx %arg9[%add3A_2104] : memref<4800xf32, #tpu.memory_space<vmem>>[vector<16xi32>], vector<16xf32>,
        %sub3A_2106 = arith.subf %gather3A_1158, %gather3A_2092 : vector<16xf32>
        %sub3A_2107 = arith.subf %sub3A_2106, %gather3A_2097 : vector<16xf32>
        %abs3A_2108 = math.absf %sub3A_2107 : vector<16xf32>
        %sub3A_2109 = arith.subf %gather3A_1162, %gather3A_2096 : vector<16xf32>
        %sub3A_2110 = arith.subf %sub3A_2109, %gather3A_2101 : vector<16xf32>
        %abs3A_2111 = math.absf %sub3A_2110 : vector<16xf32>
        %le3A_2112 = arith.constant 0.111111112 : f32
        %le3A_2113 = vector.broadcast %le3A_2112 : f32 to vector<16xf32>
        %le3A_2114 = arith.cmpf ole, %abs3A_2108, %le3A_2113 : vector<16xf32>
        %mul3A_2115 = arith.constant 4.500000e+00 : f32
        %mul3A_2116 = vector.broadcast %mul3A_2115 : f32 to vector<16xf32>
        %mul3A_2117 = arith.mulf %mul3A_2116, %abs3A_2108 : vector<16xf32>
        %mul3A_2118 = arith.mulf %mul3A_2117, %abs3A_2108 : vector<16xf32>
        %sub3A_2119 = arith.constant 0.055555556 : f32
        %sub3A_2120 = vector.broadcast %sub3A_2119 : f32 to vector<16xf32>
        %sub3A_2121 = arith.subf %abs3A_2108, %sub3A_2120 : vector<16xf32>
        %select_n3A_2122 = arith.select %le3A_2114, %mul3A_2118, %sub3A_2121 : vector<16xi1>, vector<16xf32>
        %le3A_2123 = arith.constant 0.111111112 : f32
        %le3A_2124 = vector.broadcast %le3A_2123 : f32 to vector<16xf32>
        %le3A_2125 = arith.cmpf ole, %abs3A_2111, %le3A_2124 : vector<16xf32>
        %mul3A_2126 = arith.constant 4.500000e+00 : f32
        %mul3A_2127 = vector.broadcast %mul3A_2126 : f32 to vector<16xf32>
        %mul3A_2128 = arith.mulf %mul3A_2127, %abs3A_2111 : vector<16xf32>
        %mul3A_2129 = arith.mulf %mul3A_2128, %abs3A_2111 : vector<16xf32>
        %sub3A_2130 = arith.constant 0.055555556 : f32
        %sub3A_2131 = vector.broadcast %sub3A_2130 : f32 to vector<16xf32>
        %sub3A_2132 = arith.subf %abs3A_2111, %sub3A_2131 : vector<16xf32>
        %select_n3A_2133 = arith.select %le3A_2125, %mul3A_2129, %sub3A_2132 : vector<16xi1>, vector<16xf32>
        %sub3A_2134 = arith.subf %gather3A_1166, %gather3A_1157 : vector<16xf32>
        %sub3A_2135 = arith.subf %sub3A_2134, %gather3A_2105 : vector<16xf32>
        %abs3A_2136 = math.absf %sub3A_2135 : vector<16xf32>
        %sub3A_2137 = arith.constant 1.000000e+01 : f32
        %sub3A_2138 = vector.broadcast %sub3A_2137 : f32 to vector<16xf32>
        %sub3A_2139 = arith.subf %abs3A_2136, %sub3A_2138 : vector<16xf32>
        %div3A_2140 = arith.constant 5.000000e+00 : f32
        %div3A_2141 = vector.broadcast %div3A_2140 : f32 to vector<16xf32>
        %div3A_2142 = arith.divf %sub3A_2139, %div3A_2141 : vector<16xf32>
        %le3A_2143 = arith.constant 0.000000e+00 : f32
        %le3A_2144 = vector.broadcast %le3A_2143 : f32 to vector<16xf32>
        %le3A_2145 = arith.cmpf ole, %div3A_2142, %le3A_2144 : vector<16xf32>
        %jit3A_2146 = arith.constant 0.000000e+00 : f32
        %broadcast_in_dim3A_2147 = vector.broadcast %jit3A_2146 : f32 to vector<16xf32>
        %select_n3A_2148 = arith.select %le3A_2145, %broadcast_in_dim3A_2147, %div3A_2142 : vector<16xi1>, vector<16xf32>
        %jit3A_2149 = arith.constant 1.000000e+00 : f32
        %jit3A_2150 = arith.constant 0.000000e+00 : f32
        %broadcast_in_dim3A_2151 = vector.broadcast %jit3A_2149 : f32 to vector<16xf32>
        %broadcast_in_dim3A_2152 = vector.broadcast %jit3A_2150 : f32 to vector<16xf32>
        %select_n3A_2153 = arith.select %and3A_1192, %broadcast_in_dim3A_2151, %broadcast_in_dim3A_2152 : vector<16xi1>, vector<16xf32>
        %add3A_2154 = arith.addf %select_n3A_2122, %select_n3A_2133 : vector<16xf32>
        %mul3A_2155 = arith.mulf %add3A_2154, %select_n3A_2153 : vector<16xf32>
        %add3A_2156 = arith.addf %add3A_1151, %mul3A_2155 : vector<16xf32>
        %mul3A_2157 = arith.mulf %select_n3A_2148, %select_n3A_2153 : vector<16xf32>
        %add3A_2158 = arith.addf %add3A_1153, %mul3A_2157 : vector<16xf32>
        %add3A_2159 = arith.constant 2 : i32
        %add3A_2160 = vector.broadcast %add3A_2159 : i32 to vector<16xi32>
        %add3A_2161 = arith.addi %add3A_126, %add3A_2160 : vector<16xi32>
        %gather3A_2162 = tpu.vector_load_idx %arg8[%add3A_2161] : memref<4800xf32, #tpu.memory_space<vmem>>[vector<16xi32>], vector<16xf32>,
        %gather3A_2163 = tpu.vector_load_idx %arg10[%scan3A_159#6] : memref<256xf32, #tpu.memory_space<vmem>>[vector<16xi32>], vector<16xf32>,
        %add3A_2164 = arith.constant 1 : i32
        %add3A_2165 = vector.broadcast %add3A_2164 : i32 to vector<16xi32>
        %add3A_2166 = arith.addi %scan3A_159#6, %add3A_2165 : vector<16xi32>
        %gather3A_2167 = tpu.vector_load_idx %arg10[%add3A_2166] : memref<256xf32, #tpu.memory_space<vmem>>[vector<16xi32>], vector<16xf32>,
        %add3A_2168 = arith.constant 2 : i32
        %add3A_2169 = vector.broadcast %add3A_2168 : i32 to vector<16xi32>
        %add3A_2170 = arith.addi %scan3A_159#6, %add3A_2169 : vector<16xi32>
        %gather3A_2171 = tpu.vector_load_idx %arg10[%add3A_2170] : memref<256xf32, #tpu.memory_space<vmem>>[vector<16xi32>], vector<16xf32>,
        %add3A_2172 = arith.constant 3 : i32
        %add3A_2173 = vector.broadcast %add3A_2172 : i32 to vector<16xi32>
        %add3A_2174 = arith.addi %scan3A_159#6, %add3A_2173 : vector<16xi32>
        %gather3A_2175 = tpu.vector_load_idx %arg10[%add3A_2174] : memref<256xf32, #tpu.memory_space<vmem>>[vector<16xi32>], vector<16xf32>,
        %sub3A_2176 = arith.subf %gather3A_2162, %gather3A_2171 : vector<16xf32>
        %abs3A_2177 = math.absf %sub3A_2176 : vector<16xf32>
        %add3A_2178 = arith.addi %min3A_3, %add3A_101 : i32
        %add3A_2179 = vector.broadcast %add3A_2178 : i32 to vector<16xi32>
        %add3A_2180 = arith.addi %add3A_2179, %iota3A : vector<16xi32>
        %ge3A_2181 = vector.broadcast %mul3A_5 : i32 to vector<16xi32>
        %ge3A_2182 = arith.cmpi sge, %add3A_2180, %ge3A_2181 : vector<16xi32>
        %le3A_2183 = arith.constant 2.500000e+01 : f32
        %le3A_2184 = vector.broadcast %le3A_2183 : f32 to vector<16xf32>
        %le3A_2185 = arith.cmpf ole, %scan3A_159#2, %le3A_2184 : vector<16xf32>
        %le3A_2186 = arith.constant 1.000000e+01 : f32
        %le3A_2187 = vector.broadcast %le3A_2186 : f32 to vector<16xf32>
        %le3A_2188 = arith.cmpf ole, %abs3A_2177, %le3A_2187 : vector<16xf32>
        %and3A_2189 = arith.andi %le3A_2185, %le3A_2188 : vector<16xi1>
        %ge3A_2190 = arith.constant 5.625000e+01 : f32
        %ge3A_2191 = vector.broadcast %ge3A_2190 : f32 to vector<16xf32>
        %ge3A_2192 = arith.cmpf oge, %scan3A_159#2, %ge3A_2191 : vector<16xf32>
        %ge3A_2193 = arith.constant 1.500000e+01 : f32
        %ge3A_2194 = vector.broadcast %ge3A_2193 : f32 to vector<16xf32>
        %ge3A_2195 = arith.cmpf oge, %abs3A_2177, %ge3A_2194 : vector<16xf32>
        %or3A_2196 = arith.ori %ge3A_2192, %ge3A_2195 : vector<16xi1>
        %and3A_2197 = arith.andi %and3A_2189, %ge3A_2182 : vector<16xi1>
        %or3A_2198 = arith.ori %and3A_2189, %or3A_2196 : vector<16xi1>
        %and3A_2199 = arith.andi %or3A_2198, %ge3A_2182 : vector<16xi1>
        %jit3A_2200 = arith.constant 1.000000e+00 : f32
        %jit3A_2201 = arith.constant 0.000000e+00 : f32
        %broadcast_in_dim3A_2202 = vector.broadcast %jit3A_2200 : f32 to vector<16xf32>
        %broadcast_in_dim3A_2203 = vector.broadcast %jit3A_2201 : f32 to vector<16xf32>
        %select_n3A_2204 = arith.select %and3A_2197, %broadcast_in_dim3A_2202, %broadcast_in_dim3A_2203 : vector<16xi1>, vector<16xf32>
        %add3A_2205 = arith.addf %add3A_1200, %select_n3A_2204 : vector<16xf32>
        %add3A_2206 = vector.broadcast %add3A_101 : i32 to vector<16xi32>
        %add3A_2207 = arith.addi %add3A_2206, %iota3A : vector<16xi32>
        %mul3A_2208 = arith.constant 16 : i32
        %mul3A_2209 = vector.broadcast %mul3A_2208 : i32 to vector<16xi32>
        %mul3A_2210 = arith.muli %add3A_2207, %mul3A_2209 : vector<16xi32>
        %broadcast_in_dim3A_2211 = arith.constant 0.000000e+00 : f32
        %broadcast_in_dim3A_2212 = vector.broadcast %broadcast_in_dim3A_2211 : f32 to vector<16xf32>
        %add3A_2213 = arith.constant 0 : i32
        %add3A_2214 = vector.broadcast %add3A_2213 : i32 to vector<16xi32>
        %add3A_2215 = arith.addi %mul3A_2210, %add3A_2214 : vector<16xi32>
        %gather3A_2216 = tpu.vector_load_idx %arg7[%add3A_2215] : memref<25600xf32, #tpu.memory_space<vmem>>[vector<16xi32>], vector<16xf32>,
        %max3A_2217 = arith.constant 9.99999974E-5 : f32
        %max3A_2218 = vector.broadcast %max3A_2217 : f32 to vector<16xf32>
        %max3A_2219 = arith.maximumf %gather3A_2216, %max3A_2218 : vector<16xf32>
        %min3A_2220 = arith.constant 0.999899983 : f32
        %min3A_2221 = vector.broadcast %min3A_2220 : f32 to vector<16xf32>
        %min3A_2222 = arith.minimumf %max3A_2219, %min3A_2221 : vector<16xf32>
        %mul3A_2223 = arith.mulf %min3A_2222, %min3A_2222 : vector<16xf32>
        %sub3A_2224 = arith.constant 1.000000e+00 : f32
        %sub3A_2225 = vector.broadcast %sub3A_2224 : f32 to vector<16xf32>
        %sub3A_2226 = arith.subf %sub3A_2225, %min3A_2222 : vector<16xf32>
        %bitcast_convert_type3A_2227 = tpu.bitcast %sub3A_2226 : vector<16xf32> -> vector<16xi32>
        %shift_right_arithmetic3A_2228 = arith.constant 23 : i32
        %shift_right_arithmetic3A_2229 = vector.broadcast %shift_right_arithmetic3A_2228 : i32 to vector<16xi32>
        %shift_right_arithmetic3A_2230 = arith.shrsi %bitcast_convert_type3A_2227, %shift_right_arithmetic3A_2229 : vector<16xi32>
        %and3A_2231 = arith.constant 8388607 : i32
        %and3A_2232 = vector.broadcast %and3A_2231 : i32 to vector<16xi32>
        %and3A_2233 = arith.andi %bitcast_convert_type3A_2227, %and3A_2232 : vector<16xi32>
        %or3A_2234 = arith.constant 1065353216 : i32
        %or3A_2235 = vector.broadcast %or3A_2234 : i32 to vector<16xi32>
        %or3A_2236 = arith.ori %and3A_2233, %or3A_2235 : vector<16xi32>
        %bitcast_convert_type3A_2237 = tpu.bitcast %or3A_2236 : vector<16xi32> -> vector<16xf32>
        %sub3A_2238 = arith.constant 127 : i32
        %sub3A_2239 = vector.broadcast %sub3A_2238 : i32 to vector<16xi32>
        %sub3A_2240 = arith.subi %shift_right_arithmetic3A_2230, %sub3A_2239 : vector<16xi32>
        %convert_element_type3A_2241 = arith.sitofp %sub3A_2240 : vector<16xi32> to vector<16xf32>
        %broadcast_in_dim3A_2242 = arith.constant 0.105843775 : f32
        %broadcast_in_dim3A_2243 = vector.broadcast %broadcast_in_dim3A_2242 : f32 to vector<16xf32>
        %mul3A_2244 = arith.mulf %broadcast_in_dim3A_2243, %bitcast_convert_type3A_2237 : vector<16xf32>
        %add3A_2245 = arith.constant -0.711726904 : f32
        %add3A_2246 = vector.broadcast %add3A_2245 : f32 to vector<16xf32>
        %add3A_2247 = arith.addf %mul3A_2244, %add3A_2246 : vector<16xf32>
        %mul3A_2248 = arith.mulf %add3A_2247, %bitcast_convert_type3A_2237 : vector<16xf32>
        %add3A_2249 = arith.constant 2.08717847 : f32
        %add3A_2250 = vector.broadcast %add3A_2249 : f32 to vector<16xf32>
        %add3A_2251 = arith.addf %mul3A_2248, %add3A_2250 : vector<16xf32>
        %mul3A_2252 = arith.mulf %add3A_2251, %bitcast_convert_type3A_2237 : vector<16xf32>
        %add3A_2253 = arith.constant -1.48072326 : f32
        %add3A_2254 = vector.broadcast %add3A_2253 : f32 to vector<16xf32>
        %add3A_2255 = arith.addf %mul3A_2252, %add3A_2254 : vector<16xf32>
        %mul3A_2256 = arith.constant 0.693147182 : f32
        %mul3A_2257 = vector.broadcast %mul3A_2256 : f32 to vector<16xf32>
        %mul3A_2258 = arith.mulf %convert_element_type3A_2241, %mul3A_2257 : vector<16xf32>
        %add3A_2259 = arith.addf %mul3A_2258, %add3A_2255 : vector<16xf32>
        %mul3A_2260 = arith.mulf %mul3A_2223, %add3A_2259 : vector<16xf32>
        %add3A_2261 = arith.addf %broadcast_in_dim3A_2212, %mul3A_2260 : vector<16xf32>
        %add3A_2262 = arith.constant 1 : i32
        %add3A_2263 = vector.broadcast %add3A_2262 : i32 to vector<16xi32>
        %add3A_2264 = arith.addi %mul3A_2210, %add3A_2263 : vector<16xi32>
        %gather3A_2265 = tpu.vector_load_idx %arg7[%add3A_2264] : memref<25600xf32, #tpu.memory_space<vmem>>[vector<16xi32>], vector<16xf32>,
        %max3A_2266 = arith.constant 9.99999974E-5 : f32
        %max3A_2267 = vector.broadcast %max3A_2266 : f32 to vector<16xf32>
        %max3A_2268 = arith.maximumf %gather3A_2265, %max3A_2267 : vector<16xf32>
        %min3A_2269 = arith.constant 0.999899983 : f32
        %min3A_2270 = vector.broadcast %min3A_2269 : f32 to vector<16xf32>
        %min3A_2271 = arith.minimumf %max3A_2268, %min3A_2270 : vector<16xf32>
        %mul3A_2272 = arith.mulf %min3A_2271, %min3A_2271 : vector<16xf32>
        %sub3A_2273 = arith.constant 1.000000e+00 : f32
        %sub3A_2274 = vector.broadcast %sub3A_2273 : f32 to vector<16xf32>
        %sub3A_2275 = arith.subf %sub3A_2274, %min3A_2271 : vector<16xf32>
        %bitcast_convert_type3A_2276 = tpu.bitcast %sub3A_2275 : vector<16xf32> -> vector<16xi32>
        %shift_right_arithmetic3A_2277 = arith.constant 23 : i32
        %shift_right_arithmetic3A_2278 = vector.broadcast %shift_right_arithmetic3A_2277 : i32 to vector<16xi32>
        %shift_right_arithmetic3A_2279 = arith.shrsi %bitcast_convert_type3A_2276, %shift_right_arithmetic3A_2278 : vector<16xi32>
        %and3A_2280 = arith.constant 8388607 : i32
        %and3A_2281 = vector.broadcast %and3A_2280 : i32 to vector<16xi32>
        %and3A_2282 = arith.andi %bitcast_convert_type3A_2276, %and3A_2281 : vector<16xi32>
        %or3A_2283 = arith.constant 1065353216 : i32
        %or3A_2284 = vector.broadcast %or3A_2283 : i32 to vector<16xi32>
        %or3A_2285 = arith.ori %and3A_2282, %or3A_2284 : vector<16xi32>
        %bitcast_convert_type3A_2286 = tpu.bitcast %or3A_2285 : vector<16xi32> -> vector<16xf32>
        %sub3A_2287 = arith.constant 127 : i32
        %sub3A_2288 = vector.broadcast %sub3A_2287 : i32 to vector<16xi32>
        %sub3A_2289 = arith.subi %shift_right_arithmetic3A_2279, %sub3A_2288 : vector<16xi32>
        %convert_element_type3A_2290 = arith.sitofp %sub3A_2289 : vector<16xi32> to vector<16xf32>
        %broadcast_in_dim3A_2291 = arith.constant 0.105843775 : f32
        %broadcast_in_dim3A_2292 = vector.broadcast %broadcast_in_dim3A_2291 : f32 to vector<16xf32>
        %mul3A_2293 = arith.mulf %broadcast_in_dim3A_2292, %bitcast_convert_type3A_2286 : vector<16xf32>
        %add3A_2294 = arith.constant -0.711726904 : f32
        %add3A_2295 = vector.broadcast %add3A_2294 : f32 to vector<16xf32>
        %add3A_2296 = arith.addf %mul3A_2293, %add3A_2295 : vector<16xf32>
        %mul3A_2297 = arith.mulf %add3A_2296, %bitcast_convert_type3A_2286 : vector<16xf32>
        %add3A_2298 = arith.constant 2.08717847 : f32
        %add3A_2299 = vector.broadcast %add3A_2298 : f32 to vector<16xf32>
        %add3A_2300 = arith.addf %mul3A_2297, %add3A_2299 : vector<16xf32>
        %mul3A_2301 = arith.mulf %add3A_2300, %bitcast_convert_type3A_2286 : vector<16xf32>
        %add3A_2302 = arith.constant -1.48072326 : f32
        %add3A_2303 = vector.broadcast %add3A_2302 : f32 to vector<16xf32>
        %add3A_2304 = arith.addf %mul3A_2301, %add3A_2303 : vector<16xf32>
        %mul3A_2305 = arith.constant 0.693147182 : f32
        %mul3A_2306 = vector.broadcast %mul3A_2305 : f32 to vector<16xf32>
        %mul3A_2307 = arith.mulf %convert_element_type3A_2290, %mul3A_2306 : vector<16xf32>
        %add3A_2308 = arith.addf %mul3A_2307, %add3A_2304 : vector<16xf32>
        %mul3A_2309 = arith.mulf %mul3A_2272, %add3A_2308 : vector<16xf32>
        %add3A_2310 = arith.addf %add3A_2261, %mul3A_2309 : vector<16xf32>
        %add3A_2311 = arith.constant 2 : i32
        %add3A_2312 = vector.broadcast %add3A_2311 : i32 to vector<16xi32>
        %add3A_2313 = arith.addi %mul3A_2210, %add3A_2312 : vector<16xi32>
        %gather3A_2314 = tpu.vector_load_idx %arg7[%add3A_2313] : memref<25600xf32, #tpu.memory_space<vmem>>[vector<16xi32>], vector<16xf32>,
        %max3A_2315 = arith.constant 9.99999974E-5 : f32
        %max3A_2316 = vector.broadcast %max3A_2315 : f32 to vector<16xf32>
        %max3A_2317 = arith.maximumf %gather3A_2314, %max3A_2316 : vector<16xf32>
        %min3A_2318 = arith.constant 0.999899983 : f32
        %min3A_2319 = vector.broadcast %min3A_2318 : f32 to vector<16xf32>
        %min3A_2320 = arith.minimumf %max3A_2317, %min3A_2319 : vector<16xf32>
        %mul3A_2321 = arith.mulf %min3A_2320, %min3A_2320 : vector<16xf32>
        %sub3A_2322 = arith.constant 1.000000e+00 : f32
        %sub3A_2323 = vector.broadcast %sub3A_2322 : f32 to vector<16xf32>
        %sub3A_2324 = arith.subf %sub3A_2323, %min3A_2320 : vector<16xf32>
        %bitcast_convert_type3A_2325 = tpu.bitcast %sub3A_2324 : vector<16xf32> -> vector<16xi32>
        %shift_right_arithmetic3A_2326 = arith.constant 23 : i32
        %shift_right_arithmetic3A_2327 = vector.broadcast %shift_right_arithmetic3A_2326 : i32 to vector<16xi32>
        %shift_right_arithmetic3A_2328 = arith.shrsi %bitcast_convert_type3A_2325, %shift_right_arithmetic3A_2327 : vector<16xi32>
        %and3A_2329 = arith.constant 8388607 : i32
        %and3A_2330 = vector.broadcast %and3A_2329 : i32 to vector<16xi32>
        %and3A_2331 = arith.andi %bitcast_convert_type3A_2325, %and3A_2330 : vector<16xi32>
        %or3A_2332 = arith.constant 1065353216 : i32
        %or3A_2333 = vector.broadcast %or3A_2332 : i32 to vector<16xi32>
        %or3A_2334 = arith.ori %and3A_2331, %or3A_2333 : vector<16xi32>
        %bitcast_convert_type3A_2335 = tpu.bitcast %or3A_2334 : vector<16xi32> -> vector<16xf32>
        %sub3A_2336 = arith.constant 127 : i32
        %sub3A_2337 = vector.broadcast %sub3A_2336 : i32 to vector<16xi32>
        %sub3A_2338 = arith.subi %shift_right_arithmetic3A_2328, %sub3A_2337 : vector<16xi32>
        %convert_element_type3A_2339 = arith.sitofp %sub3A_2338 : vector<16xi32> to vector<16xf32>
        %broadcast_in_dim3A_2340 = arith.constant 0.105843775 : f32
        %broadcast_in_dim3A_2341 = vector.broadcast %broadcast_in_dim3A_2340 : f32 to vector<16xf32>
        %mul3A_2342 = arith.mulf %broadcast_in_dim3A_2341, %bitcast_convert_type3A_2335 : vector<16xf32>
        %add3A_2343 = arith.constant -0.711726904 : f32
        %add3A_2344 = vector.broadcast %add3A_2343 : f32 to vector<16xf32>
        %add3A_2345 = arith.addf %mul3A_2342, %add3A_2344 : vector<16xf32>
        %mul3A_2346 = arith.mulf %add3A_2345, %bitcast_convert_type3A_2335 : vector<16xf32>
        %add3A_2347 = arith.constant 2.08717847 : f32
        %add3A_2348 = vector.broadcast %add3A_2347 : f32 to vector<16xf32>
        %add3A_2349 = arith.addf %mul3A_2346, %add3A_2348 : vector<16xf32>
        %mul3A_2350 = arith.mulf %add3A_2349, %bitcast_convert_type3A_2335 : vector<16xf32>
        %add3A_2351 = arith.constant -1.48072326 : f32
        %add3A_2352 = vector.broadcast %add3A_2351 : f32 to vector<16xf32>
        %add3A_2353 = arith.addf %mul3A_2350, %add3A_2352 : vector<16xf32>
        %mul3A_2354 = arith.constant 0.693147182 : f32
        %mul3A_2355 = vector.broadcast %mul3A_2354 : f32 to vector<16xf32>
        %mul3A_2356 = arith.mulf %convert_element_type3A_2339, %mul3A_2355 : vector<16xf32>
        %add3A_2357 = arith.addf %mul3A_2356, %add3A_2353 : vector<16xf32>
        %mul3A_2358 = arith.mulf %mul3A_2321, %add3A_2357 : vector<16xf32>
        %add3A_2359 = arith.addf %add3A_2310, %mul3A_2358 : vector<16xf32>
        %add3A_2360 = arith.constant 3 : i32
        %add3A_2361 = vector.broadcast %add3A_2360 : i32 to vector<16xi32>
        %add3A_2362 = arith.addi %mul3A_2210, %add3A_2361 : vector<16xi32>
        %gather3A_2363 = tpu.vector_load_idx %arg7[%add3A_2362] : memref<25600xf32, #tpu.memory_space<vmem>>[vector<16xi32>], vector<16xf32>,
        %max3A_2364 = arith.constant 9.99999974E-5 : f32
        %max3A_2365 = vector.broadcast %max3A_2364 : f32 to vector<16xf32>
        %max3A_2366 = arith.maximumf %gather3A_2363, %max3A_2365 : vector<16xf32>
        %min3A_2367 = arith.constant 0.999899983 : f32
        %min3A_2368 = vector.broadcast %min3A_2367 : f32 to vector<16xf32>
        %min3A_2369 = arith.minimumf %max3A_2366, %min3A_2368 : vector<16xf32>
        %mul3A_2370 = arith.mulf %min3A_2369, %min3A_2369 : vector<16xf32>
        %sub3A_2371 = arith.constant 1.000000e+00 : f32
        %sub3A_2372 = vector.broadcast %sub3A_2371 : f32 to vector<16xf32>
        %sub3A_2373 = arith.subf %sub3A_2372, %min3A_2369 : vector<16xf32>
        %bitcast_convert_type3A_2374 = tpu.bitcast %sub3A_2373 : vector<16xf32> -> vector<16xi32>
        %shift_right_arithmetic3A_2375 = arith.constant 23 : i32
        %shift_right_arithmetic3A_2376 = vector.broadcast %shift_right_arithmetic3A_2375 : i32 to vector<16xi32>
        %shift_right_arithmetic3A_2377 = arith.shrsi %bitcast_convert_type3A_2374, %shift_right_arithmetic3A_2376 : vector<16xi32>
        %and3A_2378 = arith.constant 8388607 : i32
        %and3A_2379 = vector.broadcast %and3A_2378 : i32 to vector<16xi32>
        %and3A_2380 = arith.andi %bitcast_convert_type3A_2374, %and3A_2379 : vector<16xi32>
        %or3A_2381 = arith.constant 1065353216 : i32
        %or3A_2382 = vector.broadcast %or3A_2381 : i32 to vector<16xi32>
        %or3A_2383 = arith.ori %and3A_2380, %or3A_2382 : vector<16xi32>
        %bitcast_convert_type3A_2384 = tpu.bitcast %or3A_2383 : vector<16xi32> -> vector<16xf32>
        %sub3A_2385 = arith.constant 127 : i32
        %sub3A_2386 = vector.broadcast %sub3A_2385 : i32 to vector<16xi32>
        %sub3A_2387 = arith.subi %shift_right_arithmetic3A_2377, %sub3A_2386 : vector<16xi32>
        %convert_element_type3A_2388 = arith.sitofp %sub3A_2387 : vector<16xi32> to vector<16xf32>
        %broadcast_in_dim3A_2389 = arith.constant 0.105843775 : f32
        %broadcast_in_dim3A_2390 = vector.broadcast %broadcast_in_dim3A_2389 : f32 to vector<16xf32>
        %mul3A_2391 = arith.mulf %broadcast_in_dim3A_2390, %bitcast_convert_type3A_2384 : vector<16xf32>
        %add3A_2392 = arith.constant -0.711726904 : f32
        %add3A_2393 = vector.broadcast %add3A_2392 : f32 to vector<16xf32>
        %add3A_2394 = arith.addf %mul3A_2391, %add3A_2393 : vector<16xf32>
        %mul3A_2395 = arith.mulf %add3A_2394, %bitcast_convert_type3A_2384 : vector<16xf32>
        %add3A_2396 = arith.constant 2.08717847 : f32
        %add3A_2397 = vector.broadcast %add3A_2396 : f32 to vector<16xf32>
        %add3A_2398 = arith.addf %mul3A_2395, %add3A_2397 : vector<16xf32>
        %mul3A_2399 = arith.mulf %add3A_2398, %bitcast_convert_type3A_2384 : vector<16xf32>
        %add3A_2400 = arith.constant -1.48072326 : f32
        %add3A_2401 = vector.broadcast %add3A_2400 : f32 to vector<16xf32>
        %add3A_2402 = arith.addf %mul3A_2399, %add3A_2401 : vector<16xf32>
        %mul3A_2403 = arith.constant 0.693147182 : f32
        %mul3A_2404 = vector.broadcast %mul3A_2403 : f32 to vector<16xf32>
        %mul3A_2405 = arith.mulf %convert_element_type3A_2388, %mul3A_2404 : vector<16xf32>
        %add3A_2406 = arith.addf %mul3A_2405, %add3A_2402 : vector<16xf32>
        %mul3A_2407 = arith.mulf %mul3A_2370, %add3A_2406 : vector<16xf32>
        %add3A_2408 = arith.addf %add3A_2359, %mul3A_2407 : vector<16xf32>
        %add3A_2409 = arith.constant 4 : i32
        %add3A_2410 = vector.broadcast %add3A_2409 : i32 to vector<16xi32>
        %add3A_2411 = arith.addi %mul3A_2210, %add3A_2410 : vector<16xi32>
        %gather3A_2412 = tpu.vector_load_idx %arg7[%add3A_2411] : memref<25600xf32, #tpu.memory_space<vmem>>[vector<16xi32>], vector<16xf32>,
        %max3A_2413 = arith.constant 9.99999974E-5 : f32
        %max3A_2414 = vector.broadcast %max3A_2413 : f32 to vector<16xf32>
        %max3A_2415 = arith.maximumf %gather3A_2412, %max3A_2414 : vector<16xf32>
        %min3A_2416 = arith.constant 0.999899983 : f32
        %min3A_2417 = vector.broadcast %min3A_2416 : f32 to vector<16xf32>
        %min3A_2418 = arith.minimumf %max3A_2415, %min3A_2417 : vector<16xf32>
        %mul3A_2419 = arith.mulf %min3A_2418, %min3A_2418 : vector<16xf32>
        %sub3A_2420 = arith.constant 1.000000e+00 : f32
        %sub3A_2421 = vector.broadcast %sub3A_2420 : f32 to vector<16xf32>
        %sub3A_2422 = arith.subf %sub3A_2421, %min3A_2418 : vector<16xf32>
        %bitcast_convert_type3A_2423 = tpu.bitcast %sub3A_2422 : vector<16xf32> -> vector<16xi32>
        %shift_right_arithmetic3A_2424 = arith.constant 23 : i32
        %shift_right_arithmetic3A_2425 = vector.broadcast %shift_right_arithmetic3A_2424 : i32 to vector<16xi32>
        %shift_right_arithmetic3A_2426 = arith.shrsi %bitcast_convert_type3A_2423, %shift_right_arithmetic3A_2425 : vector<16xi32>
        %and3A_2427 = arith.constant 8388607 : i32
        %and3A_2428 = vector.broadcast %and3A_2427 : i32 to vector<16xi32>
        %and3A_2429 = arith.andi %bitcast_convert_type3A_2423, %and3A_2428 : vector<16xi32>
        %or3A_2430 = arith.constant 1065353216 : i32
        %or3A_2431 = vector.broadcast %or3A_2430 : i32 to vector<16xi32>
        %or3A_2432 = arith.ori %and3A_2429, %or3A_2431 : vector<16xi32>
        %bitcast_convert_type3A_2433 = tpu.bitcast %or3A_2432 : vector<16xi32> -> vector<16xf32>
        %sub3A_2434 = arith.constant 127 : i32
        %sub3A_2435 = vector.broadcast %sub3A_2434 : i32 to vector<16xi32>
        %sub3A_2436 = arith.subi %shift_right_arithmetic3A_2426, %sub3A_2435 : vector<16xi32>
        %convert_element_type3A_2437 = arith.sitofp %sub3A_2436 : vector<16xi32> to vector<16xf32>
        %broadcast_in_dim3A_2438 = arith.constant 0.105843775 : f32
        %broadcast_in_dim3A_2439 = vector.broadcast %broadcast_in_dim3A_2438 : f32 to vector<16xf32>
        %mul3A_2440 = arith.mulf %broadcast_in_dim3A_2439, %bitcast_convert_type3A_2433 : vector<16xf32>
        %add3A_2441 = arith.constant -0.711726904 : f32
        %add3A_2442 = vector.broadcast %add3A_2441 : f32 to vector<16xf32>
        %add3A_2443 = arith.addf %mul3A_2440, %add3A_2442 : vector<16xf32>
        %mul3A_2444 = arith.mulf %add3A_2443, %bitcast_convert_type3A_2433 : vector<16xf32>
        %add3A_2445 = arith.constant 2.08717847 : f32
        %add3A_2446 = vector.broadcast %add3A_2445 : f32 to vector<16xf32>
        %add3A_2447 = arith.addf %mul3A_2444, %add3A_2446 : vector<16xf32>
        %mul3A_2448 = arith.mulf %add3A_2447, %bitcast_convert_type3A_2433 : vector<16xf32>
        %add3A_2449 = arith.constant -1.48072326 : f32
        %add3A_2450 = vector.broadcast %add3A_2449 : f32 to vector<16xf32>
        %add3A_2451 = arith.addf %mul3A_2448, %add3A_2450 : vector<16xf32>
        %mul3A_2452 = arith.constant 0.693147182 : f32
        %mul3A_2453 = vector.broadcast %mul3A_2452 : f32 to vector<16xf32>
        %mul3A_2454 = arith.mulf %convert_element_type3A_2437, %mul3A_2453 : vector<16xf32>
        %add3A_2455 = arith.addf %mul3A_2454, %add3A_2451 : vector<16xf32>
        %mul3A_2456 = arith.mulf %mul3A_2419, %add3A_2455 : vector<16xf32>
        %add3A_2457 = arith.addf %add3A_2408, %mul3A_2456 : vector<16xf32>
        %add3A_2458 = arith.constant 5 : i32
        %add3A_2459 = vector.broadcast %add3A_2458 : i32 to vector<16xi32>
        %add3A_2460 = arith.addi %mul3A_2210, %add3A_2459 : vector<16xi32>
        %gather3A_2461 = tpu.vector_load_idx %arg7[%add3A_2460] : memref<25600xf32, #tpu.memory_space<vmem>>[vector<16xi32>], vector<16xf32>,
        %max3A_2462 = arith.constant 9.99999974E-5 : f32
        %max3A_2463 = vector.broadcast %max3A_2462 : f32 to vector<16xf32>
        %max3A_2464 = arith.maximumf %gather3A_2461, %max3A_2463 : vector<16xf32>
        %min3A_2465 = arith.constant 0.999899983 : f32
        %min3A_2466 = vector.broadcast %min3A_2465 : f32 to vector<16xf32>
        %min3A_2467 = arith.minimumf %max3A_2464, %min3A_2466 : vector<16xf32>
        %mul3A_2468 = arith.mulf %min3A_2467, %min3A_2467 : vector<16xf32>
        %sub3A_2469 = arith.constant 1.000000e+00 : f32
        %sub3A_2470 = vector.broadcast %sub3A_2469 : f32 to vector<16xf32>
        %sub3A_2471 = arith.subf %sub3A_2470, %min3A_2467 : vector<16xf32>
        %bitcast_convert_type3A_2472 = tpu.bitcast %sub3A_2471 : vector<16xf32> -> vector<16xi32>
        %shift_right_arithmetic3A_2473 = arith.constant 23 : i32
        %shift_right_arithmetic3A_2474 = vector.broadcast %shift_right_arithmetic3A_2473 : i32 to vector<16xi32>
        %shift_right_arithmetic3A_2475 = arith.shrsi %bitcast_convert_type3A_2472, %shift_right_arithmetic3A_2474 : vector<16xi32>
        %and3A_2476 = arith.constant 8388607 : i32
        %and3A_2477 = vector.broadcast %and3A_2476 : i32 to vector<16xi32>
        %and3A_2478 = arith.andi %bitcast_convert_type3A_2472, %and3A_2477 : vector<16xi32>
        %or3A_2479 = arith.constant 1065353216 : i32
        %or3A_2480 = vector.broadcast %or3A_2479 : i32 to vector<16xi32>
        %or3A_2481 = arith.ori %and3A_2478, %or3A_2480 : vector<16xi32>
        %bitcast_convert_type3A_2482 = tpu.bitcast %or3A_2481 : vector<16xi32> -> vector<16xf32>
        %sub3A_2483 = arith.constant 127 : i32
        %sub3A_2484 = vector.broadcast %sub3A_2483 : i32 to vector<16xi32>
        %sub3A_2485 = arith.subi %shift_right_arithmetic3A_2475, %sub3A_2484 : vector<16xi32>
        %convert_element_type3A_2486 = arith.sitofp %sub3A_2485 : vector<16xi32> to vector<16xf32>
        %broadcast_in_dim3A_2487 = arith.constant 0.105843775 : f32
        %broadcast_in_dim3A_2488 = vector.broadcast %broadcast_in_dim3A_2487 : f32 to vector<16xf32>
        %mul3A_2489 = arith.mulf %broadcast_in_dim3A_2488, %bitcast_convert_type3A_2482 : vector<16xf32>
        %add3A_2490 = arith.constant -0.711726904 : f32
        %add3A_2491 = vector.broadcast %add3A_2490 : f32 to vector<16xf32>
        %add3A_2492 = arith.addf %mul3A_2489, %add3A_2491 : vector<16xf32>
        %mul3A_2493 = arith.mulf %add3A_2492, %bitcast_convert_type3A_2482 : vector<16xf32>
        %add3A_2494 = arith.constant 2.08717847 : f32
        %add3A_2495 = vector.broadcast %add3A_2494 : f32 to vector<16xf32>
        %add3A_2496 = arith.addf %mul3A_2493, %add3A_2495 : vector<16xf32>
        %mul3A_2497 = arith.mulf %add3A_2496, %bitcast_convert_type3A_2482 : vector<16xf32>
        %add3A_2498 = arith.constant -1.48072326 : f32
        %add3A_2499 = vector.broadcast %add3A_2498 : f32 to vector<16xf32>
        %add3A_2500 = arith.addf %mul3A_2497, %add3A_2499 : vector<16xf32>
        %mul3A_2501 = arith.constant 0.693147182 : f32
        %mul3A_2502 = vector.broadcast %mul3A_2501 : f32 to vector<16xf32>
        %mul3A_2503 = arith.mulf %convert_element_type3A_2486, %mul3A_2502 : vector<16xf32>
        %add3A_2504 = arith.addf %mul3A_2503, %add3A_2500 : vector<16xf32>
        %mul3A_2505 = arith.mulf %mul3A_2468, %add3A_2504 : vector<16xf32>
        %add3A_2506 = arith.addf %add3A_2457, %mul3A_2505 : vector<16xf32>
        %add3A_2507 = arith.constant 6 : i32
        %add3A_2508 = vector.broadcast %add3A_2507 : i32 to vector<16xi32>
        %add3A_2509 = arith.addi %mul3A_2210, %add3A_2508 : vector<16xi32>
        %gather3A_2510 = tpu.vector_load_idx %arg7[%add3A_2509] : memref<25600xf32, #tpu.memory_space<vmem>>[vector<16xi32>], vector<16xf32>,
        %max3A_2511 = arith.constant 9.99999974E-5 : f32
        %max3A_2512 = vector.broadcast %max3A_2511 : f32 to vector<16xf32>
        %max3A_2513 = arith.maximumf %gather3A_2510, %max3A_2512 : vector<16xf32>
        %min3A_2514 = arith.constant 0.999899983 : f32
        %min3A_2515 = vector.broadcast %min3A_2514 : f32 to vector<16xf32>
        %min3A_2516 = arith.minimumf %max3A_2513, %min3A_2515 : vector<16xf32>
        %mul3A_2517 = arith.mulf %min3A_2516, %min3A_2516 : vector<16xf32>
        %sub3A_2518 = arith.constant 1.000000e+00 : f32
        %sub3A_2519 = vector.broadcast %sub3A_2518 : f32 to vector<16xf32>
        %sub3A_2520 = arith.subf %sub3A_2519, %min3A_2516 : vector<16xf32>
        %bitcast_convert_type3A_2521 = tpu.bitcast %sub3A_2520 : vector<16xf32> -> vector<16xi32>
        %shift_right_arithmetic3A_2522 = arith.constant 23 : i32
        %shift_right_arithmetic3A_2523 = vector.broadcast %shift_right_arithmetic3A_2522 : i32 to vector<16xi32>
        %shift_right_arithmetic3A_2524 = arith.shrsi %bitcast_convert_type3A_2521, %shift_right_arithmetic3A_2523 : vector<16xi32>
        %and3A_2525 = arith.constant 8388607 : i32
        %and3A_2526 = vector.broadcast %and3A_2525 : i32 to vector<16xi32>
        %and3A_2527 = arith.andi %bitcast_convert_type3A_2521, %and3A_2526 : vector<16xi32>
        %or3A_2528 = arith.constant 1065353216 : i32
        %or3A_2529 = vector.broadcast %or3A_2528 : i32 to vector<16xi32>
        %or3A_2530 = arith.ori %and3A_2527, %or3A_2529 : vector<16xi32>
        %bitcast_convert_type3A_2531 = tpu.bitcast %or3A_2530 : vector<16xi32> -> vector<16xf32>
        %sub3A_2532 = arith.constant 127 : i32
        %sub3A_2533 = vector.broadcast %sub3A_2532 : i32 to vector<16xi32>
        %sub3A_2534 = arith.subi %shift_right_arithmetic3A_2524, %sub3A_2533 : vector<16xi32>
        %convert_element_type3A_2535 = arith.sitofp %sub3A_2534 : vector<16xi32> to vector<16xf32>
        %broadcast_in_dim3A_2536 = arith.constant 0.105843775 : f32
        %broadcast_in_dim3A_2537 = vector.broadcast %broadcast_in_dim3A_2536 : f32 to vector<16xf32>
        %mul3A_2538 = arith.mulf %broadcast_in_dim3A_2537, %bitcast_convert_type3A_2531 : vector<16xf32>
        %add3A_2539 = arith.constant -0.711726904 : f32
        %add3A_2540 = vector.broadcast %add3A_2539 : f32 to vector<16xf32>
        %add3A_2541 = arith.addf %mul3A_2538, %add3A_2540 : vector<16xf32>
        %mul3A_2542 = arith.mulf %add3A_2541, %bitcast_convert_type3A_2531 : vector<16xf32>
        %add3A_2543 = arith.constant 2.08717847 : f32
        %add3A_2544 = vector.broadcast %add3A_2543 : f32 to vector<16xf32>
        %add3A_2545 = arith.addf %mul3A_2542, %add3A_2544 : vector<16xf32>
        %mul3A_2546 = arith.mulf %add3A_2545, %bitcast_convert_type3A_2531 : vector<16xf32>
        %add3A_2547 = arith.constant -1.48072326 : f32
        %add3A_2548 = vector.broadcast %add3A_2547 : f32 to vector<16xf32>
        %add3A_2549 = arith.addf %mul3A_2546, %add3A_2548 : vector<16xf32>
        %mul3A_2550 = arith.constant 0.693147182 : f32
        %mul3A_2551 = vector.broadcast %mul3A_2550 : f32 to vector<16xf32>
        %mul3A_2552 = arith.mulf %convert_element_type3A_2535, %mul3A_2551 : vector<16xf32>
        %add3A_2553 = arith.addf %mul3A_2552, %add3A_2549 : vector<16xf32>
        %mul3A_2554 = arith.mulf %mul3A_2517, %add3A_2553 : vector<16xf32>
        %add3A_2555 = arith.addf %add3A_2506, %mul3A_2554 : vector<16xf32>
        %add3A_2556 = arith.constant 7 : i32
        %add3A_2557 = vector.broadcast %add3A_2556 : i32 to vector<16xi32>
        %add3A_2558 = arith.addi %mul3A_2210, %add3A_2557 : vector<16xi32>
        %gather3A_2559 = tpu.vector_load_idx %arg7[%add3A_2558] : memref<25600xf32, #tpu.memory_space<vmem>>[vector<16xi32>], vector<16xf32>,
        %max3A_2560 = arith.constant 9.99999974E-5 : f32
        %max3A_2561 = vector.broadcast %max3A_2560 : f32 to vector<16xf32>
        %max3A_2562 = arith.maximumf %gather3A_2559, %max3A_2561 : vector<16xf32>
        %min3A_2563 = arith.constant 0.999899983 : f32
        %min3A_2564 = vector.broadcast %min3A_2563 : f32 to vector<16xf32>
        %min3A_2565 = arith.minimumf %max3A_2562, %min3A_2564 : vector<16xf32>
        %mul3A_2566 = arith.mulf %min3A_2565, %min3A_2565 : vector<16xf32>
        %sub3A_2567 = arith.constant 1.000000e+00 : f32
        %sub3A_2568 = vector.broadcast %sub3A_2567 : f32 to vector<16xf32>
        %sub3A_2569 = arith.subf %sub3A_2568, %min3A_2565 : vector<16xf32>
        %bitcast_convert_type3A_2570 = tpu.bitcast %sub3A_2569 : vector<16xf32> -> vector<16xi32>
        %shift_right_arithmetic3A_2571 = arith.constant 23 : i32
        %shift_right_arithmetic3A_2572 = vector.broadcast %shift_right_arithmetic3A_2571 : i32 to vector<16xi32>
        %shift_right_arithmetic3A_2573 = arith.shrsi %bitcast_convert_type3A_2570, %shift_right_arithmetic3A_2572 : vector<16xi32>
        %and3A_2574 = arith.constant 8388607 : i32
        %and3A_2575 = vector.broadcast %and3A_2574 : i32 to vector<16xi32>
        %and3A_2576 = arith.andi %bitcast_convert_type3A_2570, %and3A_2575 : vector<16xi32>
        %or3A_2577 = arith.constant 1065353216 : i32
        %or3A_2578 = vector.broadcast %or3A_2577 : i32 to vector<16xi32>
        %or3A_2579 = arith.ori %and3A_2576, %or3A_2578 : vector<16xi32>
        %bitcast_convert_type3A_2580 = tpu.bitcast %or3A_2579 : vector<16xi32> -> vector<16xf32>
        %sub3A_2581 = arith.constant 127 : i32
        %sub3A_2582 = vector.broadcast %sub3A_2581 : i32 to vector<16xi32>
        %sub3A_2583 = arith.subi %shift_right_arithmetic3A_2573, %sub3A_2582 : vector<16xi32>
        %convert_element_type3A_2584 = arith.sitofp %sub3A_2583 : vector<16xi32> to vector<16xf32>
        %broadcast_in_dim3A_2585 = arith.constant 0.105843775 : f32
        %broadcast_in_dim3A_2586 = vector.broadcast %broadcast_in_dim3A_2585 : f32 to vector<16xf32>
        %mul3A_2587 = arith.mulf %broadcast_in_dim3A_2586, %bitcast_convert_type3A_2580 : vector<16xf32>
        %add3A_2588 = arith.constant -0.711726904 : f32
        %add3A_2589 = vector.broadcast %add3A_2588 : f32 to vector<16xf32>
        %add3A_2590 = arith.addf %mul3A_2587, %add3A_2589 : vector<16xf32>
        %mul3A_2591 = arith.mulf %add3A_2590, %bitcast_convert_type3A_2580 : vector<16xf32>
        %add3A_2592 = arith.constant 2.08717847 : f32
        %add3A_2593 = vector.broadcast %add3A_2592 : f32 to vector<16xf32>
        %add3A_2594 = arith.addf %mul3A_2591, %add3A_2593 : vector<16xf32>
        %mul3A_2595 = arith.mulf %add3A_2594, %bitcast_convert_type3A_2580 : vector<16xf32>
        %add3A_2596 = arith.constant -1.48072326 : f32
        %add3A_2597 = vector.broadcast %add3A_2596 : f32 to vector<16xf32>
        %add3A_2598 = arith.addf %mul3A_2595, %add3A_2597 : vector<16xf32>
        %mul3A_2599 = arith.constant 0.693147182 : f32
        %mul3A_2600 = vector.broadcast %mul3A_2599 : f32 to vector<16xf32>
        %mul3A_2601 = arith.mulf %convert_element_type3A_2584, %mul3A_2600 : vector<16xf32>
        %add3A_2602 = arith.addf %mul3A_2601, %add3A_2598 : vector<16xf32>
        %mul3A_2603 = arith.mulf %mul3A_2566, %add3A_2602 : vector<16xf32>
        %add3A_2604 = arith.addf %add3A_2555, %mul3A_2603 : vector<16xf32>
        %add3A_2605 = arith.constant 8 : i32
        %add3A_2606 = vector.broadcast %add3A_2605 : i32 to vector<16xi32>
        %add3A_2607 = arith.addi %mul3A_2210, %add3A_2606 : vector<16xi32>
        %gather3A_2608 = tpu.vector_load_idx %arg7[%add3A_2607] : memref<25600xf32, #tpu.memory_space<vmem>>[vector<16xi32>], vector<16xf32>,
        %max3A_2609 = arith.constant 9.99999974E-5 : f32
        %max3A_2610 = vector.broadcast %max3A_2609 : f32 to vector<16xf32>
        %max3A_2611 = arith.maximumf %gather3A_2608, %max3A_2610 : vector<16xf32>
        %min3A_2612 = arith.constant 0.999899983 : f32
        %min3A_2613 = vector.broadcast %min3A_2612 : f32 to vector<16xf32>
        %min3A_2614 = arith.minimumf %max3A_2611, %min3A_2613 : vector<16xf32>
        %mul3A_2615 = arith.mulf %min3A_2614, %min3A_2614 : vector<16xf32>
        %sub3A_2616 = arith.constant 1.000000e+00 : f32
        %sub3A_2617 = vector.broadcast %sub3A_2616 : f32 to vector<16xf32>
        %sub3A_2618 = arith.subf %sub3A_2617, %min3A_2614 : vector<16xf32>
        %bitcast_convert_type3A_2619 = tpu.bitcast %sub3A_2618 : vector<16xf32> -> vector<16xi32>
        %shift_right_arithmetic3A_2620 = arith.constant 23 : i32
        %shift_right_arithmetic3A_2621 = vector.broadcast %shift_right_arithmetic3A_2620 : i32 to vector<16xi32>
        %shift_right_arithmetic3A_2622 = arith.shrsi %bitcast_convert_type3A_2619, %shift_right_arithmetic3A_2621 : vector<16xi32>
        %and3A_2623 = arith.constant 8388607 : i32
        %and3A_2624 = vector.broadcast %and3A_2623 : i32 to vector<16xi32>
        %and3A_2625 = arith.andi %bitcast_convert_type3A_2619, %and3A_2624 : vector<16xi32>
        %or3A_2626 = arith.constant 1065353216 : i32
        %or3A_2627 = vector.broadcast %or3A_2626 : i32 to vector<16xi32>
        %or3A_2628 = arith.ori %and3A_2625, %or3A_2627 : vector<16xi32>
        %bitcast_convert_type3A_2629 = tpu.bitcast %or3A_2628 : vector<16xi32> -> vector<16xf32>
        %sub3A_2630 = arith.constant 127 : i32
        %sub3A_2631 = vector.broadcast %sub3A_2630 : i32 to vector<16xi32>
        %sub3A_2632 = arith.subi %shift_right_arithmetic3A_2622, %sub3A_2631 : vector<16xi32>
        %convert_element_type3A_2633 = arith.sitofp %sub3A_2632 : vector<16xi32> to vector<16xf32>
        %broadcast_in_dim3A_2634 = arith.constant 0.105843775 : f32
        %broadcast_in_dim3A_2635 = vector.broadcast %broadcast_in_dim3A_2634 : f32 to vector<16xf32>
        %mul3A_2636 = arith.mulf %broadcast_in_dim3A_2635, %bitcast_convert_type3A_2629 : vector<16xf32>
        %add3A_2637 = arith.constant -0.711726904 : f32
        %add3A_2638 = vector.broadcast %add3A_2637 : f32 to vector<16xf32>
        %add3A_2639 = arith.addf %mul3A_2636, %add3A_2638 : vector<16xf32>
        %mul3A_2640 = arith.mulf %add3A_2639, %bitcast_convert_type3A_2629 : vector<16xf32>
        %add3A_2641 = arith.constant 2.08717847 : f32
        %add3A_2642 = vector.broadcast %add3A_2641 : f32 to vector<16xf32>
        %add3A_2643 = arith.addf %mul3A_2640, %add3A_2642 : vector<16xf32>
        %mul3A_2644 = arith.mulf %add3A_2643, %bitcast_convert_type3A_2629 : vector<16xf32>
        %add3A_2645 = arith.constant -1.48072326 : f32
        %add3A_2646 = vector.broadcast %add3A_2645 : f32 to vector<16xf32>
        %add3A_2647 = arith.addf %mul3A_2644, %add3A_2646 : vector<16xf32>
        %mul3A_2648 = arith.constant 0.693147182 : f32
        %mul3A_2649 = vector.broadcast %mul3A_2648 : f32 to vector<16xf32>
        %mul3A_2650 = arith.mulf %convert_element_type3A_2633, %mul3A_2649 : vector<16xf32>
        %add3A_2651 = arith.addf %mul3A_2650, %add3A_2647 : vector<16xf32>
        %mul3A_2652 = arith.mulf %mul3A_2615, %add3A_2651 : vector<16xf32>
        %add3A_2653 = arith.addf %add3A_2604, %mul3A_2652 : vector<16xf32>
        %add3A_2654 = arith.constant 9 : i32
        %add3A_2655 = vector.broadcast %add3A_2654 : i32 to vector<16xi32>
        %add3A_2656 = arith.addi %mul3A_2210, %add3A_2655 : vector<16xi32>
        %gather3A_2657 = tpu.vector_load_idx %arg7[%add3A_2656] : memref<25600xf32, #tpu.memory_space<vmem>>[vector<16xi32>], vector<16xf32>,
        %max3A_2658 = arith.constant 9.99999974E-5 : f32
        %max3A_2659 = vector.broadcast %max3A_2658 : f32 to vector<16xf32>
        %max3A_2660 = arith.maximumf %gather3A_2657, %max3A_2659 : vector<16xf32>
        %min3A_2661 = arith.constant 0.999899983 : f32
        %min3A_2662 = vector.broadcast %min3A_2661 : f32 to vector<16xf32>
        %min3A_2663 = arith.minimumf %max3A_2660, %min3A_2662 : vector<16xf32>
        %mul3A_2664 = arith.mulf %min3A_2663, %min3A_2663 : vector<16xf32>
        %sub3A_2665 = arith.constant 1.000000e+00 : f32
        %sub3A_2666 = vector.broadcast %sub3A_2665 : f32 to vector<16xf32>
        %sub3A_2667 = arith.subf %sub3A_2666, %min3A_2663 : vector<16xf32>
        %bitcast_convert_type3A_2668 = tpu.bitcast %sub3A_2667 : vector<16xf32> -> vector<16xi32>
        %shift_right_arithmetic3A_2669 = arith.constant 23 : i32
        %shift_right_arithmetic3A_2670 = vector.broadcast %shift_right_arithmetic3A_2669 : i32 to vector<16xi32>
        %shift_right_arithmetic3A_2671 = arith.shrsi %bitcast_convert_type3A_2668, %shift_right_arithmetic3A_2670 : vector<16xi32>
        %and3A_2672 = arith.constant 8388607 : i32
        %and3A_2673 = vector.broadcast %and3A_2672 : i32 to vector<16xi32>
        %and3A_2674 = arith.andi %bitcast_convert_type3A_2668, %and3A_2673 : vector<16xi32>
        %or3A_2675 = arith.constant 1065353216 : i32
        %or3A_2676 = vector.broadcast %or3A_2675 : i32 to vector<16xi32>
        %or3A_2677 = arith.ori %and3A_2674, %or3A_2676 : vector<16xi32>
        %bitcast_convert_type3A_2678 = tpu.bitcast %or3A_2677 : vector<16xi32> -> vector<16xf32>
        %sub3A_2679 = arith.constant 127 : i32
        %sub3A_2680 = vector.broadcast %sub3A_2679 : i32 to vector<16xi32>
        %sub3A_2681 = arith.subi %shift_right_arithmetic3A_2671, %sub3A_2680 : vector<16xi32>
        %convert_element_type3A_2682 = arith.sitofp %sub3A_2681 : vector<16xi32> to vector<16xf32>
        %broadcast_in_dim3A_2683 = arith.constant 0.105843775 : f32
        %broadcast_in_dim3A_2684 = vector.broadcast %broadcast_in_dim3A_2683 : f32 to vector<16xf32>
        %mul3A_2685 = arith.mulf %broadcast_in_dim3A_2684, %bitcast_convert_type3A_2678 : vector<16xf32>
        %add3A_2686 = arith.constant -0.711726904 : f32
        %add3A_2687 = vector.broadcast %add3A_2686 : f32 to vector<16xf32>
        %add3A_2688 = arith.addf %mul3A_2685, %add3A_2687 : vector<16xf32>
        %mul3A_2689 = arith.mulf %add3A_2688, %bitcast_convert_type3A_2678 : vector<16xf32>
        %add3A_2690 = arith.constant 2.08717847 : f32
        %add3A_2691 = vector.broadcast %add3A_2690 : f32 to vector<16xf32>
        %add3A_2692 = arith.addf %mul3A_2689, %add3A_2691 : vector<16xf32>
        %mul3A_2693 = arith.mulf %add3A_2692, %bitcast_convert_type3A_2678 : vector<16xf32>
        %add3A_2694 = arith.constant -1.48072326 : f32
        %add3A_2695 = vector.broadcast %add3A_2694 : f32 to vector<16xf32>
        %add3A_2696 = arith.addf %mul3A_2693, %add3A_2695 : vector<16xf32>
        %mul3A_2697 = arith.constant 0.693147182 : f32
        %mul3A_2698 = vector.broadcast %mul3A_2697 : f32 to vector<16xf32>
        %mul3A_2699 = arith.mulf %convert_element_type3A_2682, %mul3A_2698 : vector<16xf32>
        %add3A_2700 = arith.addf %mul3A_2699, %add3A_2696 : vector<16xf32>
        %mul3A_2701 = arith.mulf %mul3A_2664, %add3A_2700 : vector<16xf32>
        %add3A_2702 = arith.addf %add3A_2653, %mul3A_2701 : vector<16xf32>
        %add3A_2703 = arith.constant 10 : i32
        %add3A_2704 = vector.broadcast %add3A_2703 : i32 to vector<16xi32>
        %add3A_2705 = arith.addi %mul3A_2210, %add3A_2704 : vector<16xi32>
        %gather3A_2706 = tpu.vector_load_idx %arg7[%add3A_2705] : memref<25600xf32, #tpu.memory_space<vmem>>[vector<16xi32>], vector<16xf32>,
        %max3A_2707 = arith.constant 9.99999974E-5 : f32
        %max3A_2708 = vector.broadcast %max3A_2707 : f32 to vector<16xf32>
        %max3A_2709 = arith.maximumf %gather3A_2706, %max3A_2708 : vector<16xf32>
        %min3A_2710 = arith.constant 0.999899983 : f32
        %min3A_2711 = vector.broadcast %min3A_2710 : f32 to vector<16xf32>
        %min3A_2712 = arith.minimumf %max3A_2709, %min3A_2711 : vector<16xf32>
        %mul3A_2713 = arith.mulf %min3A_2712, %min3A_2712 : vector<16xf32>
        %sub3A_2714 = arith.constant 1.000000e+00 : f32
        %sub3A_2715 = vector.broadcast %sub3A_2714 : f32 to vector<16xf32>
        %sub3A_2716 = arith.subf %sub3A_2715, %min3A_2712 : vector<16xf32>
        %bitcast_convert_type3A_2717 = tpu.bitcast %sub3A_2716 : vector<16xf32> -> vector<16xi32>
        %shift_right_arithmetic3A_2718 = arith.constant 23 : i32
        %shift_right_arithmetic3A_2719 = vector.broadcast %shift_right_arithmetic3A_2718 : i32 to vector<16xi32>
        %shift_right_arithmetic3A_2720 = arith.shrsi %bitcast_convert_type3A_2717, %shift_right_arithmetic3A_2719 : vector<16xi32>
        %and3A_2721 = arith.constant 8388607 : i32
        %and3A_2722 = vector.broadcast %and3A_2721 : i32 to vector<16xi32>
        %and3A_2723 = arith.andi %bitcast_convert_type3A_2717, %and3A_2722 : vector<16xi32>
        %or3A_2724 = arith.constant 1065353216 : i32
        %or3A_2725 = vector.broadcast %or3A_2724 : i32 to vector<16xi32>
        %or3A_2726 = arith.ori %and3A_2723, %or3A_2725 : vector<16xi32>
        %bitcast_convert_type3A_2727 = tpu.bitcast %or3A_2726 : vector<16xi32> -> vector<16xf32>
        %sub3A_2728 = arith.constant 127 : i32
        %sub3A_2729 = vector.broadcast %sub3A_2728 : i32 to vector<16xi32>
        %sub3A_2730 = arith.subi %shift_right_arithmetic3A_2720, %sub3A_2729 : vector<16xi32>
        %convert_element_type3A_2731 = arith.sitofp %sub3A_2730 : vector<16xi32> to vector<16xf32>
        %broadcast_in_dim3A_2732 = arith.constant 0.105843775 : f32
        %broadcast_in_dim3A_2733 = vector.broadcast %broadcast_in_dim3A_2732 : f32 to vector<16xf32>
        %mul3A_2734 = arith.mulf %broadcast_in_dim3A_2733, %bitcast_convert_type3A_2727 : vector<16xf32>
        %add3A_2735 = arith.constant -0.711726904 : f32
        %add3A_2736 = vector.broadcast %add3A_2735 : f32 to vector<16xf32>
        %add3A_2737 = arith.addf %mul3A_2734, %add3A_2736 : vector<16xf32>
        %mul3A_2738 = arith.mulf %add3A_2737, %bitcast_convert_type3A_2727 : vector<16xf32>
        %add3A_2739 = arith.constant 2.08717847 : f32
        %add3A_2740 = vector.broadcast %add3A_2739 : f32 to vector<16xf32>
        %add3A_2741 = arith.addf %mul3A_2738, %add3A_2740 : vector<16xf32>
        %mul3A_2742 = arith.mulf %add3A_2741, %bitcast_convert_type3A_2727 : vector<16xf32>
        %add3A_2743 = arith.constant -1.48072326 : f32
        %add3A_2744 = vector.broadcast %add3A_2743 : f32 to vector<16xf32>
        %add3A_2745 = arith.addf %mul3A_2742, %add3A_2744 : vector<16xf32>
        %mul3A_2746 = arith.constant 0.693147182 : f32
        %mul3A_2747 = vector.broadcast %mul3A_2746 : f32 to vector<16xf32>
        %mul3A_2748 = arith.mulf %convert_element_type3A_2731, %mul3A_2747 : vector<16xf32>
        %add3A_2749 = arith.addf %mul3A_2748, %add3A_2745 : vector<16xf32>
        %mul3A_2750 = arith.mulf %mul3A_2713, %add3A_2749 : vector<16xf32>
        %add3A_2751 = arith.addf %add3A_2702, %mul3A_2750 : vector<16xf32>
        %add3A_2752 = arith.constant 11 : i32
        %add3A_2753 = vector.broadcast %add3A_2752 : i32 to vector<16xi32>
        %add3A_2754 = arith.addi %mul3A_2210, %add3A_2753 : vector<16xi32>
        %gather3A_2755 = tpu.vector_load_idx %arg7[%add3A_2754] : memref<25600xf32, #tpu.memory_space<vmem>>[vector<16xi32>], vector<16xf32>,
        %max3A_2756 = arith.constant 9.99999974E-5 : f32
        %max3A_2757 = vector.broadcast %max3A_2756 : f32 to vector<16xf32>
        %max3A_2758 = arith.maximumf %gather3A_2755, %max3A_2757 : vector<16xf32>
        %min3A_2759 = arith.constant 0.999899983 : f32
        %min3A_2760 = vector.broadcast %min3A_2759 : f32 to vector<16xf32>
        %min3A_2761 = arith.minimumf %max3A_2758, %min3A_2760 : vector<16xf32>
        %mul3A_2762 = arith.mulf %min3A_2761, %min3A_2761 : vector<16xf32>
        %sub3A_2763 = arith.constant 1.000000e+00 : f32
        %sub3A_2764 = vector.broadcast %sub3A_2763 : f32 to vector<16xf32>
        %sub3A_2765 = arith.subf %sub3A_2764, %min3A_2761 : vector<16xf32>
        %bitcast_convert_type3A_2766 = tpu.bitcast %sub3A_2765 : vector<16xf32> -> vector<16xi32>
        %shift_right_arithmetic3A_2767 = arith.constant 23 : i32
        %shift_right_arithmetic3A_2768 = vector.broadcast %shift_right_arithmetic3A_2767 : i32 to vector<16xi32>
        %shift_right_arithmetic3A_2769 = arith.shrsi %bitcast_convert_type3A_2766, %shift_right_arithmetic3A_2768 : vector<16xi32>
        %and3A_2770 = arith.constant 8388607 : i32
        %and3A_2771 = vector.broadcast %and3A_2770 : i32 to vector<16xi32>
        %and3A_2772 = arith.andi %bitcast_convert_type3A_2766, %and3A_2771 : vector<16xi32>
        %or3A_2773 = arith.constant 1065353216 : i32
        %or3A_2774 = vector.broadcast %or3A_2773 : i32 to vector<16xi32>
        %or3A_2775 = arith.ori %and3A_2772, %or3A_2774 : vector<16xi32>
        %bitcast_convert_type3A_2776 = tpu.bitcast %or3A_2775 : vector<16xi32> -> vector<16xf32>
        %sub3A_2777 = arith.constant 127 : i32
        %sub3A_2778 = vector.broadcast %sub3A_2777 : i32 to vector<16xi32>
        %sub3A_2779 = arith.subi %shift_right_arithmetic3A_2769, %sub3A_2778 : vector<16xi32>
        %convert_element_type3A_2780 = arith.sitofp %sub3A_2779 : vector<16xi32> to vector<16xf32>
        %broadcast_in_dim3A_2781 = arith.constant 0.105843775 : f32
        %broadcast_in_dim3A_2782 = vector.broadcast %broadcast_in_dim3A_2781 : f32 to vector<16xf32>
        %mul3A_2783 = arith.mulf %broadcast_in_dim3A_2782, %bitcast_convert_type3A_2776 : vector<16xf32>
        %add3A_2784 = arith.constant -0.711726904 : f32
        %add3A_2785 = vector.broadcast %add3A_2784 : f32 to vector<16xf32>
        %add3A_2786 = arith.addf %mul3A_2783, %add3A_2785 : vector<16xf32>
        %mul3A_2787 = arith.mulf %add3A_2786, %bitcast_convert_type3A_2776 : vector<16xf32>
        %add3A_2788 = arith.constant 2.08717847 : f32
        %add3A_2789 = vector.broadcast %add3A_2788 : f32 to vector<16xf32>
        %add3A_2790 = arith.addf %mul3A_2787, %add3A_2789 : vector<16xf32>
        %mul3A_2791 = arith.mulf %add3A_2790, %bitcast_convert_type3A_2776 : vector<16xf32>
        %add3A_2792 = arith.constant -1.48072326 : f32
        %add3A_2793 = vector.broadcast %add3A_2792 : f32 to vector<16xf32>
        %add3A_2794 = arith.addf %mul3A_2791, %add3A_2793 : vector<16xf32>
        %mul3A_2795 = arith.constant 0.693147182 : f32
        %mul3A_2796 = vector.broadcast %mul3A_2795 : f32 to vector<16xf32>
        %mul3A_2797 = arith.mulf %convert_element_type3A_2780, %mul3A_2796 : vector<16xf32>
        %add3A_2798 = arith.addf %mul3A_2797, %add3A_2794 : vector<16xf32>
        %mul3A_2799 = arith.mulf %mul3A_2762, %add3A_2798 : vector<16xf32>
        %add3A_2800 = arith.addf %add3A_2751, %mul3A_2799 : vector<16xf32>
        %add3A_2801 = arith.constant 12 : i32
        %add3A_2802 = vector.broadcast %add3A_2801 : i32 to vector<16xi32>
        %add3A_2803 = arith.addi %mul3A_2210, %add3A_2802 : vector<16xi32>
        %gather3A_2804 = tpu.vector_load_idx %arg7[%add3A_2803] : memref<25600xf32, #tpu.memory_space<vmem>>[vector<16xi32>], vector<16xf32>,
        %max3A_2805 = arith.constant 9.99999974E-5 : f32
        %max3A_2806 = vector.broadcast %max3A_2805 : f32 to vector<16xf32>
        %max3A_2807 = arith.maximumf %gather3A_2804, %max3A_2806 : vector<16xf32>
        %min3A_2808 = arith.constant 0.999899983 : f32
        %min3A_2809 = vector.broadcast %min3A_2808 : f32 to vector<16xf32>
        %min3A_2810 = arith.minimumf %max3A_2807, %min3A_2809 : vector<16xf32>
        %mul3A_2811 = arith.mulf %min3A_2810, %min3A_2810 : vector<16xf32>
        %sub3A_2812 = arith.constant 1.000000e+00 : f32
        %sub3A_2813 = vector.broadcast %sub3A_2812 : f32 to vector<16xf32>
        %sub3A_2814 = arith.subf %sub3A_2813, %min3A_2810 : vector<16xf32>
        %bitcast_convert_type3A_2815 = tpu.bitcast %sub3A_2814 : vector<16xf32> -> vector<16xi32>
        %shift_right_arithmetic3A_2816 = arith.constant 23 : i32
        %shift_right_arithmetic3A_2817 = vector.broadcast %shift_right_arithmetic3A_2816 : i32 to vector<16xi32>
        %shift_right_arithmetic3A_2818 = arith.shrsi %bitcast_convert_type3A_2815, %shift_right_arithmetic3A_2817 : vector<16xi32>
        %and3A_2819 = arith.constant 8388607 : i32
        %and3A_2820 = vector.broadcast %and3A_2819 : i32 to vector<16xi32>
        %and3A_2821 = arith.andi %bitcast_convert_type3A_2815, %and3A_2820 : vector<16xi32>
        %or3A_2822 = arith.constant 1065353216 : i32
        %or3A_2823 = vector.broadcast %or3A_2822 : i32 to vector<16xi32>
        %or3A_2824 = arith.ori %and3A_2821, %or3A_2823 : vector<16xi32>
        %bitcast_convert_type3A_2825 = tpu.bitcast %or3A_2824 : vector<16xi32> -> vector<16xf32>
        %sub3A_2826 = arith.constant 127 : i32
        %sub3A_2827 = vector.broadcast %sub3A_2826 : i32 to vector<16xi32>
        %sub3A_2828 = arith.subi %shift_right_arithmetic3A_2818, %sub3A_2827 : vector<16xi32>
        %convert_element_type3A_2829 = arith.sitofp %sub3A_2828 : vector<16xi32> to vector<16xf32>
        %broadcast_in_dim3A_2830 = arith.constant 0.105843775 : f32
        %broadcast_in_dim3A_2831 = vector.broadcast %broadcast_in_dim3A_2830 : f32 to vector<16xf32>
        %mul3A_2832 = arith.mulf %broadcast_in_dim3A_2831, %bitcast_convert_type3A_2825 : vector<16xf32>
        %add3A_2833 = arith.constant -0.711726904 : f32
        %add3A_2834 = vector.broadcast %add3A_2833 : f32 to vector<16xf32>
        %add3A_2835 = arith.addf %mul3A_2832, %add3A_2834 : vector<16xf32>
        %mul3A_2836 = arith.mulf %add3A_2835, %bitcast_convert_type3A_2825 : vector<16xf32>
        %add3A_2837 = arith.constant 2.08717847 : f32
        %add3A_2838 = vector.broadcast %add3A_2837 : f32 to vector<16xf32>
        %add3A_2839 = arith.addf %mul3A_2836, %add3A_2838 : vector<16xf32>
        %mul3A_2840 = arith.mulf %add3A_2839, %bitcast_convert_type3A_2825 : vector<16xf32>
        %add3A_2841 = arith.constant -1.48072326 : f32
        %add3A_2842 = vector.broadcast %add3A_2841 : f32 to vector<16xf32>
        %add3A_2843 = arith.addf %mul3A_2840, %add3A_2842 : vector<16xf32>
        %mul3A_2844 = arith.constant 0.693147182 : f32
        %mul3A_2845 = vector.broadcast %mul3A_2844 : f32 to vector<16xf32>
        %mul3A_2846 = arith.mulf %convert_element_type3A_2829, %mul3A_2845 : vector<16xf32>
        %add3A_2847 = arith.addf %mul3A_2846, %add3A_2843 : vector<16xf32>
        %mul3A_2848 = arith.mulf %mul3A_2811, %add3A_2847 : vector<16xf32>
        %add3A_2849 = arith.addf %add3A_2800, %mul3A_2848 : vector<16xf32>
        %add3A_2850 = arith.constant 13 : i32
        %add3A_2851 = vector.broadcast %add3A_2850 : i32 to vector<16xi32>
        %add3A_2852 = arith.addi %mul3A_2210, %add3A_2851 : vector<16xi32>
        %gather3A_2853 = tpu.vector_load_idx %arg7[%add3A_2852] : memref<25600xf32, #tpu.memory_space<vmem>>[vector<16xi32>], vector<16xf32>,
        %max3A_2854 = arith.constant 9.99999974E-5 : f32
        %max3A_2855 = vector.broadcast %max3A_2854 : f32 to vector<16xf32>
        %max3A_2856 = arith.maximumf %gather3A_2853, %max3A_2855 : vector<16xf32>
        %min3A_2857 = arith.constant 0.999899983 : f32
        %min3A_2858 = vector.broadcast %min3A_2857 : f32 to vector<16xf32>
        %min3A_2859 = arith.minimumf %max3A_2856, %min3A_2858 : vector<16xf32>
        %mul3A_2860 = arith.mulf %min3A_2859, %min3A_2859 : vector<16xf32>
        %sub3A_2861 = arith.constant 1.000000e+00 : f32
        %sub3A_2862 = vector.broadcast %sub3A_2861 : f32 to vector<16xf32>
        %sub3A_2863 = arith.subf %sub3A_2862, %min3A_2859 : vector<16xf32>
        %bitcast_convert_type3A_2864 = tpu.bitcast %sub3A_2863 : vector<16xf32> -> vector<16xi32>
        %shift_right_arithmetic3A_2865 = arith.constant 23 : i32
        %shift_right_arithmetic3A_2866 = vector.broadcast %shift_right_arithmetic3A_2865 : i32 to vector<16xi32>
        %shift_right_arithmetic3A_2867 = arith.shrsi %bitcast_convert_type3A_2864, %shift_right_arithmetic3A_2866 : vector<16xi32>
        %and3A_2868 = arith.constant 8388607 : i32
        %and3A_2869 = vector.broadcast %and3A_2868 : i32 to vector<16xi32>
        %and3A_2870 = arith.andi %bitcast_convert_type3A_2864, %and3A_2869 : vector<16xi32>
        %or3A_2871 = arith.constant 1065353216 : i32
        %or3A_2872 = vector.broadcast %or3A_2871 : i32 to vector<16xi32>
        %or3A_2873 = arith.ori %and3A_2870, %or3A_2872 : vector<16xi32>
        %bitcast_convert_type3A_2874 = tpu.bitcast %or3A_2873 : vector<16xi32> -> vector<16xf32>
        %sub3A_2875 = arith.constant 127 : i32
        %sub3A_2876 = vector.broadcast %sub3A_2875 : i32 to vector<16xi32>
        %sub3A_2877 = arith.subi %shift_right_arithmetic3A_2867, %sub3A_2876 : vector<16xi32>
        %convert_element_type3A_2878 = arith.sitofp %sub3A_2877 : vector<16xi32> to vector<16xf32>
        %broadcast_in_dim3A_2879 = arith.constant 0.105843775 : f32
        %broadcast_in_dim3A_2880 = vector.broadcast %broadcast_in_dim3A_2879 : f32 to vector<16xf32>
        %mul3A_2881 = arith.mulf %broadcast_in_dim3A_2880, %bitcast_convert_type3A_2874 : vector<16xf32>
        %add3A_2882 = arith.constant -0.711726904 : f32
        %add3A_2883 = vector.broadcast %add3A_2882 : f32 to vector<16xf32>
        %add3A_2884 = arith.addf %mul3A_2881, %add3A_2883 : vector<16xf32>
        %mul3A_2885 = arith.mulf %add3A_2884, %bitcast_convert_type3A_2874 : vector<16xf32>
        %add3A_2886 = arith.constant 2.08717847 : f32
        %add3A_2887 = vector.broadcast %add3A_2886 : f32 to vector<16xf32>
        %add3A_2888 = arith.addf %mul3A_2885, %add3A_2887 : vector<16xf32>
        %mul3A_2889 = arith.mulf %add3A_2888, %bitcast_convert_type3A_2874 : vector<16xf32>
        %add3A_2890 = arith.constant -1.48072326 : f32
        %add3A_2891 = vector.broadcast %add3A_2890 : f32 to vector<16xf32>
        %add3A_2892 = arith.addf %mul3A_2889, %add3A_2891 : vector<16xf32>
        %mul3A_2893 = arith.constant 0.693147182 : f32
        %mul3A_2894 = vector.broadcast %mul3A_2893 : f32 to vector<16xf32>
        %mul3A_2895 = arith.mulf %convert_element_type3A_2878, %mul3A_2894 : vector<16xf32>
        %add3A_2896 = arith.addf %mul3A_2895, %add3A_2892 : vector<16xf32>
        %mul3A_2897 = arith.mulf %mul3A_2860, %add3A_2896 : vector<16xf32>
        %add3A_2898 = arith.addf %add3A_2849, %mul3A_2897 : vector<16xf32>
        %add3A_2899 = arith.constant 14 : i32
        %add3A_2900 = vector.broadcast %add3A_2899 : i32 to vector<16xi32>
        %add3A_2901 = arith.addi %mul3A_2210, %add3A_2900 : vector<16xi32>
        %gather3A_2902 = tpu.vector_load_idx %arg7[%add3A_2901] : memref<25600xf32, #tpu.memory_space<vmem>>[vector<16xi32>], vector<16xf32>,
        %max3A_2903 = arith.constant 9.99999974E-5 : f32
        %max3A_2904 = vector.broadcast %max3A_2903 : f32 to vector<16xf32>
        %max3A_2905 = arith.maximumf %gather3A_2902, %max3A_2904 : vector<16xf32>
        %min3A_2906 = arith.constant 0.999899983 : f32
        %min3A_2907 = vector.broadcast %min3A_2906 : f32 to vector<16xf32>
        %min3A_2908 = arith.minimumf %max3A_2905, %min3A_2907 : vector<16xf32>
        %mul3A_2909 = arith.mulf %min3A_2908, %min3A_2908 : vector<16xf32>
        %sub3A_2910 = arith.constant 1.000000e+00 : f32
        %sub3A_2911 = vector.broadcast %sub3A_2910 : f32 to vector<16xf32>
        %sub3A_2912 = arith.subf %sub3A_2911, %min3A_2908 : vector<16xf32>
        %bitcast_convert_type3A_2913 = tpu.bitcast %sub3A_2912 : vector<16xf32> -> vector<16xi32>
        %shift_right_arithmetic3A_2914 = arith.constant 23 : i32
        %shift_right_arithmetic3A_2915 = vector.broadcast %shift_right_arithmetic3A_2914 : i32 to vector<16xi32>
        %shift_right_arithmetic3A_2916 = arith.shrsi %bitcast_convert_type3A_2913, %shift_right_arithmetic3A_2915 : vector<16xi32>
        %and3A_2917 = arith.constant 8388607 : i32
        %and3A_2918 = vector.broadcast %and3A_2917 : i32 to vector<16xi32>
        %and3A_2919 = arith.andi %bitcast_convert_type3A_2913, %and3A_2918 : vector<16xi32>
        %or3A_2920 = arith.constant 1065353216 : i32
        %or3A_2921 = vector.broadcast %or3A_2920 : i32 to vector<16xi32>
        %or3A_2922 = arith.ori %and3A_2919, %or3A_2921 : vector<16xi32>
        %bitcast_convert_type3A_2923 = tpu.bitcast %or3A_2922 : vector<16xi32> -> vector<16xf32>
        %sub3A_2924 = arith.constant 127 : i32
        %sub3A_2925 = vector.broadcast %sub3A_2924 : i32 to vector<16xi32>
        %sub3A_2926 = arith.subi %shift_right_arithmetic3A_2916, %sub3A_2925 : vector<16xi32>
        %convert_element_type3A_2927 = arith.sitofp %sub3A_2926 : vector<16xi32> to vector<16xf32>
        %broadcast_in_dim3A_2928 = arith.constant 0.105843775 : f32
        %broadcast_in_dim3A_2929 = vector.broadcast %broadcast_in_dim3A_2928 : f32 to vector<16xf32>
        %mul3A_2930 = arith.mulf %broadcast_in_dim3A_2929, %bitcast_convert_type3A_2923 : vector<16xf32>
        %add3A_2931 = arith.constant -0.711726904 : f32
        %add3A_2932 = vector.broadcast %add3A_2931 : f32 to vector<16xf32>
        %add3A_2933 = arith.addf %mul3A_2930, %add3A_2932 : vector<16xf32>
        %mul3A_2934 = arith.mulf %add3A_2933, %bitcast_convert_type3A_2923 : vector<16xf32>
        %add3A_2935 = arith.constant 2.08717847 : f32
        %add3A_2936 = vector.broadcast %add3A_2935 : f32 to vector<16xf32>
        %add3A_2937 = arith.addf %mul3A_2934, %add3A_2936 : vector<16xf32>
        %mul3A_2938 = arith.mulf %add3A_2937, %bitcast_convert_type3A_2923 : vector<16xf32>
        %add3A_2939 = arith.constant -1.48072326 : f32
        %add3A_2940 = vector.broadcast %add3A_2939 : f32 to vector<16xf32>
        %add3A_2941 = arith.addf %mul3A_2938, %add3A_2940 : vector<16xf32>
        %mul3A_2942 = arith.constant 0.693147182 : f32
        %mul3A_2943 = vector.broadcast %mul3A_2942 : f32 to vector<16xf32>
        %mul3A_2944 = arith.mulf %convert_element_type3A_2927, %mul3A_2943 : vector<16xf32>
        %add3A_2945 = arith.addf %mul3A_2944, %add3A_2941 : vector<16xf32>
        %mul3A_2946 = arith.mulf %mul3A_2909, %add3A_2945 : vector<16xf32>
        %add3A_2947 = arith.addf %add3A_2898, %mul3A_2946 : vector<16xf32>
        %add3A_2948 = arith.constant 15 : i32
        %add3A_2949 = vector.broadcast %add3A_2948 : i32 to vector<16xi32>
        %add3A_2950 = arith.addi %mul3A_2210, %add3A_2949 : vector<16xi32>
        %gather3A_2951 = tpu.vector_load_idx %arg7[%add3A_2950] : memref<25600xf32, #tpu.memory_space<vmem>>[vector<16xi32>], vector<16xf32>,
        %max3A_2952 = arith.constant 9.99999974E-5 : f32
        %max3A_2953 = vector.broadcast %max3A_2952 : f32 to vector<16xf32>
        %max3A_2954 = arith.maximumf %gather3A_2951, %max3A_2953 : vector<16xf32>
        %min3A_2955 = arith.constant 0.999899983 : f32
        %min3A_2956 = vector.broadcast %min3A_2955 : f32 to vector<16xf32>
        %min3A_2957 = arith.minimumf %max3A_2954, %min3A_2956 : vector<16xf32>
        %mul3A_2958 = arith.mulf %min3A_2957, %min3A_2957 : vector<16xf32>
        %sub3A_2959 = arith.constant 1.000000e+00 : f32
        %sub3A_2960 = vector.broadcast %sub3A_2959 : f32 to vector<16xf32>
        %sub3A_2961 = arith.subf %sub3A_2960, %min3A_2957 : vector<16xf32>
        %bitcast_convert_type3A_2962 = tpu.bitcast %sub3A_2961 : vector<16xf32> -> vector<16xi32>
        %shift_right_arithmetic3A_2963 = arith.constant 23 : i32
        %shift_right_arithmetic3A_2964 = vector.broadcast %shift_right_arithmetic3A_2963 : i32 to vector<16xi32>
        %shift_right_arithmetic3A_2965 = arith.shrsi %bitcast_convert_type3A_2962, %shift_right_arithmetic3A_2964 : vector<16xi32>
        %and3A_2966 = arith.constant 8388607 : i32
        %and3A_2967 = vector.broadcast %and3A_2966 : i32 to vector<16xi32>
        %and3A_2968 = arith.andi %bitcast_convert_type3A_2962, %and3A_2967 : vector<16xi32>
        %or3A_2969 = arith.constant 1065353216 : i32
        %or3A_2970 = vector.broadcast %or3A_2969 : i32 to vector<16xi32>
        %or3A_2971 = arith.ori %and3A_2968, %or3A_2970 : vector<16xi32>
        %bitcast_convert_type3A_2972 = tpu.bitcast %or3A_2971 : vector<16xi32> -> vector<16xf32>
        %sub3A_2973 = arith.constant 127 : i32
        %sub3A_2974 = vector.broadcast %sub3A_2973 : i32 to vector<16xi32>
        %sub3A_2975 = arith.subi %shift_right_arithmetic3A_2965, %sub3A_2974 : vector<16xi32>
        %convert_element_type3A_2976 = arith.sitofp %sub3A_2975 : vector<16xi32> to vector<16xf32>
        %broadcast_in_dim3A_2977 = arith.constant 0.105843775 : f32
        %broadcast_in_dim3A_2978 = vector.broadcast %broadcast_in_dim3A_2977 : f32 to vector<16xf32>
        %mul3A_2979 = arith.mulf %broadcast_in_dim3A_2978, %bitcast_convert_type3A_2972 : vector<16xf32>
        %add3A_2980 = arith.constant -0.711726904 : f32
        %add3A_2981 = vector.broadcast %add3A_2980 : f32 to vector<16xf32>
        %add3A_2982 = arith.addf %mul3A_2979, %add3A_2981 : vector<16xf32>
        %mul3A_2983 = arith.mulf %add3A_2982, %bitcast_convert_type3A_2972 : vector<16xf32>
        %add3A_2984 = arith.constant 2.08717847 : f32
        %add3A_2985 = vector.broadcast %add3A_2984 : f32 to vector<16xf32>
        %add3A_2986 = arith.addf %mul3A_2983, %add3A_2985 : vector<16xf32>
        %mul3A_2987 = arith.mulf %add3A_2986, %bitcast_convert_type3A_2972 : vector<16xf32>
        %add3A_2988 = arith.constant -1.48072326 : f32
        %add3A_2989 = vector.broadcast %add3A_2988 : f32 to vector<16xf32>
        %add3A_2990 = arith.addf %mul3A_2987, %add3A_2989 : vector<16xf32>
        %mul3A_2991 = arith.constant 0.693147182 : f32
        %mul3A_2992 = vector.broadcast %mul3A_2991 : f32 to vector<16xf32>
        %mul3A_2993 = arith.mulf %convert_element_type3A_2976, %mul3A_2992 : vector<16xf32>
        %add3A_2994 = arith.addf %mul3A_2993, %add3A_2990 : vector<16xf32>
        %mul3A_2995 = arith.mulf %mul3A_2958, %add3A_2994 : vector<16xf32>
        %add3A_2996 = arith.addf %add3A_2947, %mul3A_2995 : vector<16xf32>
        %convert_element_type3A_2997 = arith.fptosi %gather3A_2175 : vector<16xf32> to vector<16xi32>
        %add3A_2998 = arith.addi %mul3A_2210, %convert_element_type3A_2997 : vector<16xi32>
        %gather3A_2999 = tpu.vector_load_idx %arg7[%add3A_2998] : memref<25600xf32, #tpu.memory_space<vmem>>[vector<16xi32>], vector<16xf32>,
        %max3A_3000 = arith.constant 9.99999974E-5 : f32
        %max3A_3001 = vector.broadcast %max3A_3000 : f32 to vector<16xf32>
        %max3A_3002 = arith.maximumf %gather3A_2999, %max3A_3001 : vector<16xf32>
        %min3A_3003 = arith.constant 0.999899983 : f32
        %min3A_3004 = vector.broadcast %min3A_3003 : f32 to vector<16xf32>
        %min3A_3005 = arith.minimumf %max3A_3002, %min3A_3004 : vector<16xf32>
        %sub3A_3006 = arith.constant 1.000000e+00 : f32
        %sub3A_3007 = vector.broadcast %sub3A_3006 : f32 to vector<16xf32>
        %sub3A_3008 = arith.subf %sub3A_3007, %min3A_3005 : vector<16xf32>
        %mul3A_3009 = arith.mulf %min3A_3005, %min3A_3005 : vector<16xf32>
        %mul3A_3010 = arith.constant 5.000000e-02 : f32
        %mul3A_3011 = vector.broadcast %mul3A_3010 : f32 to vector<16xf32>
        %mul3A_3012 = arith.mulf %mul3A_3011, %mul3A_3009 : vector<16xf32>
        %bitcast_convert_type3A_3013 = tpu.bitcast %sub3A_3008 : vector<16xf32> -> vector<16xi32>
        %shift_right_arithmetic3A_3014 = arith.constant 23 : i32
        %shift_right_arithmetic3A_3015 = vector.broadcast %shift_right_arithmetic3A_3014 : i32 to vector<16xi32>
        %shift_right_arithmetic3A_3016 = arith.shrsi %bitcast_convert_type3A_3013, %shift_right_arithmetic3A_3015 : vector<16xi32>
        %and3A_3017 = arith.constant 8388607 : i32
        %and3A_3018 = vector.broadcast %and3A_3017 : i32 to vector<16xi32>
        %and3A_3019 = arith.andi %bitcast_convert_type3A_3013, %and3A_3018 : vector<16xi32>
        %or3A_3020 = arith.constant 1065353216 : i32
        %or3A_3021 = vector.broadcast %or3A_3020 : i32 to vector<16xi32>
        %or3A_3022 = arith.ori %and3A_3019, %or3A_3021 : vector<16xi32>
        %bitcast_convert_type3A_3023 = tpu.bitcast %or3A_3022 : vector<16xi32> -> vector<16xf32>
        %sub3A_3024 = arith.constant 127 : i32
        %sub3A_3025 = vector.broadcast %sub3A_3024 : i32 to vector<16xi32>
        %sub3A_3026 = arith.subi %shift_right_arithmetic3A_3016, %sub3A_3025 : vector<16xi32>
        %convert_element_type3A_3027 = arith.sitofp %sub3A_3026 : vector<16xi32> to vector<16xf32>
        %broadcast_in_dim3A_3028 = arith.constant 0.105843775 : f32
        %broadcast_in_dim3A_3029 = vector.broadcast %broadcast_in_dim3A_3028 : f32 to vector<16xf32>
        %mul3A_3030 = arith.mulf %broadcast_in_dim3A_3029, %bitcast_convert_type3A_3023 : vector<16xf32>
        %add3A_3031 = arith.constant -0.711726904 : f32
        %add3A_3032 = vector.broadcast %add3A_3031 : f32 to vector<16xf32>
        %add3A_3033 = arith.addf %mul3A_3030, %add3A_3032 : vector<16xf32>
        %mul3A_3034 = arith.mulf %add3A_3033, %bitcast_convert_type3A_3023 : vector<16xf32>
        %add3A_3035 = arith.constant 2.08717847 : f32
        %add3A_3036 = vector.broadcast %add3A_3035 : f32 to vector<16xf32>
        %add3A_3037 = arith.addf %mul3A_3034, %add3A_3036 : vector<16xf32>
        %mul3A_3038 = arith.mulf %add3A_3037, %bitcast_convert_type3A_3023 : vector<16xf32>
        %add3A_3039 = arith.constant -1.48072326 : f32
        %add3A_3040 = vector.broadcast %add3A_3039 : f32 to vector<16xf32>
        %add3A_3041 = arith.addf %mul3A_3038, %add3A_3040 : vector<16xf32>
        %mul3A_3042 = arith.constant 0.693147182 : f32
        %mul3A_3043 = vector.broadcast %mul3A_3042 : f32 to vector<16xf32>
        %mul3A_3044 = arith.mulf %convert_element_type3A_3027, %mul3A_3043 : vector<16xf32>
        %add3A_3045 = arith.addf %mul3A_3044, %add3A_3041 : vector<16xf32>
        %mul3A_3046 = arith.mulf %mul3A_3012, %add3A_3045 : vector<16xf32>
        %mul3A_3047 = arith.mulf %sub3A_3008, %sub3A_3008 : vector<16xf32>
        %mul3A_3048 = arith.constant 0.949999988 : f32
        %mul3A_3049 = vector.broadcast %mul3A_3048 : f32 to vector<16xf32>
        %mul3A_3050 = arith.mulf %mul3A_3049, %mul3A_3047 : vector<16xf32>
        %bitcast_convert_type3A_3051 = tpu.bitcast %min3A_3005 : vector<16xf32> -> vector<16xi32>
        %shift_right_arithmetic3A_3052 = arith.constant 23 : i32
        %shift_right_arithmetic3A_3053 = vector.broadcast %shift_right_arithmetic3A_3052 : i32 to vector<16xi32>
        %shift_right_arithmetic3A_3054 = arith.shrsi %bitcast_convert_type3A_3051, %shift_right_arithmetic3A_3053 : vector<16xi32>
        %and3A_3055 = arith.constant 8388607 : i32
        %and3A_3056 = vector.broadcast %and3A_3055 : i32 to vector<16xi32>
        %and3A_3057 = arith.andi %bitcast_convert_type3A_3051, %and3A_3056 : vector<16xi32>
        %or3A_3058 = arith.constant 1065353216 : i32
        %or3A_3059 = vector.broadcast %or3A_3058 : i32 to vector<16xi32>
        %or3A_3060 = arith.ori %and3A_3057, %or3A_3059 : vector<16xi32>
        %bitcast_convert_type3A_3061 = tpu.bitcast %or3A_3060 : vector<16xi32> -> vector<16xf32>
        %sub3A_3062 = arith.constant 127 : i32
        %sub3A_3063 = vector.broadcast %sub3A_3062 : i32 to vector<16xi32>
        %sub3A_3064 = arith.subi %shift_right_arithmetic3A_3054, %sub3A_3063 : vector<16xi32>
        %convert_element_type3A_3065 = arith.sitofp %sub3A_3064 : vector<16xi32> to vector<16xf32>
        %broadcast_in_dim3A_3066 = arith.constant 0.105843775 : f32
        %broadcast_in_dim3A_3067 = vector.broadcast %broadcast_in_dim3A_3066 : f32 to vector<16xf32>
        %mul3A_3068 = arith.mulf %broadcast_in_dim3A_3067, %bitcast_convert_type3A_3061 : vector<16xf32>
        %add3A_3069 = arith.constant -0.711726904 : f32
        %add3A_3070 = vector.broadcast %add3A_3069 : f32 to vector<16xf32>
        %add3A_3071 = arith.addf %mul3A_3068, %add3A_3070 : vector<16xf32>
        %mul3A_3072 = arith.mulf %add3A_3071, %bitcast_convert_type3A_3061 : vector<16xf32>
        %add3A_3073 = arith.constant 2.08717847 : f32
        %add3A_3074 = vector.broadcast %add3A_3073 : f32 to vector<16xf32>
        %add3A_3075 = arith.addf %mul3A_3072, %add3A_3074 : vector<16xf32>
        %mul3A_3076 = arith.mulf %add3A_3075, %bitcast_convert_type3A_3061 : vector<16xf32>
        %add3A_3077 = arith.constant -1.48072326 : f32
        %add3A_3078 = vector.broadcast %add3A_3077 : f32 to vector<16xf32>
        %add3A_3079 = arith.addf %mul3A_3076, %add3A_3078 : vector<16xf32>
        %mul3A_3080 = arith.constant 0.693147182 : f32
        %mul3A_3081 = vector.broadcast %mul3A_3080 : f32 to vector<16xf32>
        %mul3A_3082 = arith.mulf %convert_element_type3A_3065, %mul3A_3081 : vector<16xf32>
        %add3A_3083 = arith.addf %mul3A_3082, %add3A_3079 : vector<16xf32>
        %mul3A_3084 = arith.mulf %mul3A_3050, %add3A_3083 : vector<16xf32>
        %sub3A_3085 = arith.subf %mul3A_3046, %mul3A_3084 : vector<16xf32>
        %mul3A_3086 = arith.constant -5.000000e-02 : f32
        %mul3A_3087 = vector.broadcast %mul3A_3086 : f32 to vector<16xf32>
        %mul3A_3088 = arith.mulf %mul3A_3087, %add3A_2996 : vector<16xf32>
        %jit3A_3089 = arith.constant 0.000000e+00 : f32
        %broadcast_in_dim3A_3090 = vector.broadcast %jit3A_3089 : f32 to vector<16xf32>
        %select_n3A_3091 = arith.select %and3A_2199, %mul3A_3088, %broadcast_in_dim3A_3090 : vector<16xi1>, vector<16xf32>
        %add3A_3092 = arith.addf %add3A_2091, %select_n3A_3091 : vector<16xf32>
        %jit3A_3093 = arith.constant 0.000000e+00 : f32
        %broadcast_in_dim3A_3094 = vector.broadcast %jit3A_3093 : f32 to vector<16xf32>
        %select_n3A_3095 = arith.select %and3A_2197, %sub3A_3085, %broadcast_in_dim3A_3094 : vector<16xi1>, vector<16xf32>
        %add3A_3096 = arith.addf %add3A_3092, %select_n3A_3095 : vector<16xf32>
        %gather3A_3097 = tpu.vector_load_idx %arg8[%add3A_126] : memref<4800xf32, #tpu.memory_space<vmem>>[vector<16xi32>], vector<16xf32>,
        %add3A_3098 = arith.constant 1 : i32
        %add3A_3099 = vector.broadcast %add3A_3098 : i32 to vector<16xi32>
        %add3A_3100 = arith.addi %add3A_126, %add3A_3099 : vector<16xi32>
        %gather3A_3101 = tpu.vector_load_idx %arg8[%add3A_3100] : memref<4800xf32, #tpu.memory_space<vmem>>[vector<16xi32>], vector<16xf32>,
        %gather3A_3102 = tpu.vector_load_idx %arg9[%add3A_126] : memref<4800xf32, #tpu.memory_space<vmem>>[vector<16xi32>], vector<16xf32>,
        %add3A_3103 = arith.constant 1 : i32
        %add3A_3104 = vector.broadcast %add3A_3103 : i32 to vector<16xi32>
        %add3A_3105 = arith.addi %add3A_126, %add3A_3104 : vector<16xi32>
        %gather3A_3106 = tpu.vector_load_idx %arg9[%add3A_3105] : memref<4800xf32, #tpu.memory_space<vmem>>[vector<16xi32>], vector<16xf32>,
        %add3A_3107 = arith.constant 2 : i32
        %add3A_3108 = vector.broadcast %add3A_3107 : i32 to vector<16xi32>
        %add3A_3109 = arith.addi %add3A_126, %add3A_3108 : vector<16xi32>
        %gather3A_3110 = tpu.vector_load_idx %arg9[%add3A_3109] : memref<4800xf32, #tpu.memory_space<vmem>>[vector<16xi32>], vector<16xf32>,
        %sub3A_3111 = arith.subf %gather3A_2163, %gather3A_3097 : vector<16xf32>
        %sub3A_3112 = arith.subf %sub3A_3111, %gather3A_3102 : vector<16xf32>
        %abs3A_3113 = math.absf %sub3A_3112 : vector<16xf32>
        %sub3A_3114 = arith.subf %gather3A_2167, %gather3A_3101 : vector<16xf32>
        %sub3A_3115 = arith.subf %sub3A_3114, %gather3A_3106 : vector<16xf32>
        %abs3A_3116 = math.absf %sub3A_3115 : vector<16xf32>
        %le3A_3117 = arith.constant 0.111111112 : f32
        %le3A_3118 = vector.broadcast %le3A_3117 : f32 to vector<16xf32>
        %le3A_3119 = arith.cmpf ole, %abs3A_3113, %le3A_3118 : vector<16xf32>
        %mul3A_3120 = arith.constant 4.500000e+00 : f32
        %mul3A_3121 = vector.broadcast %mul3A_3120 : f32 to vector<16xf32>
        %mul3A_3122 = arith.mulf %mul3A_3121, %abs3A_3113 : vector<16xf32>
        %mul3A_3123 = arith.mulf %mul3A_3122, %abs3A_3113 : vector<16xf32>
        %sub3A_3124 = arith.constant 0.055555556 : f32
        %sub3A_3125 = vector.broadcast %sub3A_3124 : f32 to vector<16xf32>
        %sub3A_3126 = arith.subf %abs3A_3113, %sub3A_3125 : vector<16xf32>
        %select_n3A_3127 = arith.select %le3A_3119, %mul3A_3123, %sub3A_3126 : vector<16xi1>, vector<16xf32>
        %le3A_3128 = arith.constant 0.111111112 : f32
        %le3A_3129 = vector.broadcast %le3A_3128 : f32 to vector<16xf32>
        %le3A_3130 = arith.cmpf ole, %abs3A_3116, %le3A_3129 : vector<16xf32>
        %mul3A_3131 = arith.constant 4.500000e+00 : f32
        %mul3A_3132 = vector.broadcast %mul3A_3131 : f32 to vector<16xf32>
        %mul3A_3133 = arith.mulf %mul3A_3132, %abs3A_3116 : vector<16xf32>
        %mul3A_3134 = arith.mulf %mul3A_3133, %abs3A_3116 : vector<16xf32>
        %sub3A_3135 = arith.constant 0.055555556 : f32
        %sub3A_3136 = vector.broadcast %sub3A_3135 : f32 to vector<16xf32>
        %sub3A_3137 = arith.subf %abs3A_3116, %sub3A_3136 : vector<16xf32>
        %select_n3A_3138 = arith.select %le3A_3130, %mul3A_3134, %sub3A_3137 : vector<16xi1>, vector<16xf32>
        %sub3A_3139 = arith.subf %gather3A_2171, %gather3A_2162 : vector<16xf32>
        %sub3A_3140 = arith.subf %sub3A_3139, %gather3A_3110 : vector<16xf32>
        %abs3A_3141 = math.absf %sub3A_3140 : vector<16xf32>
        %sub3A_3142 = arith.constant 1.000000e+01 : f32
        %sub3A_3143 = vector.broadcast %sub3A_3142 : f32 to vector<16xf32>
        %sub3A_3144 = arith.subf %abs3A_3141, %sub3A_3143 : vector<16xf32>
        %div3A_3145 = arith.constant 5.000000e+00 : f32
        %div3A_3146 = vector.broadcast %div3A_3145 : f32 to vector<16xf32>
        %div3A_3147 = arith.divf %sub3A_3144, %div3A_3146 : vector<16xf32>
        %le3A_3148 = arith.constant 0.000000e+00 : f32
        %le3A_3149 = vector.broadcast %le3A_3148 : f32 to vector<16xf32>
        %le3A_3150 = arith.cmpf ole, %div3A_3147, %le3A_3149 : vector<16xf32>
        %jit3A_3151 = arith.constant 0.000000e+00 : f32
        %broadcast_in_dim3A_3152 = vector.broadcast %jit3A_3151 : f32 to vector<16xf32>
        %select_n3A_3153 = arith.select %le3A_3150, %broadcast_in_dim3A_3152, %div3A_3147 : vector<16xi1>, vector<16xf32>
        %jit3A_3154 = arith.constant 1.000000e+00 : f32
        %jit3A_3155 = arith.constant 0.000000e+00 : f32
        %broadcast_in_dim3A_3156 = vector.broadcast %jit3A_3154 : f32 to vector<16xf32>
        %broadcast_in_dim3A_3157 = vector.broadcast %jit3A_3155 : f32 to vector<16xf32>
        %select_n3A_3158 = arith.select %and3A_2197, %broadcast_in_dim3A_3156, %broadcast_in_dim3A_3157 : vector<16xi1>, vector<16xf32>
        %add3A_3159 = arith.addf %select_n3A_3127, %select_n3A_3138 : vector<16xf32>
        %mul3A_3160 = arith.mulf %add3A_3159, %select_n3A_3158 : vector<16xf32>
        %add3A_3161 = arith.addf %add3A_2156, %mul3A_3160 : vector<16xf32>
        %mul3A_3162 = arith.mulf %select_n3A_3153, %select_n3A_3158 : vector<16xf32>
        %add3A_3163 = arith.addf %add3A_2158, %mul3A_3162 : vector<16xf32>
        %add3A_3164 = arith.constant 2 : i32
        %add3A_3165 = vector.broadcast %add3A_3164 : i32 to vector<16xi32>
        %add3A_3166 = arith.addi %add3A_133, %add3A_3165 : vector<16xi32>
        %gather3A_3167 = tpu.vector_load_idx %arg8[%add3A_3166] : memref<4800xf32, #tpu.memory_space<vmem>>[vector<16xi32>], vector<16xf32>,
        %gather3A_3168 = tpu.vector_load_idx %arg10[%scan3A_159#7] : memref<256xf32, #tpu.memory_space<vmem>>[vector<16xi32>], vector<16xf32>,
        %add3A_3169 = arith.constant 1 : i32
        %add3A_3170 = vector.broadcast %add3A_3169 : i32 to vector<16xi32>
        %add3A_3171 = arith.addi %scan3A_159#7, %add3A_3170 : vector<16xi32>
        %gather3A_3172 = tpu.vector_load_idx %arg10[%add3A_3171] : memref<256xf32, #tpu.memory_space<vmem>>[vector<16xi32>], vector<16xf32>,
        %add3A_3173 = arith.constant 2 : i32
        %add3A_3174 = vector.broadcast %add3A_3173 : i32 to vector<16xi32>
        %add3A_3175 = arith.addi %scan3A_159#7, %add3A_3174 : vector<16xi32>
        %gather3A_3176 = tpu.vector_load_idx %arg10[%add3A_3175] : memref<256xf32, #tpu.memory_space<vmem>>[vector<16xi32>], vector<16xf32>,
        %add3A_3177 = arith.constant 3 : i32
        %add3A_3178 = vector.broadcast %add3A_3177 : i32 to vector<16xi32>
        %add3A_3179 = arith.addi %scan3A_159#7, %add3A_3178 : vector<16xi32>
        %gather3A_3180 = tpu.vector_load_idx %arg10[%add3A_3179] : memref<256xf32, #tpu.memory_space<vmem>>[vector<16xi32>], vector<16xf32>,
        %sub3A_3181 = arith.subf %gather3A_3167, %gather3A_3176 : vector<16xf32>
        %abs3A_3182 = math.absf %sub3A_3181 : vector<16xf32>
        %add3A_3183 = arith.addi %min3A_3, %add3A_105 : i32
        %add3A_3184 = vector.broadcast %add3A_3183 : i32 to vector<16xi32>
        %add3A_3185 = arith.addi %add3A_3184, %iota3A : vector<16xi32>
        %ge3A_3186 = vector.broadcast %mul3A_5 : i32 to vector<16xi32>
        %ge3A_3187 = arith.cmpi sge, %add3A_3185, %ge3A_3186 : vector<16xi32>
        %le3A_3188 = arith.constant 2.500000e+01 : f32
        %le3A_3189 = vector.broadcast %le3A_3188 : f32 to vector<16xf32>
        %le3A_3190 = arith.cmpf ole, %scan3A_159#3, %le3A_3189 : vector<16xf32>
        %le3A_3191 = arith.constant 1.000000e+01 : f32
        %le3A_3192 = vector.broadcast %le3A_3191 : f32 to vector<16xf32>
        %le3A_3193 = arith.cmpf ole, %abs3A_3182, %le3A_3192 : vector<16xf32>
        %and3A_3194 = arith.andi %le3A_3190, %le3A_3193 : vector<16xi1>
        %ge3A_3195 = arith.constant 5.625000e+01 : f32
        %ge3A_3196 = vector.broadcast %ge3A_3195 : f32 to vector<16xf32>
        %ge3A_3197 = arith.cmpf oge, %scan3A_159#3, %ge3A_3196 : vector<16xf32>
        %ge3A_3198 = arith.constant 1.500000e+01 : f32
        %ge3A_3199 = vector.broadcast %ge3A_3198 : f32 to vector<16xf32>
        %ge3A_3200 = arith.cmpf oge, %abs3A_3182, %ge3A_3199 : vector<16xf32>
        %or3A_3201 = arith.ori %ge3A_3197, %ge3A_3200 : vector<16xi1>
        %and3A_3202 = arith.andi %and3A_3194, %ge3A_3187 : vector<16xi1>
        %or3A_3203 = arith.ori %and3A_3194, %or3A_3201 : vector<16xi1>
        %and3A_3204 = arith.andi %or3A_3203, %ge3A_3187 : vector<16xi1>
        %jit3A_3205 = arith.constant 1.000000e+00 : f32
        %jit3A_3206 = arith.constant 0.000000e+00 : f32
        %broadcast_in_dim3A_3207 = vector.broadcast %jit3A_3205 : f32 to vector<16xf32>
        %broadcast_in_dim3A_3208 = vector.broadcast %jit3A_3206 : f32 to vector<16xf32>
        %select_n3A_3209 = arith.select %and3A_3202, %broadcast_in_dim3A_3207, %broadcast_in_dim3A_3208 : vector<16xi1>, vector<16xf32>
        %add3A_3210 = arith.addf %add3A_2205, %select_n3A_3209 : vector<16xf32>
        %add3A_3211 = vector.broadcast %add3A_105 : i32 to vector<16xi32>
        %add3A_3212 = arith.addi %add3A_3211, %iota3A : vector<16xi32>
        %mul3A_3213 = arith.constant 16 : i32
        %mul3A_3214 = vector.broadcast %mul3A_3213 : i32 to vector<16xi32>
        %mul3A_3215 = arith.muli %add3A_3212, %mul3A_3214 : vector<16xi32>
        %broadcast_in_dim3A_3216 = arith.constant 0.000000e+00 : f32
        %broadcast_in_dim3A_3217 = vector.broadcast %broadcast_in_dim3A_3216 : f32 to vector<16xf32>
        %add3A_3218 = arith.constant 0 : i32
        %add3A_3219 = vector.broadcast %add3A_3218 : i32 to vector<16xi32>
        %add3A_3220 = arith.addi %mul3A_3215, %add3A_3219 : vector<16xi32>
        %gather3A_3221 = tpu.vector_load_idx %arg7[%add3A_3220] : memref<25600xf32, #tpu.memory_space<vmem>>[vector<16xi32>], vector<16xf32>,
        %max3A_3222 = arith.constant 9.99999974E-5 : f32
        %max3A_3223 = vector.broadcast %max3A_3222 : f32 to vector<16xf32>
        %max3A_3224 = arith.maximumf %gather3A_3221, %max3A_3223 : vector<16xf32>
        %min3A_3225 = arith.constant 0.999899983 : f32
        %min3A_3226 = vector.broadcast %min3A_3225 : f32 to vector<16xf32>
        %min3A_3227 = arith.minimumf %max3A_3224, %min3A_3226 : vector<16xf32>
        %mul3A_3228 = arith.mulf %min3A_3227, %min3A_3227 : vector<16xf32>
        %sub3A_3229 = arith.constant 1.000000e+00 : f32
        %sub3A_3230 = vector.broadcast %sub3A_3229 : f32 to vector<16xf32>
        %sub3A_3231 = arith.subf %sub3A_3230, %min3A_3227 : vector<16xf32>
        %bitcast_convert_type3A_3232 = tpu.bitcast %sub3A_3231 : vector<16xf32> -> vector<16xi32>
        %shift_right_arithmetic3A_3233 = arith.constant 23 : i32
        %shift_right_arithmetic3A_3234 = vector.broadcast %shift_right_arithmetic3A_3233 : i32 to vector<16xi32>
        %shift_right_arithmetic3A_3235 = arith.shrsi %bitcast_convert_type3A_3232, %shift_right_arithmetic3A_3234 : vector<16xi32>
        %and3A_3236 = arith.constant 8388607 : i32
        %and3A_3237 = vector.broadcast %and3A_3236 : i32 to vector<16xi32>
        %and3A_3238 = arith.andi %bitcast_convert_type3A_3232, %and3A_3237 : vector<16xi32>
        %or3A_3239 = arith.constant 1065353216 : i32
        %or3A_3240 = vector.broadcast %or3A_3239 : i32 to vector<16xi32>
        %or3A_3241 = arith.ori %and3A_3238, %or3A_3240 : vector<16xi32>
        %bitcast_convert_type3A_3242 = tpu.bitcast %or3A_3241 : vector<16xi32> -> vector<16xf32>
        %sub3A_3243 = arith.constant 127 : i32
        %sub3A_3244 = vector.broadcast %sub3A_3243 : i32 to vector<16xi32>
        %sub3A_3245 = arith.subi %shift_right_arithmetic3A_3235, %sub3A_3244 : vector<16xi32>
        %convert_element_type3A_3246 = arith.sitofp %sub3A_3245 : vector<16xi32> to vector<16xf32>
        %broadcast_in_dim3A_3247 = arith.constant 0.105843775 : f32
        %broadcast_in_dim3A_3248 = vector.broadcast %broadcast_in_dim3A_3247 : f32 to vector<16xf32>
        %mul3A_3249 = arith.mulf %broadcast_in_dim3A_3248, %bitcast_convert_type3A_3242 : vector<16xf32>
        %add3A_3250 = arith.constant -0.711726904 : f32
        %add3A_3251 = vector.broadcast %add3A_3250 : f32 to vector<16xf32>
        %add3A_3252 = arith.addf %mul3A_3249, %add3A_3251 : vector<16xf32>
        %mul3A_3253 = arith.mulf %add3A_3252, %bitcast_convert_type3A_3242 : vector<16xf32>
        %add3A_3254 = arith.constant 2.08717847 : f32
        %add3A_3255 = vector.broadcast %add3A_3254 : f32 to vector<16xf32>
        %add3A_3256 = arith.addf %mul3A_3253, %add3A_3255 : vector<16xf32>
        %mul3A_3257 = arith.mulf %add3A_3256, %bitcast_convert_type3A_3242 : vector<16xf32>
        %add3A_3258 = arith.constant -1.48072326 : f32
        %add3A_3259 = vector.broadcast %add3A_3258 : f32 to vector<16xf32>
        %add3A_3260 = arith.addf %mul3A_3257, %add3A_3259 : vector<16xf32>
        %mul3A_3261 = arith.constant 0.693147182 : f32
        %mul3A_3262 = vector.broadcast %mul3A_3261 : f32 to vector<16xf32>
        %mul3A_3263 = arith.mulf %convert_element_type3A_3246, %mul3A_3262 : vector<16xf32>
        %add3A_3264 = arith.addf %mul3A_3263, %add3A_3260 : vector<16xf32>
        %mul3A_3265 = arith.mulf %mul3A_3228, %add3A_3264 : vector<16xf32>
        %add3A_3266 = arith.addf %broadcast_in_dim3A_3217, %mul3A_3265 : vector<16xf32>
        %add3A_3267 = arith.constant 1 : i32
        %add3A_3268 = vector.broadcast %add3A_3267 : i32 to vector<16xi32>
        %add3A_3269 = arith.addi %mul3A_3215, %add3A_3268 : vector<16xi32>
        %gather3A_3270 = tpu.vector_load_idx %arg7[%add3A_3269] : memref<25600xf32, #tpu.memory_space<vmem>>[vector<16xi32>], vector<16xf32>,
        %max3A_3271 = arith.constant 9.99999974E-5 : f32
        %max3A_3272 = vector.broadcast %max3A_3271 : f32 to vector<16xf32>
        %max3A_3273 = arith.maximumf %gather3A_3270, %max3A_3272 : vector<16xf32>
        %min3A_3274 = arith.constant 0.999899983 : f32
        %min3A_3275 = vector.broadcast %min3A_3274 : f32 to vector<16xf32>
        %min3A_3276 = arith.minimumf %max3A_3273, %min3A_3275 : vector<16xf32>
        %mul3A_3277 = arith.mulf %min3A_3276, %min3A_3276 : vector<16xf32>
        %sub3A_3278 = arith.constant 1.000000e+00 : f32
        %sub3A_3279 = vector.broadcast %sub3A_3278 : f32 to vector<16xf32>
        %sub3A_3280 = arith.subf %sub3A_3279, %min3A_3276 : vector<16xf32>
        %bitcast_convert_type3A_3281 = tpu.bitcast %sub3A_3280 : vector<16xf32> -> vector<16xi32>
        %shift_right_arithmetic3A_3282 = arith.constant 23 : i32
        %shift_right_arithmetic3A_3283 = vector.broadcast %shift_right_arithmetic3A_3282 : i32 to vector<16xi32>
        %shift_right_arithmetic3A_3284 = arith.shrsi %bitcast_convert_type3A_3281, %shift_right_arithmetic3A_3283 : vector<16xi32>
        %and3A_3285 = arith.constant 8388607 : i32
        %and3A_3286 = vector.broadcast %and3A_3285 : i32 to vector<16xi32>
        %and3A_3287 = arith.andi %bitcast_convert_type3A_3281, %and3A_3286 : vector<16xi32>
        %or3A_3288 = arith.constant 1065353216 : i32
        %or3A_3289 = vector.broadcast %or3A_3288 : i32 to vector<16xi32>
        %or3A_3290 = arith.ori %and3A_3287, %or3A_3289 : vector<16xi32>
        %bitcast_convert_type3A_3291 = tpu.bitcast %or3A_3290 : vector<16xi32> -> vector<16xf32>
        %sub3A_3292 = arith.constant 127 : i32
        %sub3A_3293 = vector.broadcast %sub3A_3292 : i32 to vector<16xi32>
        %sub3A_3294 = arith.subi %shift_right_arithmetic3A_3284, %sub3A_3293 : vector<16xi32>
        %convert_element_type3A_3295 = arith.sitofp %sub3A_3294 : vector<16xi32> to vector<16xf32>
        %broadcast_in_dim3A_3296 = arith.constant 0.105843775 : f32
        %broadcast_in_dim3A_3297 = vector.broadcast %broadcast_in_dim3A_3296 : f32 to vector<16xf32>
        %mul3A_3298 = arith.mulf %broadcast_in_dim3A_3297, %bitcast_convert_type3A_3291 : vector<16xf32>
        %add3A_3299 = arith.constant -0.711726904 : f32
        %add3A_3300 = vector.broadcast %add3A_3299 : f32 to vector<16xf32>
        %add3A_3301 = arith.addf %mul3A_3298, %add3A_3300 : vector<16xf32>
        %mul3A_3302 = arith.mulf %add3A_3301, %bitcast_convert_type3A_3291 : vector<16xf32>
        %add3A_3303 = arith.constant 2.08717847 : f32
        %add3A_3304 = vector.broadcast %add3A_3303 : f32 to vector<16xf32>
        %add3A_3305 = arith.addf %mul3A_3302, %add3A_3304 : vector<16xf32>
        %mul3A_3306 = arith.mulf %add3A_3305, %bitcast_convert_type3A_3291 : vector<16xf32>
        %add3A_3307 = arith.constant -1.48072326 : f32
        %add3A_3308 = vector.broadcast %add3A_3307 : f32 to vector<16xf32>
        %add3A_3309 = arith.addf %mul3A_3306, %add3A_3308 : vector<16xf32>
        %mul3A_3310 = arith.constant 0.693147182 : f32
        %mul3A_3311 = vector.broadcast %mul3A_3310 : f32 to vector<16xf32>
        %mul3A_3312 = arith.mulf %convert_element_type3A_3295, %mul3A_3311 : vector<16xf32>
        %add3A_3313 = arith.addf %mul3A_3312, %add3A_3309 : vector<16xf32>
        %mul3A_3314 = arith.mulf %mul3A_3277, %add3A_3313 : vector<16xf32>
        %add3A_3315 = arith.addf %add3A_3266, %mul3A_3314 : vector<16xf32>
        %add3A_3316 = arith.constant 2 : i32
        %add3A_3317 = vector.broadcast %add3A_3316 : i32 to vector<16xi32>
        %add3A_3318 = arith.addi %mul3A_3215, %add3A_3317 : vector<16xi32>
        %gather3A_3319 = tpu.vector_load_idx %arg7[%add3A_3318] : memref<25600xf32, #tpu.memory_space<vmem>>[vector<16xi32>], vector<16xf32>,
        %max3A_3320 = arith.constant 9.99999974E-5 : f32
        %max3A_3321 = vector.broadcast %max3A_3320 : f32 to vector<16xf32>
        %max3A_3322 = arith.maximumf %gather3A_3319, %max3A_3321 : vector<16xf32>
        %min3A_3323 = arith.constant 0.999899983 : f32
        %min3A_3324 = vector.broadcast %min3A_3323 : f32 to vector<16xf32>
        %min3A_3325 = arith.minimumf %max3A_3322, %min3A_3324 : vector<16xf32>
        %mul3A_3326 = arith.mulf %min3A_3325, %min3A_3325 : vector<16xf32>
        %sub3A_3327 = arith.constant 1.000000e+00 : f32
        %sub3A_3328 = vector.broadcast %sub3A_3327 : f32 to vector<16xf32>
        %sub3A_3329 = arith.subf %sub3A_3328, %min3A_3325 : vector<16xf32>
        %bitcast_convert_type3A_3330 = tpu.bitcast %sub3A_3329 : vector<16xf32> -> vector<16xi32>
        %shift_right_arithmetic3A_3331 = arith.constant 23 : i32
        %shift_right_arithmetic3A_3332 = vector.broadcast %shift_right_arithmetic3A_3331 : i32 to vector<16xi32>
        %shift_right_arithmetic3A_3333 = arith.shrsi %bitcast_convert_type3A_3330, %shift_right_arithmetic3A_3332 : vector<16xi32>
        %and3A_3334 = arith.constant 8388607 : i32
        %and3A_3335 = vector.broadcast %and3A_3334 : i32 to vector<16xi32>
        %and3A_3336 = arith.andi %bitcast_convert_type3A_3330, %and3A_3335 : vector<16xi32>
        %or3A_3337 = arith.constant 1065353216 : i32
        %or3A_3338 = vector.broadcast %or3A_3337 : i32 to vector<16xi32>
        %or3A_3339 = arith.ori %and3A_3336, %or3A_3338 : vector<16xi32>
        %bitcast_convert_type3A_3340 = tpu.bitcast %or3A_3339 : vector<16xi32> -> vector<16xf32>
        %sub3A_3341 = arith.constant 127 : i32
        %sub3A_3342 = vector.broadcast %sub3A_3341 : i32 to vector<16xi32>
        %sub3A_3343 = arith.subi %shift_right_arithmetic3A_3333, %sub3A_3342 : vector<16xi32>
        %convert_element_type3A_3344 = arith.sitofp %sub3A_3343 : vector<16xi32> to vector<16xf32>
        %broadcast_in_dim3A_3345 = arith.constant 0.105843775 : f32
        %broadcast_in_dim3A_3346 = vector.broadcast %broadcast_in_dim3A_3345 : f32 to vector<16xf32>
        %mul3A_3347 = arith.mulf %broadcast_in_dim3A_3346, %bitcast_convert_type3A_3340 : vector<16xf32>
        %add3A_3348 = arith.constant -0.711726904 : f32
        %add3A_3349 = vector.broadcast %add3A_3348 : f32 to vector<16xf32>
        %add3A_3350 = arith.addf %mul3A_3347, %add3A_3349 : vector<16xf32>
        %mul3A_3351 = arith.mulf %add3A_3350, %bitcast_convert_type3A_3340 : vector<16xf32>
        %add3A_3352 = arith.constant 2.08717847 : f32
        %add3A_3353 = vector.broadcast %add3A_3352 : f32 to vector<16xf32>
        %add3A_3354 = arith.addf %mul3A_3351, %add3A_3353 : vector<16xf32>
        %mul3A_3355 = arith.mulf %add3A_3354, %bitcast_convert_type3A_3340 : vector<16xf32>
        %add3A_3356 = arith.constant -1.48072326 : f32
        %add3A_3357 = vector.broadcast %add3A_3356 : f32 to vector<16xf32>
        %add3A_3358 = arith.addf %mul3A_3355, %add3A_3357 : vector<16xf32>
        %mul3A_3359 = arith.constant 0.693147182 : f32
        %mul3A_3360 = vector.broadcast %mul3A_3359 : f32 to vector<16xf32>
        %mul3A_3361 = arith.mulf %convert_element_type3A_3344, %mul3A_3360 : vector<16xf32>
        %add3A_3362 = arith.addf %mul3A_3361, %add3A_3358 : vector<16xf32>
        %mul3A_3363 = arith.mulf %mul3A_3326, %add3A_3362 : vector<16xf32>
        %add3A_3364 = arith.addf %add3A_3315, %mul3A_3363 : vector<16xf32>
        %add3A_3365 = arith.constant 3 : i32
        %add3A_3366 = vector.broadcast %add3A_3365 : i32 to vector<16xi32>
        %add3A_3367 = arith.addi %mul3A_3215, %add3A_3366 : vector<16xi32>
        %gather3A_3368 = tpu.vector_load_idx %arg7[%add3A_3367] : memref<25600xf32, #tpu.memory_space<vmem>>[vector<16xi32>], vector<16xf32>,
        %max3A_3369 = arith.constant 9.99999974E-5 : f32
        %max3A_3370 = vector.broadcast %max3A_3369 : f32 to vector<16xf32>
        %max3A_3371 = arith.maximumf %gather3A_3368, %max3A_3370 : vector<16xf32>
        %min3A_3372 = arith.constant 0.999899983 : f32
        %min3A_3373 = vector.broadcast %min3A_3372 : f32 to vector<16xf32>
        %min3A_3374 = arith.minimumf %max3A_3371, %min3A_3373 : vector<16xf32>
        %mul3A_3375 = arith.mulf %min3A_3374, %min3A_3374 : vector<16xf32>
        %sub3A_3376 = arith.constant 1.000000e+00 : f32
        %sub3A_3377 = vector.broadcast %sub3A_3376 : f32 to vector<16xf32>
        %sub3A_3378 = arith.subf %sub3A_3377, %min3A_3374 : vector<16xf32>
        %bitcast_convert_type3A_3379 = tpu.bitcast %sub3A_3378 : vector<16xf32> -> vector<16xi32>
        %shift_right_arithmetic3A_3380 = arith.constant 23 : i32
        %shift_right_arithmetic3A_3381 = vector.broadcast %shift_right_arithmetic3A_3380 : i32 to vector<16xi32>
        %shift_right_arithmetic3A_3382 = arith.shrsi %bitcast_convert_type3A_3379, %shift_right_arithmetic3A_3381 : vector<16xi32>
        %and3A_3383 = arith.constant 8388607 : i32
        %and3A_3384 = vector.broadcast %and3A_3383 : i32 to vector<16xi32>
        %and3A_3385 = arith.andi %bitcast_convert_type3A_3379, %and3A_3384 : vector<16xi32>
        %or3A_3386 = arith.constant 1065353216 : i32
        %or3A_3387 = vector.broadcast %or3A_3386 : i32 to vector<16xi32>
        %or3A_3388 = arith.ori %and3A_3385, %or3A_3387 : vector<16xi32>
        %bitcast_convert_type3A_3389 = tpu.bitcast %or3A_3388 : vector<16xi32> -> vector<16xf32>
        %sub3A_3390 = arith.constant 127 : i32
        %sub3A_3391 = vector.broadcast %sub3A_3390 : i32 to vector<16xi32>
        %sub3A_3392 = arith.subi %shift_right_arithmetic3A_3382, %sub3A_3391 : vector<16xi32>
        %convert_element_type3A_3393 = arith.sitofp %sub3A_3392 : vector<16xi32> to vector<16xf32>
        %broadcast_in_dim3A_3394 = arith.constant 0.105843775 : f32
        %broadcast_in_dim3A_3395 = vector.broadcast %broadcast_in_dim3A_3394 : f32 to vector<16xf32>
        %mul3A_3396 = arith.mulf %broadcast_in_dim3A_3395, %bitcast_convert_type3A_3389 : vector<16xf32>
        %add3A_3397 = arith.constant -0.711726904 : f32
        %add3A_3398 = vector.broadcast %add3A_3397 : f32 to vector<16xf32>
        %add3A_3399 = arith.addf %mul3A_3396, %add3A_3398 : vector<16xf32>
        %mul3A_3400 = arith.mulf %add3A_3399, %bitcast_convert_type3A_3389 : vector<16xf32>
        %add3A_3401 = arith.constant 2.08717847 : f32
        %add3A_3402 = vector.broadcast %add3A_3401 : f32 to vector<16xf32>
        %add3A_3403 = arith.addf %mul3A_3400, %add3A_3402 : vector<16xf32>
        %mul3A_3404 = arith.mulf %add3A_3403, %bitcast_convert_type3A_3389 : vector<16xf32>
        %add3A_3405 = arith.constant -1.48072326 : f32
        %add3A_3406 = vector.broadcast %add3A_3405 : f32 to vector<16xf32>
        %add3A_3407 = arith.addf %mul3A_3404, %add3A_3406 : vector<16xf32>
        %mul3A_3408 = arith.constant 0.693147182 : f32
        %mul3A_3409 = vector.broadcast %mul3A_3408 : f32 to vector<16xf32>
        %mul3A_3410 = arith.mulf %convert_element_type3A_3393, %mul3A_3409 : vector<16xf32>
        %add3A_3411 = arith.addf %mul3A_3410, %add3A_3407 : vector<16xf32>
        %mul3A_3412 = arith.mulf %mul3A_3375, %add3A_3411 : vector<16xf32>
        %add3A_3413 = arith.addf %add3A_3364, %mul3A_3412 : vector<16xf32>
        %add3A_3414 = arith.constant 4 : i32
        %add3A_3415 = vector.broadcast %add3A_3414 : i32 to vector<16xi32>
        %add3A_3416 = arith.addi %mul3A_3215, %add3A_3415 : vector<16xi32>
        %gather3A_3417 = tpu.vector_load_idx %arg7[%add3A_3416] : memref<25600xf32, #tpu.memory_space<vmem>>[vector<16xi32>], vector<16xf32>,
        %max3A_3418 = arith.constant 9.99999974E-5 : f32
        %max3A_3419 = vector.broadcast %max3A_3418 : f32 to vector<16xf32>
        %max3A_3420 = arith.maximumf %gather3A_3417, %max3A_3419 : vector<16xf32>
        %min3A_3421 = arith.constant 0.999899983 : f32
        %min3A_3422 = vector.broadcast %min3A_3421 : f32 to vector<16xf32>
        %min3A_3423 = arith.minimumf %max3A_3420, %min3A_3422 : vector<16xf32>
        %mul3A_3424 = arith.mulf %min3A_3423, %min3A_3423 : vector<16xf32>
        %sub3A_3425 = arith.constant 1.000000e+00 : f32
        %sub3A_3426 = vector.broadcast %sub3A_3425 : f32 to vector<16xf32>
        %sub3A_3427 = arith.subf %sub3A_3426, %min3A_3423 : vector<16xf32>
        %bitcast_convert_type3A_3428 = tpu.bitcast %sub3A_3427 : vector<16xf32> -> vector<16xi32>
        %shift_right_arithmetic3A_3429 = arith.constant 23 : i32
        %shift_right_arithmetic3A_3430 = vector.broadcast %shift_right_arithmetic3A_3429 : i32 to vector<16xi32>
        %shift_right_arithmetic3A_3431 = arith.shrsi %bitcast_convert_type3A_3428, %shift_right_arithmetic3A_3430 : vector<16xi32>
        %and3A_3432 = arith.constant 8388607 : i32
        %and3A_3433 = vector.broadcast %and3A_3432 : i32 to vector<16xi32>
        %and3A_3434 = arith.andi %bitcast_convert_type3A_3428, %and3A_3433 : vector<16xi32>
        %or3A_3435 = arith.constant 1065353216 : i32
        %or3A_3436 = vector.broadcast %or3A_3435 : i32 to vector<16xi32>
        %or3A_3437 = arith.ori %and3A_3434, %or3A_3436 : vector<16xi32>
        %bitcast_convert_type3A_3438 = tpu.bitcast %or3A_3437 : vector<16xi32> -> vector<16xf32>
        %sub3A_3439 = arith.constant 127 : i32
        %sub3A_3440 = vector.broadcast %sub3A_3439 : i32 to vector<16xi32>
        %sub3A_3441 = arith.subi %shift_right_arithmetic3A_3431, %sub3A_3440 : vector<16xi32>
        %convert_element_type3A_3442 = arith.sitofp %sub3A_3441 : vector<16xi32> to vector<16xf32>
        %broadcast_in_dim3A_3443 = arith.constant 0.105843775 : f32
        %broadcast_in_dim3A_3444 = vector.broadcast %broadcast_in_dim3A_3443 : f32 to vector<16xf32>
        %mul3A_3445 = arith.mulf %broadcast_in_dim3A_3444, %bitcast_convert_type3A_3438 : vector<16xf32>
        %add3A_3446 = arith.constant -0.711726904 : f32
        %add3A_3447 = vector.broadcast %add3A_3446 : f32 to vector<16xf32>
        %add3A_3448 = arith.addf %mul3A_3445, %add3A_3447 : vector<16xf32>
        %mul3A_3449 = arith.mulf %add3A_3448, %bitcast_convert_type3A_3438 : vector<16xf32>
        %add3A_3450 = arith.constant 2.08717847 : f32
        %add3A_3451 = vector.broadcast %add3A_3450 : f32 to vector<16xf32>
        %add3A_3452 = arith.addf %mul3A_3449, %add3A_3451 : vector<16xf32>
        %mul3A_3453 = arith.mulf %add3A_3452, %bitcast_convert_type3A_3438 : vector<16xf32>
        %add3A_3454 = arith.constant -1.48072326 : f32
        %add3A_3455 = vector.broadcast %add3A_3454 : f32 to vector<16xf32>
        %add3A_3456 = arith.addf %mul3A_3453, %add3A_3455 : vector<16xf32>
        %mul3A_3457 = arith.constant 0.693147182 : f32
        %mul3A_3458 = vector.broadcast %mul3A_3457 : f32 to vector<16xf32>
        %mul3A_3459 = arith.mulf %convert_element_type3A_3442, %mul3A_3458 : vector<16xf32>
        %add3A_3460 = arith.addf %mul3A_3459, %add3A_3456 : vector<16xf32>
        %mul3A_3461 = arith.mulf %mul3A_3424, %add3A_3460 : vector<16xf32>
        %add3A_3462 = arith.addf %add3A_3413, %mul3A_3461 : vector<16xf32>
        %add3A_3463 = arith.constant 5 : i32
        %add3A_3464 = vector.broadcast %add3A_3463 : i32 to vector<16xi32>
        %add3A_3465 = arith.addi %mul3A_3215, %add3A_3464 : vector<16xi32>
        %gather3A_3466 = tpu.vector_load_idx %arg7[%add3A_3465] : memref<25600xf32, #tpu.memory_space<vmem>>[vector<16xi32>], vector<16xf32>,
        %max3A_3467 = arith.constant 9.99999974E-5 : f32
        %max3A_3468 = vector.broadcast %max3A_3467 : f32 to vector<16xf32>
        %max3A_3469 = arith.maximumf %gather3A_3466, %max3A_3468 : vector<16xf32>
        %min3A_3470 = arith.constant 0.999899983 : f32
        %min3A_3471 = vector.broadcast %min3A_3470 : f32 to vector<16xf32>
        %min3A_3472 = arith.minimumf %max3A_3469, %min3A_3471 : vector<16xf32>
        %mul3A_3473 = arith.mulf %min3A_3472, %min3A_3472 : vector<16xf32>
        %sub3A_3474 = arith.constant 1.000000e+00 : f32
        %sub3A_3475 = vector.broadcast %sub3A_3474 : f32 to vector<16xf32>
        %sub3A_3476 = arith.subf %sub3A_3475, %min3A_3472 : vector<16xf32>
        %bitcast_convert_type3A_3477 = tpu.bitcast %sub3A_3476 : vector<16xf32> -> vector<16xi32>
        %shift_right_arithmetic3A_3478 = arith.constant 23 : i32
        %shift_right_arithmetic3A_3479 = vector.broadcast %shift_right_arithmetic3A_3478 : i32 to vector<16xi32>
        %shift_right_arithmetic3A_3480 = arith.shrsi %bitcast_convert_type3A_3477, %shift_right_arithmetic3A_3479 : vector<16xi32>
        %and3A_3481 = arith.constant 8388607 : i32
        %and3A_3482 = vector.broadcast %and3A_3481 : i32 to vector<16xi32>
        %and3A_3483 = arith.andi %bitcast_convert_type3A_3477, %and3A_3482 : vector<16xi32>
        %or3A_3484 = arith.constant 1065353216 : i32
        %or3A_3485 = vector.broadcast %or3A_3484 : i32 to vector<16xi32>
        %or3A_3486 = arith.ori %and3A_3483, %or3A_3485 : vector<16xi32>
        %bitcast_convert_type3A_3487 = tpu.bitcast %or3A_3486 : vector<16xi32> -> vector<16xf32>
        %sub3A_3488 = arith.constant 127 : i32
        %sub3A_3489 = vector.broadcast %sub3A_3488 : i32 to vector<16xi32>
        %sub3A_3490 = arith.subi %shift_right_arithmetic3A_3480, %sub3A_3489 : vector<16xi32>
        %convert_element_type3A_3491 = arith.sitofp %sub3A_3490 : vector<16xi32> to vector<16xf32>
        %broadcast_in_dim3A_3492 = arith.constant 0.105843775 : f32
        %broadcast_in_dim3A_3493 = vector.broadcast %broadcast_in_dim3A_3492 : f32 to vector<16xf32>
        %mul3A_3494 = arith.mulf %broadcast_in_dim3A_3493, %bitcast_convert_type3A_3487 : vector<16xf32>
        %add3A_3495 = arith.constant -0.711726904 : f32
        %add3A_3496 = vector.broadcast %add3A_3495 : f32 to vector<16xf32>
        %add3A_3497 = arith.addf %mul3A_3494, %add3A_3496 : vector<16xf32>
        %mul3A_3498 = arith.mulf %add3A_3497, %bitcast_convert_type3A_3487 : vector<16xf32>
        %add3A_3499 = arith.constant 2.08717847 : f32
        %add3A_3500 = vector.broadcast %add3A_3499 : f32 to vector<16xf32>
        %add3A_3501 = arith.addf %mul3A_3498, %add3A_3500 : vector<16xf32>
        %mul3A_3502 = arith.mulf %add3A_3501, %bitcast_convert_type3A_3487 : vector<16xf32>
        %add3A_3503 = arith.constant -1.48072326 : f32
        %add3A_3504 = vector.broadcast %add3A_3503 : f32 to vector<16xf32>
        %add3A_3505 = arith.addf %mul3A_3502, %add3A_3504 : vector<16xf32>
        %mul3A_3506 = arith.constant 0.693147182 : f32
        %mul3A_3507 = vector.broadcast %mul3A_3506 : f32 to vector<16xf32>
        %mul3A_3508 = arith.mulf %convert_element_type3A_3491, %mul3A_3507 : vector<16xf32>
        %add3A_3509 = arith.addf %mul3A_3508, %add3A_3505 : vector<16xf32>
        %mul3A_3510 = arith.mulf %mul3A_3473, %add3A_3509 : vector<16xf32>
        %add3A_3511 = arith.addf %add3A_3462, %mul3A_3510 : vector<16xf32>
        %add3A_3512 = arith.constant 6 : i32
        %add3A_3513 = vector.broadcast %add3A_3512 : i32 to vector<16xi32>
        %add3A_3514 = arith.addi %mul3A_3215, %add3A_3513 : vector<16xi32>
        %gather3A_3515 = tpu.vector_load_idx %arg7[%add3A_3514] : memref<25600xf32, #tpu.memory_space<vmem>>[vector<16xi32>], vector<16xf32>,
        %max3A_3516 = arith.constant 9.99999974E-5 : f32
        %max3A_3517 = vector.broadcast %max3A_3516 : f32 to vector<16xf32>
        %max3A_3518 = arith.maximumf %gather3A_3515, %max3A_3517 : vector<16xf32>
        %min3A_3519 = arith.constant 0.999899983 : f32
        %min3A_3520 = vector.broadcast %min3A_3519 : f32 to vector<16xf32>
        %min3A_3521 = arith.minimumf %max3A_3518, %min3A_3520 : vector<16xf32>
        %mul3A_3522 = arith.mulf %min3A_3521, %min3A_3521 : vector<16xf32>
        %sub3A_3523 = arith.constant 1.000000e+00 : f32
        %sub3A_3524 = vector.broadcast %sub3A_3523 : f32 to vector<16xf32>
        %sub3A_3525 = arith.subf %sub3A_3524, %min3A_3521 : vector<16xf32>
        %bitcast_convert_type3A_3526 = tpu.bitcast %sub3A_3525 : vector<16xf32> -> vector<16xi32>
        %shift_right_arithmetic3A_3527 = arith.constant 23 : i32
        %shift_right_arithmetic3A_3528 = vector.broadcast %shift_right_arithmetic3A_3527 : i32 to vector<16xi32>
        %shift_right_arithmetic3A_3529 = arith.shrsi %bitcast_convert_type3A_3526, %shift_right_arithmetic3A_3528 : vector<16xi32>
        %and3A_3530 = arith.constant 8388607 : i32
        %and3A_3531 = vector.broadcast %and3A_3530 : i32 to vector<16xi32>
        %and3A_3532 = arith.andi %bitcast_convert_type3A_3526, %and3A_3531 : vector<16xi32>
        %or3A_3533 = arith.constant 1065353216 : i32
        %or3A_3534 = vector.broadcast %or3A_3533 : i32 to vector<16xi32>
        %or3A_3535 = arith.ori %and3A_3532, %or3A_3534 : vector<16xi32>
        %bitcast_convert_type3A_3536 = tpu.bitcast %or3A_3535 : vector<16xi32> -> vector<16xf32>
        %sub3A_3537 = arith.constant 127 : i32
        %sub3A_3538 = vector.broadcast %sub3A_3537 : i32 to vector<16xi32>
        %sub3A_3539 = arith.subi %shift_right_arithmetic3A_3529, %sub3A_3538 : vector<16xi32>
        %convert_element_type3A_3540 = arith.sitofp %sub3A_3539 : vector<16xi32> to vector<16xf32>
        %broadcast_in_dim3A_3541 = arith.constant 0.105843775 : f32
        %broadcast_in_dim3A_3542 = vector.broadcast %broadcast_in_dim3A_3541 : f32 to vector<16xf32>
        %mul3A_3543 = arith.mulf %broadcast_in_dim3A_3542, %bitcast_convert_type3A_3536 : vector<16xf32>
        %add3A_3544 = arith.constant -0.711726904 : f32
        %add3A_3545 = vector.broadcast %add3A_3544 : f32 to vector<16xf32>
        %add3A_3546 = arith.addf %mul3A_3543, %add3A_3545 : vector<16xf32>
        %mul3A_3547 = arith.mulf %add3A_3546, %bitcast_convert_type3A_3536 : vector<16xf32>
        %add3A_3548 = arith.constant 2.08717847 : f32
        %add3A_3549 = vector.broadcast %add3A_3548 : f32 to vector<16xf32>
        %add3A_3550 = arith.addf %mul3A_3547, %add3A_3549 : vector<16xf32>
        %mul3A_3551 = arith.mulf %add3A_3550, %bitcast_convert_type3A_3536 : vector<16xf32>
        %add3A_3552 = arith.constant -1.48072326 : f32
        %add3A_3553 = vector.broadcast %add3A_3552 : f32 to vector<16xf32>
        %add3A_3554 = arith.addf %mul3A_3551, %add3A_3553 : vector<16xf32>
        %mul3A_3555 = arith.constant 0.693147182 : f32
        %mul3A_3556 = vector.broadcast %mul3A_3555 : f32 to vector<16xf32>
        %mul3A_3557 = arith.mulf %convert_element_type3A_3540, %mul3A_3556 : vector<16xf32>
        %add3A_3558 = arith.addf %mul3A_3557, %add3A_3554 : vector<16xf32>
        %mul3A_3559 = arith.mulf %mul3A_3522, %add3A_3558 : vector<16xf32>
        %add3A_3560 = arith.addf %add3A_3511, %mul3A_3559 : vector<16xf32>
        %add3A_3561 = arith.constant 7 : i32
        %add3A_3562 = vector.broadcast %add3A_3561 : i32 to vector<16xi32>
        %add3A_3563 = arith.addi %mul3A_3215, %add3A_3562 : vector<16xi32>
        %gather3A_3564 = tpu.vector_load_idx %arg7[%add3A_3563] : memref<25600xf32, #tpu.memory_space<vmem>>[vector<16xi32>], vector<16xf32>,
        %max3A_3565 = arith.constant 9.99999974E-5 : f32
        %max3A_3566 = vector.broadcast %max3A_3565 : f32 to vector<16xf32>
        %max3A_3567 = arith.maximumf %gather3A_3564, %max3A_3566 : vector<16xf32>
        %min3A_3568 = arith.constant 0.999899983 : f32
        %min3A_3569 = vector.broadcast %min3A_3568 : f32 to vector<16xf32>
        %min3A_3570 = arith.minimumf %max3A_3567, %min3A_3569 : vector<16xf32>
        %mul3A_3571 = arith.mulf %min3A_3570, %min3A_3570 : vector<16xf32>
        %sub3A_3572 = arith.constant 1.000000e+00 : f32
        %sub3A_3573 = vector.broadcast %sub3A_3572 : f32 to vector<16xf32>
        %sub3A_3574 = arith.subf %sub3A_3573, %min3A_3570 : vector<16xf32>
        %bitcast_convert_type3A_3575 = tpu.bitcast %sub3A_3574 : vector<16xf32> -> vector<16xi32>
        %shift_right_arithmetic3A_3576 = arith.constant 23 : i32
        %shift_right_arithmetic3A_3577 = vector.broadcast %shift_right_arithmetic3A_3576 : i32 to vector<16xi32>
        %shift_right_arithmetic3A_3578 = arith.shrsi %bitcast_convert_type3A_3575, %shift_right_arithmetic3A_3577 : vector<16xi32>
        %and3A_3579 = arith.constant 8388607 : i32
        %and3A_3580 = vector.broadcast %and3A_3579 : i32 to vector<16xi32>
        %and3A_3581 = arith.andi %bitcast_convert_type3A_3575, %and3A_3580 : vector<16xi32>
        %or3A_3582 = arith.constant 1065353216 : i32
        %or3A_3583 = vector.broadcast %or3A_3582 : i32 to vector<16xi32>
        %or3A_3584 = arith.ori %and3A_3581, %or3A_3583 : vector<16xi32>
        %bitcast_convert_type3A_3585 = tpu.bitcast %or3A_3584 : vector<16xi32> -> vector<16xf32>
        %sub3A_3586 = arith.constant 127 : i32
        %sub3A_3587 = vector.broadcast %sub3A_3586 : i32 to vector<16xi32>
        %sub3A_3588 = arith.subi %shift_right_arithmetic3A_3578, %sub3A_3587 : vector<16xi32>
        %convert_element_type3A_3589 = arith.sitofp %sub3A_3588 : vector<16xi32> to vector<16xf32>
        %broadcast_in_dim3A_3590 = arith.constant 0.105843775 : f32
        %broadcast_in_dim3A_3591 = vector.broadcast %broadcast_in_dim3A_3590 : f32 to vector<16xf32>
        %mul3A_3592 = arith.mulf %broadcast_in_dim3A_3591, %bitcast_convert_type3A_3585 : vector<16xf32>
        %add3A_3593 = arith.constant -0.711726904 : f32
        %add3A_3594 = vector.broadcast %add3A_3593 : f32 to vector<16xf32>
        %add3A_3595 = arith.addf %mul3A_3592, %add3A_3594 : vector<16xf32>
        %mul3A_3596 = arith.mulf %add3A_3595, %bitcast_convert_type3A_3585 : vector<16xf32>
        %add3A_3597 = arith.constant 2.08717847 : f32
        %add3A_3598 = vector.broadcast %add3A_3597 : f32 to vector<16xf32>
        %add3A_3599 = arith.addf %mul3A_3596, %add3A_3598 : vector<16xf32>
        %mul3A_3600 = arith.mulf %add3A_3599, %bitcast_convert_type3A_3585 : vector<16xf32>
        %add3A_3601 = arith.constant -1.48072326 : f32
        %add3A_3602 = vector.broadcast %add3A_3601 : f32 to vector<16xf32>
        %add3A_3603 = arith.addf %mul3A_3600, %add3A_3602 : vector<16xf32>
        %mul3A_3604 = arith.constant 0.693147182 : f32
        %mul3A_3605 = vector.broadcast %mul3A_3604 : f32 to vector<16xf32>
        %mul3A_3606 = arith.mulf %convert_element_type3A_3589, %mul3A_3605 : vector<16xf32>
        %add3A_3607 = arith.addf %mul3A_3606, %add3A_3603 : vector<16xf32>
        %mul3A_3608 = arith.mulf %mul3A_3571, %add3A_3607 : vector<16xf32>
        %add3A_3609 = arith.addf %add3A_3560, %mul3A_3608 : vector<16xf32>
        %add3A_3610 = arith.constant 8 : i32
        %add3A_3611 = vector.broadcast %add3A_3610 : i32 to vector<16xi32>
        %add3A_3612 = arith.addi %mul3A_3215, %add3A_3611 : vector<16xi32>
        %gather3A_3613 = tpu.vector_load_idx %arg7[%add3A_3612] : memref<25600xf32, #tpu.memory_space<vmem>>[vector<16xi32>], vector<16xf32>,
        %max3A_3614 = arith.constant 9.99999974E-5 : f32
        %max3A_3615 = vector.broadcast %max3A_3614 : f32 to vector<16xf32>
        %max3A_3616 = arith.maximumf %gather3A_3613, %max3A_3615 : vector<16xf32>
        %min3A_3617 = arith.constant 0.999899983 : f32
        %min3A_3618 = vector.broadcast %min3A_3617 : f32 to vector<16xf32>
        %min3A_3619 = arith.minimumf %max3A_3616, %min3A_3618 : vector<16xf32>
        %mul3A_3620 = arith.mulf %min3A_3619, %min3A_3619 : vector<16xf32>
        %sub3A_3621 = arith.constant 1.000000e+00 : f32
        %sub3A_3622 = vector.broadcast %sub3A_3621 : f32 to vector<16xf32>
        %sub3A_3623 = arith.subf %sub3A_3622, %min3A_3619 : vector<16xf32>
        %bitcast_convert_type3A_3624 = tpu.bitcast %sub3A_3623 : vector<16xf32> -> vector<16xi32>
        %shift_right_arithmetic3A_3625 = arith.constant 23 : i32
        %shift_right_arithmetic3A_3626 = vector.broadcast %shift_right_arithmetic3A_3625 : i32 to vector<16xi32>
        %shift_right_arithmetic3A_3627 = arith.shrsi %bitcast_convert_type3A_3624, %shift_right_arithmetic3A_3626 : vector<16xi32>
        %and3A_3628 = arith.constant 8388607 : i32
        %and3A_3629 = vector.broadcast %and3A_3628 : i32 to vector<16xi32>
        %and3A_3630 = arith.andi %bitcast_convert_type3A_3624, %and3A_3629 : vector<16xi32>
        %or3A_3631 = arith.constant 1065353216 : i32
        %or3A_3632 = vector.broadcast %or3A_3631 : i32 to vector<16xi32>
        %or3A_3633 = arith.ori %and3A_3630, %or3A_3632 : vector<16xi32>
        %bitcast_convert_type3A_3634 = tpu.bitcast %or3A_3633 : vector<16xi32> -> vector<16xf32>
        %sub3A_3635 = arith.constant 127 : i32
        %sub3A_3636 = vector.broadcast %sub3A_3635 : i32 to vector<16xi32>
        %sub3A_3637 = arith.subi %shift_right_arithmetic3A_3627, %sub3A_3636 : vector<16xi32>
        %convert_element_type3A_3638 = arith.sitofp %sub3A_3637 : vector<16xi32> to vector<16xf32>
        %broadcast_in_dim3A_3639 = arith.constant 0.105843775 : f32
        %broadcast_in_dim3A_3640 = vector.broadcast %broadcast_in_dim3A_3639 : f32 to vector<16xf32>
        %mul3A_3641 = arith.mulf %broadcast_in_dim3A_3640, %bitcast_convert_type3A_3634 : vector<16xf32>
        %add3A_3642 = arith.constant -0.711726904 : f32
        %add3A_3643 = vector.broadcast %add3A_3642 : f32 to vector<16xf32>
        %add3A_3644 = arith.addf %mul3A_3641, %add3A_3643 : vector<16xf32>
        %mul3A_3645 = arith.mulf %add3A_3644, %bitcast_convert_type3A_3634 : vector<16xf32>
        %add3A_3646 = arith.constant 2.08717847 : f32
        %add3A_3647 = vector.broadcast %add3A_3646 : f32 to vector<16xf32>
        %add3A_3648 = arith.addf %mul3A_3645, %add3A_3647 : vector<16xf32>
        %mul3A_3649 = arith.mulf %add3A_3648, %bitcast_convert_type3A_3634 : vector<16xf32>
        %add3A_3650 = arith.constant -1.48072326 : f32
        %add3A_3651 = vector.broadcast %add3A_3650 : f32 to vector<16xf32>
        %add3A_3652 = arith.addf %mul3A_3649, %add3A_3651 : vector<16xf32>
        %mul3A_3653 = arith.constant 0.693147182 : f32
        %mul3A_3654 = vector.broadcast %mul3A_3653 : f32 to vector<16xf32>
        %mul3A_3655 = arith.mulf %convert_element_type3A_3638, %mul3A_3654 : vector<16xf32>
        %add3A_3656 = arith.addf %mul3A_3655, %add3A_3652 : vector<16xf32>
        %mul3A_3657 = arith.mulf %mul3A_3620, %add3A_3656 : vector<16xf32>
        %add3A_3658 = arith.addf %add3A_3609, %mul3A_3657 : vector<16xf32>
        %add3A_3659 = arith.constant 9 : i32
        %add3A_3660 = vector.broadcast %add3A_3659 : i32 to vector<16xi32>
        %add3A_3661 = arith.addi %mul3A_3215, %add3A_3660 : vector<16xi32>
        %gather3A_3662 = tpu.vector_load_idx %arg7[%add3A_3661] : memref<25600xf32, #tpu.memory_space<vmem>>[vector<16xi32>], vector<16xf32>,
        %max3A_3663 = arith.constant 9.99999974E-5 : f32
        %max3A_3664 = vector.broadcast %max3A_3663 : f32 to vector<16xf32>
        %max3A_3665 = arith.maximumf %gather3A_3662, %max3A_3664 : vector<16xf32>
        %min3A_3666 = arith.constant 0.999899983 : f32
        %min3A_3667 = vector.broadcast %min3A_3666 : f32 to vector<16xf32>
        %min3A_3668 = arith.minimumf %max3A_3665, %min3A_3667 : vector<16xf32>
        %mul3A_3669 = arith.mulf %min3A_3668, %min3A_3668 : vector<16xf32>
        %sub3A_3670 = arith.constant 1.000000e+00 : f32
        %sub3A_3671 = vector.broadcast %sub3A_3670 : f32 to vector<16xf32>
        %sub3A_3672 = arith.subf %sub3A_3671, %min3A_3668 : vector<16xf32>
        %bitcast_convert_type3A_3673 = tpu.bitcast %sub3A_3672 : vector<16xf32> -> vector<16xi32>
        %shift_right_arithmetic3A_3674 = arith.constant 23 : i32
        %shift_right_arithmetic3A_3675 = vector.broadcast %shift_right_arithmetic3A_3674 : i32 to vector<16xi32>
        %shift_right_arithmetic3A_3676 = arith.shrsi %bitcast_convert_type3A_3673, %shift_right_arithmetic3A_3675 : vector<16xi32>
        %and3A_3677 = arith.constant 8388607 : i32
        %and3A_3678 = vector.broadcast %and3A_3677 : i32 to vector<16xi32>
        %and3A_3679 = arith.andi %bitcast_convert_type3A_3673, %and3A_3678 : vector<16xi32>
        %or3A_3680 = arith.constant 1065353216 : i32
        %or3A_3681 = vector.broadcast %or3A_3680 : i32 to vector<16xi32>
        %or3A_3682 = arith.ori %and3A_3679, %or3A_3681 : vector<16xi32>
        %bitcast_convert_type3A_3683 = tpu.bitcast %or3A_3682 : vector<16xi32> -> vector<16xf32>
        %sub3A_3684 = arith.constant 127 : i32
        %sub3A_3685 = vector.broadcast %sub3A_3684 : i32 to vector<16xi32>
        %sub3A_3686 = arith.subi %shift_right_arithmetic3A_3676, %sub3A_3685 : vector<16xi32>
        %convert_element_type3A_3687 = arith.sitofp %sub3A_3686 : vector<16xi32> to vector<16xf32>
        %broadcast_in_dim3A_3688 = arith.constant 0.105843775 : f32
        %broadcast_in_dim3A_3689 = vector.broadcast %broadcast_in_dim3A_3688 : f32 to vector<16xf32>
        %mul3A_3690 = arith.mulf %broadcast_in_dim3A_3689, %bitcast_convert_type3A_3683 : vector<16xf32>
        %add3A_3691 = arith.constant -0.711726904 : f32
        %add3A_3692 = vector.broadcast %add3A_3691 : f32 to vector<16xf32>
        %add3A_3693 = arith.addf %mul3A_3690, %add3A_3692 : vector<16xf32>
        %mul3A_3694 = arith.mulf %add3A_3693, %bitcast_convert_type3A_3683 : vector<16xf32>
        %add3A_3695 = arith.constant 2.08717847 : f32
        %add3A_3696 = vector.broadcast %add3A_3695 : f32 to vector<16xf32>
        %add3A_3697 = arith.addf %mul3A_3694, %add3A_3696 : vector<16xf32>
        %mul3A_3698 = arith.mulf %add3A_3697, %bitcast_convert_type3A_3683 : vector<16xf32>
        %add3A_3699 = arith.constant -1.48072326 : f32
        %add3A_3700 = vector.broadcast %add3A_3699 : f32 to vector<16xf32>
        %add3A_3701 = arith.addf %mul3A_3698, %add3A_3700 : vector<16xf32>
        %mul3A_3702 = arith.constant 0.693147182 : f32
        %mul3A_3703 = vector.broadcast %mul3A_3702 : f32 to vector<16xf32>
        %mul3A_3704 = arith.mulf %convert_element_type3A_3687, %mul3A_3703 : vector<16xf32>
        %add3A_3705 = arith.addf %mul3A_3704, %add3A_3701 : vector<16xf32>
        %mul3A_3706 = arith.mulf %mul3A_3669, %add3A_3705 : vector<16xf32>
        %add3A_3707 = arith.addf %add3A_3658, %mul3A_3706 : vector<16xf32>
        %add3A_3708 = arith.constant 10 : i32
        %add3A_3709 = vector.broadcast %add3A_3708 : i32 to vector<16xi32>
        %add3A_3710 = arith.addi %mul3A_3215, %add3A_3709 : vector<16xi32>
        %gather3A_3711 = tpu.vector_load_idx %arg7[%add3A_3710] : memref<25600xf32, #tpu.memory_space<vmem>>[vector<16xi32>], vector<16xf32>,
        %max3A_3712 = arith.constant 9.99999974E-5 : f32
        %max3A_3713 = vector.broadcast %max3A_3712 : f32 to vector<16xf32>
        %max3A_3714 = arith.maximumf %gather3A_3711, %max3A_3713 : vector<16xf32>
        %min3A_3715 = arith.constant 0.999899983 : f32
        %min3A_3716 = vector.broadcast %min3A_3715 : f32 to vector<16xf32>
        %min3A_3717 = arith.minimumf %max3A_3714, %min3A_3716 : vector<16xf32>
        %mul3A_3718 = arith.mulf %min3A_3717, %min3A_3717 : vector<16xf32>
        %sub3A_3719 = arith.constant 1.000000e+00 : f32
        %sub3A_3720 = vector.broadcast %sub3A_3719 : f32 to vector<16xf32>
        %sub3A_3721 = arith.subf %sub3A_3720, %min3A_3717 : vector<16xf32>
        %bitcast_convert_type3A_3722 = tpu.bitcast %sub3A_3721 : vector<16xf32> -> vector<16xi32>
        %shift_right_arithmetic3A_3723 = arith.constant 23 : i32
        %shift_right_arithmetic3A_3724 = vector.broadcast %shift_right_arithmetic3A_3723 : i32 to vector<16xi32>
        %shift_right_arithmetic3A_3725 = arith.shrsi %bitcast_convert_type3A_3722, %shift_right_arithmetic3A_3724 : vector<16xi32>
        %and3A_3726 = arith.constant 8388607 : i32
        %and3A_3727 = vector.broadcast %and3A_3726 : i32 to vector<16xi32>
        %and3A_3728 = arith.andi %bitcast_convert_type3A_3722, %and3A_3727 : vector<16xi32>
        %or3A_3729 = arith.constant 1065353216 : i32
        %or3A_3730 = vector.broadcast %or3A_3729 : i32 to vector<16xi32>
        %or3A_3731 = arith.ori %and3A_3728, %or3A_3730 : vector<16xi32>
        %bitcast_convert_type3A_3732 = tpu.bitcast %or3A_3731 : vector<16xi32> -> vector<16xf32>
        %sub3A_3733 = arith.constant 127 : i32
        %sub3A_3734 = vector.broadcast %sub3A_3733 : i32 to vector<16xi32>
        %sub3A_3735 = arith.subi %shift_right_arithmetic3A_3725, %sub3A_3734 : vector<16xi32>
        %convert_element_type3A_3736 = arith.sitofp %sub3A_3735 : vector<16xi32> to vector<16xf32>
        %broadcast_in_dim3A_3737 = arith.constant 0.105843775 : f32
        %broadcast_in_dim3A_3738 = vector.broadcast %broadcast_in_dim3A_3737 : f32 to vector<16xf32>
        %mul3A_3739 = arith.mulf %broadcast_in_dim3A_3738, %bitcast_convert_type3A_3732 : vector<16xf32>
        %add3A_3740 = arith.constant -0.711726904 : f32
        %add3A_3741 = vector.broadcast %add3A_3740 : f32 to vector<16xf32>
        %add3A_3742 = arith.addf %mul3A_3739, %add3A_3741 : vector<16xf32>
        %mul3A_3743 = arith.mulf %add3A_3742, %bitcast_convert_type3A_3732 : vector<16xf32>
        %add3A_3744 = arith.constant 2.08717847 : f32
        %add3A_3745 = vector.broadcast %add3A_3744 : f32 to vector<16xf32>
        %add3A_3746 = arith.addf %mul3A_3743, %add3A_3745 : vector<16xf32>
        %mul3A_3747 = arith.mulf %add3A_3746, %bitcast_convert_type3A_3732 : vector<16xf32>
        %add3A_3748 = arith.constant -1.48072326 : f32
        %add3A_3749 = vector.broadcast %add3A_3748 : f32 to vector<16xf32>
        %add3A_3750 = arith.addf %mul3A_3747, %add3A_3749 : vector<16xf32>
        %mul3A_3751 = arith.constant 0.693147182 : f32
        %mul3A_3752 = vector.broadcast %mul3A_3751 : f32 to vector<16xf32>
        %mul3A_3753 = arith.mulf %convert_element_type3A_3736, %mul3A_3752 : vector<16xf32>
        %add3A_3754 = arith.addf %mul3A_3753, %add3A_3750 : vector<16xf32>
        %mul3A_3755 = arith.mulf %mul3A_3718, %add3A_3754 : vector<16xf32>
        %add3A_3756 = arith.addf %add3A_3707, %mul3A_3755 : vector<16xf32>
        %add3A_3757 = arith.constant 11 : i32
        %add3A_3758 = vector.broadcast %add3A_3757 : i32 to vector<16xi32>
        %add3A_3759 = arith.addi %mul3A_3215, %add3A_3758 : vector<16xi32>
        %gather3A_3760 = tpu.vector_load_idx %arg7[%add3A_3759] : memref<25600xf32, #tpu.memory_space<vmem>>[vector<16xi32>], vector<16xf32>,
        %max3A_3761 = arith.constant 9.99999974E-5 : f32
        %max3A_3762 = vector.broadcast %max3A_3761 : f32 to vector<16xf32>
        %max3A_3763 = arith.maximumf %gather3A_3760, %max3A_3762 : vector<16xf32>
        %min3A_3764 = arith.constant 0.999899983 : f32
        %min3A_3765 = vector.broadcast %min3A_3764 : f32 to vector<16xf32>
        %min3A_3766 = arith.minimumf %max3A_3763, %min3A_3765 : vector<16xf32>
        %mul3A_3767 = arith.mulf %min3A_3766, %min3A_3766 : vector<16xf32>
        %sub3A_3768 = arith.constant 1.000000e+00 : f32
        %sub3A_3769 = vector.broadcast %sub3A_3768 : f32 to vector<16xf32>
        %sub3A_3770 = arith.subf %sub3A_3769, %min3A_3766 : vector<16xf32>
        %bitcast_convert_type3A_3771 = tpu.bitcast %sub3A_3770 : vector<16xf32> -> vector<16xi32>
        %shift_right_arithmetic3A_3772 = arith.constant 23 : i32
        %shift_right_arithmetic3A_3773 = vector.broadcast %shift_right_arithmetic3A_3772 : i32 to vector<16xi32>
        %shift_right_arithmetic3A_3774 = arith.shrsi %bitcast_convert_type3A_3771, %shift_right_arithmetic3A_3773 : vector<16xi32>
        %and3A_3775 = arith.constant 8388607 : i32
        %and3A_3776 = vector.broadcast %and3A_3775 : i32 to vector<16xi32>
        %and3A_3777 = arith.andi %bitcast_convert_type3A_3771, %and3A_3776 : vector<16xi32>
        %or3A_3778 = arith.constant 1065353216 : i32
        %or3A_3779 = vector.broadcast %or3A_3778 : i32 to vector<16xi32>
        %or3A_3780 = arith.ori %and3A_3777, %or3A_3779 : vector<16xi32>
        %bitcast_convert_type3A_3781 = tpu.bitcast %or3A_3780 : vector<16xi32> -> vector<16xf32>
        %sub3A_3782 = arith.constant 127 : i32
        %sub3A_3783 = vector.broadcast %sub3A_3782 : i32 to vector<16xi32>
        %sub3A_3784 = arith.subi %shift_right_arithmetic3A_3774, %sub3A_3783 : vector<16xi32>
        %convert_element_type3A_3785 = arith.sitofp %sub3A_3784 : vector<16xi32> to vector<16xf32>
        %broadcast_in_dim3A_3786 = arith.constant 0.105843775 : f32
        %broadcast_in_dim3A_3787 = vector.broadcast %broadcast_in_dim3A_3786 : f32 to vector<16xf32>
        %mul3A_3788 = arith.mulf %broadcast_in_dim3A_3787, %bitcast_convert_type3A_3781 : vector<16xf32>
        %add3A_3789 = arith.constant -0.711726904 : f32
        %add3A_3790 = vector.broadcast %add3A_3789 : f32 to vector<16xf32>
        %add3A_3791 = arith.addf %mul3A_3788, %add3A_3790 : vector<16xf32>
        %mul3A_3792 = arith.mulf %add3A_3791, %bitcast_convert_type3A_3781 : vector<16xf32>
        %add3A_3793 = arith.constant 2.08717847 : f32
        %add3A_3794 = vector.broadcast %add3A_3793 : f32 to vector<16xf32>
        %add3A_3795 = arith.addf %mul3A_3792, %add3A_3794 : vector<16xf32>
        %mul3A_3796 = arith.mulf %add3A_3795, %bitcast_convert_type3A_3781 : vector<16xf32>
        %add3A_3797 = arith.constant -1.48072326 : f32
        %add3A_3798 = vector.broadcast %add3A_3797 : f32 to vector<16xf32>
        %add3A_3799 = arith.addf %mul3A_3796, %add3A_3798 : vector<16xf32>
        %mul3A_3800 = arith.constant 0.693147182 : f32
        %mul3A_3801 = vector.broadcast %mul3A_3800 : f32 to vector<16xf32>
        %mul3A_3802 = arith.mulf %convert_element_type3A_3785, %mul3A_3801 : vector<16xf32>
        %add3A_3803 = arith.addf %mul3A_3802, %add3A_3799 : vector<16xf32>
        %mul3A_3804 = arith.mulf %mul3A_3767, %add3A_3803 : vector<16xf32>
        %add3A_3805 = arith.addf %add3A_3756, %mul3A_3804 : vector<16xf32>
        %add3A_3806 = arith.constant 12 : i32
        %add3A_3807 = vector.broadcast %add3A_3806 : i32 to vector<16xi32>
        %add3A_3808 = arith.addi %mul3A_3215, %add3A_3807 : vector<16xi32>
        %gather3A_3809 = tpu.vector_load_idx %arg7[%add3A_3808] : memref<25600xf32, #tpu.memory_space<vmem>>[vector<16xi32>], vector<16xf32>,
        %max3A_3810 = arith.constant 9.99999974E-5 : f32
        %max3A_3811 = vector.broadcast %max3A_3810 : f32 to vector<16xf32>
        %max3A_3812 = arith.maximumf %gather3A_3809, %max3A_3811 : vector<16xf32>
        %min3A_3813 = arith.constant 0.999899983 : f32
        %min3A_3814 = vector.broadcast %min3A_3813 : f32 to vector<16xf32>
        %min3A_3815 = arith.minimumf %max3A_3812, %min3A_3814 : vector<16xf32>
        %mul3A_3816 = arith.mulf %min3A_3815, %min3A_3815 : vector<16xf32>
        %sub3A_3817 = arith.constant 1.000000e+00 : f32
        %sub3A_3818 = vector.broadcast %sub3A_3817 : f32 to vector<16xf32>
        %sub3A_3819 = arith.subf %sub3A_3818, %min3A_3815 : vector<16xf32>
        %bitcast_convert_type3A_3820 = tpu.bitcast %sub3A_3819 : vector<16xf32> -> vector<16xi32>
        %shift_right_arithmetic3A_3821 = arith.constant 23 : i32
        %shift_right_arithmetic3A_3822 = vector.broadcast %shift_right_arithmetic3A_3821 : i32 to vector<16xi32>
        %shift_right_arithmetic3A_3823 = arith.shrsi %bitcast_convert_type3A_3820, %shift_right_arithmetic3A_3822 : vector<16xi32>
        %and3A_3824 = arith.constant 8388607 : i32
        %and3A_3825 = vector.broadcast %and3A_3824 : i32 to vector<16xi32>
        %and3A_3826 = arith.andi %bitcast_convert_type3A_3820, %and3A_3825 : vector<16xi32>
        %or3A_3827 = arith.constant 1065353216 : i32
        %or3A_3828 = vector.broadcast %or3A_3827 : i32 to vector<16xi32>
        %or3A_3829 = arith.ori %and3A_3826, %or3A_3828 : vector<16xi32>
        %bitcast_convert_type3A_3830 = tpu.bitcast %or3A_3829 : vector<16xi32> -> vector<16xf32>
        %sub3A_3831 = arith.constant 127 : i32
        %sub3A_3832 = vector.broadcast %sub3A_3831 : i32 to vector<16xi32>
        %sub3A_3833 = arith.subi %shift_right_arithmetic3A_3823, %sub3A_3832 : vector<16xi32>
        %convert_element_type3A_3834 = arith.sitofp %sub3A_3833 : vector<16xi32> to vector<16xf32>
        %broadcast_in_dim3A_3835 = arith.constant 0.105843775 : f32
        %broadcast_in_dim3A_3836 = vector.broadcast %broadcast_in_dim3A_3835 : f32 to vector<16xf32>
        %mul3A_3837 = arith.mulf %broadcast_in_dim3A_3836, %bitcast_convert_type3A_3830 : vector<16xf32>
        %add3A_3838 = arith.constant -0.711726904 : f32
        %add3A_3839 = vector.broadcast %add3A_3838 : f32 to vector<16xf32>
        %add3A_3840 = arith.addf %mul3A_3837, %add3A_3839 : vector<16xf32>
        %mul3A_3841 = arith.mulf %add3A_3840, %bitcast_convert_type3A_3830 : vector<16xf32>
        %add3A_3842 = arith.constant 2.08717847 : f32
        %add3A_3843 = vector.broadcast %add3A_3842 : f32 to vector<16xf32>
        %add3A_3844 = arith.addf %mul3A_3841, %add3A_3843 : vector<16xf32>
        %mul3A_3845 = arith.mulf %add3A_3844, %bitcast_convert_type3A_3830 : vector<16xf32>
        %add3A_3846 = arith.constant -1.48072326 : f32
        %add3A_3847 = vector.broadcast %add3A_3846 : f32 to vector<16xf32>
        %add3A_3848 = arith.addf %mul3A_3845, %add3A_3847 : vector<16xf32>
        %mul3A_3849 = arith.constant 0.693147182 : f32
        %mul3A_3850 = vector.broadcast %mul3A_3849 : f32 to vector<16xf32>
        %mul3A_3851 = arith.mulf %convert_element_type3A_3834, %mul3A_3850 : vector<16xf32>
        %add3A_3852 = arith.addf %mul3A_3851, %add3A_3848 : vector<16xf32>
        %mul3A_3853 = arith.mulf %mul3A_3816, %add3A_3852 : vector<16xf32>
        %add3A_3854 = arith.addf %add3A_3805, %mul3A_3853 : vector<16xf32>
        %add3A_3855 = arith.constant 13 : i32
        %add3A_3856 = vector.broadcast %add3A_3855 : i32 to vector<16xi32>
        %add3A_3857 = arith.addi %mul3A_3215, %add3A_3856 : vector<16xi32>
        %gather3A_3858 = tpu.vector_load_idx %arg7[%add3A_3857] : memref<25600xf32, #tpu.memory_space<vmem>>[vector<16xi32>], vector<16xf32>,
        %max3A_3859 = arith.constant 9.99999974E-5 : f32
        %max3A_3860 = vector.broadcast %max3A_3859 : f32 to vector<16xf32>
        %max3A_3861 = arith.maximumf %gather3A_3858, %max3A_3860 : vector<16xf32>
        %min3A_3862 = arith.constant 0.999899983 : f32
        %min3A_3863 = vector.broadcast %min3A_3862 : f32 to vector<16xf32>
        %min3A_3864 = arith.minimumf %max3A_3861, %min3A_3863 : vector<16xf32>
        %mul3A_3865 = arith.mulf %min3A_3864, %min3A_3864 : vector<16xf32>
        %sub3A_3866 = arith.constant 1.000000e+00 : f32
        %sub3A_3867 = vector.broadcast %sub3A_3866 : f32 to vector<16xf32>
        %sub3A_3868 = arith.subf %sub3A_3867, %min3A_3864 : vector<16xf32>
        %bitcast_convert_type3A_3869 = tpu.bitcast %sub3A_3868 : vector<16xf32> -> vector<16xi32>
        %shift_right_arithmetic3A_3870 = arith.constant 23 : i32
        %shift_right_arithmetic3A_3871 = vector.broadcast %shift_right_arithmetic3A_3870 : i32 to vector<16xi32>
        %shift_right_arithmetic3A_3872 = arith.shrsi %bitcast_convert_type3A_3869, %shift_right_arithmetic3A_3871 : vector<16xi32>
        %and3A_3873 = arith.constant 8388607 : i32
        %and3A_3874 = vector.broadcast %and3A_3873 : i32 to vector<16xi32>
        %and3A_3875 = arith.andi %bitcast_convert_type3A_3869, %and3A_3874 : vector<16xi32>
        %or3A_3876 = arith.constant 1065353216 : i32
        %or3A_3877 = vector.broadcast %or3A_3876 : i32 to vector<16xi32>
        %or3A_3878 = arith.ori %and3A_3875, %or3A_3877 : vector<16xi32>
        %bitcast_convert_type3A_3879 = tpu.bitcast %or3A_3878 : vector<16xi32> -> vector<16xf32>
        %sub3A_3880 = arith.constant 127 : i32
        %sub3A_3881 = vector.broadcast %sub3A_3880 : i32 to vector<16xi32>
        %sub3A_3882 = arith.subi %shift_right_arithmetic3A_3872, %sub3A_3881 : vector<16xi32>
        %convert_element_type3A_3883 = arith.sitofp %sub3A_3882 : vector<16xi32> to vector<16xf32>
        %broadcast_in_dim3A_3884 = arith.constant 0.105843775 : f32
        %broadcast_in_dim3A_3885 = vector.broadcast %broadcast_in_dim3A_3884 : f32 to vector<16xf32>
        %mul3A_3886 = arith.mulf %broadcast_in_dim3A_3885, %bitcast_convert_type3A_3879 : vector<16xf32>
        %add3A_3887 = arith.constant -0.711726904 : f32
        %add3A_3888 = vector.broadcast %add3A_3887 : f32 to vector<16xf32>
        %add3A_3889 = arith.addf %mul3A_3886, %add3A_3888 : vector<16xf32>
        %mul3A_3890 = arith.mulf %add3A_3889, %bitcast_convert_type3A_3879 : vector<16xf32>
        %add3A_3891 = arith.constant 2.08717847 : f32
        %add3A_3892 = vector.broadcast %add3A_3891 : f32 to vector<16xf32>
        %add3A_3893 = arith.addf %mul3A_3890, %add3A_3892 : vector<16xf32>
        %mul3A_3894 = arith.mulf %add3A_3893, %bitcast_convert_type3A_3879 : vector<16xf32>
        %add3A_3895 = arith.constant -1.48072326 : f32
        %add3A_3896 = vector.broadcast %add3A_3895 : f32 to vector<16xf32>
        %add3A_3897 = arith.addf %mul3A_3894, %add3A_3896 : vector<16xf32>
        %mul3A_3898 = arith.constant 0.693147182 : f32
        %mul3A_3899 = vector.broadcast %mul3A_3898 : f32 to vector<16xf32>
        %mul3A_3900 = arith.mulf %convert_element_type3A_3883, %mul3A_3899 : vector<16xf32>
        %add3A_3901 = arith.addf %mul3A_3900, %add3A_3897 : vector<16xf32>
        %mul3A_3902 = arith.mulf %mul3A_3865, %add3A_3901 : vector<16xf32>
        %add3A_3903 = arith.addf %add3A_3854, %mul3A_3902 : vector<16xf32>
        %add3A_3904 = arith.constant 14 : i32
        %add3A_3905 = vector.broadcast %add3A_3904 : i32 to vector<16xi32>
        %add3A_3906 = arith.addi %mul3A_3215, %add3A_3905 : vector<16xi32>
        %gather3A_3907 = tpu.vector_load_idx %arg7[%add3A_3906] : memref<25600xf32, #tpu.memory_space<vmem>>[vector<16xi32>], vector<16xf32>,
        %max3A_3908 = arith.constant 9.99999974E-5 : f32
        %max3A_3909 = vector.broadcast %max3A_3908 : f32 to vector<16xf32>
        %max3A_3910 = arith.maximumf %gather3A_3907, %max3A_3909 : vector<16xf32>
        %min3A_3911 = arith.constant 0.999899983 : f32
        %min3A_3912 = vector.broadcast %min3A_3911 : f32 to vector<16xf32>
        %min3A_3913 = arith.minimumf %max3A_3910, %min3A_3912 : vector<16xf32>
        %mul3A_3914 = arith.mulf %min3A_3913, %min3A_3913 : vector<16xf32>
        %sub3A_3915 = arith.constant 1.000000e+00 : f32
        %sub3A_3916 = vector.broadcast %sub3A_3915 : f32 to vector<16xf32>
        %sub3A_3917 = arith.subf %sub3A_3916, %min3A_3913 : vector<16xf32>
        %bitcast_convert_type3A_3918 = tpu.bitcast %sub3A_3917 : vector<16xf32> -> vector<16xi32>
        %shift_right_arithmetic3A_3919 = arith.constant 23 : i32
        %shift_right_arithmetic3A_3920 = vector.broadcast %shift_right_arithmetic3A_3919 : i32 to vector<16xi32>
        %shift_right_arithmetic3A_3921 = arith.shrsi %bitcast_convert_type3A_3918, %shift_right_arithmetic3A_3920 : vector<16xi32>
        %and3A_3922 = arith.constant 8388607 : i32
        %and3A_3923 = vector.broadcast %and3A_3922 : i32 to vector<16xi32>
        %and3A_3924 = arith.andi %bitcast_convert_type3A_3918, %and3A_3923 : vector<16xi32>
        %or3A_3925 = arith.constant 1065353216 : i32
        %or3A_3926 = vector.broadcast %or3A_3925 : i32 to vector<16xi32>
        %or3A_3927 = arith.ori %and3A_3924, %or3A_3926 : vector<16xi32>
        %bitcast_convert_type3A_3928 = tpu.bitcast %or3A_3927 : vector<16xi32> -> vector<16xf32>
        %sub3A_3929 = arith.constant 127 : i32
        %sub3A_3930 = vector.broadcast %sub3A_3929 : i32 to vector<16xi32>
        %sub3A_3931 = arith.subi %shift_right_arithmetic3A_3921, %sub3A_3930 : vector<16xi32>
        %convert_element_type3A_3932 = arith.sitofp %sub3A_3931 : vector<16xi32> to vector<16xf32>
        %broadcast_in_dim3A_3933 = arith.constant 0.105843775 : f32
        %broadcast_in_dim3A_3934 = vector.broadcast %broadcast_in_dim3A_3933 : f32 to vector<16xf32>
        %mul3A_3935 = arith.mulf %broadcast_in_dim3A_3934, %bitcast_convert_type3A_3928 : vector<16xf32>
        %add3A_3936 = arith.constant -0.711726904 : f32
        %add3A_3937 = vector.broadcast %add3A_3936 : f32 to vector<16xf32>
        %add3A_3938 = arith.addf %mul3A_3935, %add3A_3937 : vector<16xf32>
        %mul3A_3939 = arith.mulf %add3A_3938, %bitcast_convert_type3A_3928 : vector<16xf32>
        %add3A_3940 = arith.constant 2.08717847 : f32
        %add3A_3941 = vector.broadcast %add3A_3940 : f32 to vector<16xf32>
        %add3A_3942 = arith.addf %mul3A_3939, %add3A_3941 : vector<16xf32>
        %mul3A_3943 = arith.mulf %add3A_3942, %bitcast_convert_type3A_3928 : vector<16xf32>
        %add3A_3944 = arith.constant -1.48072326 : f32
        %add3A_3945 = vector.broadcast %add3A_3944 : f32 to vector<16xf32>
        %add3A_3946 = arith.addf %mul3A_3943, %add3A_3945 : vector<16xf32>
        %mul3A_3947 = arith.constant 0.693147182 : f32
        %mul3A_3948 = vector.broadcast %mul3A_3947 : f32 to vector<16xf32>
        %mul3A_3949 = arith.mulf %convert_element_type3A_3932, %mul3A_3948 : vector<16xf32>
        %add3A_3950 = arith.addf %mul3A_3949, %add3A_3946 : vector<16xf32>
        %mul3A_3951 = arith.mulf %mul3A_3914, %add3A_3950 : vector<16xf32>
        %add3A_3952 = arith.addf %add3A_3903, %mul3A_3951 : vector<16xf32>
        %add3A_3953 = arith.constant 15 : i32
        %add3A_3954 = vector.broadcast %add3A_3953 : i32 to vector<16xi32>
        %add3A_3955 = arith.addi %mul3A_3215, %add3A_3954 : vector<16xi32>
        %gather3A_3956 = tpu.vector_load_idx %arg7[%add3A_3955] : memref<25600xf32, #tpu.memory_space<vmem>>[vector<16xi32>], vector<16xf32>,
        %max3A_3957 = arith.constant 9.99999974E-5 : f32
        %max3A_3958 = vector.broadcast %max3A_3957 : f32 to vector<16xf32>
        %max3A_3959 = arith.maximumf %gather3A_3956, %max3A_3958 : vector<16xf32>
        %min3A_3960 = arith.constant 0.999899983 : f32
        %min3A_3961 = vector.broadcast %min3A_3960 : f32 to vector<16xf32>
        %min3A_3962 = arith.minimumf %max3A_3959, %min3A_3961 : vector<16xf32>
        %mul3A_3963 = arith.mulf %min3A_3962, %min3A_3962 : vector<16xf32>
        %sub3A_3964 = arith.constant 1.000000e+00 : f32
        %sub3A_3965 = vector.broadcast %sub3A_3964 : f32 to vector<16xf32>
        %sub3A_3966 = arith.subf %sub3A_3965, %min3A_3962 : vector<16xf32>
        %bitcast_convert_type3A_3967 = tpu.bitcast %sub3A_3966 : vector<16xf32> -> vector<16xi32>
        %shift_right_arithmetic3A_3968 = arith.constant 23 : i32
        %shift_right_arithmetic3A_3969 = vector.broadcast %shift_right_arithmetic3A_3968 : i32 to vector<16xi32>
        %shift_right_arithmetic3A_3970 = arith.shrsi %bitcast_convert_type3A_3967, %shift_right_arithmetic3A_3969 : vector<16xi32>
        %and3A_3971 = arith.constant 8388607 : i32
        %and3A_3972 = vector.broadcast %and3A_3971 : i32 to vector<16xi32>
        %and3A_3973 = arith.andi %bitcast_convert_type3A_3967, %and3A_3972 : vector<16xi32>
        %or3A_3974 = arith.constant 1065353216 : i32
        %or3A_3975 = vector.broadcast %or3A_3974 : i32 to vector<16xi32>
        %or3A_3976 = arith.ori %and3A_3973, %or3A_3975 : vector<16xi32>
        %bitcast_convert_type3A_3977 = tpu.bitcast %or3A_3976 : vector<16xi32> -> vector<16xf32>
        %sub3A_3978 = arith.constant 127 : i32
        %sub3A_3979 = vector.broadcast %sub3A_3978 : i32 to vector<16xi32>
        %sub3A_3980 = arith.subi %shift_right_arithmetic3A_3970, %sub3A_3979 : vector<16xi32>
        %convert_element_type3A_3981 = arith.sitofp %sub3A_3980 : vector<16xi32> to vector<16xf32>
        %broadcast_in_dim3A_3982 = arith.constant 0.105843775 : f32
        %broadcast_in_dim3A_3983 = vector.broadcast %broadcast_in_dim3A_3982 : f32 to vector<16xf32>
        %mul3A_3984 = arith.mulf %broadcast_in_dim3A_3983, %bitcast_convert_type3A_3977 : vector<16xf32>
        %add3A_3985 = arith.constant -0.711726904 : f32
        %add3A_3986 = vector.broadcast %add3A_3985 : f32 to vector<16xf32>
        %add3A_3987 = arith.addf %mul3A_3984, %add3A_3986 : vector<16xf32>
        %mul3A_3988 = arith.mulf %add3A_3987, %bitcast_convert_type3A_3977 : vector<16xf32>
        %add3A_3989 = arith.constant 2.08717847 : f32
        %add3A_3990 = vector.broadcast %add3A_3989 : f32 to vector<16xf32>
        %add3A_3991 = arith.addf %mul3A_3988, %add3A_3990 : vector<16xf32>
        %mul3A_3992 = arith.mulf %add3A_3991, %bitcast_convert_type3A_3977 : vector<16xf32>
        %add3A_3993 = arith.constant -1.48072326 : f32
        %add3A_3994 = vector.broadcast %add3A_3993 : f32 to vector<16xf32>
        %add3A_3995 = arith.addf %mul3A_3992, %add3A_3994 : vector<16xf32>
        %mul3A_3996 = arith.constant 0.693147182 : f32
        %mul3A_3997 = vector.broadcast %mul3A_3996 : f32 to vector<16xf32>
        %mul3A_3998 = arith.mulf %convert_element_type3A_3981, %mul3A_3997 : vector<16xf32>
        %add3A_3999 = arith.addf %mul3A_3998, %add3A_3995 : vector<16xf32>
        %mul3A_4000 = arith.mulf %mul3A_3963, %add3A_3999 : vector<16xf32>
        %add3A_4001 = arith.addf %add3A_3952, %mul3A_4000 : vector<16xf32>
        %convert_element_type3A_4002 = arith.fptosi %gather3A_3180 : vector<16xf32> to vector<16xi32>
        %add3A_4003 = arith.addi %mul3A_3215, %convert_element_type3A_4002 : vector<16xi32>
        %gather3A_4004 = tpu.vector_load_idx %arg7[%add3A_4003] : memref<25600xf32, #tpu.memory_space<vmem>>[vector<16xi32>], vector<16xf32>,
        %max3A_4005 = arith.constant 9.99999974E-5 : f32
        %max3A_4006 = vector.broadcast %max3A_4005 : f32 to vector<16xf32>
        %max3A_4007 = arith.maximumf %gather3A_4004, %max3A_4006 : vector<16xf32>
        %min3A_4008 = arith.constant 0.999899983 : f32
        %min3A_4009 = vector.broadcast %min3A_4008 : f32 to vector<16xf32>
        %min3A_4010 = arith.minimumf %max3A_4007, %min3A_4009 : vector<16xf32>
        %sub3A_4011 = arith.constant 1.000000e+00 : f32
        %sub3A_4012 = vector.broadcast %sub3A_4011 : f32 to vector<16xf32>
        %sub3A_4013 = arith.subf %sub3A_4012, %min3A_4010 : vector<16xf32>
        %mul3A_4014 = arith.mulf %min3A_4010, %min3A_4010 : vector<16xf32>
        %mul3A_4015 = arith.constant 5.000000e-02 : f32
        %mul3A_4016 = vector.broadcast %mul3A_4015 : f32 to vector<16xf32>
        %mul3A_4017 = arith.mulf %mul3A_4016, %mul3A_4014 : vector<16xf32>
        %bitcast_convert_type3A_4018 = tpu.bitcast %sub3A_4013 : vector<16xf32> -> vector<16xi32>
        %shift_right_arithmetic3A_4019 = arith.constant 23 : i32
        %shift_right_arithmetic3A_4020 = vector.broadcast %shift_right_arithmetic3A_4019 : i32 to vector<16xi32>
        %shift_right_arithmetic3A_4021 = arith.shrsi %bitcast_convert_type3A_4018, %shift_right_arithmetic3A_4020 : vector<16xi32>
        %and3A_4022 = arith.constant 8388607 : i32
        %and3A_4023 = vector.broadcast %and3A_4022 : i32 to vector<16xi32>
        %and3A_4024 = arith.andi %bitcast_convert_type3A_4018, %and3A_4023 : vector<16xi32>
        %or3A_4025 = arith.constant 1065353216 : i32
        %or3A_4026 = vector.broadcast %or3A_4025 : i32 to vector<16xi32>
        %or3A_4027 = arith.ori %and3A_4024, %or3A_4026 : vector<16xi32>
        %bitcast_convert_type3A_4028 = tpu.bitcast %or3A_4027 : vector<16xi32> -> vector<16xf32>
        %sub3A_4029 = arith.constant 127 : i32
        %sub3A_4030 = vector.broadcast %sub3A_4029 : i32 to vector<16xi32>
        %sub3A_4031 = arith.subi %shift_right_arithmetic3A_4021, %sub3A_4030 : vector<16xi32>
        %convert_element_type3A_4032 = arith.sitofp %sub3A_4031 : vector<16xi32> to vector<16xf32>
        %broadcast_in_dim3A_4033 = arith.constant 0.105843775 : f32
        %broadcast_in_dim3A_4034 = vector.broadcast %broadcast_in_dim3A_4033 : f32 to vector<16xf32>
        %mul3A_4035 = arith.mulf %broadcast_in_dim3A_4034, %bitcast_convert_type3A_4028 : vector<16xf32>
        %add3A_4036 = arith.constant -0.711726904 : f32
        %add3A_4037 = vector.broadcast %add3A_4036 : f32 to vector<16xf32>
        %add3A_4038 = arith.addf %mul3A_4035, %add3A_4037 : vector<16xf32>
        %mul3A_4039 = arith.mulf %add3A_4038, %bitcast_convert_type3A_4028 : vector<16xf32>
        %add3A_4040 = arith.constant 2.08717847 : f32
        %add3A_4041 = vector.broadcast %add3A_4040 : f32 to vector<16xf32>
        %add3A_4042 = arith.addf %mul3A_4039, %add3A_4041 : vector<16xf32>
        %mul3A_4043 = arith.mulf %add3A_4042, %bitcast_convert_type3A_4028 : vector<16xf32>
        %add3A_4044 = arith.constant -1.48072326 : f32
        %add3A_4045 = vector.broadcast %add3A_4044 : f32 to vector<16xf32>
        %add3A_4046 = arith.addf %mul3A_4043, %add3A_4045 : vector<16xf32>
        %mul3A_4047 = arith.constant 0.693147182 : f32
        %mul3A_4048 = vector.broadcast %mul3A_4047 : f32 to vector<16xf32>
        %mul3A_4049 = arith.mulf %convert_element_type3A_4032, %mul3A_4048 : vector<16xf32>
        %add3A_4050 = arith.addf %mul3A_4049, %add3A_4046 : vector<16xf32>
        %mul3A_4051 = arith.mulf %mul3A_4017, %add3A_4050 : vector<16xf32>
        %mul3A_4052 = arith.mulf %sub3A_4013, %sub3A_4013 : vector<16xf32>
        %mul3A_4053 = arith.constant 0.949999988 : f32
        %mul3A_4054 = vector.broadcast %mul3A_4053 : f32 to vector<16xf32>
        %mul3A_4055 = arith.mulf %mul3A_4054, %mul3A_4052 : vector<16xf32>
        %bitcast_convert_type3A_4056 = tpu.bitcast %min3A_4010 : vector<16xf32> -> vector<16xi32>
        %shift_right_arithmetic3A_4057 = arith.constant 23 : i32
        %shift_right_arithmetic3A_4058 = vector.broadcast %shift_right_arithmetic3A_4057 : i32 to vector<16xi32>
        %shift_right_arithmetic3A_4059 = arith.shrsi %bitcast_convert_type3A_4056, %shift_right_arithmetic3A_4058 : vector<16xi32>
        %and3A_4060 = arith.constant 8388607 : i32
        %and3A_4061 = vector.broadcast %and3A_4060 : i32 to vector<16xi32>
        %and3A_4062 = arith.andi %bitcast_convert_type3A_4056, %and3A_4061 : vector<16xi32>
        %or3A_4063 = arith.constant 1065353216 : i32
        %or3A_4064 = vector.broadcast %or3A_4063 : i32 to vector<16xi32>
        %or3A_4065 = arith.ori %and3A_4062, %or3A_4064 : vector<16xi32>
        %bitcast_convert_type3A_4066 = tpu.bitcast %or3A_4065 : vector<16xi32> -> vector<16xf32>
        %sub3A_4067 = arith.constant 127 : i32
        %sub3A_4068 = vector.broadcast %sub3A_4067 : i32 to vector<16xi32>
        %sub3A_4069 = arith.subi %shift_right_arithmetic3A_4059, %sub3A_4068 : vector<16xi32>
        %convert_element_type3A_4070 = arith.sitofp %sub3A_4069 : vector<16xi32> to vector<16xf32>
        %broadcast_in_dim3A_4071 = arith.constant 0.105843775 : f32
        %broadcast_in_dim3A_4072 = vector.broadcast %broadcast_in_dim3A_4071 : f32 to vector<16xf32>
        %mul3A_4073 = arith.mulf %broadcast_in_dim3A_4072, %bitcast_convert_type3A_4066 : vector<16xf32>
        %add3A_4074 = arith.constant -0.711726904 : f32
        %add3A_4075 = vector.broadcast %add3A_4074 : f32 to vector<16xf32>
        %add3A_4076 = arith.addf %mul3A_4073, %add3A_4075 : vector<16xf32>
        %mul3A_4077 = arith.mulf %add3A_4076, %bitcast_convert_type3A_4066 : vector<16xf32>
        %add3A_4078 = arith.constant 2.08717847 : f32
        %add3A_4079 = vector.broadcast %add3A_4078 : f32 to vector<16xf32>
        %add3A_4080 = arith.addf %mul3A_4077, %add3A_4079 : vector<16xf32>
        %mul3A_4081 = arith.mulf %add3A_4080, %bitcast_convert_type3A_4066 : vector<16xf32>
        %add3A_4082 = arith.constant -1.48072326 : f32
        %add3A_4083 = vector.broadcast %add3A_4082 : f32 to vector<16xf32>
        %add3A_4084 = arith.addf %mul3A_4081, %add3A_4083 : vector<16xf32>
        %mul3A_4085 = arith.constant 0.693147182 : f32
        %mul3A_4086 = vector.broadcast %mul3A_4085 : f32 to vector<16xf32>
        %mul3A_4087 = arith.mulf %convert_element_type3A_4070, %mul3A_4086 : vector<16xf32>
        %add3A_4088 = arith.addf %mul3A_4087, %add3A_4084 : vector<16xf32>
        %mul3A_4089 = arith.mulf %mul3A_4055, %add3A_4088 : vector<16xf32>
        %sub3A_4090 = arith.subf %mul3A_4051, %mul3A_4089 : vector<16xf32>
        %mul3A_4091 = arith.constant -5.000000e-02 : f32
        %mul3A_4092 = vector.broadcast %mul3A_4091 : f32 to vector<16xf32>
        %mul3A_4093 = arith.mulf %mul3A_4092, %add3A_4001 : vector<16xf32>
        %jit3A_4094 = arith.constant 0.000000e+00 : f32
        %broadcast_in_dim3A_4095 = vector.broadcast %jit3A_4094 : f32 to vector<16xf32>
        %select_n3A_4096 = arith.select %and3A_3204, %mul3A_4093, %broadcast_in_dim3A_4095 : vector<16xi1>, vector<16xf32>
        %add3A_4097 = arith.addf %add3A_3096, %select_n3A_4096 : vector<16xf32>
        %jit3A_4098 = arith.constant 0.000000e+00 : f32
        %broadcast_in_dim3A_4099 = vector.broadcast %jit3A_4098 : f32 to vector<16xf32>
        %select_n3A_4100 = arith.select %and3A_3202, %sub3A_4090, %broadcast_in_dim3A_4099 : vector<16xi1>, vector<16xf32>
        %add3A_4101 = arith.addf %add3A_4097, %select_n3A_4100 : vector<16xf32>
        %gather3A_4102 = tpu.vector_load_idx %arg8[%add3A_133] : memref<4800xf32, #tpu.memory_space<vmem>>[vector<16xi32>], vector<16xf32>,
        %add3A_4103 = arith.constant 1 : i32
        %add3A_4104 = vector.broadcast %add3A_4103 : i32 to vector<16xi32>
        %add3A_4105 = arith.addi %add3A_133, %add3A_4104 : vector<16xi32>
        %gather3A_4106 = tpu.vector_load_idx %arg8[%add3A_4105] : memref<4800xf32, #tpu.memory_space<vmem>>[vector<16xi32>], vector<16xf32>,
        %gather3A_4107 = tpu.vector_load_idx %arg9[%add3A_133] : memref<4800xf32, #tpu.memory_space<vmem>>[vector<16xi32>], vector<16xf32>,
        %add3A_4108 = arith.constant 1 : i32
        %add3A_4109 = vector.broadcast %add3A_4108 : i32 to vector<16xi32>
        %add3A_4110 = arith.addi %add3A_133, %add3A_4109 : vector<16xi32>
        %gather3A_4111 = tpu.vector_load_idx %arg9[%add3A_4110] : memref<4800xf32, #tpu.memory_space<vmem>>[vector<16xi32>], vector<16xf32>,
        %add3A_4112 = arith.constant 2 : i32
        %add3A_4113 = vector.broadcast %add3A_4112 : i32 to vector<16xi32>
        %add3A_4114 = arith.addi %add3A_133, %add3A_4113 : vector<16xi32>
        %gather3A_4115 = tpu.vector_load_idx %arg9[%add3A_4114] : memref<4800xf32, #tpu.memory_space<vmem>>[vector<16xi32>], vector<16xf32>,
        %sub3A_4116 = arith.subf %gather3A_3168, %gather3A_4102 : vector<16xf32>
        %sub3A_4117 = arith.subf %sub3A_4116, %gather3A_4107 : vector<16xf32>
        %abs3A_4118 = math.absf %sub3A_4117 : vector<16xf32>
        %sub3A_4119 = arith.subf %gather3A_3172, %gather3A_4106 : vector<16xf32>
        %sub3A_4120 = arith.subf %sub3A_4119, %gather3A_4111 : vector<16xf32>
        %abs3A_4121 = math.absf %sub3A_4120 : vector<16xf32>
        %le3A_4122 = arith.constant 0.111111112 : f32
        %le3A_4123 = vector.broadcast %le3A_4122 : f32 to vector<16xf32>
        %le3A_4124 = arith.cmpf ole, %abs3A_4118, %le3A_4123 : vector<16xf32>
        %mul3A_4125 = arith.constant 4.500000e+00 : f32
        %mul3A_4126 = vector.broadcast %mul3A_4125 : f32 to vector<16xf32>
        %mul3A_4127 = arith.mulf %mul3A_4126, %abs3A_4118 : vector<16xf32>
        %mul3A_4128 = arith.mulf %mul3A_4127, %abs3A_4118 : vector<16xf32>
        %sub3A_4129 = arith.constant 0.055555556 : f32
        %sub3A_4130 = vector.broadcast %sub3A_4129 : f32 to vector<16xf32>
        %sub3A_4131 = arith.subf %abs3A_4118, %sub3A_4130 : vector<16xf32>
        %select_n3A_4132 = arith.select %le3A_4124, %mul3A_4128, %sub3A_4131 : vector<16xi1>, vector<16xf32>
        %le3A_4133 = arith.constant 0.111111112 : f32
        %le3A_4134 = vector.broadcast %le3A_4133 : f32 to vector<16xf32>
        %le3A_4135 = arith.cmpf ole, %abs3A_4121, %le3A_4134 : vector<16xf32>
        %mul3A_4136 = arith.constant 4.500000e+00 : f32
        %mul3A_4137 = vector.broadcast %mul3A_4136 : f32 to vector<16xf32>
        %mul3A_4138 = arith.mulf %mul3A_4137, %abs3A_4121 : vector<16xf32>
        %mul3A_4139 = arith.mulf %mul3A_4138, %abs3A_4121 : vector<16xf32>
        %sub3A_4140 = arith.constant 0.055555556 : f32
        %sub3A_4141 = vector.broadcast %sub3A_4140 : f32 to vector<16xf32>
        %sub3A_4142 = arith.subf %abs3A_4121, %sub3A_4141 : vector<16xf32>
        %select_n3A_4143 = arith.select %le3A_4135, %mul3A_4139, %sub3A_4142 : vector<16xi1>, vector<16xf32>
        %sub3A_4144 = arith.subf %gather3A_3176, %gather3A_3167 : vector<16xf32>
        %sub3A_4145 = arith.subf %sub3A_4144, %gather3A_4115 : vector<16xf32>
        %abs3A_4146 = math.absf %sub3A_4145 : vector<16xf32>
        %sub3A_4147 = arith.constant 1.000000e+01 : f32
        %sub3A_4148 = vector.broadcast %sub3A_4147 : f32 to vector<16xf32>
        %sub3A_4149 = arith.subf %abs3A_4146, %sub3A_4148 : vector<16xf32>
        %div3A_4150 = arith.constant 5.000000e+00 : f32
        %div3A_4151 = vector.broadcast %div3A_4150 : f32 to vector<16xf32>
        %div3A_4152 = arith.divf %sub3A_4149, %div3A_4151 : vector<16xf32>
        %le3A_4153 = arith.constant 0.000000e+00 : f32
        %le3A_4154 = vector.broadcast %le3A_4153 : f32 to vector<16xf32>
        %le3A_4155 = arith.cmpf ole, %div3A_4152, %le3A_4154 : vector<16xf32>
        %jit3A_4156 = arith.constant 0.000000e+00 : f32
        %broadcast_in_dim3A_4157 = vector.broadcast %jit3A_4156 : f32 to vector<16xf32>
        %select_n3A_4158 = arith.select %le3A_4155, %broadcast_in_dim3A_4157, %div3A_4152 : vector<16xi1>, vector<16xf32>
        %jit3A_4159 = arith.constant 1.000000e+00 : f32
        %jit3A_4160 = arith.constant 0.000000e+00 : f32
        %broadcast_in_dim3A_4161 = vector.broadcast %jit3A_4159 : f32 to vector<16xf32>
        %broadcast_in_dim3A_4162 = vector.broadcast %jit3A_4160 : f32 to vector<16xf32>
        %select_n3A_4163 = arith.select %and3A_3202, %broadcast_in_dim3A_4161, %broadcast_in_dim3A_4162 : vector<16xi1>, vector<16xf32>
        %add3A_4164 = arith.addf %select_n3A_4132, %select_n3A_4143 : vector<16xf32>
        %mul3A_4165 = arith.mulf %add3A_4164, %select_n3A_4163 : vector<16xf32>
        %add3A_4166 = arith.addf %add3A_3161, %mul3A_4165 : vector<16xf32>
        %mul3A_4167 = arith.mulf %select_n3A_4158, %select_n3A_4163 : vector<16xf32>
        %add3A_4168 = arith.addf %add3A_3163, %mul3A_4167 : vector<16xf32>
        scf.yield %add3A_3210, %add3A_4166, %add3A_4168, %add3A_4101 : vector<16xf32>, vector<16xf32>, vector<16xf32>, vector<16xf32>
      }
      %scan3A_41 = arith.constant 25 : i32
      %mul3A_42 = arith.constant 4 : i32
      %mul3A_43 = arith.muli %mul3A_42, %scan3A_20 : i32
      %eq3A = vector.broadcast %mul3A_43 : i32 to vector<16xi32>
      %eq3A_44 = arith.cmpi eq, %iota3A, %eq3A : vector<16xi32>
      %reduce_sum3A = arith.constant true
      %reduce_sum3A_45 = vector.broadcast %reduce_sum3A : i1 to vector<16xi1>
      %reduce_sum3A_46 = tpu.scan <sum>, %scan3A_40#3 masked %reduce_sum3A_45 : vector<16xf32>, vector<16xi1> -> vector<16xf32>
      %reduce_sum3A_47 = vector.extract %reduce_sum3A_46[15] : f32 from vector<16xf32>
      %broadcast_in_dim3A_48 = vector.broadcast %reduce_sum3A_47 : f32 to vector<16xf32>
      %select_n3A = arith.select %eq3A_44, %broadcast_in_dim3A_48, %scan3A_21 : vector<16xi1>, vector<16xf32>
      %mul3A_49 = arith.constant 4 : i32
      %mul3A_50 = arith.muli %mul3A_49, %scan3A_20 : i32
      %add3A_51 = arith.constant 1 : i32
      %add3A_52 = arith.addi %mul3A_50, %add3A_51 : i32
      %eq3A_53 = vector.broadcast %add3A_52 : i32 to vector<16xi32>
      %eq3A_54 = arith.cmpi eq, %iota3A, %eq3A_53 : vector<16xi32>
      %reduce_sum3A_55 = arith.constant true
      %reduce_sum3A_56 = vector.broadcast %reduce_sum3A_55 : i1 to vector<16xi1>
      %reduce_sum3A_57 = tpu.scan <sum>, %scan3A_40#0 masked %reduce_sum3A_56 : vector<16xf32>, vector<16xi1> -> vector<16xf32>
      %reduce_sum3A_58 = vector.extract %reduce_sum3A_57[15] : f32 from vector<16xf32>
      %broadcast_in_dim3A_59 = vector.broadcast %reduce_sum3A_58 : f32 to vector<16xf32>
      %select_n3A_60 = arith.select %eq3A_54, %broadcast_in_dim3A_59, %select_n3A : vector<16xi1>, vector<16xf32>
      %mul3A_61 = arith.constant 4 : i32
      %mul3A_62 = arith.muli %mul3A_61, %scan3A_20 : i32
      %add3A_63 = arith.constant 2 : i32
      %add3A_64 = arith.addi %mul3A_62, %add3A_63 : i32
      %eq3A_65 = vector.broadcast %add3A_64 : i32 to vector<16xi32>
      %eq3A_66 = arith.cmpi eq, %iota3A, %eq3A_65 : vector<16xi32>
      %reduce_sum3A_67 = arith.constant true
      %reduce_sum3A_68 = vector.broadcast %reduce_sum3A_67 : i1 to vector<16xi1>
      %reduce_sum3A_69 = tpu.scan <sum>, %scan3A_40#1 masked %reduce_sum3A_68 : vector<16xf32>, vector<16xi1> -> vector<16xf32>
      %reduce_sum3A_70 = vector.extract %reduce_sum3A_69[15] : f32 from vector<16xf32>
      %broadcast_in_dim3A_71 = vector.broadcast %reduce_sum3A_70 : f32 to vector<16xf32>
      %select_n3A_72 = arith.select %eq3A_66, %broadcast_in_dim3A_71, %select_n3A_60 : vector<16xi1>, vector<16xf32>
      %mul3A_73 = arith.constant 4 : i32
      %mul3A_74 = arith.muli %mul3A_73, %scan3A_20 : i32
      %add3A_75 = arith.constant 3 : i32
      %add3A_76 = arith.addi %mul3A_74, %add3A_75 : i32
      %eq3A_77 = vector.broadcast %add3A_76 : i32 to vector<16xi32>
      %eq3A_78 = arith.cmpi eq, %iota3A, %eq3A_77 : vector<16xi32>
      %reduce_sum3A_79 = arith.constant true
      %reduce_sum3A_80 = vector.broadcast %reduce_sum3A_79 : i1 to vector<16xi1>
      %reduce_sum3A_81 = tpu.scan <sum>, %scan3A_40#2 masked %reduce_sum3A_80 : vector<16xf32>, vector<16xi1> -> vector<16xf32>
      %reduce_sum3A_82 = vector.extract %reduce_sum3A_81[15] : f32 from vector<16xf32>
      %broadcast_in_dim3A_83 = vector.broadcast %reduce_sum3A_82 : f32 to vector<16xf32>
      %select_n3A_84 = arith.select %eq3A_78, %broadcast_in_dim3A_83, %select_n3A_72 : vector<16xi1>, vector<16xf32>
      scf.yield %select_n3A_84 : vector<16xf32>
    }
    %scan3A_16 = arith.constant 4 : i32
    %swap3A = arith.constant 0 : index
    %swap3A_17 = tpu.vector_load %arg11[%swap3A] {strides = array<i32>} : memref<16xf32, #tpu.memory_space<vmem>>, vector<16xf32>,
    tpu.vector_store %arg11[%swap3A], %scan3A_15 {strides = array<i32>} : memref<16xf32, #tpu.memory_space<vmem>>, vector<16xf32>,
    %mul3A_18 = arith.constant 16 : i32
    %mul3A_19 = arith.muli %add3A, %mul3A_18 : i32
    "tpu.region"() ({
      %run_scoped3A = tpu.sem_alloc : memref<!tpu.dma_semaphore, #tpu.memory_space<semaphore_mem>>
      %dma_start3A = tpu.memref_slice %arg6[%mul3A_19] : memref<512xf32, #tpu.memory_space<hbm>> -> memref<16xf32, #tpu.memory_space<hbm>>
      %dma_start3A_20 = tpu.memref_slice %arg6[%mul3A_19] : memref<512xf32, #tpu.memory_space<hbm>> -> memref<16xf32, #tpu.memory_space<hbm>>
      tpu.enqueue_dma source(%arg11 : memref<16xf32, #tpu.memory_space<vmem>>) target(%dma_start3A_20 : memref<16xf32, #tpu.memory_space<hbm>>) target_semaphore(%run_scoped3A : memref<!tpu.dma_semaphore, #tpu.memory_space<semaphore_mem>>)
      %dma_wait3A = tpu.memref_slice %arg6[%mul3A_19] : memref<512xf32, #tpu.memory_space<hbm>> -> memref<16xf32, #tpu.memory_space<hbm>>
      %dma_wait3A_21 = tpu.memref_slice %arg6[%mul3A_19] : memref<512xf32, #tpu.memory_space<hbm>> -> memref<16xf32, #tpu.memory_space<hbm>>
      tpu.wait_dma2 semaphore(%run_scoped3A : memref<!tpu.dma_semaphore, #tpu.memory_space<semaphore_mem>>) src(%arg11 : memref<16xf32, #tpu.memory_space<vmem>>) dst(%dma_wait3A_21 : memref<16xf32, #tpu.memory_space<hbm>>)
      tpu.yield
    }) : () -> ()
    return
  }
}

</mosaic_0001>

<sc_bundles>
// kernel: kernel.3.cloned.1.call-start
scs
__scs_entry_jumppad:
0x0: {  	(pc) =	sbr.rel $0x88, $3  }
0x1: {  	(tag) =	ssettag $0x0;
	lr =	simm.s32 $0x1  }
0x2: {  	[smem:$0x3F9D] =	sst lr;
	_ =	strace $0xD0000000  }
0x3: {  	_ = 	snop  }
0x4: {  	_ = 	snop  }
0x5: {  	_ = 	snop  }
0x6: {  	_ = 	snop  }
0x7: {  	_ = 	snop  }
__scs_overlays_trampoline_lowered:
0x8: {  	[smem:$0x3FAC] =	sst s0  }
0x9: {  	[smem:$0x3FAD] =	sst s1  }
0xa: {  	[smem:$0x3FAE] =	sst s2  }
0xb: {  	[smem:$0x3FAF] =	sst s3  }
0xc: {  	[smem:$0x3FB0] =	sst s4  }
0xd: {  	[smem:$0x3FB1] =	sst s5  }
0xe: {  	[smem:$0x3FB2] =	sst s6  }
0xf: {  	[smem:$0x3FB3] =	sst s7  }
0x10: {  	[smem:$0x3FB4] =	sst s8  }
0x11: {  	[smem:$0x3FB5] =	sst s9;
	s0 =	simm.s32 @!p0 $0x0  }
0x12: {  	s1 =	sld [smem:$0x3F9B];
	s0 =	simm.s32 @p0 $0x1  }
0x13: {  	[smem:$0x3FB6] =	sst s0;
	s0 =	simm.s32 @!p1 $0x0  }
0x14: {  	s2 =	sld [smem:$0x3F9A];
	s0 =	simm.s32 @p1 $0x1  }
0x15: {  	[smem:$0x3FB7] =	sst s0;
	s0 =	simm.s32 @!p2 $0x0  }
0x16: {  	s3 =	sld [smem:$0x3FDB];
	s0 =	simm.s32 @p2 $0x1  }
0x17: {  	s4 =	simm.s32 $0x1BF5;
	[smem:$0x3FB9] =	sst s0  }
0x18: {  	s0 =	sld [smem:$0x3F9C];
	_ =	swait.ge [sflag:s4], $0x0  }
0x19: {  	s7 =	sld [smem:$0x3F9D]  }
0x1a: {  	s8 =	sadd.s32 $0xFFFFE003, lr  }
0x1b: {  	s9 =	sadd.s32 $0xFFFFFEF7, lr;
	s5 =	simm.s32 $0xFFFFFFFF;
	p2 =	slt.u32 s8, $0xFFFFF086  }
0x1c: {  	p1 =	slt.u32 s9, $0xF7A;
	s5 =	simm.s32 @!p2 $0x0  }
0x1d: {  	s5 =	simm.s32 @p1 $0x1;
	p0 =	seq.s32 s7, s2  }
0x1e: {  	s7 =	smul.u32 @!p0 $0xF7A, s2;
	p2 =	seq.s32 @!p0 s5, $0x0  }
0x1f: {  	s9 =	smul.u32 $0xF7A, s1;
	s8 =	simm.s32 @!p0 $0x1BF5;
	p2 =	por !p2, p0  }
0x20: {  	[sflag:s8] =	ssyncset.s32 @!p0 $0xFFFFF086;
	s6 =	sadd.s32 @!p0 s3, s7;
	s7 =	simm.s32 @!p0 $0x108  }
0x21: {  	s3 =	sadd.s32 s3, s9;
	s6 =	sadd.s32 @!p0 $0x88, s6;
	s7 =	simm.s32 @p2 $0x1082  }
0x22: {  	[simem:s7], [sflag:s8] =	dma.local @!p0 [hbm:s6], $0xF7A  }
0x23: {  	s9 =	sor.u32 $0xD0000000, s2;
	s6 =	simm.s32 $0x108;
	_ =	swait.ge @!p0 [sflag:s8], $0x0  }
0x24: {  	s3 =	sadd.s32 $0x88, s3;
	s6 =	simm.s32 @!p1 $0x1082;
	[sflag:s4] =	ssyncset.s32 $0xFFFFF086  }
0x25: {  	[simem:s6], [sflag:s4] =	dma.local [hbm:s3], $0xF7A  }
0x26: {  	[smem:$0x3F9D] =	sst s1;
	(tag) =	ssettag s2;
	_ =	strace s9  }
0x27: {  	s1 =	sld [smem:$0x3FAD]  }
0x28: {  	s2 =	sld [smem:$0x3FAE]  }
0x29: {  	s4 =	sld [smem:$0x3FB0]  }
0x2a: {  	p0 =	seq.s32 s5, $0x0;
	s5 =	sld [smem:$0x3FB1]  }
0x2b: {  	s6 =	sld [smem:$0x3FB2]  }
0x2c: {  	s7 =	sld [smem:$0x3FB3]  }
0x2d: {  	s3 =	simm.s32 $0x108;
	s8 =	sld [smem:$0x3FB4]  }
0x2e: {  	s3 =	simm.s32 @!p0 $0x1082;
	s9 =	sld [smem:$0x3FB5]  }
0x2f: {  	lr =	sadd.s32 s0, s3;
	s0 =	sld [smem:$0x3FAC]  }
0x30: {  	s3 =	sld [smem:$0x3FAF]  }
0x31: {  	[smem:$0x3FB8] =	sst s10  }
0x32: {  	s10 =	sld [smem:$0x3FB6];
	_ =	sdelay $0x3  }
0x33: {  	p0 =	seq.s32 s10, $0x1;
	s10 =	sld [smem:$0x3FB8];
	_ =	sdelay $0x3  }
0x34: {  	[smem:$0x3FB8] =	sst s10  }
0x35: {  	s10 =	sld [smem:$0x3FB7];
	_ =	sdelay $0x3  }
0x36: {  	p1 =	seq.s32 s10, $0x1;
	s10 =	sld [smem:$0x3FB8];
	_ =	sdelay $0x3  }
0x37: {  	[smem:$0x3FB8] =	sst s10  }
0x38: {  	s10 =	sld [smem:$0x3FB9]  }
0x39: {  	_ = 	snop;
	(pc) =	sbr.ind lr, $3  }
0x3a: {  	_ = 	snop  }
0x3b: {  	_ = 	snop  }
0x3c: {  	p2 =	seq.s32 s10, $0x1;
	s10 =	sld [smem:$0x3FB8]  }
0x3d: {  	_ =	shalt  }
0x3e: {  	_ =	shalt  }
0x3f: {  	_ =	shalt  }
0x40: {  	_ =	shalt  }
0x41: {  	_ =	shalt  }
0x42: {  	_ =	shalt  }
0x43: {  	_ =	shalt  }
0x44: {  	_ =	shalt  }
0x45: {  	_ =	shalt  }
0x46: {  	_ =	shalt  }
0x47: {  	_ =	shalt  }
0x48: {  	_ =	shalt  }
0x49: {  	_ =	shalt  }
0x4a: {  	_ =	shalt  }
0x4b: {  	_ =	shalt  }
0x4c: {  	_ =	shalt  }
0x4d: {  	_ =	shalt  }
0x4e: {  	_ =	shalt  }
0x4f: {  	_ =	shalt  }
0x50: {  	_ =	shalt  }
0x51: {  	_ =	shalt  }
0x52: {  	_ =	shalt  }
0x53: {  	_ =	shalt  }
0x54: {  	_ =	shalt  }
0x55: {  	_ =	shalt  }
0x56: {  	_ =	shalt  }
0x57: {  	_ =	shalt  }
0x58: {  	_ =	shalt  }
0x59: {  	_ =	shalt  }
0x5a: {  	_ =	shalt  }
0x5b: {  	_ =	shalt  }
0x5c: {  	_ =	shalt  }
0x5d: {  	_ =	shalt  }
0x5e: {  	_ =	shalt  }
0x5f: {  	_ =	shalt  }
0x60: {  	_ =	shalt  }
0x61: {  	_ =	shalt  }
0x62: {  	_ =	shalt  }
0x63: {  	_ =	shalt  }
0x64: {  	_ =	shalt  }
0x65: {  	_ =	shalt  }
0x66: {  	_ =	shalt  }
0x67: {  	_ =	shalt  }
0x68: {  	_ =	shalt  }
0x69: {  	_ =	shalt  }
0x6a: {  	_ =	shalt  }
0x6b: {  	_ =	shalt  }
0x6c: {  	_ =	shalt  }
0x6d: {  	_ =	shalt  }
0x6e: {  	_ =	shalt  }
0x6f: {  	_ =	shalt  }
0x70: {  	_ =	shalt  }
0x71: {  	_ =	shalt  }
0x72: {  	_ =	shalt  }
0x73: {  	_ =	shalt  }
0x74: {  	_ =	shalt  }
0x75: {  	_ =	shalt  }
0x76: {  	_ =	shalt  }
0x77: {  	_ =	shalt  }
0x78: {  	_ =	shalt  }
0x79: {  	_ =	shalt  }
0x7a: {  	_ =	shalt  }
0x7b: {  	_ =	shalt  }
0x7c: {  	_ =	shalt  }
0x7d: {  	_ =	shalt  }
0x7e: {  	_ =	shalt  }
0x7f: {  	_ =	shalt  }
0x80: {  	_ =	shalt  }
0x81: {  	_ =	shalt  }
0x82: {  	_ =	shalt  }
0x83: {  	_ =	shalt  }
0x84: {  	_ =	shalt  }
0x85: {  	_ =	shalt  }
0x86: {  	_ =	shalt  }
0x87: {  	_ =	shalt  }
.Lfunc_end0:
.L_simem_size_0:
called_computation_lowered:
.L_overlay_start_0:
0x88: {  	s2 =	sld [smem:$0x3FD9]  }
0x89: {  	s3 =	sld [smem:$0x3FFE];
	_ =	sdelay $0x1  }
0x8a: {  	s1 =	srdreg.scid  }
0x8b: {  	s0 =	sand.u32 $0x1, s1  }
0x8c: {  	s16 =	sshll.u32 s0, $0xA;
	s2 =	sadd.s32 s3, s2  }
0x8d: {  	s2 =	sadd.s32 s2, s16  }
0x8e: {  	[smem:$0x3FC4] =	sst s2  }
0x8f: {  	_ = 	snop  }
0x90: {  	(tm) =	ssettm $0x1  }
0x91: {  	s17 =	sld [smem:$0x3FFB];
	_ =	sdelay $0x3  }
0x92: {  	_ =	strace s17  }
0x93: {  	s2 =	sld [smem:$0x3FFC];
	_ =	sdelay $0x3  }
0x94: {  	_ =	strace s2  }
0x95: {  	s2 =	sld [smem:$0x3FFD];
	_ =	sdelay $0x3  }
0x96: {  	_ =	strace s2  }
0x97: {  	_ =	strace $0x8FFFFFFF  }
0x98: {  	s18 =	sld [smem:$0x3FDB];
	_ =	sdelay $0x1  }
0x99: {  	s19 =	simm.s32 $_scs_section_size  }
0x9a: {  	s4 =	simm.s32 $_size__tile_overlayer_lowered;
	s5 =	simm.s32 $_tile_overlayer_lowered  }
0x9b: {  	s22 =	simm.s32 $0x1BFF;
	s21 =	sshll.u32 s5, $0x1;
	s2 =	sadd.s32 s19, s18  }
0x9c: {  	s6 =	simm.s32 $0x0;
	s20 =	sshll.u32 s4, $0x1;
	s4 =	sadd.s32 s21, s2  }
0x9d: {  	[timem:s6], [sflag:s22] =	dma.local [hbm:s4], s20  }
0x9e: {  	_ =	swait.ge [sflag:s22], s20  }
0x9f: {  	s3 =	ssub.s32 $0x0, s20;
	[sflag:s22] =	ssyncset.done $0x0  }
0xa0: {  	[sflag:s22] =	ssyncadd.s32 s3;
	_ =	sdelay $0x1  }
0xa1: {  	s23 =	simm.s32 $0x1B8B  }
0xa2: {  	_ =	swait.ge [sflag:s23], $0x1  }
0xa3: {  	[sflag:s23] =	ssyncset.done $0x0  }
0xa4: {  	s25 =	simm.s32 $0x1B8E;
	s24 =	sld [smem:$0x3FFE];
	[sflag:s23] =	ssyncadd.s32 $0xFFFFFFFF  }
0xa5: {  	s26 =	simm.s32 $execute0_lowered;
	[smem:$0x3FD2] =	sst s25  }
0xa6: {  	s4 =	sshll.u32 s26, $0x1;
	_ =	strace $0x80000046;
	[dreg:$0x1] =	wrdreg $0xFFFFFFFF  }
0xa7: {  	s28 =	simm.s32 $_size_execute0_lowered;
	s2 =	sadd.s32 s2, s4;
	[dreg:$0x0] =	wrdreg $0x0  }
0xa8: {  	s4 =	sshll.u32 s28, $0x1;
	[dreg:$0x2] =	wrdreg s2  }
0xa9: {  	[dreg:$0x3] =	wrdreg s4  }
0xaa: {  	[dreg:$0x4] =	wrdreg $0xC0  }
0xab: {  	_ =	task [dreg:s6], $0x5FFFF  }
0xac: {  	[dreg:$0x1] =	wrdreg $0xFFFFFFFF  }
0xad: {  	[dreg:$0x0] =	wrdreg $0x60  }
0xae: {  	[dreg:$0x2] =	wrdreg s24  }
0xaf: {  	[dreg:$0x3] =	wrdreg $0x9  }
0xb0: {  	_ =	task.clear_ibuf [dreg:s6], $0x4FFFF;
	_ =	strace $0x90000046  }
0xb1: {  	s29 =	simm.s32 $0x9;
	_ =	strace $0x80000048  }
0xb2: {  	_ =	swait.ge [sflag:s29], $0x1  }
0xb3: {  	[sflag:s29] =	ssyncadd.s32 $0xFFFFFFFF  }
0xb4: {  	_ =	strace $0x90000048  }
0xb5: {  	_ =	sfence  }
0xb6: {  	s30 =	sld [smem:$0x0];
	_ =	sdelay $0x2  }
0xb7: {  	s31 =	sshll.u32 s1, $0xD;
	s1 =	sshrl.u32 s1, $0x2  }
0xb8: {  	s3 =	sand.u32 $0x4000, s31;
	s1 =	sadd.s32 s1, s30  }
0xb9: {  	s0 =	sor.u32 s3, s0;
	s1 =	sshll.u32 s1, $0x11  }
0xba: {  	s0 =	sor.u32 s1, s0  }
0xbb: {  	s0 =	sadd.s32 $0x8F2B, s0  }
0xbc: {  	[sflag:s0] =	ssyncadd.remote.s32 $0x1  }
0xbd: {  	_ =	sfence.sel $0xFFFF  }
0xbe: {  	[dreg:$0x0] =	wrdreg $0xFFFFFFFF;
	(pc) =	sbr.abs _section_cstart, $3  }
0xbf: {  	[dreg:$0x1] =	wrdreg $0xFFFFFFFF  }
0xc0: {  	_ =	task.clear_ibuf [dreg:s6], $0x2FFFF;
	_ =	strace $0x9FFFFFFF  }
0xc1: {  	(tm) =	ssettm $0x7FFFFFFF  }
tec
execute0_lowered:
.L_overlay_start_1:
0x0: {  	(tag) =	ssettag $0x1  }
0x1: {  	s2 =	simm.s32 $0x0  }
0x2: {  	[smem:$0x7FF] =	sst s2  }
0x3: {  	s8 =	rddreg [dreg:$0x0];
	v0 =	vimm.f32 $5.000000000e+00;
	_ =	strace $0x80000047  }
0x4: {  	s3 =	srdreg.scid;
	s1 =	stileid.u32;
	(erf) = vrcp.f32 v0  }
0x5: {  	s9 =	sand.u32 $0x1, s3;
	s31 =	sshll.u32 s1, $0x1  }
0x6: {  	s13 =	simm.s32 $0x1;
	s10 =	sor.u32 s9, s31  }
0x7: {  	s14 =	simm.s32 $0x7700;
	s16 =	simm.s32 $0x8B00;
	s15 =	smul.u32 $0x640, s10  }
0x8: {  	s17 =	simm.s32 $0x0;
	s4 =	sadd.s32 $0x30D400, s8;
	s6 =	sadd.s32 $0x36F000, s8  }
0x9: {  	s9 =	ssub.s32 $0x2, s9;
	s10 =	sshll.u32 s10, $0x1;
	s3 =	smin.u32 s15, $0xBD10  }
0xa: {  	s11 =	sshrl.u32 s9, $0x1;
	v0 =	vlaneseq.u32;
	s10 =	sadd.s32 s10, s8;
	s5 =	smul.u32 $0x3, s3  }
0xb: {  	s7 =	sadd.s32 $0x4A00, s8;
	s11 =	ssub.s32 s9, s11;
	v1 =	vmul.u32 $0x3, v0;
	s10 =	sadd.s32 $0x4C00, s10  }
0xc: {  	s11 =	smax.u32 s11, $0x1;
	v0 =	vmov s15;
	s15 =	simm.s32 $0x8A00;
	s12 =	sshrl.u32 s5, $0x3  }
0xd: {  	s9 =	sshll.u32 s3, $0x4;
	[tilespmem:$0x1FFF0] =	vst v0;
	v4 =	vadd.s32 $0x1, v1;
	s8 =	sadd.s32 s8, s12;
	s12 =	simm.s32 $0x6400;
	v3 =	vpop (erf)  }
.LBB2_1:
0xe: {  	[tilespmem:s12], [sflag:$0x1] =	stream.linear.gather [hbm4b:s8+s2], $0x12C0, $0x38;
	[tilespmem:$0x8B80] =	vst v63  }
0xf: {  	_ =	swait.ge [sflag:s13], $0x12C0  }
0x10: {  	[sflag:s13] =	ssyncset.done $0x0  }
0x11: {  	v0 =	vimm.f32 $0.0e+00;
	s18 =	simm.s32 $0x0;
	[sflag:s13] =	ssyncadd.s32 $0xFFFFED40  }
.LBB2_2:
0x12: {  	s19 =	smul.u32 $0xC3500, s18;
	_ =	sdelay $0x1  }
0x13: {  	s19 =	sadd.s32 s9, s19  }
0x14: {  	s19 =	sshrl.u32 s19, $0x3  }
0x15: {  	[tilespmem:$0x1FFE0] =	vst v0;
	s21 =	smul.u32 $0x249F0, s18;
	s20 =	sadd.s32 s4, s19;
	s19 =	simm.s32 $0x0  }
0x16: {  	[tilespmem:s19], [sflag:$0x1] =	stream.linear.gather [hbm4b:s20+s19], $0x6400, $0x38;
	[tilespmem:$0x8B80] =	vst v63  }
0x17: {  	s30 =	sadd.s32 s5, s21;
	_ =	swait.ge [sflag:s13], $0x6400  }
0x18: {  	s20 =	sshrl.u32 s30, $0x3;
	[sflag:s13] =	ssyncset.done $0x0  }
0x19: {  	s20 =	sadd.s32 s6, s20;
	[sflag:s13] =	ssyncadd.s32 $0xFFFF9C00  }
0x1a: {  	[tilespmem:s14], [sflag:$0x1] =	stream.linear.gather [hbm4b:s20+s19], $0x12C0, $0x38;
	[tilespmem:$0x8B80] =	vst v63  }
0x1b: {  	_ =	swait.ge [sflag:s13], $0x12C0  }
0x1c: {  	s31 =	sshll.u32 s18, $0x5;
	[sflag:s13] =	ssyncset.done $0x0  }
0x1d: {  	s20 =	sadd.s32 s7, s31;
	[sflag:s13] =	ssyncadd.s32 $0xFFFFED40  }
0x1e: {  	[tilespmem:s15], [sflag:$0x1] =	stream.linear.gather [hbm4b:s20+s19], $0x100, $0x38;
	[tilespmem:$0x8B80] =	vst v63  }
0x1f: {  	_ =	swait.ge [sflag:s13], $0x100  }
0x20: {  	v30 =	vimm.f32 $0.0e+00;
	[sflag:s13] =	ssyncset.done $0x0  }
0x21: {  	v26 =	vimm.f32 $0.0e+00;
	v27 =	vimm.f32 $0.0e+00;
	v29 =	vimm.f32 $0.0e+00;
	[sflag:s13] =	ssyncadd.s32 $0xFFFFFF00  }
.LBB2_3:
0x22: {  	s21 =	simm.s32 $0xC  }
0x23: {  	s28 =	simm.s32 $0x0;
	v10 =	vmov s21  }
0x24: {  	s26 =	simm.s32 $0x4;
	v11 =	vmov s28  }
0x25: {  	s29 =	smul.u32 $0xC0, s19;
	s24 =	simm.s32 $0x8;
	v17 =	vmov s26  }
0x26: {  	v24 =	vmov s24  }
0x27: {  	v33 =	vor.u32 s29, v1  }
0x28: {  	s25 =	sshll.u32 s19, $0x6;
	v32 =	vor.u32 s29, v4;
	v36 =	vld.idx.msk [tilespmem:v10+s15+$0x0], $0xffff  }
0x29: {  	s23 =	sor.u32 $0x10, s25;
	v16 =	vor.u32 $0x1, v11;
	v38 =	vld.idx.msk [tilespmem:v11+s15+$0x0], $0xffff  }
0x2a: {  	s20 =	sor.u32 $0x30, s25;
	s30 =	smul.u32 $0x3, s23;
	v18 =	vor.u32 $0x1, v17;
	v25 =	vor.u32 $0x1, v24;
	v17 =	vld.idx.msk [tilespmem:v17+s15+$0x0], $0xffff  }
0x2b: {  	s0 =	smul.u32 $0x3, s20;
	v35 =	vor.u32 $0x1, v10;
	v46 =	vld.idx.msk [tilespmem:v24+s15+$0x0], $0xffff  }
0x2c: {  	s22 =	sor.u32 $0x20, s25;
	v21 =	vadd.s32 s30, v1;
	v31 =	vld.idx.msk [tilespmem:v33+s12+$0x0], $0xffff  }
0x2d: {  	s31 =	smul.u32 $0x3, s22;
	v0 =	vadd.s32 s0, v1;
	v34 =	vld.idx.msk [tilespmem:v32+s12+$0x0], $0xffff  }
0x2e: {  	v22 =	vadd.s32 s30, v4;
	v40 =	vld.idx.msk [tilespmem:v16+s15+$0x0], $0xffff  }
0x2f: {  	v12 =	vadd.s32 s31, v4;
	v16 =	vld.idx.msk [tilespmem:v25+s15+$0x0], $0xffff  }
0x30: {  	v35 =	vld.idx.msk [tilespmem:v35+s15+$0x0], $0xffff  }
0x31: {  	v20 =	vld.idx.msk [tilespmem:v21+s12+$0x0], $0xffff  }
0x32: {  	v15 =	vadd.s32 s31, v1;
	v7 =	vld.idx.msk [tilespmem:v0+s12+$0x0], $0xffff  }
0x33: {  	v23 =	vld.idx.msk [tilespmem:v22+s12+$0x0], $0xffff  }
0x34: {  	v14 =	vld.idx.msk [tilespmem:v12+s12+$0x0], $0xffff;
	v41 =	vsub.f32 v31, v38  }
0x35: {  	[tilespmem:$0x1FFA0] =	vst v0;
	v39 =	vld.idx.msk [tilespmem:v18+s15+$0x0], $0xffff;
	v0 =	vadd.s32 s0, v4;
	v43 =	vsub.f32 v31, v36;
	v44 =	vsub.f32 v34, v40  }
0x36: {  	v42 =	vimm.f32 $+Inf;
	v57 =	vsub.f32 v31, v46;
	v62 =	vsub.f32 v34, v35  }
0x37: {  	v48 =	vimm.s32 $0x0;
	v13 =	vld.idx.msk [tilespmem:v15+s12+$0x0], $0xffff;
	v63 =	vsub.f32 v34, v16;
	v25 =	vsub.f32 v20, v36  }
0x38: {  	v37 =	vmov s29;
	v18 =	vsub.f32 v7, v36;
	v45 =	vsub.f32 v20, v38  }
0x39: {  	v28 =	vmov s30;
	v51 =	vsub.f32 v23, v40;
	v58 =	vsub.f32 v14, v35  }
0x3a: {  	[tilespmem:$0x1FFB0] =	vst v0;
	v10 =	vld.idx.msk [tilespmem:v0+s12+$0x0], $0xffff;
	v0 =	vmov s31;
	v53 =	vsub.f32 v7, v17;
	v54 =	vsub.f32 v14, v39  }
0x3b: {  	v41 =	vmul.f32 v41, v41;
	v55 =	vsub.f32 v20, v46;
	v59 =	vsub.f32 v20, v17  }
0x3c: {  	v43 =	vmul.f32 v43, v43;
	v60 =	vsub.f32 v23, v35;
	v61 =	vsub.f32 v13, v17  }
0x3d: {  	v44 =	vmul.f32 v44, v44;
	v17 =	vsub.f32 v31, v17;
	v6 =	vsub.f32 v14, v16  }
0x3e: {  	v63 =	vmul.f32 v63, v63;
	[tilespmem:$0x1FFC0] =	vst v0;
	v0 =	vmov s0;
	v24 =	vmul.f32 v18, v18  }
0x3f: {  	v18 =	vsub.f32 v13, v38;
	v52 =	vmul.f32 v45, v45;
	v56 =	vmul.f32 v58, v58  }
0x40: {  	v38 =	vsub.f32 v7, v38;
	v53 =	vmul.f32 v53, v53;
	v54 =	vmul.f32 v54, v54  }
0x41: {  	v45 =	vsub.f32 v23, v16;
	v55 =	vmul.f32 v55, v55;
	v51 =	vmul.f32 v51, v51  }
0x42: {  	v58 =	vsub.f32 v7, v46;
	v61 =	vmul.f32 v61, v61;
	v6 =	vmul.f32 v6, v6  }
0x43: {  	v41 =	vadd.f32 v44, v41;
	v25 =	vmul.f32 v25, v25;
	v44 =	vmul.f32 v60, v60  }
0x44: {  	v17 =	vmul.f32 v17, v17;
	v60 =	vsub.f32 v13, v36;
	v49 =	vmul.f32 v18, v18  }
0x45: {  	v45 =	vmul.f32 v45, v45;
	v38 =	vmul.f32 v38, v38;
	v36 =	vadd.f32 v44, v25  }
0x46: {  	v25 =	vmul.f32 v57, v57;
	v57 =	vadd.f32 v51, v52;
	v47 =	vsub.f32 v10, v40  }
0x47: {  	vm0 =	vlt.f32 v41, v42;
	v18 =	vsub.f32 v10, v16;
	v50 =	vsub.f32 v10, v35  }
0x48: {  	v35 =	vmul.f32 v58, v58;
	v58 =	vsub.f32 v34, v39;
	v40 =	vsub.f32 v14, v40  }
0x49: {  	v41 =	vsel vm0, v41, v42;
	v25 =	vadd.f32 v63, v25;
	v50 =	vmul.f32 v50, v50  }
0x4a: {  	vm2 =	vlt.f32 v57, v42;
	v47 =	vmul.f32 v47, v47;
	v18 =	vmul.f32 v18, v18  }
0x4b: {  	v58 =	vmul.f32 v58, v58;
	v16 =	vadd.f32 v50, v24;
	v50 =	vsub.f32 v23, v39  }
0x4c: {  	v24 =	vmul.f32 v62, v62;
	v62 =	vsub.f32 v10, v39;
	v39 =	vadd.f32 v45, v55  }
0x4d: {  	v40 =	vmul.f32 v40, v40;
	v17 =	vadd.f32 v58, v17;
	v38 =	vadd.f32 v47, v38  }
0x4e: {  	v45 =	vmul.f32 v59, v59;
	v24 =	vadd.f32 v24, v43;
	v43 =	vsub.f32 v13, v46  }
0x4f: {  	v59 =	vmul.f32 v50, v50;
	v50 =	vmul.f32 v60, v60;
	vm3 =	vlt.f32 v17, v41  }
0x50: {  	v60 =	vadd.f32 v40, v49;
	vm1 =	vlt.f32 v38, v42;
	v63 =	vmul.f32 v62, v62  }
0x51: {  	v49 =	vsel vm2, s28, v48;
	v17 =	vsel vm3, v17, v41;
	v40 =	vsel vm1, s28, v48  }
0x52: {  	v47 =	vsel vm1, v38, v42;
	v58 =	vadd.f32 v59, v45;
	v45 =	vsel vm0, s28, v48  }
0x53: {  	v59 =	vmul.f32 v43, v43;
	vm0 =	vlt.f32 v25, v17;
	vm4 =	vlt.f32 v60, v42  }
0x54: {  	v46 =	vadd.f32 v63, v53;
	v25 =	vsel vm0, v25, v17;
	v17 =	vadd.f32 v54, v61  }
0x55: {  	v41 =	vsel vm4, s28, v48;
	v43 =	vsel vm4, v60, v42;
	v44 =	vadd.f32 v6, v59  }
0x56: {  	v6 =	vsel vm2, v57, v42;
	v42 =	vadd.f32 v56, v50;
	vm5 =	vlt.f32 v17, v43  }
0x57: {  	vm1 =	vlt.f32 v46, v47;
	vm7 =	vlt.f32 v58, v6;
	v43 =	vsel vm5, v17, v43  }
0x58: {  	s29 =	simm.s32 $0x1C;
	[tilespmem:$0x1FFD0] =	vst v0;
	s28 =	simm.s32 $0x0;
	vm4 =	vlt.f32 v24, v25;
	v48 =	vsel vm7, v58, v6;
	vm2 =	vlt.f32 v44, v43  }
.LBB2_4:
0x59: {  	s30 =	sadd.s32 $0xFFFFFFF4, s29;
	s0 =	sadd.s32 $0xFFFFFFF8, s29;
	s31 =	sadd.s32 $0xFFFFFFFC, s29;
	v6 =	vmov s29;
	v17 =	vsel vm3, s26, v45;
	v38 =	vsel vm7, s26, v49  }
0x5a: {  	s28 =	sadd.s32 $0x4, s28;
	v40 =	vsel vm1, s26, v40;
	v45 =	vmov s30;
	v49 =	vmov s0  }
0x5b: {  	v46 =	vsel vm1, v46, v47;
	p0 =	slt.u32 s28, $0x3C;
	v50 =	vor.u32 $0x1, v45;
	v51 =	vor.u32 $0x1, v49  }
0x5c: {  	v41 =	vsel vm5, s26, v41;
	v47 =	vmov s31;
	v52 =	vor.u32 $0x1, v6;
	s26 =	smov.u32 s0  }
0x5d: {  	v17 =	vsel vm0, s24, v17;
	vm0 =	vlt.f32 v39, v48;
	v53 =	vor.u32 $0x1, v47  }
0x5e: {  	v18 =	vadd.f32 v18, v35;
	v39 =	vsel vm0, v39, v48;
	v48 =	vsel vm4, s21, v17;
	v6 =	vld.idx.msk [tilespmem:v6+s15+$0x0], $0xffff  }
0x5f: {  	v41 =	vsel vm2, s24, v41;
	v17 =	vsel vm0, s24, v38;
	vm0 =	vlt.f32 v36, v39;
	v35 =	vld.idx.msk [tilespmem:v45+s15+$0x0], $0xffff  }
0x60: {  	v43 =	vsel vm2, v44, v43;
	vm1 =	vlt.f32 v18, v46;
	v38 =	vsel vm0, v36, v39;
	v45 =	vld.idx.msk [tilespmem:v50+s15+$0x0], $0xffff  }
0x61: {  	v18 =	vsel vm1, v18, v46;
	v17 =	vsel vm0, s21, v17;
	vm0 =	vlt.f32 v42, v43;
	v36 =	vld.idx.msk [tilespmem:v51+s15+$0x0], $0xffff  }
0x62: {  	v25 =	vsel vm4, v24, v25;
	vm2 =	vlt.f32 v16, v18;
	v42 =	vsel vm0, v42, v43;
	v39 =	vld.idx.msk [tilespmem:v53+s15+$0x0], $0xffff  }
0x63: {  	v40 =	vsel vm1, s24, v40;
	s24 =	smov.u32 s31;
	v41 =	vsel vm0, s21, v41;
	v43 =	vsel vm2, v16, v18;
	v24 =	vld.idx.msk [tilespmem:v52+s15+$0x0], $0xffff  }
0x64: {  	v40 =	vsel vm2, s21, v40;
	s21 =	smov.u32 s29;
	v44 =	vsub.f32 v20, v6;
	v16 =	vsub.f32 v7, v6  }
0x65: {  	v18 =	vsub.f32 v31, v35;
	v46 =	vld.idx.msk [tilespmem:v49+s15+$0x0], $0xffff;
	v49 =	vsub.f32 v31, v6  }
0x66: {  	v51 =	vsub.f32 v20, v35;
	v50 =	vsub.f32 v34, v45;
	v16 =	vmul.f32 v16, v16;
	v47 =	vld.idx.msk [tilespmem:v47+s15+$0x0], $0xffff  }
0x67: {  	v52 =	vmul.f32 v18, v18;
	v18 =	vsub.f32 v13, v35;
	v49 =	vmul.f32 v49, v49  }
0x68: {  	v53 =	vsub.f32 v7, v35;
	v35 =	vsub.f32 v10, v45;
	v50 =	vmul.f32 v50, v50  }
0x69: {  	v54 =	vmul.f32 v18, v18;
	v18 =	vsub.f32 v10, v39;
	v55 =	vsub.f32 v10, v24  }
0x6a: {  	v56 =	vsub.f32 v23, v45;
	v51 =	vmul.f32 v51, v51;
	v57 =	vsub.f32 v14, v24  }
0x6b: {  	v58 =	vmul.f32 v35, v35;
	v35 =	vsub.f32 v7, v46;
	v18 =	vmul.f32 v18, v18  }
0x6c: {  	v59 =	vsub.f32 v14, v36;
	v57 =	vmul.f32 v57, v57;
	v60 =	vsub.f32 v20, v47  }
0x6d: {  	v63 =	vsub.f32 v23, v39;
	v62 =	vsub.f32 v31, v47;
	v61 =	vmul.f32 v35, v35  }
0x6e: {  	v59 =	vmul.f32 v59, v59;
	v35 =	vsub.f32 v7, v47;
	v60 =	vmul.f32 v60, v60  }
0x6f: {  	v56 =	vmul.f32 v56, v56;
	v0 =	vsub.f32 v23, v24;
	v5 =	vsub.f32 v20, v46  }
0x70: {  	v24 =	vsub.f32 v34, v24;
	v11 =	vsub.f32 v13, v46;
	v35 =	vmul.f32 v35, v35  }
0x71: {  	v8 =	vsub.f32 v34, v36;
	v9 =	vsub.f32 v34, v39;
	v55 =	vmul.f32 v55, v55  }
0x72: {  	v39 =	vsub.f32 v14, v39;
	v46 =	vsub.f32 v31, v46;
	v11 =	vmul.f32 v11, v11  }
0x73: {  	v8 =	vmul.f32 v8, v8;
	v63 =	vmul.f32 v63, v63;
	v16 =	vadd.f32 v55, v16  }
0x74: {  	v19 =	vmul.f32 v39, v39;
	v24 =	vmul.f32 v24, v24;
	v55 =	vsub.f32 v23, v36  }
0x75: {  	v2 =	vsub.f32 v10, v36;
	v5 =	vmul.f32 v5, v5;
	v39 =	vadd.f32 v63, v60  }
0x76: {  	v50 =	vadd.f32 v50, v52;
	v24 =	vadd.f32 v24, v49;
	v36 =	vmul.f32 v44, v44  }
0x77: {  	v0 =	vmul.f32 v0, v0;
	v44 =	vmul.f32 v46, v46;
	v46 =	vsub.f32 v13, v47  }
0x78: {  	v6 =	vsub.f32 v13, v6;
	v47 =	vsub.f32 v14, v45;
	v45 =	vmul.f32 v55, v55  }
0x79: {  	v9 =	vmul.f32 v9, v9;
	v49 =	vmul.f32 v53, v53;
	v36 =	vadd.f32 v0, v36  }
0x7a: {  	vm0 =	vlt.f32 v50, v25;
	v0 =	vadd.f32 v8, v44;
	v5 =	vadd.f32 v45, v5  }
0x7b: {  	v6 =	vmul.f32 v6, v6;
	v8 =	vmul.f32 v62, v62;
	v45 =	vsel vm0, s30, v48  }
0x7c: {  	v25 =	vsel vm0, v50, v25;
	v49 =	vadd.f32 v58, v49;
	v48 =	vadd.f32 v56, v51  }
0x7d: {  	v44 =	vmul.f32 v47, v47;
	vm3 =	vlt.f32 v0, v25;
	v8 =	vadd.f32 v9, v8  }
0x7e: {  	v2 =	vmul.f32 v2, v2;
	v9 =	vmul.f32 v46, v46;
	v0 =	vsel vm3, v0, v25  }
0x7f: {  	v47 =	vadd.f32 v44, v54;
	vm1 =	vlt.f32 v49, v43;
	vm0 =	vlt.f32 v8, v0  }
0x80: {  	v40 =	vsel vm1, s30, v40;
	v44 =	vadd.f32 v19, v9;
	v25 =	vsel vm0, v8, v0  }
0x81: {  	v46 =	vadd.f32 v2, v61;
	vm2 =	vlt.f32 v48, v38;
	vm4 =	vlt.f32 v47, v42  }
.Ltmp0:
0x82: {  	v2 =	vadd.f32 v59, v11;
	v0 =	vsel vm2, v48, v38;
	v41 =	vsel vm4, s30, v41;
	(pc) =	sbr.rel @p0 .LBB2_4-.Ltmp0, $4  }
0x83: {  	v8 =	vsel vm4, v47, v42;
	v47 =	vsel vm1, v49, v43;
	v42 =	vadd.f32 v57, v6  }
0x84: {  	v49 =	vsel vm2, s30, v17;
	vm7 =	vlt.f32 v5, v0;
	vm5 =	vlt.f32 v2, v8  }
0x85: {  	vm1 =	vlt.f32 v46, v47;
	v43 =	vsel vm5, v2, v8  }
0x86: {  	s29 =	sadd.s32 $0x10, s29;
	vm4 =	vlt.f32 v24, v25;
	v48 =	vsel vm7, v5, v0;
	vm2 =	vlt.f32 v44, v43  }
0x87: {  	v51 =	vlaneseq.u32  }
0x88: {  	v0 =	vmov s25;
	v17 =	vmul.u32 $0x10, v51  }
0x89: {  	v0 =	vshll.u32 v0, $0x4  }
0x8a: {  	v38 =	vor.u32 v17, v0;
	_ =	sdelay $0x1  }
0x8b: {  	v0 =	vor.u32 $0x1, v38;
	_ =	sdelay $0x2  }
0x8c: {  	v2 =	vld.idx.msk [tilespmem:v38+s2+$0x0], $0xffff  }
0x8d: {  	v5 =	vor.u32 $0x2, v38  }
0x8e: {  	v50 =	vor.u32 $0x3, v38;
	v0 =	vld.idx.msk [tilespmem:v0+s2+$0x0], $0xffff;
	_ =	sdelay $0x1  }
0x8f: {  	v19 =	vsel vm3, s26, v45;
	v46 =	vsel vm1, v46, v47  }
0x90: {  	vm6 =	vlt.f32 v39, v48;
	v49 =	vsel vm7, s26, v49;
	v2 =	vmax.f32 v2, $9.999999740e-05  }
0x91: {  	v18 =	vadd.f32 v18, v35;
	v44 =	vsel vm2, v44, v43;
	v5 =	vld.idx.msk [tilespmem:v5+s2+$0x0], $0xffff;
	v2 =	vmin.f32 v2, $9.998999830e-01  }
0x92: {  	v39 =	vsel vm6, v39, v48;
	v54 =	vld.idx.msk [tilespmem:v50+s2+$0x0], $0xffff;
	v0 =	vmax.f32 v0, $9.999999740e-05;
	v6 =	vsub.f32 $1.000000000e+00, v2  }
0x93: {  	v19 =	vsel vm0, s24, v19;
	vm0 =	vlt.f32 v42, v44;
	v0 =	vmin.f32 v0, $9.998999830e-01  }
0x94: {  	vm10 =	vlt.f32 v36, v39;
	v9 =	vsub.f32 $1.000000000e+00, v0;
	v8 =	vand.u32 $0x7FFFFF, v6  }
0x95: {  	v36 =	vsel vm10, v36, v39;
	v60 =	vor.u32 $0x4, v38;
	v8 =	vor.u32 $0x3F800000, v8  }
0x96: {  	v5 =	vmax.f32 v5, $9.999999740e-05;
	v62 =	vand.u32 $0x7FFFFF, v9;
	v11 =	vmul.f32 $1.058437750e-01, v8  }
0x97: {  	v58 =	vmax.f32 v54, $9.999999740e-05;
	v5 =	vmin.f32 v5, $9.998999830e-01;
	v45 =	vor.u32 $0x3F800000, v62  }
0x98: {  	v2 =	vmul.f32 v2, v2;
	v63 =	vmul.f32 $1.058437750e-01, v45;
	v11 =	vadd.f32 $-7.117269040e-01, v11  }
0x99: {  	v53 =	vsub.f32 $1.000000000e+00, v5;
	v0 =	vmul.f32 v0, v0;
	v5 =	vmul.f32 v5, v5  }
0x9a: {  	v6 =	vshra.s32 v6, $0x17;
	v52 =	vadd.f32 $-7.117269040e-01, v63;
	v11 =	vmul.f32 v8, v11  }
0x9b: {  	v6 =	vadd.s32 $0xFFFFFF81, v6;
	v56 =	vand.u32 $0x7FFFFF, v53;
	v9 =	vshra.s32 v9, $0x17  }
0x9c: {  	v9 =	vadd.s32 $0xFFFFFF81, v9;
	v35 =	vmul.f32 v45, v52;
	v11 =	vadd.f32 $2.087178470e+00, v11  }
0x9d: {  	v6 =	vcvt.s32.f32 v6;
	v9 =	vcvt.s32.f32 v9;
	v52 =	vshra.s32 v53, $0x17;
	v53 =	vld.idx.msk [tilespmem:v60+s2+$0x0], $0xffff  }
0x9e: {  	v55 =	vadd.f32 $2.087178470e+00, v35;
	v35 =	vor.u32 $0x3F800000, v56;
	v8 =	vmul.f32 v8, v11  }
0x9f: {  	v6 =	vmul.f32 $6.931471820e-01, v6;
	v63 =	vor.u32 $0x5, v38;
	v57 =	vmul.f32 $1.058437750e-01, v35  }
0xa0: {  	v11 =	vmul.f32 v45, v55;
	v45 =	vmin.f32 v58, $9.998999830e-01;
	v8 =	vadd.f32 $-1.480723260e+00, v8  }
0xa1: {  	v9 =	vmul.f32 $6.931471820e-01, v9;
	v43 =	vadd.f32 $-7.117269040e-01, v57;
	v59 =	vsub.f32 $1.000000000e+00, v45  }
0xa2: {  	v56 =	vmax.f32 v53, $9.999999740e-05;
	v48 =	vmul.f32 v45, v45;
	v11 =	vadd.f32 $-1.480723260e+00, v11  }
0xa3: {  	v6 =	vadd.f32 v8, v6;
	v61 =	vmul.f32 v35, v43;
	v62 =	vand.u32 $0x7FFFFF, v59  }
0xa4: {  	v54 =	vld.idx.msk [tilespmem:v63+s2+$0x0], $0xffff;
	v57 =	vshra.s32 v59, $0x17;
	v59 =	vor.u32 $0x6, v38;
	v9 =	vadd.f32 v11, v9  }
0xa5: {  	v11 =	vor.u32 $0x3F800000, v62;
	v8 =	vadd.f32 $2.087178470e+00, v61;
	v2 =	vmul.f32 v6, v2  }
0xa6: {  	v6 =	vmul.f32 $1.058437750e-01, v11;
	v0 =	vmul.f32 v9, v0;
	v9 =	vadd.s32 $0xFFFFFF81, v52  }
0xa7: {  	v52 =	vor.u32 $0x7, v38;
	v8 =	vmul.f32 v35, v8;
	v35 =	vsel vm1, s26, v40  }
0xa8: {  	v6 =	vadd.f32 $-7.117269040e-01, v6;
	vm1 =	vlt.f32 v18, v46;
	v2 =	vadd.f32 $0.0e+00, v2  }
0xa9: {  	v9 =	vcvt.s32.f32 v9;
	v40 =	vmax.f32 v54, $9.999999740e-05;
	v54 =	vor.u32 $0x8, v38  }
0xaa: {  	v18 =	vsel vm1, v18, v46;
	v61 =	vmin.f32 v40, $9.998999830e-01;
	v6 =	vmul.f32 v11, v6  }
0xab: {  	v0 =	vadd.f32 v0, v2;
	v2 =	vadd.f32 $-1.480723260e+00, v8;
	v55 =	vmul.f32 $6.931471820e-01, v9  }
0xac: {  	v9 =	vmin.f32 v56, $9.998999830e-01;
	v8 =	vadd.s32 $0xFFFFFF81, v57;
	v62 =	vsub.f32 $1.000000000e+00, v61  }
0xad: {  	v61 =	vmul.f32 v61, v61;
	v58 =	vsub.f32 $1.000000000e+00, v9;
	v6 =	vadd.f32 $2.087178470e+00, v6  }
0xae: {  	v40 =	vsel vm4, s21, v19;
	v8 =	vcvt.s32.f32 v8;
	v9 =	vmul.f32 v9, v9  }
0xaf: {  	v2 =	vadd.f32 v2, v55;
	v60 =	vand.u32 $0x7FFFFF, v58;
	v6 =	vmul.f32 v11, v6  }
0xb0: {  	v50 =	vld.idx.msk [tilespmem:v59+s2+$0x0], $0xffff;
	v55 =	vshra.s32 v62, $0x17;
	v8 =	vmul.f32 $6.931471820e-01, v8;
	v43 =	vor.u32 $0x3F800000, v60  }
0xb1: {  	v19 =	vld.idx.msk [tilespmem:v52+s2+$0x0], $0xffff;
	v2 =	vmul.f32 v2, v5;
	v5 =	vmul.f32 $1.058437750e-01, v43;
	v6 =	vadd.f32 $-1.480723260e+00, v6  }
0xb2: {  	v63 =	vand.u32 $0x7FFFFF, v62;
	v45 =	vadd.s32 $0xFFFFFF81, v55;
	v11 =	vshra.s32 v58, $0x17  }
0xb3: {  	v5 =	vadd.f32 $-7.117269040e-01, v5;
	v6 =	vadd.f32 v6, v8;
	v8 =	vor.u32 $0x3F800000, v63  }
0xb4: {  	v45 =	vcvt.s32.f32 v45;
	v0 =	vadd.f32 v2, v0;
	v2 =	vmul.f32 $1.058437750e-01, v8  }
0xb5: {  	v53 =	vmax.f32 v50, $9.999999740e-05;
	v60 =	vld.idx.msk [tilespmem:v54+s2+$0x0], $0xffff;
	v5 =	vmul.f32 v43, v5;
	v6 =	vmul.f32 v6, v48  }
0xb6: {  	v58 =	vmul.f32 $6.931471820e-01, v45;
	v19 =	vmax.f32 v19, $9.999999740e-05;
	v2 =	vadd.f32 $-7.117269040e-01, v2  }
0xb7: {  	v5 =	vadd.f32 $2.087178470e+00, v5;
	v0 =	vadd.f32 v6, v0;
	v6 =	vadd.s32 $0xFFFFFF81, v11  }
0xb8: {  	v19 =	vmin.f32 v19, $9.998999830e-01;
	v63 =	vor.u32 $0x9, v38;
	v6 =	vcvt.s32.f32 v6  }
0xb9: {  	v11 =	vmin.f32 v53, $9.998999830e-01;
	v2 =	vmul.f32 v8, v2;
	v5 =	vmul.f32 v43, v5  }
0xba: {  	v56 =	vsub.f32 $1.000000000e+00, v11;
	v43 =	vsel vm4, v24, v25;
	v25 =	vmax.f32 v60, $9.999999740e-05  }
0xbb: {  	v24 =	vsub.f32 $1.000000000e+00, v19;
	v11 =	vmul.f32 v11, v11;
	v46 =	vmin.f32 v25, $9.998999830e-01  }
0xbc: {  	v2 =	vadd.f32 $2.087178470e+00, v2;
	v5 =	vadd.f32 $-1.480723260e+00, v5;
	v6 =	vmul.f32 $6.931471820e-01, v6  }
0xbd: {  	v25 =	vsel vm0, v42, v44;
	v57 =	vand.u32 $0x7FFFFF, v56;
	v55 =	vsub.f32 $1.000000000e+00, v46  }
0xbe: {  	v2 =	vmul.f32 v8, v2;
	v5 =	vadd.f32 v5, v6;
	v6 =	vor.u32 $0x3F800000, v57  }
0xbf: {  	v52 =	vshra.s32 v56, $0x17;
	v56 =	vand.u32 $0x7FFFFF, v55;
	v59 =	vmul.f32 $1.058437750e-01, v6  }
0xc0: {  	v53 =	vand.u32 $0x7FFFFF, v24;
	v42 =	vor.u32 $0x3F800000, v56;
	v2 =	vadd.f32 $-1.480723260e+00, v2  }
0xc1: {  	v5 =	vmul.f32 v5, v9;
	v57 =	vmul.f32 $1.058437750e-01, v42;
	v62 =	vadd.f32 $-7.117269040e-01, v59  }
0xc2: {  	v9 =	vor.u32 $0x3F800000, v53;
	v59 =	vshra.s32 v24, $0x17;
	v2 =	vadd.f32 v2, v58  }
0xc3: {  	v0 =	vadd.f32 v5, v0;
	v24 =	vadd.f32 $-7.117269040e-01, v57;
	v5 =	vmul.f32 v6, v62  }
0xc4: {  	v8 =	vadd.s32 $0xFFFFFF81, v52;
	v54 =	vmul.f32 $1.058437750e-01, v9;
	v2 =	vmul.f32 v2, v61  }
0xc5: {  	v60 =	vmul.f32 v42, v24;
	v24 =	vor.u32 $0xB, v38;
	v5 =	vadd.f32 $2.087178470e+00, v5  }
0xc6: {  	v58 =	vor.u32 $0xA, v38;
	v0 =	vadd.f32 v2, v0;
	v2 =	vadd.f32 $-7.117269040e-01, v54  }
0xc7: {  	v39 =	vsel vm5, s26, v41;
	v8 =	vcvt.s32.f32 v8;
	v5 =	vmul.f32 v6, v5;
	v6 =	vld.idx.msk [tilespmem:v63+s2+$0x0], $0xffff  }
0xc8: {  	v41 =	vsel vm6, s24, v49;
	v19 =	vmul.f32 v19, v19;
	v2 =	vmul.f32 v9, v2  }
0xc9: {  	vm12 =	vle.f32 v43, $2.500000000e+01;
	v8 =	vmul.f32 $6.931471820e-01, v8;
	v5 =	vadd.f32 $-1.480723260e+00, v5  }
0xca: {  	vm13 =	vge.f32 v43, $5.625000000e+01;
	v46 =	vmul.f32 v46, v46;
	v24 =	vld.idx.msk [tilespmem:v24+s2+$0x0], $0xffff;
	v2 =	vadd.f32 $2.087178470e+00, v2  }
0xcb: {  	v49 =	vshra.s32 v55, $0x17;
	v52 =	vor.u32 $0xC, v38;
	v62 =	vld.idx.msk [tilespmem:v58+s2+$0x0], $0xffff;
	v5 =	vadd.f32 v5, v8  }
0xcc: {  	v45 =	vadd.s32 $0xFFFFFF81, v49;
	v6 =	vmax.f32 v6, $9.999999740e-05;
	v2 =	vmul.f32 v9, v2  }
0xcd: {  	v9 =	vadd.f32 $2.087178470e+00, v60;
	v5 =	vmul.f32 v5, v11;
	v6 =	vmin.f32 v6, $9.998999830e-01  }
0xce: {  	v8 =	vadd.s32 $0xFFFFFF81, v59;
	v61 =	vsub.f32 $1.000000000e+00, v6;
	v2 =	vadd.f32 $-1.480723260e+00, v2  }
0xcf: {  	v9 =	vmul.f32 v42, v9;
	v24 =	vmax.f32 v24, $9.999999740e-05;
	v0 =	vadd.f32 v5, v0  }
0xd0: {  	v5 =	vcvt.s32.f32 v8;
	v8 =	vmax.f32 v62, $9.999999740e-05;
	v47 =	vmin.f32 v24, $9.998999830e-01  }
0xd1: {  	v24 =	vld.idx.msk [tilespmem:v52+s2+$0x0], $0xffff;
	v62 =	vor.u32 $0xD, v38;
	v63 =	vand.u32 $0x7FFFFF, v61;
	v9 =	vadd.f32 $-1.480723260e+00, v9  }
0xd2: {  	v8 =	vmin.f32 v8, $9.998999830e-01;
	v5 =	vmul.f32 $6.931471820e-01, v5;
	v44 =	vor.u32 $0x3F800000, v63  }
0xd3: {  	s0 =	sadd.s32 s3, s25;
	v55 =	vshra.s32 v61, $0x17;
	v54 =	vsub.f32 $1.000000000e+00, v8;
	v50 =	vmul.f32 $1.058437750e-01, v44  }
0xd4: {  	v63 =	vor.u32 s0, v51;
	v2 =	vadd.f32 v2, v5;
	v5 =	vcvt.s32.f32 v45  }
0xd5: {  	v8 =	vmul.f32 v8, v8;
	v57 =	vand.u32 $0x7FFFFF, v54;
	v42 =	vadd.f32 $-7.117269040e-01, v50  }
0xd6: {  	v24 =	vmax.f32 v24, $9.999999740e-05;
	v5 =	vmul.f32 $6.931471820e-01, v5;
	v2 =	vmul.f32 v2, v19  }
0xd7: {  	v50 =	vld [tilespmem:$0x1FFF0];
	v19 =	vor.u32 $0x3F800000, v57;
	v45 =	vmin.f32 v24, $9.998999830e-01;
	v53 =	vmul.f32 v44, v42  }
0xd8: {  	v58 =	vmul.f32 $1.058437750e-01, v19;
	v42 =	vshra.s32 v54, $0x17;
	v61 =	vsub.f32 $1.000000000e+00, v45  }
0xd9: {  	v45 =	vmul.f32 v45, v45;
	v5 =	vadd.f32 v9, v5;
	v9 =	vadd.s32 $0xFFFFFF81, v55  }
0xda: {  	v0 =	vadd.f32 v2, v0;
	v42 =	vadd.s32 $0xFFFFFF81, v42;
	v56 =	vadd.f32 $2.087178470e+00, v53  }
0xdb: {  	v9 =	vcvt.s32.f32 v9;
	v2 =	vmul.f32 v5, v46;
	v5 =	vsub.f32 $1.000000000e+00, v47  }
0xdc: {  	vm11 =	vge.u32 v63, v50;
	v63 =	vor.u32 $0xF, v38;
	v11 =	vmul.f32 v44, v56  }
0xdd: {  	v9 =	vmul.f32 $6.931471820e-01, v9;
	v44 =	vadd.f32 $-7.117269040e-01, v58;
	v56 =	vor.u32 $0xE, v38  }
0xde: {  	v0 =	vadd.f32 v2, v0;
	v2 =	vmul.f32 v6, v6;
	v6 =	vand.u32 $0x7FFFFF, v5  }
0xdf: {  	v11 =	vadd.f32 $-1.480723260e+00, v11;
	v59 =	vmul.f32 v19, v44;
	v6 =	vor.u32 $0x3F800000, v6  }
0xe0: {  	v57 =	vadd.s32 $0x3, v40;
	v42 =	vcvt.s32.f32 v42;
	v60 =	vmul.f32 $1.058437750e-01, v6  }
0xe1: {  	v5 =	vshra.s32 v5, $0x17;
	v9 =	vadd.f32 v11, v9;
	v11 =	vadd.f32 $2.087178470e+00, v59  }
0xe2: {  	v42 =	vmul.f32 $6.931471820e-01, v42;
	v5 =	vadd.s32 $0xFFFFFF81, v5;
	v46 =	vld.idx.msk [tilespmem:v63+s2+$0x0], $0xffff;
	v24 =	vadd.f32 $-7.117269040e-01, v60  }
0xe3: {  	v55 =	vld.idx.msk [tilespmem:v62+s2+$0x0], $0xffff;
	v5 =	vcvt.s32.f32 v5;
	v59 =	vshra.s32 v61, $0x17;
	v11 =	vmul.f32 v19, v11  }
0xe4: {  	v60 =	vld.idx.msk [tilespmem:v56+s2+$0x0], $0xffff;
	v2 =	vmul.f32 v9, v2;
	v52 =	vmul.f32 v6, v24;
	v24 =	vand.u32 $0x7FFFFF, v61  }
0xe5: {  	v5 =	vmul.f32 $6.931471820e-01, v5;
	v11 =	vadd.f32 $-1.480723260e+00, v11;
	v53 =	vor.u32 $0x3F800000, v24  }
0xe6: {  	v0 =	vadd.f32 v2, v0;
	v24 =	vadd.s32 $0x2, v1;
	v9 =	vadd.f32 $2.087178470e+00, v52  }
0xe7: {  	v61 =	vld.idx.msk [tilespmem:v57+s15+$0x0], $0xffff;
	v54 =	vmul.f32 $1.058437750e-01, v53;
	v46 =	vmax.f32 v46, $9.999999740e-05;
	v28 =	vadd.s32 v24, v28  }
0xe8: {  	v2 =	vadd.f32 v11, v42;
	v42 =	vor.u32 v24, v37;
	v11 =	vmax.f32 v55, $9.999999740e-05  }
0xe9: {  	v19 =	vmax.f32 v60, $9.999999740e-05;
	v46 =	vmin.f32 v46, $9.998999830e-01;
	v6 =	vmul.f32 v6, v9  }
0xea: {  	v58 =	vadd.f32 $-7.117269040e-01, v54;
	v11 =	vmin.f32 v11, $9.998999830e-01;
	v19 =	vmin.f32 v19, $9.998999830e-01  }
0xeb: {  	v2 =	vmul.f32 v2, v8;
	v8 =	vadd.s32 $0xFFFFFF81, v59;
	v62 =	vsub.f32 $1.000000000e+00, v11  }
0xec: {  	v37 =	vtrunc.f32 v61;
	v9 =	vmul.f32 v53, v58;
	v6 =	vadd.f32 $-1.480723260e+00, v6  }
0xed: {  	v8 =	vcvt.s32.f32 v8;
	v37 =	vcvt.f32.s32 v37;
	v0 =	vadd.f32 v2, v0  }
0xee: {  	v2 =	vmul.f32 v47, v47;
	v47 =	vand.u32 $0x7FFFFF, v62;
	v44 =	vshra.s32 v62, $0x17  }
0xef: {  	v9 =	vadd.f32 $2.087178470e+00, v9;
	v5 =	vadd.f32 v6, v5;
	v44 =	vadd.s32 $0xFFFFFF81, v44  }
0xf0: {  	v8 =	vmul.f32 $6.931471820e-01, v8;
	v37 =	vadd.s32 v37, v38;
	v44 =	vcvt.s32.f32 v44  }
0xf1: {  	v9 =	vmul.f32 v53, v9;
	v2 =	vmul.f32 v5, v2;
	v5 =	vsub.f32 $1.000000000e+00, v19  }
0xf2: {  	v53 =	vsub.f32 $1.000000000e+00, v46;
	v19 =	vmul.f32 v19, v19;
	v54 =	vmul.f32 $6.931471820e-01, v44  }
0xf3: {  	v6 =	vadd.f32 $-1.480723260e+00, v9;
	v9 =	vor.u32 $0x3F800000, v47;
	v49 =	vand.u32 $0x7FFFFF, v5  }
0xf4: {  	v0 =	vadd.f32 v2, v0;
	v55 =	vand.u32 $0x7FFFFF, v53;
	v5 =	vshra.s32 v5, $0x17  }
0xf5: {  	v58 =	vshra.s32 v53, $0x17;
	v48 =	vmul.f32 $1.058437750e-01, v9;
	v38 =	vor.u32 $0x3F800000, v49;
	v37 =	vld.idx.msk [tilespmem:v37+s2+$0x0], $0xffff  }
0xf6: {  	v44 =	vor.u32 $0x3F800000, v55;
	v5 =	vadd.s32 $0xFFFFFF81, v5;
	v6 =	vadd.f32 v6, v8  }
0xf7: {  	v56 =	vmul.f32 $1.058437750e-01, v44;
	v5 =	vcvt.s32.f32 v5;
	v47 =	vadd.f32 $-7.117269040e-01, v48  }
0xf8: {  	v8 =	vadd.s32 $0x2, v40;
	v2 =	vmul.f32 v6, v45;
	v6 =	vmul.f32 $1.058437750e-01, v38  }
0xf9: {  	v57 =	vadd.f32 $-7.117269040e-01, v56;
	v56 =	vadd.s32 $0x1, v40;
	v40 =	vld.idx.msk [tilespmem:v40+s15+$0x0], $0xffff;
	v47 =	vmul.f32 v9, v47  }
0xfa: {  	v6 =	vadd.f32 $-7.117269040e-01, v6;
	v0 =	vadd.f32 v2, v0;
	v37 =	vmax.f32 v37, $9.999999740e-05  }
0xfb: {  	v2 =	vmul.f32 v11, v11;
	v52 =	vadd.f32 $2.087178470e+00, v47;
	v11 =	vmin.f32 v37, $9.998999830e-01  }
0xfc: {  	v6 =	vmul.f32 v38, v6;
	v47 =	vsub.f32 $1.000000000e+00, v11;
	v61 =	vand.u32 $0x7FFFFF, v11  }
0xfd: {  	v5 =	vmul.f32 $6.931471820e-01, v5;
	v9 =	vmul.f32 v9, v52;
	v63 =	vor.u32 $0x3F800000, v61  }
0xfe: {  	v31 =	vsub.f32 v40, v31;
	v6 =	vadd.f32 $2.087178470e+00, v6;
	v59 =	vand.u32 $0x7FFFFF, v47  }
0xff: {  	v37 =	vmul.f32 $1.058437750e-01, v63;
	v9 =	vadd.f32 $-1.480723260e+00, v9;
	v60 =	vor.u32 $0x3F800000, v59  }
0x100: {  	v59 =	vmov s23;
	v6 =	vmul.f32 v38, v6;
	v62 =	vmul.f32 $1.058437750e-01, v60  }
0x101: {  	v53 =	vadd.f32 $-7.117269040e-01, v37;
	v37 =	vsel vm2, s24, v39;
	v38 =	vsel vm10, s21, v41  }
0x102: {  	v41 =	vshll.u32 v59, $0x4;
	vm10 =	vle.f32 v36, $2.500000000e+01;
	v9 =	vadd.f32 v9, v54  }
0x103: {  	v54 =	vmul.f32 v46, v46;
	v6 =	vadd.f32 $-1.480723260e+00, v6;
	v55 =	vmul.f32 v63, v53  }
0x104: {  	v52 =	vadd.f32 $-7.117269040e-01, v62;
	v2 =	vmul.f32 v9, v2;
	v9 =	vmul.f32 v44, v57  }
0x105: {  	v5 =	vadd.f32 v6, v5;
	v6 =	vadd.s32 $0xFFFFFF81, v58;
	v58 =	vshra.s32 v47, $0x17  }
0x106: {  	v43 =	vld.idx.msk [tilespmem:v42+s12+$0x0], $0xffff;
	v9 =	vadd.f32 $2.087178470e+00, v9;
	v6 =	vcvt.s32.f32 v6;
	v0 =	vadd.f32 v2, v0  }
0x107: {  	v61 =	vadd.s32 $0xFFFFFF81, v58;
	v2 =	vmul.f32 v5, v19;
	v5 =	vld.idx.msk [tilespmem:v8+s15+$0x0], $0xffff;
	v8 =	vmul.f32 v60, v52  }
0x108: {  	v39 =	vor.u32 v17, v41;
	v62 =	vcvt.s32.f32 v61;
	v9 =	vmul.f32 v44, v9  }
0x109: {  	v52 =	vor.u32 $0x1, v39;
	v0 =	vadd.f32 v2, v0;
	v2 =	vadd.f32 $2.087178470e+00, v8  }
0x10a: {  	v6 =	vmul.f32 $6.931471820e-01, v6;
	v41 =	vmul.f32 $6.931471820e-01, v62;
	v9 =	vadd.f32 $-1.480723260e+00, v9  }
0x10b: {  	v33 =	vld.idx.msk [tilespmem:v33+s14+$0x0], $0xffff;
	v2 =	vmul.f32 v60, v2;
	v60 =	vshra.s32 v11, $0x17;
	v11 =	vmul.f32 v11, v11  }
0x10c: {  	v6 =	vadd.f32 v9, v6;
	v57 =	vsub.f32 v43, v5;
	v44 =	vadd.s32 $0xFFFFFF81, v60  }
0x10d: {  	v9 =	vadd.f32 $2.087178470e+00, v55;
	v5 =	vsub.f32 v5, v43;
	v44 =	vcvt.s32.f32 v44  }
0x10e: {  	v2 =	vadd.f32 $-1.480723260e+00, v2;
	v11 =	vmul.f32 $5.000000070e-02, v11;
	v6 =	vmul.f32 v6, v54  }
0x10f: {  	v9 =	vmul.f32 v63, v9;
	v8 =	vand.u32 $0x7FFFFFFF, v57;
	v63 =	vmul.f32 v47, v47  }
0x110: {  	v48 =	vld.idx.msk [tilespmem:v32+s14+$0x0], $0xffff;
	v54 =	vsub.f32 v31, v33;
	vm14 =	vle.f32 v8, $1.000000000e+01;
	v44 =	vmul.f32 $6.931471820e-01, v44  }
0x111: {  	v32 =	vld.idx.msk [tilespmem:v52+s2+$0x0], $0xffff;
	vm15 =	vge.f32 v8, $1.500000000e+01;
	v2 =	vadd.f32 v2, v41;
	v9 =	vadd.f32 $-1.480723260e+00, v9  }
0x112: {  	v31 =	vld.idx.msk [tilespmem:v42+s14+$0x0], $0xffff;
	v0 =	vadd.f32 v6, v0;
	vm2 =	vmand vm12, vm14;
	vm3 =	vmor vm13, vm15  }
0x113: {  	v6 =	vld.idx.msk [tilespmem:v56+s15+$0x0], $0xffff;
	v8 =	vmul.f32 $9.499999880e-01, v63;
	v19 =	vand.u32 $0x7FFFFFFF, v54;
	v56 =	vor.u32 $0x2, v39  }
0x114: {  	v63 =	vor.u32 $0x3, v39;
	vm3 =	vmor vm2, vm3;
	vm2 =	vmand vm11, vm2  }
0x115: {  	v41 =	vld.idx.msk [tilespmem:v39+s2+$0x0], $0xffff;
	v2 =	vmul.f32 v2, v11;
	v57 =	vadd.f32 $-5.555555600e-02, v19;
	vm7 =	vle.f32 v19, $1.111111120e-01  }
0x116: {  	v32 =	vmax.f32 v32, $9.999999740e-05;
	v9 =	vadd.f32 v9, v44;
	vm3 =	vmand vm11, vm3  }
0x117: {  	v0 =	vmul.f32 $-5.000000070e-02, v0;
	v44 =	vimm.f32 $0.0e+00;
	v32 =	vmin.f32 v32, $9.998999830e-01  }
0x118: {  	vm11 =	vge.f32 v36, $5.625000000e+01;
	v49 =	vsel vm2, $0x3F800000, v44;
	v5 =	vsub.f32 v5, v31  }
0x119: {  	v60 =	vsub.f32 $1.000000000e+00, v32;
	v8 =	vmul.f32 v9, v8;
	v0 =	vnsel vm3, $0x0, v0  }
0x11a: {  	v53 =	vmax.f32 v41, $9.999999740e-05;
	v6 =	vsub.f32 v6, v34;
	v0 =	vadd.f32 v0, v30  }
0x11b: {  	v5 =	vand.u32 $0x7FFFFFFF, v5;
	v2 =	vsub.f32 v2, v8;
	v8 =	vmin.f32 v53, $9.998999830e-01  }
0x11c: {  	v41 =	vadd.s32 $0x2, v38;
	v9 =	vld.idx.msk [tilespmem:v56+s2+$0x0], $0xffff;
	v5 =	vadd.f32 $-1.000000000e+01, v5;
	v55 =	vsub.f32 $1.000000000e+00, v8  }
0x11d: {  	v6 =	vsub.f32 v6, v48;
	v48 =	vor.u32 $0x4, v39;
	v2 =	vnsel vm2, $0x0, v2  }
0x11e: {  	v5 =	vmul.f32 v5, v3;
	v30 =	vadd.f32 v0, v2;
	v2 =	vand.u32 $0x7FFFFF, v55  }
0x11f: {  	v0 =	vmul.f32 $4.500000000e+00, v19;
	v6 =	vand.u32 $0x7FFFFFFF, v6;
	v2 =	vor.u32 $0x3F800000, v2  }
0x120: {  	v33 =	vshra.s32 v55, $0x17;
	v59 =	vmul.f32 $4.500000000e+00, v6;
	v58 =	vmul.f32 $1.058437750e-01, v2  }
0x121: {  	vm8 =	vle.f32 v6, $1.111111120e-01;
	v33 =	vadd.s32 $0xFFFFFF81, v33;
	v9 =	vmax.f32 v9, $9.999999740e-05  }
0x122: {  	v0 =	vmul.f32 v0, v19;
	v9 =	vmin.f32 v9, $9.998999830e-01;
	v31 =	vadd.f32 $-7.117269040e-01, v58  }
0x123: {  	v19 =	vmul.f32 v59, v6;
	v6 =	vadd.f32 $-5.555555600e-02, v6;
	v62 =	vsub.f32 $1.000000000e+00, v9  }
0x124: {  	v61 =	vand.u32 $0x7FFFFF, v60;
	v33 =	vcvt.s32.f32 v33;
	v31 =	vmul.f32 v2, v31  }
0x125: {  	v0 =	vsel vm7, v0, v57;
	v6 =	vsel vm8, v19, v6;
	v46 =	vand.u32 $0x7FFFFF, v62  }
0x126: {  	v0 =	vadd.f32 v6, v0;
	v6 =	vor.u32 $0x3F800000, v46;
	v31 =	vadd.f32 $2.087178470e+00, v31  }
0x127: {  	v40 =	vor.u32 $0x3F800000, v61;
	v54 =	vld.idx.msk [tilespmem:v48+s2+$0x0], $0xffff;
	v45 =	vmul.f32 $6.931471820e-01, v33;
	v33 =	vmul.f32 $1.058437750e-01, v6  }
0x128: {  	vm9 =	vle.f32 v5, $0.0e+00;
	v2 =	vmul.f32 v2, v31;
	v31 =	vmul.f32 $1.058437750e-01, v40  }
0x129: {  	v8 =	vmul.f32 v8, v8;
	v5 =	vsel vm9, $0x0, v5;
	v0 =	vmul.f32 v0, v49  }
0x12a: {  	v5 =	vmul.f32 v5, v49;
	v33 =	vadd.f32 $-7.117269040e-01, v33;
	v31 =	vadd.f32 $-7.117269040e-01, v31  }
0x12b: {  	v55 =	vshra.s32 v62, $0x17;
	v27 =	vadd.f32 v0, v27;
	v2 =	vadd.f32 $-1.480723260e+00, v2  }
0x12c: {  	v0 =	vmul.f32 v32, v32;
	v32 =	vmax.f32 v54, $9.999999740e-05;
	v47 =	vmul.f32 v40, v31  }
0x12d: {  	v53 =	vmul.f32 v6, v33;
	v2 =	vadd.f32 v2, v45;
	v31 =	vadd.f32 v49, v29;
	v29 =	vld.idx.msk [tilespmem:v63+s2+$0x0], $0xffff  }
0x12e: {  	v32 =	vmin.f32 v32, $9.998999830e-01;
	v49 =	vshra.s32 v60, $0x17;
	v19 =	vadd.f32 $2.087178470e+00, v47  }
0x12f: {  	v61 =	vsub.f32 $1.000000000e+00, v32;
	v2 =	vmul.f32 v2, v8;
	v8 =	vadd.s32 $0xFFFFFF81, v49  }
0x130: {  	v47 =	vor.u32 $0x6, v39;
	v8 =	vcvt.s32.f32 v8;
	v52 =	vmul.f32 v40, v19  }
0x131: {  	v62 =	vmul.f32 v9, v9;
	v45 =	vand.u32 $0x7FFFFF, v61;
	v19 =	vadd.f32 $2.087178470e+00, v53  }
0x132: {  	v29 =	vmax.f32 v29, $9.999999740e-05;
	v8 =	vmul.f32 $6.931471820e-01, v8;
	v11 =	vadd.f32 $-1.480723260e+00, v52  }
0x133: {  	v56 =	vmin.f32 v29, $9.998999830e-01;
	v29 =	vadd.s32 $0xFFFFFF81, v55;
	v6 =	vmul.f32 v6, v19  }
0x134: {  	v57 =	vsub.f32 $1.000000000e+00, v56;
	v58 =	vcvt.s32.f32 v29;
	v29 =	vor.u32 $0x5, v39  }
0x135: {  	v2 =	vadd.f32 $0.0e+00, v2;
	v55 =	vor.u32 $0x7, v39;
	v53 =	vld.idx.msk [tilespmem:v47+s2+$0x0], $0xffff;
	v8 =	vadd.f32 v11, v8  }
0x136: {  	v6 =	vadd.f32 $-1.480723260e+00, v6;
	v59 =	vand.u32 $0x7FFFFF, v57;
	v11 =	vmul.f32 $6.931471820e-01, v58  }
0x137: {  	v40 =	vadd.s32 $0x3, v38;
	v33 =	vor.u32 $0x3F800000, v59;
	v0 =	vmul.f32 v8, v0  }
0x138: {  	v49 =	vmul.f32 v56, v56;
	v60 =	vmul.f32 $1.058437750e-01, v33;
	v6 =	vadd.f32 v6, v11  }
0x139: {  	v59 =	vmul.f32 v32, v32;
	v46 =	vld.idx.msk [tilespmem:v29+s2+$0x0], $0xffff;
	v0 =	vadd.f32 v0, v2;
	v29 =	vadd.f32 v5, v26  }
0x13a: {  	v34 =	vld.idx.msk [tilespmem:v55+s2+$0x0], $0xffff;
	v26 =	vshra.s32 v61, $0x17;
	v19 =	vmax.f32 v53, $9.999999740e-05;
	v63 =	vadd.f32 $-7.117269040e-01, v60  }
0x13b: {  	v2 =	vmul.f32 v6, v62;
	v6 =	vor.u32 $0x3F800000, v45;
	v26 =	vadd.s32 $0xFFFFFF81, v26  }
0x13c: {  	v19 =	vmin.f32 v19, $9.998999830e-01;
	v60 =	vor.u32 $0x8, v39;
	v48 =	vmul.f32 $1.058437750e-01, v6  }
0x13d: {  	v26 =	vcvt.s32.f32 v26;
	v58 =	vsub.f32 $1.000000000e+00, v19;
	v19 =	vmul.f32 v19, v19  }
0x13e: {  	v5 =	vmul.f32 v33, v63;
	v0 =	vadd.f32 v2, v0;
	v2 =	vshra.s32 v57, $0x17  }
0x13f: {  	v2 =	vadd.s32 $0xFFFFFF81, v2;
	v8 =	vadd.f32 $-7.117269040e-01, v48;
	v62 =	vmax.f32 v34, $9.999999740e-05  }
0x140: {  	v43 =	vshra.s32 v58, $0x17;
	v5 =	vadd.f32 $2.087178470e+00, v5;
	v2 =	vcvt.s32.f32 v2  }
0x141: {  	v52 =	vmax.f32 v46, $9.999999740e-05;
	v34 =	vadd.s32 $0xFFFFFF81, v43;
	v46 =	vor.u32 $0x9, v39  }
0x142: {  	v8 =	vmul.f32 v6, v8;
	v11 =	vmin.f32 v52, $9.998999830e-01;
	v34 =	vcvt.s32.f32 v34  }
0x143: {  	v5 =	vmul.f32 v33, v5;
	v54 =	vsub.f32 $1.000000000e+00, v11;
	v33 =	vmin.f32 v62, $9.998999830e-01  }
0x144: {  	v32 =	vld.idx.msk [tilespmem:v60+s2+$0x0], $0xffff;
	v2 =	vmul.f32 $6.931471820e-01, v2;
	v8 =	vadd.f32 $2.087178470e+00, v8;
	v63 =	vsub.f32 $1.000000000e+00, v33  }
0x145: {  	v60 =	vmul.f32 v33, v33;
	v33 =	vld.idx.msk [tilespmem:v28+s12+$0x0], $0xffff;
	v5 =	vadd.f32 $-1.480723260e+00, v5;
	v56 =	vand.u32 $0x7FFFFF, v54  }
0x146: {  	v48 =	vmul.f32 $6.931471820e-01, v34;
	v34 =	vld.idx.msk [tilespmem:v41+s15+$0x0], $0xffff;
	v6 =	vmul.f32 v6, v8;
	v57 =	vor.u32 $0x3F800000, v56  }
0x147: {  	v61 =	vshra.s32 v54, $0x17;
	v2 =	vadd.f32 v5, v2;
	v5 =	vmul.f32 $1.058437750e-01, v57  }
0x148: {  	v26 =	vmul.f32 $6.931471820e-01, v26;
	v9 =	vadd.s32 $0xFFFFFF81, v61;
	v6 =	vadd.f32 $-1.480723260e+00, v6  }
0x149: {  	v54 =	vor.u32 $0xA, v39;
	v9 =	vcvt.s32.f32 v9;
	v5 =	vadd.f32 $-7.117269040e-01, v5  }
0x14a: {  	v2 =	vmul.f32 v2, v49;
	v6 =	vadd.f32 v6, v26;
	v26 =	vand.u32 $0x7FFFFF, v58  }
0x14b: {  	v53 =	vld.idx.msk [tilespmem:v46+s2+$0x0], $0xffff;
	v46 =	vsub.f32 v33, v34;
	v5 =	vmul.f32 v57, v5;
	v26 =	vor.u32 $0x3F800000, v26  }
0x14c: {  	v0 =	vadd.f32 v2, v0;
	v2 =	vmul.f32 v6, v59;
	v6 =	vmul.f32 $1.058437750e-01, v26  }
0x14d: {  	v42 =	vand.u32 $0x7FFFFF, v63;
	v9 =	vmul.f32 $6.931471820e-01, v9;
	v5 =	vadd.f32 $2.087178470e+00, v5  }
0x14e: {  	v56 =	vld.idx.msk [tilespmem:v54+s2+$0x0], $0xffff;
	v54 =	vor.u32 $0xD, v39;
	v36 =	vand.u32 $0x7FFFFFFF, v46;
	v6 =	vadd.f32 $-7.117269040e-01, v6  }
0x14f: {  	v59 =	vor.u32 $0xB, v39;
	vm12 =	vle.f32 v36, $1.000000000e+01;
	v5 =	vmul.f32 v57, v5  }
0x150: {  	vm13 =	vge.f32 v36, $1.500000000e+01;
	v0 =	vadd.f32 v2, v0;
	v6 =	vmul.f32 v26, v6  }
0x151: {  	v2 =	vmul.f32 v11, v11;
	v11 =	vor.u32 $0x3F800000, v42;
	v5 =	vadd.f32 $-1.480723260e+00, v5  }
0x152: {  	vm2 =	vmand vm10, vm12;
	v45 =	vmul.f32 $1.058437750e-01, v11;
	v6 =	vadd.f32 $2.087178470e+00, v6  }
0x153: {  	vm3 =	vmor vm11, vm13;
	vm11 =	vle.f32 v25, $2.500000000e+01;
	v5 =	vadd.f32 v5, v9  }
0x154: {  	v47 =	vadd.f32 $-7.117269040e-01, v45;
	v6 =	vmul.f32 v26, v6;
	v26 =	vmax.f32 v32, $9.999999740e-05  }
0x155: {  	vm13 =	vge.f32 v25, $5.625000000e+01;
	v26 =	vmin.f32 v26, $9.998999830e-01;
	v2 =	vmul.f32 v5, v2  }
0x156: {  	v42 =	vld.idx.msk [tilespmem:v59+s2+$0x0], $0xffff;
	v5 =	vmul.f32 v11, v47;
	v6 =	vadd.f32 $-1.480723260e+00, v6;
	v49 =	vsub.f32 $1.000000000e+00, v26  }
0x157: {  	v59 =	vor.u32 $0xE, v39;
	v43 =	vmul.f32 v26, v26;
	v26 =	vor.u32 $0xC, v39  }
0x158: {  	v5 =	vadd.f32 $2.087178470e+00, v5;
	v6 =	vadd.f32 v6, v48;
	v52 =	vand.u32 $0x7FFFFF, v49  }
0x159: {  	v0 =	vadd.f32 v2, v0;
	v2 =	vshra.s32 v63, $0x17;
	v9 =	vor.u32 $0x3F800000, v52  }
0x15a: {  	v2 =	vadd.s32 $0xFFFFFF81, v2;
	v55 =	vmul.f32 $1.058437750e-01, v9;
	v6 =	vmul.f32 v6, v19  }
0x15b: {  	v42 =	vmax.f32 v42, $9.999999740e-05;
	v5 =	vmul.f32 v11, v5;
	v2 =	vcvt.s32.f32 v2  }
0x15c: {  	v8 =	vadd.f32 $-7.117269040e-01, v55;
	v0 =	vadd.f32 v6, v0;
	v6 =	vmax.f32 v53, $9.999999740e-05  }
0x15d: {  	v5 =	vadd.f32 $-1.480723260e+00, v5;
	v2 =	vmul.f32 $6.931471820e-01, v2;
	v6 =	vmin.f32 v6, $9.998999830e-01  }
0x15e: {  	v42 =	vmin.f32 v42, $9.998999830e-01;
	v8 =	vmul.f32 v9, v8;
	v58 =	vsub.f32 $1.000000000e+00, v6  }
0x15f: {  	v57 =	vshra.s32 v49, $0x17;
	v11 =	vmax.f32 v56, $9.999999740e-05;
	v2 =	vadd.f32 v5, v2  }
0x160: {  	v19 =	vadd.s32 $0xFFFFFF81, v57;
	v8 =	vadd.f32 $2.087178470e+00, v8;
	v61 =	vand.u32 $0x7FFFFF, v58  }
0x161: {  	v5 =	vcvt.s32.f32 v19;
	v2 =	vmul.f32 v2, v60;
	v62 =	vor.u32 $0x3F800000, v61  }
0x162: {  	v11 =	vmin.f32 v11, $9.998999830e-01;
	v8 =	vmul.f32 v9, v8;
	v19 =	vmul.f32 $1.058437750e-01, v62  }
0x163: {  	v63 =	vsub.f32 $1.000000000e+00, v11;
	v5 =	vmul.f32 $6.931471820e-01, v5;
	v0 =	vadd.f32 v2, v0  }
0x164: {  	v32 =	vshra.s32 v58, $0x17;
	v8 =	vadd.f32 $-1.480723260e+00, v8;
	v2 =	vadd.f32 $-7.117269040e-01, v19  }
0x165: {  	v48 =	vsub.f32 $1.000000000e+00, v42;
	v45 =	vand.u32 $0x7FFFFF, v63;
	v32 =	vadd.s32 $0xFFFFFF81, v32  }
0x166: {  	v5 =	vadd.f32 v8, v5;
	v2 =	vmul.f32 v62, v2;
	v8 =	vor.u32 $0x3F800000, v45  }
0x167: {  	v32 =	vcvt.s32.f32 v32;
	v9 =	vshra.s32 v48, $0x17;
	v47 =	vmul.f32 $1.058437750e-01, v8  }
0x168: {  	v52 =	vand.u32 $0x7FFFFF, v48;
	v9 =	vadd.s32 $0xFFFFFF81, v9;
	v2 =	vadd.f32 $2.087178470e+00, v2  }
0x169: {  	v49 =	vld.idx.msk [tilespmem:v26+s2+$0x0], $0xffff;
	v26 =	vmul.f32 $6.931471820e-01, v32;
	v5 =	vmul.f32 v5, v43;
	v19 =	vadd.f32 $-7.117269040e-01, v47  }
0x16a: {  	v32 =	vor.u32 $0x3F800000, v52;
	v9 =	vcvt.s32.f32 v9;
	v2 =	vmul.f32 v62, v2  }
0x16b: {  	v53 =	vmul.f32 $1.058437750e-01, v32;
	v0 =	vadd.f32 v5, v0;
	v5 =	vmul.f32 v8, v19  }
0x16c: {  	v6 =	vmul.f32 v6, v6;
	v9 =	vmul.f32 $6.931471820e-01, v9;
	v2 =	vadd.f32 $-1.480723260e+00, v2  }
0x16d: {  	v41 =	vadd.f32 $-7.117269040e-01, v53;
	v47 =	vor.u32 $0xF, v39;
	v5 =	vadd.f32 $2.087178470e+00, v5  }
0x16e: {  	v19 =	vmax.f32 v49, $9.999999740e-05;
	v2 =	vadd.f32 v2, v26;
	v26 =	vshra.s32 v63, $0x17  }
0x16f: {  	v63 =	vmul.f32 v42, v42;
	v26 =	vadd.s32 $0xFFFFFF81, v26;
	v5 =	vmul.f32 v8, v5  }
0x170: {  	v26 =	vcvt.s32.f32 v26;
	v2 =	vmul.f32 v2, v6;
	v6 =	vmin.f32 v19, $9.998999830e-01  }
0x171: {  	v61 =	vld.idx.msk [tilespmem:v40+s15+$0x0], $0xffff;
	v42 =	vadd.s32 $0x1, v38;
	v56 =	vsub.f32 $1.000000000e+00, v6;
	v6 =	vmul.f32 v6, v6  }
0x172: {  	v8 =	vld.idx.msk [tilespmem:v54+s2+$0x0], $0xffff;
	v5 =	vadd.f32 $-1.480723260e+00, v5;
	v55 =	vmul.f32 $6.931471820e-01, v26;
	v26 =	vmul.f32 v32, v41  }
0x173: {  	v0 =	vadd.f32 v2, v0;
	v2 =	vmul.f32 v11, v11;
	v58 =	vand.u32 $0x7FFFFF, v56  }
0x174: {  	v41 =	vld.idx.msk [tilespmem:v47+s2+$0x0], $0xffff;
	v46 =	vshra.s32 v56, $0x17;
	v5 =	vadd.f32 v5, v55;
	v57 =	vadd.f32 $2.087178470e+00, v26  }
0x175: {  	v19 =	vor.u32 $0x3F800000, v58;
	v26 =	vsel vm1, s24, v35;
	v48 =	vadd.s32 $0xFFFFFF81, v46  }
0x176: {  	v62 =	vld.idx.msk [tilespmem:v59+s2+$0x0], $0xffff;
	vm1 =	vlt.f32 v16, v18;
	v60 =	vmul.f32 $1.058437750e-01, v19;
	v35 =	vcvt.s32.f32 v48  }
0x177: {  	v8 =	vmax.f32 v8, $9.999999740e-05;
	v11 =	vmul.f32 v32, v57;
	v32 =	vtrunc.f32 v61  }
0x178: {  	v2 =	vmul.f32 v5, v2;
	v5 =	vadd.f32 $-7.117269040e-01, v60;
	v32 =	vcvt.f32.s32 v32  }
0x179: {  	v35 =	vmul.f32 $6.931471820e-01, v35;
	v57 =	vmax.f32 v41, $9.999999740e-05;
	v11 =	vadd.f32 $-1.480723260e+00, v11  }
0x17a: {  	v0 =	vadd.f32 v2, v0;
	v2 =	vmul.f32 v19, v5;
	v5 =	vmin.f32 v8, $9.998999830e-01  }
0x17b: {  	v8 =	vmax.f32 v62, $9.999999740e-05;
	v32 =	vadd.s32 v32, v39;
	v45 =	vsub.f32 $1.000000000e+00, v5  }
0x17c: {  	v38 =	vld.idx.msk [tilespmem:v38+s15+$0x0], $0xffff;
	v9 =	vadd.f32 v11, v9;
	v8 =	vmin.f32 v8, $9.998999830e-01;
	v2 =	vadd.f32 $2.087178470e+00, v2  }
0x17d: {  	v5 =	vmul.f32 v5, v5;
	v53 =	vsub.f32 $1.000000000e+00, v8;
	v49 =	vand.u32 $0x7FFFFF, v45  }
0x17e: {  	v8 =	vmul.f32 v8, v8;
	v2 =	vmul.f32 v19, v2;
	v52 =	vor.u32 $0x3F800000, v49  }
0x17f: {  	v55 =	vand.u32 $0x7FFFFF, v53;
	v61 =	vshra.s32 v53, $0x17;
	v40 =	vmul.f32 $1.058437750e-01, v52  }
0x180: {  	v56 =	vor.u32 $0x3F800000, v55;
	v32 =	vld.idx.msk [tilespmem:v32+s2+$0x0], $0xffff;
	v19 =	vadd.s32 $0xFFFFFF81, v61;
	v2 =	vadd.f32 $-1.480723260e+00, v2  }
0x181: {  	v41 =	vsub.f32 v38, v20;
	v61 =	vld.idx.msk [tilespmem:v42+s15+$0x0], $0xffff;
	v36 =	vmul.f32 $1.058437750e-01, v56;
	v19 =	vcvt.s32.f32 v19  }
0x182: {  	v9 =	vmul.f32 v9, v63;
	v40 =	vadd.f32 $-7.117269040e-01, v40;
	v2 =	vadd.f32 v2, v35  }
0x183: {  	v11 =	vshra.s32 v45, $0x17;
	v58 =	vadd.f32 $-7.117269040e-01, v36;
	v19 =	vmul.f32 $6.931471820e-01, v19  }
0x184: {  	v0 =	vadd.f32 v9, v0;
	v54 =	vmul.f32 v52, v40;
	v2 =	vmul.f32 v2, v6  }
0x185: {  	v6 =	vadd.s32 $0xFFFFFF81, v11;
	v11 =	vmin.f32 v57, $9.998999830e-01;
	v60 =	vmul.f32 v56, v58  }
0x186: {  	v32 =	vmax.f32 v32, $9.999999740e-05;
	v42 =	vsub.f32 v61, v23;
	v23 =	vsel vm0, s21, v37  }
0x187: {  	v9 =	vadd.f32 $2.087178470e+00, v54;
	v6 =	vcvt.s32.f32 v6;
	v59 =	vsub.f32 $1.000000000e+00, v11  }
0x188: {  	v32 =	vmin.f32 v32, $9.998999830e-01;
	v55 =	vmul.f32 v11, v11;
	v0 =	vadd.f32 v2, v0  }
0x189: {  	v45 =	vsub.f32 $1.000000000e+00, v32;
	v49 =	vand.u32 $0x7FFFFF, v32;
	v57 =	vmul.f32 v32, v32  }
0x18a: {  	v32 =	vshra.s32 v32, $0x17;
	v9 =	vmul.f32 v52, v9;
	v6 =	vmul.f32 $6.931471820e-01, v6  }
0x18b: {  	s29 =	sadd.s32 s3, s23;
	v62 =	vand.u32 $0x7FFFFF, v59;
	v47 =	vshra.s32 v59, $0x17;
	v40 =	vor.u32 $0x3F800000, v49  }
0x18c: {  	v52 =	vor.u32 s29, v51;
	v32 =	vadd.s32 $0xFFFFFF81, v32;
	v39 =	vor.u32 $0x3F800000, v62  }
0x18d: {  	v46 =	vand.u32 $0x7FFFFF, v45;
	v53 =	vmul.f32 $1.058437750e-01, v40;
	vm14 =	vge.u32 v52, v50  }
0x18e: {  	v58 =	vshra.s32 v45, $0x17;
	v2 =	vadd.f32 $-1.480723260e+00, v9;
	v63 =	vmul.f32 $1.058437750e-01, v39  }
0x18f: {  	v32 =	vcvt.s32.f32 v32;
	v35 =	vmul.f32 v45, v45;
	v9 =	vadd.f32 $2.087178470e+00, v60  }
0x190: {  	v59 =	vadd.s32 $0xFFFFFF81, v58;
	v2 =	vadd.f32 v2, v6;
	v6 =	vadd.f32 $-7.117269040e-01, v63  }
0x191: {  	v60 =	vmov s22;
	vm15 =	vmand vm14, vm2;
	v9 =	vmul.f32 v56, v9  }
0x192: {  	v2 =	vmul.f32 v2, v5;
	v5 =	vmul.f32 v39, v6;
	v6 =	vor.u32 $0x3F800000, v46  }
0x193: {  	vm2 =	vmor vm2, vm3;
	v9 =	vadd.f32 $-1.480723260e+00, v9;
	v48 =	vmul.f32 $1.058437750e-01, v6  }
0x194: {  	v62 =	vmul.f32 $6.931471820e-01, v32;
	v35 =	vmul.f32 $9.499999880e-01, v35;
	v5 =	vadd.f32 $2.087178470e+00, v5  }
0x195: {  	v9 =	vadd.f32 v9, v19;
	v19 =	vadd.s32 $0xFFFFFF81, v47;
	v36 =	vadd.f32 $-7.117269040e-01, v48  }
0x196: {  	v19 =	vcvt.s32.f32 v19;
	v5 =	vmul.f32 v39, v5;
	v39 =	vadd.f32 $-7.117269040e-01, v53  }
0x197: {  	v0 =	vadd.f32 v2, v0;
	v2 =	vmul.f32 v9, v8;
	v36 =	vmul.f32 v6, v36  }
0x198: {  	vm2 =	vmand vm14, vm2;
	v8 =	vcvt.s32.f32 v59;
	v56 =	vmul.f32 v40, v39  }
0x199: {  	v19 =	vmul.f32 $6.931471820e-01, v19;
	v5 =	vadd.f32 $-1.480723260e+00, v5;
	v54 =	vadd.f32 $2.087178470e+00, v36  }
0x19a: {  	v8 =	vmul.f32 $6.931471820e-01, v8;
	v36 =	vshll.u32 v60, $0x4;
	v11 =	vadd.f32 $2.087178470e+00, v56  }
0x19b: {  	v5 =	vadd.f32 v5, v19;
	v32 =	vor.u32 v17, v36;
	v36 =	vld.idx.msk [tilespmem:v22+s14+$0x0], $0xffff;
	v6 =	vmul.f32 v6, v54  }
0x19c: {  	v0 =	vadd.f32 v2, v0;
	v47 =	vor.u32 $0x1, v32;
	v11 =	vmul.f32 v40, v11  }
0x19d: {  	v53 =	vor.u32 $0x2, v32;
	v2 =	vmul.f32 v5, v55;
	v40 =	vld.idx.msk [tilespmem:v28+s14+$0x0], $0xffff;
	v6 =	vadd.f32 $-1.480723260e+00, v6  }
0x19e: {  	v46 =	vsub.f32 v34, v33;
	v60 =	vor.u32 $0x3, v32;
	v11 =	vadd.f32 $-1.480723260e+00, v11  }
0x19f: {  	v63 =	vld.idx.msk [tilespmem:v21+s14+$0x0], $0xffff;
	v0 =	vadd.f32 v2, v0;
	v2 =	vsel vm15, $0x3F800000, v44;
	v6 =	vadd.f32 v6, v8  }
0x1a0: {  	v5 =	vmul.f32 $5.000000070e-02, v57;
	v43 =	vld.idx.msk [tilespmem:v32+s2+$0x0], $0xffff;
	v20 =	vadd.f32 v2, v31;
	v45 =	vsub.f32 v42, v36  }
0x1a1: {  	v36 =	vor.u32 $0x4, v32;
	v11 =	vadd.f32 v11, v62;
	v0 =	vmul.f32 $-5.000000070e-02, v0;
	v19 =	vld.idx.msk [tilespmem:v47+s2+$0x0], $0xffff  }
0x1a2: {  	v58 =	vld.idx.msk [tilespmem:v53+s2+$0x0], $0xffff;
	v5 =	vmul.f32 v6, v5;
	v9 =	vand.u32 $0x7FFFFFFF, v45;
	v8 =	vsub.f32 v46, v40  }
0x1a3: {  	v34 =	vld.idx.msk [tilespmem:v60+s2+$0x0], $0xffff;
	v6 =	vmul.f32 v11, v35;
	v0 =	vnsel vm2, $0x0, v0;
	v52 =	vmul.f32 $4.500000000e+00, v9  }
0x1a4: {  	v28 =	vadd.f32 $-5.555555600e-02, v9;
	vm8 =	vle.f32 v9, $1.111111120e-01;
	v0 =	vadd.f32 v0, v30  }
0x1a5: {  	v8 =	vand.u32 $0x7FFFFFFF, v8;
	v5 =	vsub.f32 v5, v6;
	v6 =	vsub.f32 v41, v63  }
0x1a6: {  	v49 =	vmax.f32 v43, $9.999999740e-05;
	v22 =	vmul.f32 v52, v9;
	v8 =	vadd.f32 $-1.000000000e+01, v8  }
0x1a7: {  	v43 =	vor.u32 $0x5, v32;
	v11 =	vmin.f32 v49, $9.998999830e-01;
	v57 =	vmax.f32 v19, $9.999999740e-05  }
0x1a8: {  	v61 =	vmax.f32 v58, $9.999999740e-05;
	v34 =	vmax.f32 v34, $9.999999740e-05;
	v6 =	vand.u32 $0x7FFFFFFF, v6  }
0x1a9: {  	v30 =	vsub.f32 $1.000000000e+00, v11;
	v8 =	vmul.f32 v8, v3;
	v55 =	vsel vm8, v22, v28  }
0x1aa: {  	v5 =	vnsel vm15, $0x0, v5;
	v9 =	vmin.f32 v61, $9.998999830e-01;
	v11 =	vmul.f32 v11, v11  }
0x1ab: {  	v34 =	vmin.f32 v34, $9.998999830e-01;
	v48 =	vmul.f32 $4.500000000e+00, v6;
	vm7 =	vle.f32 v6, $1.111111120e-01  }
0x1ac: {  	v36 =	vld.idx.msk [tilespmem:v36+s2+$0x0], $0xffff;
	v22 =	vadd.f32 v0, v5;
	v62 =	vsub.f32 $1.000000000e+00, v9;
	v9 =	vmul.f32 v9, v9  }
0x1ad: {  	v56 =	vld [tilespmem:$0x1FFC0];
	v31 =	vand.u32 $0x7FFFFF, v30;
	v21 =	vmul.f32 v48, v6;
	v6 =	vadd.f32 $-5.555555600e-02, v6  }
0x1ae: {  	vm9 =	vle.f32 v8, $0.0e+00;
	v30 =	vshra.s32 v30, $0x17;
	v54 =	vor.u32 $0x3F800000, v31  }
0x1af: {  	v0 =	vsel vm9, $0x0, v8;
	v28 =	vmul.f32 $1.058437750e-01, v54;
	v6 =	vsel vm7, v21, v6  }
0x1b0: {  	v31 =	vadd.s32 $0x2, v23;
	v8 =	vmin.f32 v57, $9.998999830e-01;
	v6 =	vadd.f32 v55, v6  }
0x1b1: {  	v35 =	vshra.s32 v62, $0x17;
	v49 =	vmax.f32 v36, $9.999999740e-05;
	v5 =	vadd.f32 $-7.117269040e-01, v28  }
0x1b2: {  	v52 =	vld.idx.msk [tilespmem:v43+s2+$0x0], $0xffff;
	v43 =	vor.u32 $0xA, v32;
	v28 =	vadd.s32 v24, v56;
	v6 =	vmul.f32 v6, v2  }
0x1b3: {  	v59 =	vsub.f32 $1.000000000e+00, v8;
	v0 =	vmul.f32 v0, v2;
	v5 =	vmul.f32 v54, v5  }
0x1b4: {  	v8 =	vmul.f32 v8, v8;
	v19 =	vadd.f32 v6, v27;
	v6 =	vadd.s32 $0xFFFFFF81, v30  }
0x1b5: {  	v5 =	vadd.f32 $2.087178470e+00, v5;
	v2 =	vcvt.s32.f32 v6;
	v6 =	vand.u32 $0x7FFFFF, v59  }
0x1b6: {  	v21 =	vadd.f32 v0, v29;
	v29 =	vld.idx.msk [tilespmem:v31+s15+$0x0], $0xffff;
	v31 =	vadd.s32 $0x3, v23;
	v6 =	vor.u32 $0x3F800000, v6  }
0x1b7: {  	v33 =	vshra.s32 v59, $0x17;
	v27 =	vld.idx.msk [tilespmem:v28+s12+$0x0], $0xffff;
	v5 =	vmul.f32 v54, v5;
	v0 =	vmul.f32 $1.058437750e-01, v6  }
0x1b8: {  	v46 =	vadd.s32 $0xFFFFFF81, v35;
	v33 =	vadd.s32 $0xFFFFFF81, v33;
	v35 =	vmax.f32 v52, $9.999999740e-05  }
0x1b9: {  	v2 =	vmul.f32 $6.931471820e-01, v2;
	v5 =	vadd.f32 $-1.480723260e+00, v5;
	v0 =	vadd.f32 $-7.117269040e-01, v0  }
0x1ba: {  	v55 =	vor.u32 $0x6, v32;
	v33 =	vcvt.s32.f32 v33;
	v35 =	vmin.f32 v35, $9.998999830e-01  }
0x1bb: {  	v31 =	vld.idx.msk [tilespmem:v31+s15+$0x0], $0xffff;
	v2 =	vadd.f32 v5, v2;
	v5 =	vand.u32 $0x7FFFFF, v62;
	v0 =	vmul.f32 v6, v0  }
0x1bc: {  	v30 =	vadd.s32 $0x1, v23;
	v63 =	vsub.f32 v27, v29;
	v5 =	vor.u32 $0x3F800000, v5  }
0x1bd: {  	v33 =	vmul.f32 $6.931471820e-01, v33;
	v42 =	vmul.f32 $1.058437750e-01, v5;
	v0 =	vadd.f32 $2.087178470e+00, v0  }
0x1be: {  	v59 =	vor.u32 $0x7, v32;
	v2 =	vmul.f32 v2, v11;
	v37 =	vand.u32 $0x7FFFFFFF, v63  }
0x1bf: {  	v11 =	vadd.f32 $-7.117269040e-01, v42;
	v0 =	vmul.f32 v6, v0;
	v6 =	vsub.f32 $1.000000000e+00, v34  }
0x1c0: {  	v31 =	vtrunc.f32 v31;
	vm12 =	vle.f32 v37, $1.000000000e+01;
	vm14 =	vge.f32 v37, $1.500000000e+01  }
0x1c1: {  	v31 =	vcvt.f32.s32 v31;
	v11 =	vmul.f32 v5, v11;
	v45 =	vand.u32 $0x7FFFFF, v6  }
0x1c2: {  	v2 =	vadd.f32 $0.0e+00, v2;
	v0 =	vadd.f32 $-1.480723260e+00, v0;
	v39 =	vor.u32 $0x3F800000, v45  }
0x1c3: {  	vm2 =	vmand vm11, vm12;
	v11 =	vadd.f32 $2.087178470e+00, v11;
	v47 =	vmul.f32 $1.058437750e-01, v39  }
0x1c4: {  	vm4 =	vmor vm13, vm14;
	v0 =	vadd.f32 v0, v33;
	v33 =	vcvt.s32.f32 v46  }
0x1c5: {  	v5 =	vmul.f32 v5, v11;
	v11 =	vmin.f32 v49, $9.998999830e-01;
	v48 =	vadd.f32 $-7.117269040e-01, v47  }
0x1c6: {  	v6 =	vshra.s32 v6, $0x17;
	v0 =	vmul.f32 v0, v8;
	v53 =	vsub.f32 $1.000000000e+00, v11  }
0x1c7: {  	v33 =	vmul.f32 $6.931471820e-01, v33;
	v5 =	vadd.f32 $-1.480723260e+00, v5;
	v8 =	vmul.f32 v39, v48  }
0x1c8: {  	v34 =	vmul.f32 v34, v34;
	v6 =	vadd.s32 $0xFFFFFF81, v6;
	v54 =	vand.u32 $0x7FFFFF, v53  }
0x1c9: {  	v5 =	vadd.f32 v5, v33;
	v33 =	vor.u32 $0x3F800000, v54;
	v8 =	vadd.f32 $2.087178470e+00, v8  }
0x1ca: {  	v6 =	vcvt.s32.f32 v6;
	v0 =	vadd.f32 v0, v2;
	v56 =	vmul.f32 $1.058437750e-01, v33  }
0x1cb: {  	v38 =	vld.idx.msk [tilespmem:v55+s2+$0x0], $0xffff;
	v2 =	vmul.f32 v5, v9;
	v5 =	vsub.f32 $1.000000000e+00, v35;
	v8 =	vmul.f32 v39, v8  }
0x1cc: {  	v31 =	vadd.s32 v31, v32;
	v6 =	vmul.f32 $6.931471820e-01, v6;
	v45 =	vshra.s32 v53, $0x17  }
0x1cd: {  	v57 =	vadd.f32 $-7.117269040e-01, v56;
	v58 =	vand.u32 $0x7FFFFF, v5;
	v8 =	vadd.f32 $-1.480723260e+00, v8  }
0x1ce: {  	v63 =	vmul.f32 v11, v11;
	v11 =	vadd.s32 $0xFFFFFF81, v45;
	v61 =	vor.u32 $0x3F800000, v58  }
0x1cf: {  	v48 =	vld.idx.msk [tilespmem:v59+s2+$0x0], $0xffff;
	v60 =	vmul.f32 v33, v57;
	v62 =	vmul.f32 $1.058437750e-01, v61;
	v6 =	vadd.f32 v8, v6  }
0x1d0: {  	v47 =	vmax.f32 v38, $9.999999740e-05;
	v11 =	vcvt.s32.f32 v11;
	v0 =	vadd.f32 v2, v0  }
0x1d1: {  	s30 =	sadd.s32 s3, s22;
	v46 =	vadd.f32 $-7.117269040e-01, v62;
	v2 =	vmul.f32 v6, v34;
	v6 =	vadd.f32 $2.087178470e+00, v60  }
0x1d2: {  	v53 =	vor.u32 $0x8, v32;
	v39 =	vor.u32 s30, v51;
	v11 =	vmul.f32 $6.931471820e-01, v11  }
0x1d3: {  	v34 =	vmul.f32 v61, v46;
	v6 =	vmul.f32 v33, v6;
	v33 =	vmin.f32 v47, $9.998999830e-01  }
0x1d4: {  	v5 =	vshra.s32 v5, $0x17;
	v36 =	vmax.f32 v48, $9.999999740e-05;
	v49 =	vsub.f32 $1.000000000e+00, v33  }
0x1d5: {  	vm10 =	vge.u32 v39, v50;
	v5 =	vadd.s32 $0xFFFFFF81, v5;
	v34 =	vadd.f32 $2.087178470e+00, v34  }
0x1d6: {  	v36 =	vmin.f32 v36, $9.998999830e-01;
	v6 =	vadd.f32 $-1.480723260e+00, v6;
	v52 =	vand.u32 $0x7FFFFF, v49  }
0x1d7: {  	v5 =	vcvt.s32.f32 v5;
	v9 =	vmul.f32 v61, v34;
	v54 =	vor.u32 $0x3F800000, v52  }
0x1d8: {  	v57 =	vmul.f32 v35, v35;
	v6 =	vadd.f32 v6, v11;
	v55 =	vmul.f32 $1.058437750e-01, v54  }
0x1d9: {  	v56 =	vsub.f32 $1.000000000e+00, v36;
	v5 =	vmul.f32 $6.931471820e-01, v5;
	v9 =	vadd.f32 $-1.480723260e+00, v9  }
0x1da: {  	v0 =	vadd.f32 v2, v0;
	v2 =	vmul.f32 v6, v63;
	v6 =	vadd.f32 $-7.117269040e-01, v55  }
0x1db: {  	v59 =	vld.idx.msk [tilespmem:v53+s2+$0x0], $0xffff;
	vm15 =	vmand vm10, vm2;
	v58 =	vand.u32 $0x7FFFFF, v56;
	v5 =	vadd.f32 v9, v5  }
0x1dc: {  	v0 =	vadd.f32 v2, v0;
	v2 =	vmul.f32 v54, v6;
	v6 =	vor.u32 $0x3F800000, v58  }
0x1dd: {  	v61 =	vor.u32 $0x9, v32;
	v5 =	vmul.f32 v5, v57;
	v60 =	vmul.f32 $1.058437750e-01, v6  }
0x1de: {  	vm2 =	vmor vm2, vm4;
	v36 =	vmul.f32 v36, v36;
	v42 =	vshra.s32 v56, $0x17  }
0x1df: {  	v62 =	vshra.s32 v49, $0x17;
	v0 =	vadd.f32 v5, v0;
	v5 =	vadd.f32 $-7.117269040e-01, v60  }
0x1e0: {  	v35 =	vadd.s32 $0xFFFFFF81, v42;
	v11 =	vmax.f32 v59, $9.999999740e-05;
	v8 =	vadd.s32 $0xFFFFFF81, v62  }
0x1e1: {  	v11 =	vmin.f32 v11, $9.998999830e-01;
	v2 =	vadd.f32 $2.087178470e+00, v2;
	v5 =	vmul.f32 v6, v5  }
0x1e2: {  	v35 =	vcvt.s32.f32 v35;
	v8 =	vcvt.s32.f32 v8;
	v63 =	vsub.f32 $1.000000000e+00, v11;
	v9 =	vld.idx.msk [tilespmem:v61+s2+$0x0], $0xffff  }
0x1e3: {  	v33 =	vmul.f32 v33, v33;
	v2 =	vmul.f32 v54, v2;
	v5 =	vadd.f32 $2.087178470e+00, v5  }
0x1e4: {  	v49 =	vor.u32 $0xB, v32;
	v8 =	vmul.f32 $6.931471820e-01, v8;
	v45 =	vand.u32 $0x7FFFFF, v63  }
0x1e5: {  	v2 =	vadd.f32 $-1.480723260e+00, v2;
	v5 =	vmul.f32 v6, v5;
	v6 =	vor.u32 $0x3F800000, v45  }
0x1e6: {  	vm0 =	vmand vm10, vm2;
	v35 =	vmul.f32 $6.931471820e-01, v35;
	v46 =	vmul.f32 $1.058437750e-01, v6  }
0x1e7: {  	v9 =	vmax.f32 v9, $9.999999740e-05;
	v2 =	vadd.f32 v2, v8;
	v5 =	vadd.f32 $-1.480723260e+00, v5  }
0x1e8: {  	v47 =	vld.idx.msk [tilespmem:v43+s2+$0x0], $0xffff;
	v34 =	vshra.s32 v63, $0x17;
	v9 =	vmin.f32 v9, $9.998999830e-01;
	v8 =	vadd.f32 $-7.117269040e-01, v46  }
0x1e9: {  	v48 =	vsub.f32 $1.000000000e+00, v9;
	v2 =	vmul.f32 v2, v33;
	v5 =	vadd.f32 v5, v35  }
0x1ea: {  	v56 =	vor.u32 $0xC, v32;
	v38 =	vld.idx.msk [tilespmem:v49+s2+$0x0], $0xffff;
	v34 =	vadd.s32 $0xFFFFFF81, v34;
	v8 =	vmul.f32 v6, v8  }
0x1eb: {  	v0 =	vadd.f32 v2, v0;
	v2 =	vmul.f32 v5, v36;
	v5 =	vand.u32 $0x7FFFFF, v48  }
0x1ec: {  	v34 =	vcvt.s32.f32 v34;
	v8 =	vadd.f32 $2.087178470e+00, v8;
	v5 =	vor.u32 $0x3F800000, v5  }
0x1ed: {  	v11 =	vmul.f32 v11, v11;
	v33 =	vmax.f32 v47, $9.999999740e-05;
	v52 =	vmul.f32 $1.058437750e-01, v5  }
0x1ee: {  	v25 =	vmul.f32 $6.931471820e-01, v34;
	v53 =	vmin.f32 v33, $9.998999830e-01;
	v6 =	vmul.f32 v6, v8  }
0x1ef: {  	v61 =	vmax.f32 v38, $9.999999740e-05;
	v55 =	vsub.f32 $1.000000000e+00, v53;
	v54 =	vadd.f32 $-7.117269040e-01, v52  }
0x1f0: {  	v9 =	vmul.f32 v9, v9;
	v33 =	vmin.f32 v61, $9.998999830e-01;
	v6 =	vadd.f32 $-1.480723260e+00, v6  }
0x1f1: {  	v57 =	vand.u32 $0x7FFFFF, v55;
	v0 =	vadd.f32 v2, v0;
	v2 =	vmul.f32 v5, v54  }
0x1f2: {  	v62 =	vld.idx.msk [tilespmem:v56+s2+$0x0], $0xffff;
	v63 =	vsub.f32 $1.000000000e+00, v33;
	v6 =	vadd.f32 v6, v25;
	v25 =	vor.u32 $0x3F800000, v57  }
0x1f3: {  	v58 =	vshra.s32 v48, $0x17;
	v2 =	vadd.f32 $2.087178470e+00, v2;
	v59 =	vmul.f32 $1.058437750e-01, v25  }
0x1f4: {  	v60 =	vadd.s32 $0xFFFFFF81, v58;
	v45 =	vor.u32 $0xD, v32;
	v42 =	vand.u32 $0x7FFFFF, v63  }
0x1f5: {  	v36 =	vor.u32 $0x3F800000, v42;
	v2 =	vmul.f32 v5, v2;
	v5 =	vadd.f32 $-7.117269040e-01, v59  }
0x1f6: {  	v47 =	vor.u32 $0xE, v32;
	v33 =	vmul.f32 v33, v33;
	v43 =	vmul.f32 $1.058437750e-01, v36  }
0x1f7: {  	v35 =	vmax.f32 v62, $9.999999740e-05;
	v6 =	vmul.f32 v6, v11;
	v5 =	vmul.f32 v25, v5  }
0x1f8: {  	v41 =	vshra.s32 v55, $0x17;
	v37 =	vadd.f32 $-7.117269040e-01, v43;
	v11 =	vcvt.s32.f32 v60  }
0x1f9: {  	v35 =	vmin.f32 v35, $9.998999830e-01;
	v0 =	vadd.f32 v6, v0;
	v5 =	vadd.f32 $2.087178470e+00, v5  }
0x1fa: {  	v38 =	vld.idx.msk [tilespmem:v45+s2+$0x0], $0xffff;
	v6 =	vmul.f32 $6.931471820e-01, v11;
	v11 =	vadd.s32 $0xFFFFFF81, v41;
	v2 =	vadd.f32 $-1.480723260e+00, v2  }
0x1fb: {  	v11 =	vcvt.s32.f32 v11;
	v5 =	vmul.f32 v25, v5;
	v25 =	vsub.f32 $1.000000000e+00, v35  }
0x1fc: {  	v55 =	vor.u32 $0xF, v32;
	v8 =	vmul.f32 v53, v53;
	v2 =	vadd.f32 v2, v6  }
0x1fd: {  	v37 =	vmul.f32 v36, v37;
	v11 =	vmul.f32 $6.931471820e-01, v11;
	v6 =	vand.u32 $0x7FFFFF, v25  }
0x1fe: {  	v2 =	vmul.f32 v2, v9;
	v5 =	vadd.f32 $-1.480723260e+00, v5;
	v6 =	vor.u32 $0x3F800000, v6  }
0x1ff: {  	v52 =	vmax.f32 v38, $9.999999740e-05;
	v48 =	vadd.f32 $2.087178470e+00, v37;
	v46 =	vmul.f32 $1.058437750e-01, v6  }
0x200: {  	v0 =	vadd.f32 v2, v0;
	v2 =	vshra.s32 v63, $0x17;
	v5 =	vadd.f32 v5, v11  }
0x201: {  	v53 =	vld.idx.msk [tilespmem:v47+s2+$0x0], $0xffff;
	v49 =	vmul.f32 v36, v48;
	v2 =	vadd.s32 $0xFFFFFF81, v2;
	v9 =	vadd.f32 $-7.117269040e-01, v46  }
0x202: {  	v2 =	vcvt.s32.f32 v2;
	v5 =	vmul.f32 v5, v8;
	v8 =	vmin.f32 v52, $9.998999830e-01  }
0x203: {  	v36 =	vld.idx.msk [tilespmem:v55+s2+$0x0], $0xffff;
	v25 =	vshra.s32 v25, $0x17;
	v54 =	vsub.f32 $1.000000000e+00, v8;
	v9 =	vmul.f32 v6, v9  }
0x204: {  	v2 =	vmul.f32 $6.931471820e-01, v2;
	v0 =	vadd.f32 v5, v0;
	v5 =	vadd.f32 $-1.480723260e+00, v49  }
0x205: {  	v23 =	vld.idx.msk [tilespmem:v23+s15+$0x0], $0xffff;
	v58 =	vmul.f32 v35, v35;
	v25 =	vadd.s32 $0xFFFFFF81, v25;
	v9 =	vadd.f32 $2.087178470e+00, v9  }
0x206: {  	v11 =	vmax.f32 v53, $9.999999740e-05;
	v56 =	vand.u32 $0x7FFFFF, v54;
	v2 =	vadd.f32 v5, v2  }
0x207: {  	v5 =	vcvt.s32.f32 v25;
	v6 =	vmul.f32 v6, v9;
	v9 =	vor.u32 $0x3F800000, v56  }
0x208: {  	v60 =	vmax.f32 v36, $9.999999740e-05;
	v11 =	vmin.f32 v11, $9.998999830e-01;
	v25 =	vmul.f32 $1.058437750e-01, v9  }
0x209: {  	v57 =	vsub.f32 $1.000000000e+00, v11;
	v5 =	vmul.f32 $6.931471820e-01, v5;
	v6 =	vadd.f32 $-1.480723260e+00, v6  }
0x20a: {  	v53 =	vsub.f32 v23, v13;
	v23 =	vsel vm1, v16, v18;
	v25 =	vadd.f32 $-7.117269040e-01, v25  }
0x20b: {  	v2 =	vmul.f32 v2, v33;
	v5 =	vadd.f32 v6, v5;
	v6 =	vand.u32 $0x7FFFFF, v57  }
0x20c: {  	vm8 =	vle.f32 v23, $2.500000000e+01;
	v25 =	vmul.f32 v9, v25;
	v6 =	vor.u32 $0x3F800000, v6  }
0x20d: {  	v0 =	vadd.f32 v2, v0;
	v2 =	vmul.f32 v5, v58;
	v5 =	vmul.f32 $1.058437750e-01, v6  }
0x20e: {  	vm10 =	vge.f32 v23, $5.625000000e+01;
	v36 =	vshra.s32 v57, $0x17;
	v59 =	vshra.s32 v54, $0x17  }
0x20f: {  	v32 =	vadd.s32 $0xFFFFFF81, v59;
	v25 =	vadd.f32 $2.087178470e+00, v25;
	v5 =	vadd.f32 $-7.117269040e-01, v5  }
0x210: {  	v31 =	vld.idx.msk [tilespmem:v31+s2+$0x0], $0xffff;
	v11 =	vmul.f32 v11, v11;
	v37 =	vadd.s32 $0xFFFFFF81, v36;
	v32 =	vcvt.s32.f32 v32  }
0x211: {  	v33 =	vmin.f32 v60, $9.998999830e-01;
	v9 =	vmul.f32 v9, v25;
	v5 =	vmul.f32 v6, v5  }
0x212: {  	v62 =	vmul.f32 $6.931471820e-01, v32;
	v0 =	vadd.f32 v2, v0;
	v25 =	vsub.f32 $1.000000000e+00, v33  }
0x213: {  	v2 =	vmul.f32 v8, v8;
	v61 =	vadd.f32 $-1.480723260e+00, v9;
	v5 =	vadd.f32 $2.087178470e+00, v5  }
0x214: {  	v63 =	vand.u32 $0x7FFFFF, v25;
	v9 =	vcvt.s32.f32 v37;
	v25 =	vshra.s32 v25, $0x17  }
0x215: {  	v32 =	vor.u32 $0x3F800000, v63;
	v5 =	vmul.f32 v6, v5;
	v6 =	vmax.f32 v31, $9.999999740e-05  }
0x216: {  	v8 =	vadd.f32 v61, v62;
	v38 =	vmul.f32 $1.058437750e-01, v32;
	v6 =	vmin.f32 v6, $9.998999830e-01  }
0x217: {  	v40 =	vadd.s32 $0xFFFFFF81, v25;
	v9 =	vmul.f32 $6.931471820e-01, v9;
	v31 =	vsub.f32 $1.000000000e+00, v6  }
0x218: {  	v2 =	vmul.f32 v8, v2;
	v39 =	vadd.f32 $-7.117269040e-01, v38;
	v5 =	vadd.f32 $-1.480723260e+00, v5  }
0x219: {  	v41 =	vand.u32 $0x7FFFFF, v6;
	v47 =	vmul.f32 v6, v6;
	v25 =	vand.u32 $0x7FFFFF, v31  }
0x21a: {  	v8 =	vmul.f32 v32, v39;
	v34 =	vor.u32 $0x3F800000, v41;
	v25 =	vor.u32 $0x3F800000, v25  }
0x21b: {  	v5 =	vadd.f32 v5, v9;
	v43 =	vmul.f32 $1.058437750e-01, v34;
	v42 =	vmul.f32 $1.058437750e-01, v25  }
0x21c: {  	v6 =	vshra.s32 v6, $0x17;
	v0 =	vadd.f32 v2, v0;
	v8 =	vadd.f32 $2.087178470e+00, v8  }
0x21d: {  	v2 =	vmul.f32 v5, v11;
	v45 =	vadd.f32 $-7.117269040e-01, v43;
	v5 =	vadd.f32 $-7.117269040e-01, v42  }
0x21e: {  	v6 =	vadd.s32 $0xFFFFFF81, v6;
	v9 =	vcvt.s32.f32 v40;
	v8 =	vmul.f32 v32, v8  }
0x21f: {  	v46 =	vshra.s32 v31, $0x17;
	v11 =	vmul.f32 v34, v45;
	v5 =	vmul.f32 v25, v5  }
0x220: {  	v9 =	vmul.f32 $6.931471820e-01, v9;
	v0 =	vadd.f32 v2, v0;
	v8 =	vadd.f32 $-1.480723260e+00, v8  }
0x221: {  	v6 =	vcvt.s32.f32 v6;
	v11 =	vadd.f32 $2.087178470e+00, v11;
	v5 =	vadd.f32 $2.087178470e+00, v5  }
0x222: {  	v2 =	vmul.f32 v33, v33;
	v8 =	vadd.f32 v8, v9;
	v9 =	vadd.s32 $0xFFFFFF81, v46  }
0x223: {  	v11 =	vmul.f32 v34, v11;
	v5 =	vmul.f32 v25, v5;
	v25 =	vmov s20  }
0x224: {  	v6 =	vmul.f32 $6.931471820e-01, v6;
	v9 =	vcvt.s32.f32 v9;
	v25 =	vshll.u32 v25, $0x4  }
0x225: {  	v15 =	vld.idx.msk [tilespmem:v15+s14+$0x0], $0xffff;
	v2 =	vmul.f32 v8, v2;
	v11 =	vadd.f32 $-1.480723260e+00, v11;
	v17 =	vor.u32 v17, v25  }
0x226: {  	v9 =	vmul.f32 $6.931471820e-01, v9;
	v5 =	vadd.f32 $-1.480723260e+00, v5;
	v25 =	vld.idx.msk [tilespmem:v30+s15+$0x0], $0xffff;
	v30 =	vmul.f32 v31, v31  }
0x227: {  	v48 =	vmul.f32 $5.000000070e-02, v47;
	v0 =	vadd.f32 v2, v0;
	v6 =	vadd.f32 v11, v6  }
0x228: {  	v52 =	vld.idx.msk [tilespmem:v12+s14+$0x0], $0xffff;
	v55 =	vor.u32 $0x1, v17;
	v5 =	vadd.f32 v5, v9;
	v49 =	vmul.f32 $9.499999880e-01, v30  }
0x229: {  	v59 =	vsub.f32 v29, v27;
	v56 =	vsel vm15, $0x3F800000, v44;
	v57 =	vld.idx.msk [tilespmem:v28+s14+$0x0], $0xffff;
	v0 =	vmul.f32 $-5.000000070e-02, v0  }
0x22a: {  	v2 =	vmul.f32 v5, v48;
	v5 =	vmul.f32 v6, v49;
	v6 =	vsub.f32 v53, v15;
	v54 =	vld.idx.msk [tilespmem:v17+s2+$0x0], $0xffff  }
0x22b: {  	v12 =	vadd.f32 v56, v20;
	v32 =	vor.u32 $0x2, v17;
	v14 =	vsub.f32 v25, v14  }
0x22c: {  	v0 =	vnsel vm0, $0x0, v0;
	v2 =	vsub.f32 v2, v5;
	v5 =	vand.u32 $0x7FFFFFFF, v6  }
0x22d: {  	v25 =	vor.u32 $0x3, v17;
	v9 =	vld.idx.msk [tilespmem:v55+s2+$0x0], $0xffff;
	v6 =	vsub.f32 v14, v52;
	v58 =	vmul.f32 $4.500000000e+00, v5  }
0x22e: {  	v60 =	vadd.f32 $-5.555555600e-02, v5;
	v14 =	vsub.f32 v59, v57;
	vm4 =	vle.f32 v5, $1.111111120e-01  }
0x22f: {  	v6 =	vand.u32 $0x7FFFFFFF, v6;
	v11 =	vmul.f32 v58, v5;
	v8 =	vmax.f32 v54, $9.999999740e-05  }
0x230: {  	v14 =	vand.u32 $0x7FFFFFFF, v14;
	v5 =	vmul.f32 $4.500000000e+00, v6;
	v8 =	vmin.f32 v8, $9.998999830e-01  }
0x231: {  	vm5 =	vle.f32 v6, $1.111111120e-01;
	v14 =	vadd.f32 $-1.000000000e+01, v14;
	v61 =	vsub.f32 $1.000000000e+00, v8  }
0x232: {  	v9 =	vmax.f32 v9, $9.999999740e-05;
	v5 =	vmul.f32 v5, v6;
	v6 =	vadd.f32 $-5.555555600e-02, v6  }
0x233: {  	v14 =	vmul.f32 v14, v3;
	v9 =	vmin.f32 v9, $9.998999830e-01;
	v62 =	vand.u32 $0x7FFFFF, v61  }
0x234: {  	v20 =	vld.idx.msk [tilespmem:v32+s2+$0x0], $0xffff;
	v5 =	vsel vm5, v5, v6;
	v6 =	vsub.f32 $1.000000000e+00, v9;
	v63 =	vor.u32 $0x3F800000, v62  }
0x235: {  	v0 =	vadd.f32 v0, v22;
	v2 =	vnsel vm15, $0x0, v2;
	v15 =	vmul.f32 $1.058437750e-01, v63  }
0x236: {  	v11 =	vsel vm4, v11, v60;
	vm6 =	vle.f32 v14, $0.0e+00;
	v34 =	vand.u32 $0x7FFFFF, v6  }
0x237: {  	v14 =	vsel vm6, $0x0, v14;
	v35 =	vor.u32 $0x3F800000, v34;
	v33 =	vadd.f32 $-7.117269040e-01, v15  }
0x238: {  	v15 =	vadd.f32 v0, v2;
	v0 =	vmul.f32 v14, v56;
	v2 =	vmul.f32 $1.058437750e-01, v35  }
0x239: {  	v45 =	vor.u32 $0x6, v17;
	v38 =	vld.idx.msk [tilespmem:v25+s2+$0x0], $0xffff;
	v37 =	vmax.f32 v20, $9.999999740e-05;
	v5 =	vadd.f32 v5, v11  }
0x23a: {  	v25 =	vmin.f32 v37, $9.998999830e-01;
	v14 =	vadd.f32 v0, v21;
	v0 =	vadd.f32 $-7.117269040e-01, v2;
	v2 =	vld [tilespmem:$0x1FFD0]  }
0x23b: {  	v8 =	vmul.f32 v8, v8;
	v39 =	vsub.f32 $1.000000000e+00, v25;
	v25 =	vmul.f32 v25, v25  }
0x23c: {  	v48 =	vor.u32 $0x7, v17;
	v9 =	vmul.f32 v9, v9;
	v5 =	vmul.f32 v5, v56  }
0x23d: {  	v22 =	vshra.s32 v39, $0x17;
	v6 =	vshra.s32 v6, $0x17;
	v11 =	vmul.f32 v63, v33  }
0x23e: {  	v22 =	vadd.s32 $0xFFFFFF81, v22;
	v13 =	vadd.f32 v5, v19;
	v19 =	vsel vm1, s21, v26  }
0x23f: {  	v5 =	vadd.f32 $2.087178470e+00, v11;
	v11 =	vadd.s32 v24, v2;
	v2 =	vshra.s32 v61, $0x17  }
0x240: {  	v0 =	vmul.f32 v35, v0;
	v24 =	vor.u32 $0x4, v17;
	v2 =	vadd.s32 $0xFFFFFF81, v2  }
0x241: {  	v26 =	vor.u32 $0x5, v17;
	v5 =	vmul.f32 v63, v5;
	v2 =	vcvt.s32.f32 v2  }
0x242: {  	v6 =	vadd.s32 $0xFFFFFF81, v6;
	v22 =	vcvt.s32.f32 v22;
	v0 =	vadd.f32 $2.087178470e+00, v0  }
0x243: {  	v6 =	vcvt.s32.f32 v6;
	v5 =	vadd.f32 $-1.480723260e+00, v5;
	v2 =	vmul.f32 $6.931471820e-01, v2  }
0x244: {  	v34 =	vor.u32 $0xF, v17;
	v41 =	vadd.s32 $0x3, v19;
	v0 =	vmul.f32 v35, v0  }
0x245: {  	v24 =	vld.idx.msk [tilespmem:v24+s2+$0x0], $0xffff;
	v2 =	vadd.f32 v5, v2;
	v5 =	vmul.f32 $6.931471820e-01, v6;
	v6 =	vand.u32 $0x7FFFFF, v39  }
0x246: {  	v21 =	vmax.f32 v38, $9.999999740e-05;
	v26 =	vld.idx.msk [tilespmem:v26+s2+$0x0], $0xffff;
	v0 =	vadd.f32 $-1.480723260e+00, v0;
	v6 =	vor.u32 $0x3F800000, v6  }
0x247: {  	v27 =	vmin.f32 v21, $9.998999830e-01;
	v2 =	vmul.f32 v2, v8;
	v40 =	vmul.f32 $1.058437750e-01, v6  }
0x248: {  	v22 =	vmul.f32 $6.931471820e-01, v22;
	v0 =	vadd.f32 v0, v5;
	v5 =	vsub.f32 $1.000000000e+00, v27  }
0x249: {  	v36 =	vadd.s32 $0x2, v19;
	v21 =	vld.idx.msk [tilespmem:v41+s15+$0x0], $0xffff;
	v8 =	vadd.f32 $-7.117269040e-01, v40;
	v2 =	vadd.f32 $0.0e+00, v2  }
0x24a: {  	v0 =	vmul.f32 v0, v9;
	v42 =	vand.u32 $0x7FFFFF, v5;
	v24 =	vmax.f32 v24, $9.999999740e-05  }
0x24b: {  	v26 =	vmax.f32 v26, $9.999999740e-05;
	v9 =	vor.u32 $0x3F800000, v42;
	v24 =	vmin.f32 v24, $9.998999830e-01  }
0x24c: {  	v8 =	vmul.f32 v6, v8;
	v0 =	vadd.f32 v0, v2;
	v2 =	vmul.f32 $1.058437750e-01, v9  }
0x24d: {  	v20 =	vadd.s32 $0x1, v19;
	v26 =	vmin.f32 v26, $9.998999830e-01;
	v29 =	vsub.f32 $1.000000000e+00, v24  }
0x24e: {  	v18 =	vld.idx.msk [tilespmem:v36+s15+$0x0], $0xffff;
	v21 =	vtrunc.f32 v21;
	v8 =	vadd.f32 $2.087178470e+00, v8;
	v2 =	vadd.f32 $-7.117269040e-01, v2  }
0x24f: {  	v16 =	vld.idx.msk [tilespmem:v11+s12+$0x0], $0xffff;
	v31 =	vsub.f32 $1.000000000e+00, v26;
	v26 =	vmul.f32 v26, v26;
	v43 =	vand.u32 $0x7FFFFF, v29  }
0x250: {  	v6 =	vmul.f32 v6, v8;
	v2 =	vmul.f32 v9, v2;
	v8 =	vor.u32 $0x3F800000, v43  }
0x251: {  	v46 =	vand.u32 $0x7FFFFF, v31;
	v49 =	vshra.s32 v31, $0x17;
	v30 =	vmul.f32 $1.058437750e-01, v8  }
0x252: {  	v31 =	vor.u32 $0xC, v17;
	v5 =	vshra.s32 v5, $0x17;
	v2 =	vadd.f32 $2.087178470e+00, v2  }
0x253: {  	v5 =	vadd.s32 $0xFFFFFF81, v5;
	v6 =	vadd.f32 $-1.480723260e+00, v6;
	v30 =	vadd.f32 $-7.117269040e-01, v30  }
0x254: {  	v28 =	vsub.f32 v16, v18;
	v5 =	vcvt.s32.f32 v5;
	v2 =	vmul.f32 v9, v2  }
0x255: {  	v9 =	vor.u32 $0x3F800000, v46;
	v6 =	vadd.f32 v6, v22;
	v30 =	vmul.f32 v8, v30  }
0x256: {  	v32 =	vld.idx.msk [tilespmem:v45+s2+$0x0], $0xffff;
	v5 =	vmul.f32 $6.931471820e-01, v5;
	v47 =	vmul.f32 $1.058437750e-01, v9;
	v2 =	vadd.f32 $-1.480723260e+00, v2  }
0x257: {  	v6 =	vmul.f32 v6, v25;
	v25 =	vmul.f32 v27, v27;
	v30 =	vadd.f32 $2.087178470e+00, v30  }
0x258: {  	v22 =	vadd.f32 $-7.117269040e-01, v47;
	v2 =	vadd.f32 v2, v5;
	v5 =	vshra.s32 v29, $0x17  }
0x259: {  	v0 =	vadd.f32 v6, v0;
	v29 =	vor.u32 $0x8, v17;
	v8 =	vmul.f32 v8, v30  }
0x25a: {  	v5 =	vadd.s32 $0xFFFFFF81, v5;
	v6 =	vmul.f32 v9, v22;
	v22 =	vadd.s32 $0xFFFFFF81, v49  }
0x25b: {  	v27 =	vld.idx.msk [tilespmem:v48+s2+$0x0], $0xffff;
	v2 =	vmul.f32 v2, v25;
	v5 =	vcvt.s32.f32 v5;
	v25 =	vmax.f32 v32, $9.999999740e-05  }
0x25c: {  	v22 =	vcvt.s32.f32 v22;
	v6 =	vadd.f32 $2.087178470e+00, v6;
	v25 =	vmin.f32 v25, $9.998999830e-01  }
0x25d: {  	v8 =	vadd.f32 $-1.480723260e+00, v8;
	v5 =	vmul.f32 $6.931471820e-01, v5;
	v52 =	vsub.f32 $1.000000000e+00, v25  }
0x25e: {  	v0 =	vadd.f32 v2, v0;
	v2 =	vmul.f32 v24, v24;
	v6 =	vmul.f32 v9, v6  }
0x25f: {  	v22 =	vmul.f32 $6.931471820e-01, v22;
	v5 =	vadd.f32 v8, v5;
	v53 =	vand.u32 $0x7FFFFF, v52  }
0x260: {  	v24 =	vmax.f32 v27, $9.999999740e-05;
	v6 =	vadd.f32 $-1.480723260e+00, v6;
	v8 =	vor.u32 $0x3F800000, v53  }
0x261: {  	v24 =	vmin.f32 v24, $9.998999830e-01;
	v2 =	vmul.f32 v5, v2;
	v5 =	vmul.f32 $1.058437750e-01, v8  }
0x262: {  	s31 =	sadd.s32 s3, s20;
	v54 =	vand.u32 $0x7FFFFFFF, v28;
	v29 =	vld.idx.msk [tilespmem:v29+s2+$0x0], $0xffff;
	v27 =	vsub.f32 $1.000000000e+00, v24;
	v6 =	vadd.f32 v6, v22  }
0x263: {  	v28 =	vor.u32 s31, v51;
	v0 =	vadd.f32 v2, v0;
	v2 =	vadd.f32 $-7.117269040e-01, v5  }
0x264: {  	v5 =	vmul.f32 v6, v26;
	v6 =	vand.u32 $0x7FFFFF, v27;
	v26 =	vor.u32 $0x9, v17  }
0x265: {  	vm7 =	vge.u32 v28, v50;
	v2 =	vmul.f32 v8, v2;
	v6 =	vor.u32 $0x3F800000, v6  }
0x266: {  	v9 =	vshra.s32 v52, $0x17;
	v0 =	vadd.f32 v5, v0;
	v5 =	vmul.f32 $1.058437750e-01, v6  }
0x267: {  	v9 =	vadd.s32 $0xFFFFFF81, v9;
	v28 =	vmax.f32 v29, $9.999999740e-05;
	v2 =	vadd.f32 $2.087178470e+00, v2  }
0x268: {  	v9 =	vcvt.s32.f32 v9;
	v28 =	vmin.f32 v28, $9.998999830e-01;
	v5 =	vadd.f32 $-7.117269040e-01, v5  }
0x269: {  	v25 =	vmul.f32 v25, v25;
	v55 =	vsub.f32 $1.000000000e+00, v28;
	v2 =	vmul.f32 v8, v2;
	v26 =	vld.idx.msk [tilespmem:v26+s2+$0x0], $0xffff  }
0x26a: {  	v29 =	vor.u32 $0xA, v17;
	v9 =	vmul.f32 $6.931471820e-01, v9;
	v5 =	vmul.f32 v6, v5  }
0x26b: {  	v27 =	vshra.s32 v27, $0x17;
	v30 =	vand.u32 $0x7FFFFF, v55;
	v2 =	vadd.f32 $-1.480723260e+00, v2  }
0x26c: {  	v56 =	vadd.s32 $0xFFFFFF81, v27;
	v30 =	vor.u32 $0x3F800000, v30;
	v5 =	vadd.f32 $2.087178470e+00, v5  }
0x26d: {  	v27 =	vmul.f32 $1.058437750e-01, v30;
	v8 =	vshra.s32 v55, $0x17;
	v2 =	vadd.f32 v2, v9  }
0x26e: {  	v9 =	vcvt.s32.f32 v56;
	v5 =	vmul.f32 v6, v5;
	v6 =	vmax.f32 v26, $9.999999740e-05  }
0x26f: {  	v26 =	vld.idx.msk [tilespmem:v29+s2+$0x0], $0xffff;
	v2 =	vmul.f32 v2, v25;
	v25 =	vadd.f32 $-7.117269040e-01, v27;
	v6 =	vmin.f32 v6, $9.998999830e-01  }
0x270: {  	v8 =	vadd.s32 $0xFFFFFF81, v8;
	v9 =	vmul.f32 $6.931471820e-01, v9;
	v27 =	vsub.f32 $1.000000000e+00, v6  }
0x271: {  	v5 =	vadd.f32 $-1.480723260e+00, v5;
	v0 =	vadd.f32 v2, v0;
	v2 =	vmul.f32 v30, v25  }
0x272: {  	v24 =	vmul.f32 v24, v24;
	v8 =	vcvt.s32.f32 v8;
	v57 =	vand.u32 $0x7FFFFF, v27  }
0x273: {  	v5 =	vadd.f32 v5, v9;
	v2 =	vadd.f32 $2.087178470e+00, v2;
	v9 =	vor.u32 $0x3F800000, v57  }
0x274: {  	v29 =	vor.u32 $0xB, v17;
	v26 =	vmax.f32 v26, $9.999999740e-05;
	v25 =	vmul.f32 $1.058437750e-01, v9  }
0x275: {  	v26 =	vmin.f32 v26, $9.998999830e-01;
	v5 =	vmul.f32 v5, v24;
	v2 =	vmul.f32 v30, v2  }
0x276: {  	v23 =	vld.idx.msk [tilespmem:v34+s2+$0x0], $0xffff;
	v8 =	vmul.f32 $6.931471820e-01, v8;
	v30 =	vsub.f32 $1.000000000e+00, v26;
	v25 =	vadd.f32 $-7.117269040e-01, v25  }
0x277: {  	v0 =	vadd.f32 v5, v0;
	v5 =	vshra.s32 v27, $0x17;
	v27 =	vld.idx.msk [tilespmem:v31+s2+$0x0], $0xffff;
	v2 =	vadd.f32 $-1.480723260e+00, v2  }
0x278: {  	v21 =	vcvt.f32.s32 v21;
	v24 =	vmul.f32 v9, v25;
	v25 =	vand.u32 $0x7FFFFF, v30  }
0x279: {  	v28 =	vmul.f32 v28, v28;
	v2 =	vadd.f32 v2, v8;
	v58 =	vor.u32 $0x3F800000, v25  }
0x27a: {  	v5 =	vadd.s32 $0xFFFFFF81, v5;
	v25 =	vld.idx.msk [tilespmem:v29+s2+$0x0], $0xffff;
	v24 =	vadd.f32 $2.087178470e+00, v24;
	v29 =	vmul.f32 $1.058437750e-01, v58  }
0x27b: {  	v39 =	vmax.f32 v23, $9.999999740e-05;
	v5 =	vcvt.s32.f32 v5;
	v2 =	vmul.f32 v2, v28  }
0x27c: {  	v27 =	vmax.f32 v27, $9.999999740e-05;
	v9 =	vmul.f32 v9, v24;
	v24 =	vadd.f32 $-7.117269040e-01, v29  }
0x27d: {  	v5 =	vmul.f32 $6.931471820e-01, v5;
	v29 =	vor.u32 $0xD, v17;
	v27 =	vmin.f32 v27, $9.998999830e-01  }
0x27e: {  	v0 =	vadd.f32 v2, v0;
	v2 =	vmul.f32 v6, v6;
	v59 =	vmul.f32 v58, v24  }
0x27f: {  	v6 =	vadd.f32 $-1.480723260e+00, v9;
	v24 =	vmax.f32 v25, $9.999999740e-05;
	v25 =	vshra.s32 v30, $0x17  }
0x280: {  	v24 =	vmin.f32 v24, $9.998999830e-01;
	v25 =	vadd.s32 $0xFFFFFF81, v25;
	v9 =	vadd.f32 $2.087178470e+00, v59  }
0x281: {  	v28 =	vsub.f32 $1.000000000e+00, v24;
	v25 =	vcvt.s32.f32 v25;
	v5 =	vadd.f32 v6, v5  }
0x282: {  	v36 =	vadd.s32 v21, v17;
	v61 =	vsub.f32 $1.000000000e+00, v27;
	v8 =	vmul.f32 v58, v9  }
0x283: {  	v60 =	vand.u32 $0x7FFFFF, v28;
	v25 =	vmul.f32 $6.931471820e-01, v25;
	v2 =	vmul.f32 v5, v2  }
0x284: {  	v29 =	vld.idx.msk [tilespmem:v29+s2+$0x0], $0xffff;
	v5 =	vmul.f32 v26, v26;
	v26 =	vand.u32 $0x7FFFFF, v61;
	v6 =	vor.u32 $0x3F800000, v60  }
0x285: {  	v26 =	vor.u32 $0x3F800000, v26;
	v8 =	vadd.f32 $-1.480723260e+00, v8;
	v30 =	vmul.f32 $1.058437750e-01, v6  }
0x286: {  	v16 =	vsub.f32 v18, v16;
	v0 =	vadd.f32 v2, v0;
	v2 =	vmul.f32 $1.058437750e-01, v26  }
0x287: {  	vm9 =	vle.f32 v54, $1.000000000e+01;
	v8 =	vadd.f32 v8, v25;
	v25 =	vadd.f32 $-7.117269040e-01, v30  }
0x288: {  	vm11 =	vge.f32 v54, $1.500000000e+01;
	vm1 =	vmand vm8, vm9;
	v2 =	vadd.f32 $-7.117269040e-01, v2  }
0x289: {  	vm3 =	vmor vm10, vm11;
	v32 =	vmax.f32 v29, $9.999999740e-05;
	v62 =	vmul.f32 v6, v25  }
0x28a: {  	v5 =	vmul.f32 v8, v5;
	v25 =	vor.u32 $0xE, v17;
	v2 =	vmul.f32 v26, v2  }
0x28b: {  	v63 =	vshra.s32 v28, $0x17;
	v33 =	vmin.f32 v32, $9.998999830e-01;
	v8 =	vadd.f32 $2.087178470e+00, v62  }
0x28c: {  	v0 =	vadd.f32 v5, v0;
	v5 =	vadd.s32 $0xFFFFFF81, v63;
	v2 =	vadd.f32 $2.087178470e+00, v2  }
0x28d: {  	v54 =	vld.idx.msk [tilespmem:v20+s15+$0x0], $0xffff;
	v35 =	vsub.f32 $1.000000000e+00, v33;
	v5 =	vcvt.s32.f32 v5;
	v6 =	vmul.f32 v6, v8  }
0x28e: {  	vm12 =	vmand vm7, vm1;
	vm1 =	vmor vm1, vm3;
	v56 =	vld [tilespmem:$0x1FFA0];
	v2 =	vmul.f32 v26, v2  }
0x28f: {  	v26 =	vand.u32 $0x7FFFFF, v35;
	v25 =	vld.idx.msk [tilespmem:v25+s2+$0x0], $0xffff;
	v5 =	vmul.f32 $6.931471820e-01, v5;
	v6 =	vadd.f32 $-1.480723260e+00, v6  }
0x290: {  	vm0 =	vmand vm7, vm1;
	v9 =	vshra.s32 v61, $0x17;
	v26 =	vor.u32 $0x3F800000, v26  }
0x291: {  	v9 =	vadd.s32 $0xFFFFFF81, v9;
	v5 =	vadd.f32 v6, v5;
	v6 =	vmul.f32 $1.058437750e-01, v26  }
0x292: {  	v10 =	vsub.f32 v54, v10;
	v22 =	vmin.f32 v39, $9.998999830e-01;
	v9 =	vcvt.s32.f32 v9  }
0x293: {  	v24 =	vmul.f32 v24, v24;
	v28 =	vsub.f32 $1.000000000e+00, v22;
	v6 =	vadd.f32 $-7.117269040e-01, v6  }
0x294: {  	v9 =	vmul.f32 $6.931471820e-01, v9;
	v37 =	vshra.s32 v35, $0x17;
	v25 =	vmax.f32 v25, $9.999999740e-05  }
0x295: {  	v53 =	vld.idx.msk [tilespmem:v19+s15+$0x0], $0xffff;
	v2 =	vadd.f32 $-1.480723260e+00, v2;
	v25 =	vmin.f32 v25, $9.998999830e-01;
	v6 =	vmul.f32 v26, v6  }
0x296: {  	v5 =	vmul.f32 v5, v24;
	v24 =	vmul.f32 v27, v27;
	v27 =	vsub.f32 $1.000000000e+00, v25  }
0x297: {  	v20 =	vld.idx.msk [tilespmem:v56+s14+$0x0], $0xffff;
	v42 =	vand.u32 $0x7FFFFF, v28;
	v17 =	vadd.s32 $0xFFFFFF81, v37;
	v6 =	vadd.f32 $2.087178470e+00, v6  }
0x298: {  	v2 =	vadd.f32 v2, v9;
	v0 =	vadd.f32 v5, v0;
	v38 =	vand.u32 $0x7FFFFF, v27  }
0x299: {  	v5 =	vcvt.s32.f32 v17;
	v21 =	vor.u32 $0x3F800000, v38;
	v6 =	vmul.f32 v26, v6  }
0x29a: {  	v7 =	vsub.f32 v53, v7;
	v23 =	vor.u32 $0x3F800000, v42;
	v9 =	vld.idx.msk [tilespmem:v36+s2+$0x0], $0xffff;
	v40 =	vmul.f32 $1.058437750e-01, v21  }
0x29b: {  	v2 =	vmul.f32 v2, v24;
	v5 =	vmul.f32 $6.931471820e-01, v5;
	v6 =	vadd.f32 $-1.480723260e+00, v6  }
0x29c: {  	v7 =	vsub.f32 v7, v20;
	v24 =	vmul.f32 $1.058437750e-01, v23;
	v41 =	vadd.f32 $-7.117269040e-01, v40  }
0x29d: {  	v0 =	vadd.f32 v2, v0;
	v2 =	vmul.f32 v33, v33;
	v5 =	vadd.f32 v6, v5  }
0x29e: {  	v45 =	vadd.f32 $-7.117269040e-01, v24;
	v17 =	vmul.f32 v21, v41;
	v6 =	vshra.s32 v27, $0x17  }
0x29f: {  	v2 =	vmul.f32 v5, v2;
	v5 =	vadd.s32 $0xFFFFFF81, v6;
	v6 =	vmax.f32 v9, $9.999999740e-05  }
0x2a0: {  	v24 =	vshra.s32 v28, $0x17;
	v46 =	vmul.f32 v23, v45;
	v6 =	vmin.f32 v6, $9.998999830e-01  }
0x2a1: {  	v24 =	vadd.s32 $0xFFFFFF81, v24;
	v43 =	vadd.f32 $2.087178470e+00, v17;
	v48 =	vsub.f32 $1.000000000e+00, v6  }
0x2a2: {  	v47 =	vmul.f32 v25, v25;
	v24 =	vcvt.s32.f32 v24;
	v9 =	vadd.f32 $2.087178470e+00, v46  }
0x2a3: {  	v57 =	vld [tilespmem:$0x1FFB0];
	v5 =	vcvt.s32.f32 v5;
	v8 =	vmul.f32 v21, v43;
	v25 =	vand.u32 $0x7FFFFF, v48  }
0x2a4: {  	v24 =	vmul.f32 $6.931471820e-01, v24;
	v9 =	vmul.f32 v23, v9;
	v49 =	vor.u32 $0x3F800000, v25  }
0x2a5: {  	v5 =	vmul.f32 $6.931471820e-01, v5;
	v8 =	vadd.f32 $-1.480723260e+00, v8;
	v50 =	vmul.f32 $1.058437750e-01, v49  }
0x2a6: {  	v0 =	vadd.f32 v2, v0;
	v9 =	vadd.f32 $-1.480723260e+00, v9;
	v25 =	vand.u32 $0x7FFFFF, v6  }
0x2a7: {  	v11 =	vld.idx.msk [tilespmem:v11+s14+$0x0], $0xffff;
	v5 =	vadd.f32 v8, v5;
	v25 =	vor.u32 $0x3F800000, v25;
	v2 =	vadd.f32 $-7.117269040e-01, v50  }
0x2a8: {  	v52 =	vmul.f32 v22, v22;
	v7 =	vand.u32 $0x7FFFFFFF, v7;
	v51 =	vmul.f32 $1.058437750e-01, v25  }
0x2a9: {  	v9 =	vadd.f32 v9, v24;
	v5 =	vmul.f32 v5, v47;
	v2 =	vmul.f32 v49, v2  }
0x2aa: {  	vm13 =	vle.f32 v7, $1.111111120e-01;
	v55 =	vshra.s32 v48, $0x17;
	v8 =	vadd.f32 $-7.117269040e-01, v51  }
0x2ab: {  	v22 =	vld.idx.msk [tilespmem:v57+s14+$0x0], $0xffff;
	v0 =	vadd.f32 v5, v0;
	v5 =	vmul.f32 v9, v52;
	v2 =	vadd.f32 $2.087178470e+00, v2  }
0x2ac: {  	v59 =	vsub.f32 v16, v11;
	v19 =	vadd.s32 $0xFFFFFF81, v55;
	v8 =	vmul.f32 v25, v8  }
0x2ad: {  	v19 =	vcvt.s32.f32 v19;
	v0 =	vadd.f32 v5, v0;
	v2 =	vmul.f32 v49, v2  }
0x2ae: {  	v5 =	vmul.f32 v6, v6;
	v6 =	vshra.s32 v6, $0x17;
	v8 =	vadd.f32 $2.087178470e+00, v8  }
0x2af: {  	v19 =	vmul.f32 $6.931471820e-01, v19;
	v6 =	vadd.s32 $0xFFFFFF81, v6;
	v2 =	vadd.f32 $-1.480723260e+00, v2  }
0x2b0: {  	v10 =	vsub.f32 v10, v22;
	v6 =	vcvt.s32.f32 v6;
	v8 =	vmul.f32 v25, v8  }
0x2b1: {  	v58 =	vmul.f32 v48, v48;
	v5 =	vmul.f32 $5.000000070e-02, v5;
	v2 =	vadd.f32 v2, v19  }
0x2b2: {  	v60 =	vmul.f32 $4.500000000e+00, v7;
	v6 =	vmul.f32 $6.931471820e-01, v6;
	v8 =	vadd.f32 $-1.480723260e+00, v8  }
0x2b3: {  	v9 =	vmul.f32 $9.499999880e-01, v58;
	v2 =	vmul.f32 v2, v5;
	v5 =	vand.u32 $0x7FFFFFFF, v10  }
0x2b4: {  	v6 =	vadd.f32 v8, v6;
	v8 =	vand.u32 $0x7FFFFFFF, v59;
	v61 =	vmul.f32 $4.500000000e+00, v5  }
0x2b5: {  	v62 =	vadd.f32 $-5.555555600e-02, v7;
	v10 =	vmul.f32 v60, v7;
	v8 =	vadd.f32 $-1.000000000e+01, v8  }
0x2b6: {  	v6 =	vmul.f32 v6, v9;
	v63 =	vadd.f32 $-5.555555600e-02, v5;
	v9 =	vmul.f32 v61, v5  }
0x2b7: {  	s19 =	sadd.s32 $0x1, s19;
	v0 =	vmul.f32 $-5.000000070e-02, v0;
	vm14 =	vle.f32 v5, $1.111111120e-01;
	v5 =	vmul.f32 v8, v3  }
0x2b8: {  	p0 =	sne.s32 s19, $0x19;
	v2 =	vsub.f32 v2, v6;
	v6 =	vsel vm13, v10, v62;
	v7 =	vsel vm14, v9, v63  }
.Ltmp1:
0x2b9: {  	v0 =	vnsel vm0, $0x0, v0;
	vm15 =	vle.f32 v5, $0.0e+00;
	v6 =	vadd.f32 v7, v6;
	(pc) =	sbr.rel @p0 .LBB2_3-.Ltmp1, $4  }
0x2ba: {  	v0 =	vadd.f32 v0, v15;
	v7 =	vsel vm12, $0x3F800000, v44;
	v5 =	vsel vm15, $0x0, v5  }
0x2bb: {  	v2 =	vnsel vm12, $0x0, v2;
	v5 =	vmul.f32 v5, v7;
	v6 =	vmul.f32 v6, v7  }
0x2bc: {  	v30 =	vadd.f32 v0, v2;
	v29 =	vadd.f32 v7, v12  }
0x2bd: {  	v26 =	vadd.f32 v5, v14;
	v27 =	vadd.f32 v6, v13  }
0x2be: {  	(xrf2) =	vadd.scan.msk.f32 $0xffff, v30  }
0x2bf: {  	(xrf2) =	vadd.scan.msk.f32 $0xffff, v29;
	_ =	sdelay $0x1  }
0x2c0: {  	(xrf2) =	vadd.scan.msk.f32 $0xffff, v27  }
0x2c1: {  	(xrf2) =	vadd.scan.msk.f32 $0xffff, v26;
	_ =	sdelay $0x3  }
0x2c2: {  	v8 =	vld [tilespmem:$0x1FFE0];
	_ =	sdelay $0x1  }
0x2c3: {  	s0 =	sshll.u32 s18, $0x2;
	v0, _, _ =	vpop (xrf2)  }
0x2c4: {  	v7 =	vlaneseq.u32;
	s31 =	sshllo.u32 s18, $0x2;
	s18 =	sadd.s32 $0x1, s18;
	v5 =	vmov s0;
	s19 =	sor.u32 $0x1, s0;
	v2, _, _ =	vpop (xrf2);
	v0 =	vbroadcast v0, $0xF  }
0x2c5: {  	p0 =	sne.s32 s18, $0x4;
	vm0 =	veq.s32 v5, v7;
	v5 =	vmov s19;
	v2 =	vbroadcast v2, $0xF  }
.Ltmp2:
0x2c6: {  	s0 =	sor.u32 $0x2, s0;
	vm13 =	veq.s32 v5, v7;
	v6, _, _ =	vpop (xrf2);
	v0 =	vsel vm0, v0, v8;
	(pc) =	sbr.rel @p0 .LBB2_2-.Ltmp2, $4  }
0x2c7: {  	v5 =	vbroadcast v6, $0xF;
	v6, _, _ =	vpop (xrf2);
	v0 =	vsel vm13, v2, v0;
	v2 =	vmov s0  }
0x2c8: {  	v6 =	vbroadcast v6, $0xF;
	vm14 =	veq.s32 v2, v7;
	v2 =	vmov s31  }
0x2c9: {  	v0 =	vsel vm14, v5, v0;
	vm15 =	veq.s32 v2, v7  }
0x2ca: {  	v0 =	vsel vm15, v6, v0  }
0x2cb: {  	s17 =	sadd.s32 $0x1, s17  }
0x2cc: {  	p0 =	sne.s32 s17, s11  }
.Ltmp3:
0x2cd: {  	[tilespmem:$0x8B00] =	vst v0;
	(pc) =	sbr.rel @p0 .LBB2_1-.Ltmp3, $4  }
0x2ce: {  	[hbm4b:s10+s2] =	stream.linear.scatter [tilespmem:s16], [sflag:$0x1], $0x10, $0x38;
	[tilespmem:$0x8B80] =	vst v63  }
0x2cf: {  	_ =	swait.ge [sflag:s13], $0x10  }
0x2d0: {  	[sflag:s13] =	ssyncset.done $0x0  }
0x2d1: {  	[sflag:s13] =	ssyncadd.s32 $0xFFFFFFF0  }
0x2d2: {  	_ =	sfence.sel $0x180000  }
0x2d3: {  	[bflag:$0x0] =	sbarrier.arrive $0xFFFF  }
0x2d4: {  	_ =	strace $0x90000047  }
0x2d5: {  	[bflag:$0x2] =	sbarrier.arrive $0xFFFF  }
0x2d6: {  	p0 =	sne.s32 s1, $0x0;
	s0 =	rddreg [dreg:$0x1]  }
0x2d7: {  	s0 =	sadd.s32 @!p0 $0x100000, s0  }
0x2d8: {  	[sflag:s0] =	ssyncadd.tile.s32 @!p0 $0x1;
	_ =	shalt  }
.Lfunc_end2:
_tile_overlayer_lowered:
.L_overlay_start_2:
0x2d9: {  	(tag) =	ssettag $0x2  }
0x2da: {  	s0 =	rddreg [dreg:$0x0];
	s2 =	stileid.u32  }
0x2db: {  	s1 =	rddreg [dreg:$0x1];
	p0 =	sne.s32 s2, $0x0  }
0x2dc: {  	s3 =	rddreg [dreg:$0x2];
	[bflag:$0x3] =	sbarrier.arrive $0xFFFF;
	s2 =	simm.s32 @!p0 $0x1C01  }
0x2dd: {  	[timem:s3], [sflag:s2] =	dma.local @!p0 [hbm:s0], s1  }
0x2de: {  	s0 =	simm.s32 @!p0 $0x1  }
0x2df: {  	_ =	swait.ge @!p0 [sflag:s0], s1  }
0x2e0: {  	s1 =	ssub.s32 @!p0 $0x0, s1;
	[sflag:s0] =	ssyncset.done @!p0 $0x0  }
0x2e1: {  	[sflag:s0] =	ssyncadd.s32 @!p0 s1  }
0x2e2: {  	[bflag:$0x3] =	sbarrier.arrive $0xFFFF  }
0x2e3: {  	_ =	shalt  }

</sc_bundles>
